<compile_context>
chip_gen: v7x
topology: tpu7x:2x2x1
jax: 0.10.2.dev20260603
libtpu: 0.0.44.dev20260713+nightly
codegen_flags: <defaults>
</compile_context>

<pallas_src>
import functools

import jax
import jax.numpy as jnp
from jax import lax
from jax.experimental import pallas as pl
from jax.experimental.pallas import tpu as pltpu
from jax.experimental.pallas import tpu_sc as plsc

N = 10000
E = 320000
NSTEP = 3
NFEAT = 128
NHID = 128
NCLASS = 64

NC = 2
NS = 16
LANES = 16

NP = 10240
RPT = NP // NS
ZR = 32
ET0 = E // (NC * NS)
C = 128
ET = 10240
NCH = ET // C

RB = 1000


def _support_body(x_ref, w_ref, o_ref):
    o_ref[...] = jnp.dot(x_ref[...], w_ref[0],
                         preferred_element_type=jnp.float32)


def _supports(x, W1):
    return pl.pallas_call(
        _support_body,
        grid=(NSTEP, N // RB),
        in_specs=[
            pl.BlockSpec((RB, NFEAT), lambda s, r: (r, 0)),
            pl.BlockSpec((1, NFEAT, NHID), lambda s, r: (s, 0, 0)),
        ],
        out_specs=pl.BlockSpec(
            (RB, NHID), lambda s, r: (s * (N // RB) + r, 0)),
        out_shape=jax.ShapeDtypeStruct((NSTEP * N, NHID), jnp.float32),
    )(x, W1)


NBUF = 2
EB = ET // 2
CHB = EB // C
NGB = CHB // NBUF


def _sc_spmm(nsteps, sup, srcp, dstp):
    mesh = plsc.VectorSubcoreMesh(core_axis_name="c", subcore_axis_name="s")

    @functools.partial(
        pl.kernel,
        mesh=mesh,
        out_type=jax.ShapeDtypeStruct((nsteps * NC * NP, NHID), jnp.float32),
        scratch_types=[
            pltpu.VMEM((EB,), jnp.int32),
            pltpu.VMEM((EB,), jnp.int32),
            pltpu.VMEM((NBUF, C, NHID), jnp.float32),
            pltpu.VMEM((ZR, NHID), jnp.float32),
            pltpu.VMEM_SHARED((NP, NHID), jnp.float32),
        ] + [pltpu.SemaphoreType.DMA] * NBUF,
    )
    def k(sup_hbm, src_hbm, dst_hbm, out_hbm, src_v, dst_v, rows_v, zbuf,
          acc, *sems):
        c = lax.axis_index("c")
        s = lax.axis_index("s")

        def issue_gather(g, b):
            pltpu.async_copy(sup_hbm.at[src_v.at[pl.ds(g * C, C)]],
                             rows_v.at[b], sems[b])

        def wait_gather(b):
            pltpu.make_async_copy(sup_hbm.at[pl.ds(0, C)], rows_v.at[b],
                                  sems[b]).wait()

        def sync_scatter(g, b):
            pltpu.sync_copy(rows_v.at[b], acc.at[dst_v.at[pl.ds(g * C, C)]],
                            add=True)

        @pl.loop(0, ZR)
        def _(i):
            for j in range(NHID // LANES):
                zbuf[i, pl.ds(j * LANES, LANES)] = jnp.zeros(
                    (LANES,), jnp.float32)

        for st in range(nsteps):
            for kk in range(RPT // ZR):
                pltpu.sync_copy(zbuf, acc.at[pl.ds(s * RPT + kk * ZR, ZR)])
            plsc.subcore_barrier()

            base = ((st * NC + c) * NS + s) * ET
            for blk in range(ET // EB):
                boff = base + blk * EB
                pltpu.sync_copy(src_hbm.at[pl.ds(boff, EB)], src_v)
                pltpu.sync_copy(dst_hbm.at[pl.ds(boff, EB)], dst_v)

                for b in range(NBUF):
                    issue_gather(b, b)

                @pl.loop(0, NGB)
                def _(gg):
                    for b in range(NBUF):
                        g = gg * NBUF + b
                        wait_gather(b)
                        sync_scatter(g, b)

                        @pl.when(g + NBUF < CHB)
                        def _():
                            issue_gather(g + NBUF, b)

            plsc.subcore_barrier()
            pltpu.sync_copy(acc.at[pl.ds(s * RPT, RPT)],
                            out_hbm.at[pl.ds((st * NC + c) * NP + s * RPT,
                                             RPT)])

    return k(sup, srcp, dstp)


def _mid_body(p_ref, b1_ref, w_ref, o_ref):
    o = jnp.zeros((RB, NHID), jnp.float32)
    for s in range(NSTEP):
        h = jnp.maximum(p_ref[s, 0] + p_ref[s, 1] + b1_ref[s][None, :], 0.0)
        o = o + jnp.dot(h, w_ref[s], preferred_element_type=jnp.float32)
    o_ref[...] = o


def _mid(agg, b1, W2p):
    return pl.pallas_call(
        _mid_body,
        grid=(N // RB,),
        in_specs=[
            pl.BlockSpec((NSTEP, NC, RB, NHID), lambda r: (0, 0, r, 0)),
            pl.BlockSpec((NSTEP, NHID), lambda r: (0, 0)),
            pl.BlockSpec((NSTEP, NHID, NHID), lambda r: (0, 0, 0)),
        ],
        out_specs=pl.BlockSpec((RB, NHID), lambda r: (r, 0)),
        out_shape=jax.ShapeDtypeStruct((N, NHID), jnp.float32),
    )(agg, b1, W2p)


def _final_body(p_ref, b2_ref, o_ref):
    a = p_ref[0, :, :NCLASS] + p_ref[1, :, :NCLASS] + b2_ref[...]
    m = jnp.max(a, axis=1, keepdims=True)
    ex = jnp.exp(a - m)
    lse = jnp.log(jnp.sum(ex, axis=1, keepdims=True))
    o_ref[...] = a - m - lse


def _final(parts, b2):
    return pl.pallas_call(
        _final_body,
        grid=(N // RB,),
        in_specs=[
            pl.BlockSpec((NC, RB, NHID), lambda r: (0, r, 0)),
            pl.BlockSpec((1, NCLASS), lambda r: (0, 0)),
        ],
        out_specs=pl.BlockSpec((RB, NCLASS), lambda r: (r, 0)),
        out_shape=jax.ShapeDtypeStruct((N, NCLASS), jnp.float32),
    )(parts, b2)


def _pad_edges(src, dst):
    srcp = jnp.pad(src, ((0, 0), (0, 0), (0, ET - ET0)))
    dstp = jnp.pad(dst, ((0, 0), (0, 0), (0, ET - ET0)), constant_values=N)
    return srcp.reshape(-1), dstp.reshape(-1)


def kernel(x, adjs, W1, b1, W2, b2):
    sup1 = _supports(x, W1)

    step_off = (jnp.arange(NSTEP, dtype=jnp.int32) * N)[:, None]
    src1 = (adjs[:, 0, :] + step_off).reshape(NSTEP, NC * NS, ET0)
    dst1 = adjs[:, 1, :].reshape(NSTEP, NC * NS, ET0)
    src1, dst1 = _pad_edges(src1, dst1)
    agg = _sc_spmm(NSTEP, sup1, src1, dst1).reshape(NSTEP, NC, NP, NHID)

    W2p = jnp.pad(W2.reshape(NSTEP, NHID, NCLASS),
                  ((0, 0), (0, 0), (0, NHID - NCLASS)))
    sup2 = _mid(agg, b1, W2p)

    src2 = adjs[0, 0].reshape(1, NC * NS, ET0)
    dst2 = adjs[0, 1].reshape(1, NC * NS, ET0)
    src2, dst2 = _pad_edges(src2, dst2)
    parts = _sc_spmm(1, sup2, src2, dst2).reshape(NC, NP, NHID)

    return _final(parts, b2.reshape(1, NCLASS))

# --- scband reference (transcript-rebuilt; emitter-appended) ---
"""Pipeline reference for scband-h-gcn-28346784154179 (READ-ONLY COPY).

The authoritative reference and input builder live on the scoring server;
editing this copy changes nothing except your own understanding.
"""

import jax, jax.numpy as jnp
import numpy as np
import math

N = 10000
E = 320000
NSTEP = 3
NFEAT = 128
NHID = 128
NCLASS = 64


def setup_inputs(seed: int = 0) -> dict:
    key = jax.random.key(seed)
    ks = jax.random.split(key, 8)
    x = jax.random.normal(ks[0], (N, NFEAT), dtype=jnp.float32)
    # adjs: [n_step, 2, E] edge lists (row 0 = src, row 1 = dst), one adjacency per hop/step
    adjs = jax.random.randint(ks[1], (NSTEP, 2, E), 0, N, dtype=jnp.int32)
    s1 = 1.0 / math.sqrt(NHID)
    W1 = jax.random.uniform(ks[2], (NSTEP, NFEAT, NHID), minval=-s1, maxval=s1, dtype=jnp.float32)
    b1 = jax.random.uniform(ks[3], (NSTEP, NHID), minval=-s1, maxval=s1, dtype=jnp.float32)
    s2 = 1.0 / math.sqrt(NCLASS)
    W2 = jax.random.uniform(ks[4], (NHID * 3, NCLASS), minval=-s2, maxval=s2, dtype=jnp.float32)
    b2 = jax.random.uniform(ks[5], (NCLASS,), minval=-s2, maxval=s2, dtype=jnp.float32)
    return {"x": x, "adjs": adjs, "W1": W1, "b1": b1, "W2": W2, "b2": b2}


def _spmm(adj_i, support):
    # adj_i: [2, E] int edge list; binary sparse adjacency matmul: out[dst] += support[src]
    src = adj_i[0]
    dst = adj_i[1]
    msg = jnp.take(support, src, axis=0)
    return jax.ops.segment_sum(msg, dst, num_segments=N)


def reference(x, adjs, W1, b1, W2, b2):
    # gc1: n_step parallel GraphConvolution layers, each on its own adjacency
    hs = []
    for i in range(NSTEP):
        support = x @ W1[i]
        agg = _spmm(adjs[i], support) + b1[i]
        hs.append(jax.nn.relu(agg))
    h = jnp.concatenate(hs, axis=1)
    # F.dropout with training=False -> identity (eval mode)
    support2 = h @ W2
    out = _spmm(adjs[0], support2) + b2
    return jax.nn.log_softmax(out, axis=1)

if __name__ == "__main__":
    import jax
    _d = setup_inputs()
    print(jax.jit(kernel)(*tuple(_d.values())))

</pallas_src>

<mosaic_0001>
#map = affine_map<(d0, d1) -> (0, 0)>
#map1 = affine_map<(d0, d1) -> (0)>
module attributes {stable_mosaic.version = 14 : i64} {
  func.func @k(%arg0: i32, %arg1: i32, %arg2: memref<10000x128xf32, #tpu.memory_space<hbm>>, %arg3: memref<327680xi32, #tpu.memory_space<hbm>>, %arg4: memref<327680xi32, #tpu.memory_space<hbm>>, %arg5: memref<20480x128xf32, #tpu.memory_space<hbm>>, %arg6: memref<5120xi32, #tpu.memory_space<vmem>>, %arg7: memref<5120xi32, #tpu.memory_space<vmem>>, %arg8: memref<2x128x128xf32, #tpu.memory_space<vmem>>, %arg9: memref<32x128xf32, #tpu.memory_space<vmem>>, %arg10: memref<10240x128xf32, #tpu.memory_space<vmem_shared>>, %arg11: memref<!tpu.dma_semaphore, #tpu.memory_space<semaphore_mem>>, %arg12: memref<!tpu.dma_semaphore, #tpu.memory_space<semaphore_mem>>) attributes {dimension_semantics = [#tpu.dimension_semantics<core_parallel>, #tpu.dimension_semantics<subcore_parallel>], iteration_bounds = array<i64: 2, 16>, scalar_prefetch = 0 : i64, scratch_operands = 7 : i64, tpu.core_type = #tpu.core_type<sc_vector_subcore>, window_params = [{transform_indices = #map}, {transform_indices = #map1}, {transform_indices = #map1}, {transform_indices = #map}]} {
    %scan3A = arith.constant 0 : i32
    %scan3A_0 = arith.constant 32 : i32
    %scan3A_1 = arith.addi %scan3A, %scan3A_0 : i32
    %scan3A_2 = arith.constant 1 : i32
    scf.for %scan3A_152 = %scan3A to %scan3A_1 step %scan3A_2  : i32 {
      %mul3A_153 = arith.constant 1 : i32
      %mul3A_154 = arith.muli %scan3A_152, %mul3A_153 : i32
      %add3A_155 = arith.constant 0 : i32
      %add3A_156 = arith.addi %add3A_155, %mul3A_154 : i32
      %broadcast_in_dim3A = arith.constant 0.000000e+00 : f32
      %broadcast_in_dim3A_157 = vector.broadcast %broadcast_in_dim3A : f32 to vector<16xf32>
      %swap3A = arith.index_cast %add3A_156 : i32 to index
      %swap3A_158 = arith.constant 0 : index
      %swap3A_159 = tpu.vector_load %arg9[%swap3A, %swap3A_158] {strides = array<i32>} : memref<32x128xf32, #tpu.memory_space<vmem>>, vector<1x16xf32>,
      %swap3A_160 = vector.shape_cast %swap3A_159 : vector<1x16xf32> to vector<16xf32>
      %swap3A_161 = vector.shape_cast %broadcast_in_dim3A_157 : vector<16xf32> to vector<1x16xf32>
      tpu.vector_store %arg9[%swap3A, %swap3A_158], %swap3A_161 {strides = array<i32>} : memref<32x128xf32, #tpu.memory_space<vmem>>, vector<1x16xf32>,
      %broadcast_in_dim3A_162 = arith.constant 0.000000e+00 : f32
      %broadcast_in_dim3A_163 = vector.broadcast %broadcast_in_dim3A_162 : f32 to vector<16xf32>
      %swap3A_164 = arith.index_cast %add3A_156 : i32 to index
      %swap3A_165 = arith.constant 16 : index
      %swap3A_166 = tpu.vector_load %arg9[%swap3A_164, %swap3A_165] {strides = array<i32>} : memref<32x128xf32, #tpu.memory_space<vmem>>, vector<1x16xf32>,
      %swap3A_167 = vector.shape_cast %swap3A_166 : vector<1x16xf32> to vector<16xf32>
      %swap3A_168 = vector.shape_cast %broadcast_in_dim3A_163 : vector<16xf32> to vector<1x16xf32>
      tpu.vector_store %arg9[%swap3A_164, %swap3A_165], %swap3A_168 {strides = array<i32>} : memref<32x128xf32, #tpu.memory_space<vmem>>, vector<1x16xf32>,
      %broadcast_in_dim3A_169 = arith.constant 0.000000e+00 : f32
      %broadcast_in_dim3A_170 = vector.broadcast %broadcast_in_dim3A_169 : f32 to vector<16xf32>
      %swap3A_171 = arith.index_cast %add3A_156 : i32 to index
      %swap3A_172 = arith.constant 32 : index
      %swap3A_173 = tpu.vector_load %arg9[%swap3A_171, %swap3A_172] {strides = array<i32>} : memref<32x128xf32, #tpu.memory_space<vmem>>, vector<1x16xf32>,
      %swap3A_174 = vector.shape_cast %swap3A_173 : vector<1x16xf32> to vector<16xf32>
      %swap3A_175 = vector.shape_cast %broadcast_in_dim3A_170 : vector<16xf32> to vector<1x16xf32>
      tpu.vector_store %arg9[%swap3A_171, %swap3A_172], %swap3A_175 {strides = array<i32>} : memref<32x128xf32, #tpu.memory_space<vmem>>, vector<1x16xf32>,
      %broadcast_in_dim3A_176 = arith.constant 0.000000e+00 : f32
      %broadcast_in_dim3A_177 = vector.broadcast %broadcast_in_dim3A_176 : f32 to vector<16xf32>
      %swap3A_178 = arith.index_cast %add3A_156 : i32 to index
      %swap3A_179 = arith.constant 48 : index
      %swap3A_180 = tpu.vector_load %arg9[%swap3A_178, %swap3A_179] {strides = array<i32>} : memref<32x128xf32, #tpu.memory_space<vmem>>, vector<1x16xf32>,
      %swap3A_181 = vector.shape_cast %swap3A_180 : vector<1x16xf32> to vector<16xf32>
      %swap3A_182 = vector.shape_cast %broadcast_in_dim3A_177 : vector<16xf32> to vector<1x16xf32>
      tpu.vector_store %arg9[%swap3A_178, %swap3A_179], %swap3A_182 {strides = array<i32>} : memref<32x128xf32, #tpu.memory_space<vmem>>, vector<1x16xf32>,
      %broadcast_in_dim3A_183 = arith.constant 0.000000e+00 : f32
      %broadcast_in_dim3A_184 = vector.broadcast %broadcast_in_dim3A_183 : f32 to vector<16xf32>
      %swap3A_185 = arith.index_cast %add3A_156 : i32 to index
      %swap3A_186 = arith.constant 64 : index
      %swap3A_187 = tpu.vector_load %arg9[%swap3A_185, %swap3A_186] {strides = array<i32>} : memref<32x128xf32, #tpu.memory_space<vmem>>, vector<1x16xf32>,
      %swap3A_188 = vector.shape_cast %swap3A_187 : vector<1x16xf32> to vector<16xf32>
      %swap3A_189 = vector.shape_cast %broadcast_in_dim3A_184 : vector<16xf32> to vector<1x16xf32>
      tpu.vector_store %arg9[%swap3A_185, %swap3A_186], %swap3A_189 {strides = array<i32>} : memref<32x128xf32, #tpu.memory_space<vmem>>, vector<1x16xf32>,
      %broadcast_in_dim3A_190 = arith.constant 0.000000e+00 : f32
      %broadcast_in_dim3A_191 = vector.broadcast %broadcast_in_dim3A_190 : f32 to vector<16xf32>
      %swap3A_192 = arith.index_cast %add3A_156 : i32 to index
      %swap3A_193 = arith.constant 80 : index
      %swap3A_194 = tpu.vector_load %arg9[%swap3A_192, %swap3A_193] {strides = array<i32>} : memref<32x128xf32, #tpu.memory_space<vmem>>, vector<1x16xf32>,
      %swap3A_195 = vector.shape_cast %swap3A_194 : vector<1x16xf32> to vector<16xf32>
      %swap3A_196 = vector.shape_cast %broadcast_in_dim3A_191 : vector<16xf32> to vector<1x16xf32>
      tpu.vector_store %arg9[%swap3A_192, %swap3A_193], %swap3A_196 {strides = array<i32>} : memref<32x128xf32, #tpu.memory_space<vmem>>, vector<1x16xf32>,
      %broadcast_in_dim3A_197 = arith.constant 0.000000e+00 : f32
      %broadcast_in_dim3A_198 = vector.broadcast %broadcast_in_dim3A_197 : f32 to vector<16xf32>
      %swap3A_199 = arith.index_cast %add3A_156 : i32 to index
      %swap3A_200 = arith.constant 96 : index
      %swap3A_201 = tpu.vector_load %arg9[%swap3A_199, %swap3A_200] {strides = array<i32>} : memref<32x128xf32, #tpu.memory_space<vmem>>, vector<1x16xf32>,
      %swap3A_202 = vector.shape_cast %swap3A_201 : vector<1x16xf32> to vector<16xf32>
      %swap3A_203 = vector.shape_cast %broadcast_in_dim3A_198 : vector<16xf32> to vector<1x16xf32>
      tpu.vector_store %arg9[%swap3A_199, %swap3A_200], %swap3A_203 {strides = array<i32>} : memref<32x128xf32, #tpu.memory_space<vmem>>, vector<1x16xf32>,
      %broadcast_in_dim3A_204 = arith.constant 0.000000e+00 : f32
      %broadcast_in_dim3A_205 = vector.broadcast %broadcast_in_dim3A_204 : f32 to vector<16xf32>
      %swap3A_206 = arith.index_cast %add3A_156 : i32 to index
      %swap3A_207 = arith.constant 112 : index
      %swap3A_208 = tpu.vector_load %arg9[%swap3A_206, %swap3A_207] {strides = array<i32>} : memref<32x128xf32, #tpu.memory_space<vmem>>, vector<1x16xf32>,
      %swap3A_209 = vector.shape_cast %swap3A_208 : vector<1x16xf32> to vector<16xf32>
      %swap3A_210 = vector.shape_cast %broadcast_in_dim3A_205 : vector<16xf32> to vector<1x16xf32>
      tpu.vector_store %arg9[%swap3A_206, %swap3A_207], %swap3A_210 {strides = array<i32>} : memref<32x128xf32, #tpu.memory_space<vmem>>, vector<1x16xf32>,
    }
    %scan3A_3 = arith.constant 32 : i32
    %mul3A = arith.constant 640 : i32
    %mul3A_4 = arith.muli %arg1, %mul3A : i32
    %add3A = arith.constant 0 : i32
    %add3A_5 = arith.addi %mul3A_4, %add3A : i32
    "tpu.region"() ({
      %run_scoped3A = tpu.sem_alloc : memref<!tpu.dma_semaphore, #tpu.memory_space<semaphore_mem>>
      %dma_start3A_152 = arith.constant 0 : i32
      %dma_start3A_153 = tpu.memref_slice %arg10[%add3A_5, %dma_start3A_152] : memref<10240x128xf32, #tpu.memory_space<vmem_shared>> -> memref<32x128xf32, #tpu.memory_space<vmem_shared>>
      %dma_start3A_154 = arith.constant 0 : i32
      %dma_start3A_155 = tpu.memref_slice %arg10[%add3A_5, %dma_start3A_154] : memref<10240x128xf32, #tpu.memory_space<vmem_shared>> -> memref<32x128xf32, #tpu.memory_space<vmem_shared>>
      tpu.enqueue_dma source(%arg9 : memref<32x128xf32, #tpu.memory_space<vmem>>) target(%dma_start3A_155 : memref<32x128xf32, #tpu.memory_space<vmem_shared>>) target_semaphore(%run_scoped3A : memref<!tpu.dma_semaphore, #tpu.memory_space<semaphore_mem>>)
      %dma_wait3A = arith.constant 0 : i32
      %dma_wait3A_156 = tpu.memref_slice %arg10[%add3A_5, %dma_wait3A] : memref<10240x128xf32, #tpu.memory_space<vmem_shared>> -> memref<32x128xf32, #tpu.memory_space<vmem_shared>>
      %dma_wait3A_157 = arith.constant 0 : i32
      %dma_wait3A_158 = tpu.memref_slice %arg10[%add3A_5, %dma_wait3A_157] : memref<10240x128xf32, #tpu.memory_space<vmem_shared>> -> memref<32x128xf32, #tpu.memory_space<vmem_shared>>
      tpu.wait_dma2 semaphore(%run_scoped3A : memref<!tpu.dma_semaphore, #tpu.memory_space<semaphore_mem>>) src(%arg9 : memref<32x128xf32, #tpu.memory_space<vmem>>) dst(%dma_wait3A_158 : memref<32x128xf32, #tpu.memory_space<vmem_shared>>)
      tpu.yield
    }) : () -> ()
    %mul3A_6 = arith.constant 640 : i32
    %mul3A_7 = arith.muli %arg1, %mul3A_6 : i32
    %add3A_8 = arith.constant 32 : i32
    %add3A_9 = arith.addi %mul3A_7, %add3A_8 : i32
    "tpu.region"() ({
      %run_scoped3A = tpu.sem_alloc : memref<!tpu.dma_semaphore, #tpu.memory_space<semaphore_mem>>
      %dma_start3A_152 = arith.constant 0 : i32
      %dma_start3A_153 = tpu.memref_slice %arg10[%add3A_9, %dma_start3A_152] : memref<10240x128xf32, #tpu.memory_space<vmem_shared>> -> memref<32x128xf32, #tpu.memory_space<vmem_shared>>
      %dma_start3A_154 = arith.constant 0 : i32
      %dma_start3A_155 = tpu.memref_slice %arg10[%add3A_9, %dma_start3A_154] : memref<10240x128xf32, #tpu.memory_space<vmem_shared>> -> memref<32x128xf32, #tpu.memory_space<vmem_shared>>
      tpu.enqueue_dma source(%arg9 : memref<32x128xf32, #tpu.memory_space<vmem>>) target(%dma_start3A_155 : memref<32x128xf32, #tpu.memory_space<vmem_shared>>) target_semaphore(%run_scoped3A : memref<!tpu.dma_semaphore, #tpu.memory_space<semaphore_mem>>)
      %dma_wait3A = arith.constant 0 : i32
      %dma_wait3A_156 = tpu.memref_slice %arg10[%add3A_9, %dma_wait3A] : memref<10240x128xf32, #tpu.memory_space<vmem_shared>> -> memref<32x128xf32, #tpu.memory_space<vmem_shared>>
      %dma_wait3A_157 = arith.constant 0 : i32
      %dma_wait3A_158 = tpu.memref_slice %arg10[%add3A_9, %dma_wait3A_157] : memref<10240x128xf32, #tpu.memory_space<vmem_shared>> -> memref<32x128xf32, #tpu.memory_space<vmem_shared>>
      tpu.wait_dma2 semaphore(%run_scoped3A : memref<!tpu.dma_semaphore, #tpu.memory_space<semaphore_mem>>) src(%arg9 : memref<32x128xf32, #tpu.memory_space<vmem>>) dst(%dma_wait3A_158 : memref<32x128xf32, #tpu.memory_space<vmem_shared>>)
      tpu.yield
    }) : () -> ()
    %mul3A_10 = arith.constant 640 : i32
    %mul3A_11 = arith.muli %arg1, %mul3A_10 : i32
    %add3A_12 = arith.constant 64 : i32
    %add3A_13 = arith.addi %mul3A_11, %add3A_12 : i32
    "tpu.region"() ({
      %run_scoped3A = tpu.sem_alloc : memref<!tpu.dma_semaphore, #tpu.memory_space<semaphore_mem>>
      %dma_start3A_152 = arith.constant 0 : i32
      %dma_start3A_153 = tpu.memref_slice %arg10[%add3A_13, %dma_start3A_152] : memref<10240x128xf32, #tpu.memory_space<vmem_shared>> -> memref<32x128xf32, #tpu.memory_space<vmem_shared>>
      %dma_start3A_154 = arith.constant 0 : i32
      %dma_start3A_155 = tpu.memref_slice %arg10[%add3A_13, %dma_start3A_154] : memref<10240x128xf32, #tpu.memory_space<vmem_shared>> -> memref<32x128xf32, #tpu.memory_space<vmem_shared>>
      tpu.enqueue_dma source(%arg9 : memref<32x128xf32, #tpu.memory_space<vmem>>) target(%dma_start3A_155 : memref<32x128xf32, #tpu.memory_space<vmem_shared>>) target_semaphore(%run_scoped3A : memref<!tpu.dma_semaphore, #tpu.memory_space<semaphore_mem>>)
      %dma_wait3A = arith.constant 0 : i32
      %dma_wait3A_156 = tpu.memref_slice %arg10[%add3A_13, %dma_wait3A] : memref<10240x128xf32, #tpu.memory_space<vmem_shared>> -> memref<32x128xf32, #tpu.memory_space<vmem_shared>>
      %dma_wait3A_157 = arith.constant 0 : i32
      %dma_wait3A_158 = tpu.memref_slice %arg10[%add3A_13, %dma_wait3A_157] : memref<10240x128xf32, #tpu.memory_space<vmem_shared>> -> memref<32x128xf32, #tpu.memory_space<vmem_shared>>
      tpu.wait_dma2 semaphore(%run_scoped3A : memref<!tpu.dma_semaphore, #tpu.memory_space<semaphore_mem>>) src(%arg9 : memref<32x128xf32, #tpu.memory_space<vmem>>) dst(%dma_wait3A_158 : memref<32x128xf32, #tpu.memory_space<vmem_shared>>)
      tpu.yield
    }) : () -> ()
    %mul3A_14 = arith.constant 640 : i32
    %mul3A_15 = arith.muli %arg1, %mul3A_14 : i32
    %add3A_16 = arith.constant 96 : i32
    %add3A_17 = arith.addi %mul3A_15, %add3A_16 : i32
    "tpu.region"() ({
      %run_scoped3A = tpu.sem_alloc : memref<!tpu.dma_semaphore, #tpu.memory_space<semaphore_mem>>
      %dma_start3A_152 = arith.constant 0 : i32
      %dma_start3A_153 = tpu.memref_slice %arg10[%add3A_17, %dma_start3A_152] : memref<10240x128xf32, #tpu.memory_space<vmem_shared>> -> memref<32x128xf32, #tpu.memory_space<vmem_shared>>
      %dma_start3A_154 = arith.constant 0 : i32
      %dma_start3A_155 = tpu.memref_slice %arg10[%add3A_17, %dma_start3A_154] : memref<10240x128xf32, #tpu.memory_space<vmem_shared>> -> memref<32x128xf32, #tpu.memory_space<vmem_shared>>
      tpu.enqueue_dma source(%arg9 : memref<32x128xf32, #tpu.memory_space<vmem>>) target(%dma_start3A_155 : memref<32x128xf32, #tpu.memory_space<vmem_shared>>) target_semaphore(%run_scoped3A : memref<!tpu.dma_semaphore, #tpu.memory_space<semaphore_mem>>)
      %dma_wait3A = arith.constant 0 : i32
      %dma_wait3A_156 = tpu.memref_slice %arg10[%add3A_17, %dma_wait3A] : memref<10240x128xf32, #tpu.memory_space<vmem_shared>> -> memref<32x128xf32, #tpu.memory_space<vmem_shared>>
      %dma_wait3A_157 = arith.constant 0 : i32
      %dma_wait3A_158 = tpu.memref_slice %arg10[%add3A_17, %dma_wait3A_157] : memref<10240x128xf32, #tpu.memory_space<vmem_shared>> -> memref<32x128xf32, #tpu.memory_space<vmem_shared>>
      tpu.wait_dma2 semaphore(%run_scoped3A : memref<!tpu.dma_semaphore, #tpu.memory_space<semaphore_mem>>) src(%arg9 : memref<32x128xf32, #tpu.memory_space<vmem>>) dst(%dma_wait3A_158 : memref<32x128xf32, #tpu.memory_space<vmem_shared>>)
      tpu.yield
    }) : () -> ()
    %mul3A_18 = arith.constant 640 : i32
    %mul3A_19 = arith.muli %arg1, %mul3A_18 : i32
    %add3A_20 = arith.constant 128 : i32
    %add3A_21 = arith.addi %mul3A_19, %add3A_20 : i32
    "tpu.region"() ({
      %run_scoped3A = tpu.sem_alloc : memref<!tpu.dma_semaphore, #tpu.memory_space<semaphore_mem>>
      %dma_start3A_152 = arith.constant 0 : i32
      %dma_start3A_153 = tpu.memref_slice %arg10[%add3A_21, %dma_start3A_152] : memref<10240x128xf32, #tpu.memory_space<vmem_shared>> -> memref<32x128xf32, #tpu.memory_space<vmem_shared>>
      %dma_start3A_154 = arith.constant 0 : i32
      %dma_start3A_155 = tpu.memref_slice %arg10[%add3A_21, %dma_start3A_154] : memref<10240x128xf32, #tpu.memory_space<vmem_shared>> -> memref<32x128xf32, #tpu.memory_space<vmem_shared>>
      tpu.enqueue_dma source(%arg9 : memref<32x128xf32, #tpu.memory_space<vmem>>) target(%dma_start3A_155 : memref<32x128xf32, #tpu.memory_space<vmem_shared>>) target_semaphore(%run_scoped3A : memref<!tpu.dma_semaphore, #tpu.memory_space<semaphore_mem>>)
      %dma_wait3A = arith.constant 0 : i32
      %dma_wait3A_156 = tpu.memref_slice %arg10[%add3A_21, %dma_wait3A] : memref<10240x128xf32, #tpu.memory_space<vmem_shared>> -> memref<32x128xf32, #tpu.memory_space<vmem_shared>>
      %dma_wait3A_157 = arith.constant 0 : i32
      %dma_wait3A_158 = tpu.memref_slice %arg10[%add3A_21, %dma_wait3A_157] : memref<10240x128xf32, #tpu.memory_space<vmem_shared>> -> memref<32x128xf32, #tpu.memory_space<vmem_shared>>
      tpu.wait_dma2 semaphore(%run_scoped3A : memref<!tpu.dma_semaphore, #tpu.memory_space<semaphore_mem>>) src(%arg9 : memref<32x128xf32, #tpu.memory_space<vmem>>) dst(%dma_wait3A_158 : memref<32x128xf32, #tpu.memory_space<vmem_shared>>)
      tpu.yield
    }) : () -> ()
    %mul3A_22 = arith.constant 640 : i32
    %mul3A_23 = arith.muli %arg1, %mul3A_22 : i32
    %add3A_24 = arith.constant 160 : i32
    %add3A_25 = arith.addi %mul3A_23, %add3A_24 : i32
    "tpu.region"() ({
      %run_scoped3A = tpu.sem_alloc : memref<!tpu.dma_semaphore, #tpu.memory_space<semaphore_mem>>
      %dma_start3A_152 = arith.constant 0 : i32
      %dma_start3A_153 = tpu.memref_slice %arg10[%add3A_25, %dma_start3A_152] : memref<10240x128xf32, #tpu.memory_space<vmem_shared>> -> memref<32x128xf32, #tpu.memory_space<vmem_shared>>
      %dma_start3A_154 = arith.constant 0 : i32
      %dma_start3A_155 = tpu.memref_slice %arg10[%add3A_25, %dma_start3A_154] : memref<10240x128xf32, #tpu.memory_space<vmem_shared>> -> memref<32x128xf32, #tpu.memory_space<vmem_shared>>
      tpu.enqueue_dma source(%arg9 : memref<32x128xf32, #tpu.memory_space<vmem>>) target(%dma_start3A_155 : memref<32x128xf32, #tpu.memory_space<vmem_shared>>) target_semaphore(%run_scoped3A : memref<!tpu.dma_semaphore, #tpu.memory_space<semaphore_mem>>)
      %dma_wait3A = arith.constant 0 : i32
      %dma_wait3A_156 = tpu.memref_slice %arg10[%add3A_25, %dma_wait3A] : memref<10240x128xf32, #tpu.memory_space<vmem_shared>> -> memref<32x128xf32, #tpu.memory_space<vmem_shared>>
      %dma_wait3A_157 = arith.constant 0 : i32
      %dma_wait3A_158 = tpu.memref_slice %arg10[%add3A_25, %dma_wait3A_157] : memref<10240x128xf32, #tpu.memory_space<vmem_shared>> -> memref<32x128xf32, #tpu.memory_space<vmem_shared>>
      tpu.wait_dma2 semaphore(%run_scoped3A : memref<!tpu.dma_semaphore, #tpu.memory_space<semaphore_mem>>) src(%arg9 : memref<32x128xf32, #tpu.memory_space<vmem>>) dst(%dma_wait3A_158 : memref<32x128xf32, #tpu.memory_space<vmem_shared>>)
      tpu.yield
    }) : () -> ()
    %mul3A_26 = arith.constant 640 : i32
    %mul3A_27 = arith.muli %arg1, %mul3A_26 : i32
    %add3A_28 = arith.constant 192 : i32
    %add3A_29 = arith.addi %mul3A_27, %add3A_28 : i32
    "tpu.region"() ({
      %run_scoped3A = tpu.sem_alloc : memref<!tpu.dma_semaphore, #tpu.memory_space<semaphore_mem>>
      %dma_start3A_152 = arith.constant 0 : i32
      %dma_start3A_153 = tpu.memref_slice %arg10[%add3A_29, %dma_start3A_152] : memref<10240x128xf32, #tpu.memory_space<vmem_shared>> -> memref<32x128xf32, #tpu.memory_space<vmem_shared>>
      %dma_start3A_154 = arith.constant 0 : i32
      %dma_start3A_155 = tpu.memref_slice %arg10[%add3A_29, %dma_start3A_154] : memref<10240x128xf32, #tpu.memory_space<vmem_shared>> -> memref<32x128xf32, #tpu.memory_space<vmem_shared>>
      tpu.enqueue_dma source(%arg9 : memref<32x128xf32, #tpu.memory_space<vmem>>) target(%dma_start3A_155 : memref<32x128xf32, #tpu.memory_space<vmem_shared>>) target_semaphore(%run_scoped3A : memref<!tpu.dma_semaphore, #tpu.memory_space<semaphore_mem>>)
      %dma_wait3A = arith.constant 0 : i32
      %dma_wait3A_156 = tpu.memref_slice %arg10[%add3A_29, %dma_wait3A] : memref<10240x128xf32, #tpu.memory_space<vmem_shared>> -> memref<32x128xf32, #tpu.memory_space<vmem_shared>>
      %dma_wait3A_157 = arith.constant 0 : i32
      %dma_wait3A_158 = tpu.memref_slice %arg10[%add3A_29, %dma_wait3A_157] : memref<10240x128xf32, #tpu.memory_space<vmem_shared>> -> memref<32x128xf32, #tpu.memory_space<vmem_shared>>
      tpu.wait_dma2 semaphore(%run_scoped3A : memref<!tpu.dma_semaphore, #tpu.memory_space<semaphore_mem>>) src(%arg9 : memref<32x128xf32, #tpu.memory_space<vmem>>) dst(%dma_wait3A_158 : memref<32x128xf32, #tpu.memory_space<vmem_shared>>)
      tpu.yield
    }) : () -> ()
    %mul3A_30 = arith.constant 640 : i32
    %mul3A_31 = arith.muli %arg1, %mul3A_30 : i32
    %add3A_32 = arith.constant 224 : i32
    %add3A_33 = arith.addi %mul3A_31, %add3A_32 : i32
    "tpu.region"() ({
      %run_scoped3A = tpu.sem_alloc : memref<!tpu.dma_semaphore, #tpu.memory_space<semaphore_mem>>
      %dma_start3A_152 = arith.constant 0 : i32
      %dma_start3A_153 = tpu.memref_slice %arg10[%add3A_33, %dma_start3A_152] : memref<10240x128xf32, #tpu.memory_space<vmem_shared>> -> memref<32x128xf32, #tpu.memory_space<vmem_shared>>
      %dma_start3A_154 = arith.constant 0 : i32
      %dma_start3A_155 = tpu.memref_slice %arg10[%add3A_33, %dma_start3A_154] : memref<10240x128xf32, #tpu.memory_space<vmem_shared>> -> memref<32x128xf32, #tpu.memory_space<vmem_shared>>
      tpu.enqueue_dma source(%arg9 : memref<32x128xf32, #tpu.memory_space<vmem>>) target(%dma_start3A_155 : memref<32x128xf32, #tpu.memory_space<vmem_shared>>) target_semaphore(%run_scoped3A : memref<!tpu.dma_semaphore, #tpu.memory_space<semaphore_mem>>)
      %dma_wait3A = arith.constant 0 : i32
      %dma_wait3A_156 = tpu.memref_slice %arg10[%add3A_33, %dma_wait3A] : memref<10240x128xf32, #tpu.memory_space<vmem_shared>> -> memref<32x128xf32, #tpu.memory_space<vmem_shared>>
      %dma_wait3A_157 = arith.constant 0 : i32
      %dma_wait3A_158 = tpu.memref_slice %arg10[%add3A_33, %dma_wait3A_157] : memref<10240x128xf32, #tpu.memory_space<vmem_shared>> -> memref<32x128xf32, #tpu.memory_space<vmem_shared>>
      tpu.wait_dma2 semaphore(%run_scoped3A : memref<!tpu.dma_semaphore, #tpu.memory_space<semaphore_mem>>) src(%arg9 : memref<32x128xf32, #tpu.memory_space<vmem>>) dst(%dma_wait3A_158 : memref<32x128xf32, #tpu.memory_space<vmem_shared>>)
      tpu.yield
    }) : () -> ()
    %mul3A_34 = arith.constant 640 : i32
    %mul3A_35 = arith.muli %arg1, %mul3A_34 : i32
    %add3A_36 = arith.constant 256 : i32
    %add3A_37 = arith.addi %mul3A_35, %add3A_36 : i32
    "tpu.region"() ({
      %run_scoped3A = tpu.sem_alloc : memref<!tpu.dma_semaphore, #tpu.memory_space<semaphore_mem>>
      %dma_start3A_152 = arith.constant 0 : i32
      %dma_start3A_153 = tpu.memref_slice %arg10[%add3A_37, %dma_start3A_152] : memref<10240x128xf32, #tpu.memory_space<vmem_shared>> -> memref<32x128xf32, #tpu.memory_space<vmem_shared>>
      %dma_start3A_154 = arith.constant 0 : i32
      %dma_start3A_155 = tpu.memref_slice %arg10[%add3A_37, %dma_start3A_154] : memref<10240x128xf32, #tpu.memory_space<vmem_shared>> -> memref<32x128xf32, #tpu.memory_space<vmem_shared>>
      tpu.enqueue_dma source(%arg9 : memref<32x128xf32, #tpu.memory_space<vmem>>) target(%dma_start3A_155 : memref<32x128xf32, #tpu.memory_space<vmem_shared>>) target_semaphore(%run_scoped3A : memref<!tpu.dma_semaphore, #tpu.memory_space<semaphore_mem>>)
      %dma_wait3A = arith.constant 0 : i32
      %dma_wait3A_156 = tpu.memref_slice %arg10[%add3A_37, %dma_wait3A] : memref<10240x128xf32, #tpu.memory_space<vmem_shared>> -> memref<32x128xf32, #tpu.memory_space<vmem_shared>>
      %dma_wait3A_157 = arith.constant 0 : i32
      %dma_wait3A_158 = tpu.memref_slice %arg10[%add3A_37, %dma_wait3A_157] : memref<10240x128xf32, #tpu.memory_space<vmem_shared>> -> memref<32x128xf32, #tpu.memory_space<vmem_shared>>
      tpu.wait_dma2 semaphore(%run_scoped3A : memref<!tpu.dma_semaphore, #tpu.memory_space<semaphore_mem>>) src(%arg9 : memref<32x128xf32, #tpu.memory_space<vmem>>) dst(%dma_wait3A_158 : memref<32x128xf32, #tpu.memory_space<vmem_shared>>)
      tpu.yield
    }) : () -> ()
    %mul3A_38 = arith.constant 640 : i32
    %mul3A_39 = arith.muli %arg1, %mul3A_38 : i32
    %add3A_40 = arith.constant 288 : i32
    %add3A_41 = arith.addi %mul3A_39, %add3A_40 : i32
    "tpu.region"() ({
      %run_scoped3A = tpu.sem_alloc : memref<!tpu.dma_semaphore, #tpu.memory_space<semaphore_mem>>
      %dma_start3A_152 = arith.constant 0 : i32
      %dma_start3A_153 = tpu.memref_slice %arg10[%add3A_41, %dma_start3A_152] : memref<10240x128xf32, #tpu.memory_space<vmem_shared>> -> memref<32x128xf32, #tpu.memory_space<vmem_shared>>
      %dma_start3A_154 = arith.constant 0 : i32
      %dma_start3A_155 = tpu.memref_slice %arg10[%add3A_41, %dma_start3A_154] : memref<10240x128xf32, #tpu.memory_space<vmem_shared>> -> memref<32x128xf32, #tpu.memory_space<vmem_shared>>
      tpu.enqueue_dma source(%arg9 : memref<32x128xf32, #tpu.memory_space<vmem>>) target(%dma_start3A_155 : memref<32x128xf32, #tpu.memory_space<vmem_shared>>) target_semaphore(%run_scoped3A : memref<!tpu.dma_semaphore, #tpu.memory_space<semaphore_mem>>)
      %dma_wait3A = arith.constant 0 : i32
      %dma_wait3A_156 = tpu.memref_slice %arg10[%add3A_41, %dma_wait3A] : memref<10240x128xf32, #tpu.memory_space<vmem_shared>> -> memref<32x128xf32, #tpu.memory_space<vmem_shared>>
      %dma_wait3A_157 = arith.constant 0 : i32
      %dma_wait3A_158 = tpu.memref_slice %arg10[%add3A_41, %dma_wait3A_157] : memref<10240x128xf32, #tpu.memory_space<vmem_shared>> -> memref<32x128xf32, #tpu.memory_space<vmem_shared>>
      tpu.wait_dma2 semaphore(%run_scoped3A : memref<!tpu.dma_semaphore, #tpu.memory_space<semaphore_mem>>) src(%arg9 : memref<32x128xf32, #tpu.memory_space<vmem>>) dst(%dma_wait3A_158 : memref<32x128xf32, #tpu.memory_space<vmem_shared>>)
      tpu.yield
    }) : () -> ()
    %mul3A_42 = arith.constant 640 : i32
    %mul3A_43 = arith.muli %arg1, %mul3A_42 : i32
    %add3A_44 = arith.constant 320 : i32
    %add3A_45 = arith.addi %mul3A_43, %add3A_44 : i32
    "tpu.region"() ({
      %run_scoped3A = tpu.sem_alloc : memref<!tpu.dma_semaphore, #tpu.memory_space<semaphore_mem>>
      %dma_start3A_152 = arith.constant 0 : i32
      %dma_start3A_153 = tpu.memref_slice %arg10[%add3A_45, %dma_start3A_152] : memref<10240x128xf32, #tpu.memory_space<vmem_shared>> -> memref<32x128xf32, #tpu.memory_space<vmem_shared>>
      %dma_start3A_154 = arith.constant 0 : i32
      %dma_start3A_155 = tpu.memref_slice %arg10[%add3A_45, %dma_start3A_154] : memref<10240x128xf32, #tpu.memory_space<vmem_shared>> -> memref<32x128xf32, #tpu.memory_space<vmem_shared>>
      tpu.enqueue_dma source(%arg9 : memref<32x128xf32, #tpu.memory_space<vmem>>) target(%dma_start3A_155 : memref<32x128xf32, #tpu.memory_space<vmem_shared>>) target_semaphore(%run_scoped3A : memref<!tpu.dma_semaphore, #tpu.memory_space<semaphore_mem>>)
      %dma_wait3A = arith.constant 0 : i32
      %dma_wait3A_156 = tpu.memref_slice %arg10[%add3A_45, %dma_wait3A] : memref<10240x128xf32, #tpu.memory_space<vmem_shared>> -> memref<32x128xf32, #tpu.memory_space<vmem_shared>>
      %dma_wait3A_157 = arith.constant 0 : i32
      %dma_wait3A_158 = tpu.memref_slice %arg10[%add3A_45, %dma_wait3A_157] : memref<10240x128xf32, #tpu.memory_space<vmem_shared>> -> memref<32x128xf32, #tpu.memory_space<vmem_shared>>
      tpu.wait_dma2 semaphore(%run_scoped3A : memref<!tpu.dma_semaphore, #tpu.memory_space<semaphore_mem>>) src(%arg9 : memref<32x128xf32, #tpu.memory_space<vmem>>) dst(%dma_wait3A_158 : memref<32x128xf32, #tpu.memory_space<vmem_shared>>)
      tpu.yield
    }) : () -> ()
    %mul3A_46 = arith.constant 640 : i32
    %mul3A_47 = arith.muli %arg1, %mul3A_46 : i32
    %add3A_48 = arith.constant 352 : i32
    %add3A_49 = arith.addi %mul3A_47, %add3A_48 : i32
    "tpu.region"() ({
      %run_scoped3A = tpu.sem_alloc : memref<!tpu.dma_semaphore, #tpu.memory_space<semaphore_mem>>
      %dma_start3A_152 = arith.constant 0 : i32
      %dma_start3A_153 = tpu.memref_slice %arg10[%add3A_49, %dma_start3A_152] : memref<10240x128xf32, #tpu.memory_space<vmem_shared>> -> memref<32x128xf32, #tpu.memory_space<vmem_shared>>
      %dma_start3A_154 = arith.constant 0 : i32
      %dma_start3A_155 = tpu.memref_slice %arg10[%add3A_49, %dma_start3A_154] : memref<10240x128xf32, #tpu.memory_space<vmem_shared>> -> memref<32x128xf32, #tpu.memory_space<vmem_shared>>
      tpu.enqueue_dma source(%arg9 : memref<32x128xf32, #tpu.memory_space<vmem>>) target(%dma_start3A_155 : memref<32x128xf32, #tpu.memory_space<vmem_shared>>) target_semaphore(%run_scoped3A : memref<!tpu.dma_semaphore, #tpu.memory_space<semaphore_mem>>)
      %dma_wait3A = arith.constant 0 : i32
      %dma_wait3A_156 = tpu.memref_slice %arg10[%add3A_49, %dma_wait3A] : memref<10240x128xf32, #tpu.memory_space<vmem_shared>> -> memref<32x128xf32, #tpu.memory_space<vmem_shared>>
      %dma_wait3A_157 = arith.constant 0 : i32
      %dma_wait3A_158 = tpu.memref_slice %arg10[%add3A_49, %dma_wait3A_157] : memref<10240x128xf32, #tpu.memory_space<vmem_shared>> -> memref<32x128xf32, #tpu.memory_space<vmem_shared>>
      tpu.wait_dma2 semaphore(%run_scoped3A : memref<!tpu.dma_semaphore, #tpu.memory_space<semaphore_mem>>) src(%arg9 : memref<32x128xf32, #tpu.memory_space<vmem>>) dst(%dma_wait3A_158 : memref<32x128xf32, #tpu.memory_space<vmem_shared>>)
      tpu.yield
    }) : () -> ()
    %mul3A_50 = arith.constant 640 : i32
    %mul3A_51 = arith.muli %arg1, %mul3A_50 : i32
    %add3A_52 = arith.constant 384 : i32
    %add3A_53 = arith.addi %mul3A_51, %add3A_52 : i32
    "tpu.region"() ({
      %run_scoped3A = tpu.sem_alloc : memref<!tpu.dma_semaphore, #tpu.memory_space<semaphore_mem>>
      %dma_start3A_152 = arith.constant 0 : i32
      %dma_start3A_153 = tpu.memref_slice %arg10[%add3A_53, %dma_start3A_152] : memref<10240x128xf32, #tpu.memory_space<vmem_shared>> -> memref<32x128xf32, #tpu.memory_space<vmem_shared>>
      %dma_start3A_154 = arith.constant 0 : i32
      %dma_start3A_155 = tpu.memref_slice %arg10[%add3A_53, %dma_start3A_154] : memref<10240x128xf32, #tpu.memory_space<vmem_shared>> -> memref<32x128xf32, #tpu.memory_space<vmem_shared>>
      tpu.enqueue_dma source(%arg9 : memref<32x128xf32, #tpu.memory_space<vmem>>) target(%dma_start3A_155 : memref<32x128xf32, #tpu.memory_space<vmem_shared>>) target_semaphore(%run_scoped3A : memref<!tpu.dma_semaphore, #tpu.memory_space<semaphore_mem>>)
      %dma_wait3A = arith.constant 0 : i32
      %dma_wait3A_156 = tpu.memref_slice %arg10[%add3A_53, %dma_wait3A] : memref<10240x128xf32, #tpu.memory_space<vmem_shared>> -> memref<32x128xf32, #tpu.memory_space<vmem_shared>>
      %dma_wait3A_157 = arith.constant 0 : i32
      %dma_wait3A_158 = tpu.memref_slice %arg10[%add3A_53, %dma_wait3A_157] : memref<10240x128xf32, #tpu.memory_space<vmem_shared>> -> memref<32x128xf32, #tpu.memory_space<vmem_shared>>
      tpu.wait_dma2 semaphore(%run_scoped3A : memref<!tpu.dma_semaphore, #tpu.memory_space<semaphore_mem>>) src(%arg9 : memref<32x128xf32, #tpu.memory_space<vmem>>) dst(%dma_wait3A_158 : memref<32x128xf32, #tpu.memory_space<vmem_shared>>)
      tpu.yield
    }) : () -> ()
    %mul3A_54 = arith.constant 640 : i32
    %mul3A_55 = arith.muli %arg1, %mul3A_54 : i32
    %add3A_56 = arith.constant 416 : i32
    %add3A_57 = arith.addi %mul3A_55, %add3A_56 : i32
    "tpu.region"() ({
      %run_scoped3A = tpu.sem_alloc : memref<!tpu.dma_semaphore, #tpu.memory_space<semaphore_mem>>
      %dma_start3A_152 = arith.constant 0 : i32
      %dma_start3A_153 = tpu.memref_slice %arg10[%add3A_57, %dma_start3A_152] : memref<10240x128xf32, #tpu.memory_space<vmem_shared>> -> memref<32x128xf32, #tpu.memory_space<vmem_shared>>
      %dma_start3A_154 = arith.constant 0 : i32
      %dma_start3A_155 = tpu.memref_slice %arg10[%add3A_57, %dma_start3A_154] : memref<10240x128xf32, #tpu.memory_space<vmem_shared>> -> memref<32x128xf32, #tpu.memory_space<vmem_shared>>
      tpu.enqueue_dma source(%arg9 : memref<32x128xf32, #tpu.memory_space<vmem>>) target(%dma_start3A_155 : memref<32x128xf32, #tpu.memory_space<vmem_shared>>) target_semaphore(%run_scoped3A : memref<!tpu.dma_semaphore, #tpu.memory_space<semaphore_mem>>)
      %dma_wait3A = arith.constant 0 : i32
      %dma_wait3A_156 = tpu.memref_slice %arg10[%add3A_57, %dma_wait3A] : memref<10240x128xf32, #tpu.memory_space<vmem_shared>> -> memref<32x128xf32, #tpu.memory_space<vmem_shared>>
      %dma_wait3A_157 = arith.constant 0 : i32
      %dma_wait3A_158 = tpu.memref_slice %arg10[%add3A_57, %dma_wait3A_157] : memref<10240x128xf32, #tpu.memory_space<vmem_shared>> -> memref<32x128xf32, #tpu.memory_space<vmem_shared>>
      tpu.wait_dma2 semaphore(%run_scoped3A : memref<!tpu.dma_semaphore, #tpu.memory_space<semaphore_mem>>) src(%arg9 : memref<32x128xf32, #tpu.memory_space<vmem>>) dst(%dma_wait3A_158 : memref<32x128xf32, #tpu.memory_space<vmem_shared>>)
      tpu.yield
    }) : () -> ()
    %mul3A_58 = arith.constant 640 : i32
    %mul3A_59 = arith.muli %arg1, %mul3A_58 : i32
    %add3A_60 = arith.constant 448 : i32
    %add3A_61 = arith.addi %mul3A_59, %add3A_60 : i32
    "tpu.region"() ({
      %run_scoped3A = tpu.sem_alloc : memref<!tpu.dma_semaphore, #tpu.memory_space<semaphore_mem>>
      %dma_start3A_152 = arith.constant 0 : i32
      %dma_start3A_153 = tpu.memref_slice %arg10[%add3A_61, %dma_start3A_152] : memref<10240x128xf32, #tpu.memory_space<vmem_shared>> -> memref<32x128xf32, #tpu.memory_space<vmem_shared>>
      %dma_start3A_154 = arith.constant 0 : i32
      %dma_start3A_155 = tpu.memref_slice %arg10[%add3A_61, %dma_start3A_154] : memref<10240x128xf32, #tpu.memory_space<vmem_shared>> -> memref<32x128xf32, #tpu.memory_space<vmem_shared>>
      tpu.enqueue_dma source(%arg9 : memref<32x128xf32, #tpu.memory_space<vmem>>) target(%dma_start3A_155 : memref<32x128xf32, #tpu.memory_space<vmem_shared>>) target_semaphore(%run_scoped3A : memref<!tpu.dma_semaphore, #tpu.memory_space<semaphore_mem>>)
      %dma_wait3A = arith.constant 0 : i32
      %dma_wait3A_156 = tpu.memref_slice %arg10[%add3A_61, %dma_wait3A] : memref<10240x128xf32, #tpu.memory_space<vmem_shared>> -> memref<32x128xf32, #tpu.memory_space<vmem_shared>>
      %dma_wait3A_157 = arith.constant 0 : i32
      %dma_wait3A_158 = tpu.memref_slice %arg10[%add3A_61, %dma_wait3A_157] : memref<10240x128xf32, #tpu.memory_space<vmem_shared>> -> memref<32x128xf32, #tpu.memory_space<vmem_shared>>
      tpu.wait_dma2 semaphore(%run_scoped3A : memref<!tpu.dma_semaphore, #tpu.memory_space<semaphore_mem>>) src(%arg9 : memref<32x128xf32, #tpu.memory_space<vmem>>) dst(%dma_wait3A_158 : memref<32x128xf32, #tpu.memory_space<vmem_shared>>)
      tpu.yield
    }) : () -> ()
    %mul3A_62 = arith.constant 640 : i32
    %mul3A_63 = arith.muli %arg1, %mul3A_62 : i32
    %add3A_64 = arith.constant 480 : i32
    %add3A_65 = arith.addi %mul3A_63, %add3A_64 : i32
    "tpu.region"() ({
      %run_scoped3A = tpu.sem_alloc : memref<!tpu.dma_semaphore, #tpu.memory_space<semaphore_mem>>
      %dma_start3A_152 = arith.constant 0 : i32
      %dma_start3A_153 = tpu.memref_slice %arg10[%add3A_65, %dma_start3A_152] : memref<10240x128xf32, #tpu.memory_space<vmem_shared>> -> memref<32x128xf32, #tpu.memory_space<vmem_shared>>
      %dma_start3A_154 = arith.constant 0 : i32
      %dma_start3A_155 = tpu.memref_slice %arg10[%add3A_65, %dma_start3A_154] : memref<10240x128xf32, #tpu.memory_space<vmem_shared>> -> memref<32x128xf32, #tpu.memory_space<vmem_shared>>
      tpu.enqueue_dma source(%arg9 : memref<32x128xf32, #tpu.memory_space<vmem>>) target(%dma_start3A_155 : memref<32x128xf32, #tpu.memory_space<vmem_shared>>) target_semaphore(%run_scoped3A : memref<!tpu.dma_semaphore, #tpu.memory_space<semaphore_mem>>)
      %dma_wait3A = arith.constant 0 : i32
      %dma_wait3A_156 = tpu.memref_slice %arg10[%add3A_65, %dma_wait3A] : memref<10240x128xf32, #tpu.memory_space<vmem_shared>> -> memref<32x128xf32, #tpu.memory_space<vmem_shared>>
      %dma_wait3A_157 = arith.constant 0 : i32
      %dma_wait3A_158 = tpu.memref_slice %arg10[%add3A_65, %dma_wait3A_157] : memref<10240x128xf32, #tpu.memory_space<vmem_shared>> -> memref<32x128xf32, #tpu.memory_space<vmem_shared>>
      tpu.wait_dma2 semaphore(%run_scoped3A : memref<!tpu.dma_semaphore, #tpu.memory_space<semaphore_mem>>) src(%arg9 : memref<32x128xf32, #tpu.memory_space<vmem>>) dst(%dma_wait3A_158 : memref<32x128xf32, #tpu.memory_space<vmem_shared>>)
      tpu.yield
    }) : () -> ()
    %mul3A_66 = arith.constant 640 : i32
    %mul3A_67 = arith.muli %arg1, %mul3A_66 : i32
    %add3A_68 = arith.constant 512 : i32
    %add3A_69 = arith.addi %mul3A_67, %add3A_68 : i32
    "tpu.region"() ({
      %run_scoped3A = tpu.sem_alloc : memref<!tpu.dma_semaphore, #tpu.memory_space<semaphore_mem>>
      %dma_start3A_152 = arith.constant 0 : i32
      %dma_start3A_153 = tpu.memref_slice %arg10[%add3A_69, %dma_start3A_152] : memref<10240x128xf32, #tpu.memory_space<vmem_shared>> -> memref<32x128xf32, #tpu.memory_space<vmem_shared>>
      %dma_start3A_154 = arith.constant 0 : i32
      %dma_start3A_155 = tpu.memref_slice %arg10[%add3A_69, %dma_start3A_154] : memref<10240x128xf32, #tpu.memory_space<vmem_shared>> -> memref<32x128xf32, #tpu.memory_space<vmem_shared>>
      tpu.enqueue_dma source(%arg9 : memref<32x128xf32, #tpu.memory_space<vmem>>) target(%dma_start3A_155 : memref<32x128xf32, #tpu.memory_space<vmem_shared>>) target_semaphore(%run_scoped3A : memref<!tpu.dma_semaphore, #tpu.memory_space<semaphore_mem>>)
      %dma_wait3A = arith.constant 0 : i32
      %dma_wait3A_156 = tpu.memref_slice %arg10[%add3A_69, %dma_wait3A] : memref<10240x128xf32, #tpu.memory_space<vmem_shared>> -> memref<32x128xf32, #tpu.memory_space<vmem_shared>>
      %dma_wait3A_157 = arith.constant 0 : i32
      %dma_wait3A_158 = tpu.memref_slice %arg10[%add3A_69, %dma_wait3A_157] : memref<10240x128xf32, #tpu.memory_space<vmem_shared>> -> memref<32x128xf32, #tpu.memory_space<vmem_shared>>
      tpu.wait_dma2 semaphore(%run_scoped3A : memref<!tpu.dma_semaphore, #tpu.memory_space<semaphore_mem>>) src(%arg9 : memref<32x128xf32, #tpu.memory_space<vmem>>) dst(%dma_wait3A_158 : memref<32x128xf32, #tpu.memory_space<vmem_shared>>)
      tpu.yield
    }) : () -> ()
    %mul3A_70 = arith.constant 640 : i32
    %mul3A_71 = arith.muli %arg1, %mul3A_70 : i32
    %add3A_72 = arith.constant 544 : i32
    %add3A_73 = arith.addi %mul3A_71, %add3A_72 : i32
    "tpu.region"() ({
      %run_scoped3A = tpu.sem_alloc : memref<!tpu.dma_semaphore, #tpu.memory_space<semaphore_mem>>
      %dma_start3A_152 = arith.constant 0 : i32
      %dma_start3A_153 = tpu.memref_slice %arg10[%add3A_73, %dma_start3A_152] : memref<10240x128xf32, #tpu.memory_space<vmem_shared>> -> memref<32x128xf32, #tpu.memory_space<vmem_shared>>
      %dma_start3A_154 = arith.constant 0 : i32
      %dma_start3A_155 = tpu.memref_slice %arg10[%add3A_73, %dma_start3A_154] : memref<10240x128xf32, #tpu.memory_space<vmem_shared>> -> memref<32x128xf32, #tpu.memory_space<vmem_shared>>
      tpu.enqueue_dma source(%arg9 : memref<32x128xf32, #tpu.memory_space<vmem>>) target(%dma_start3A_155 : memref<32x128xf32, #tpu.memory_space<vmem_shared>>) target_semaphore(%run_scoped3A : memref<!tpu.dma_semaphore, #tpu.memory_space<semaphore_mem>>)
      %dma_wait3A = arith.constant 0 : i32
      %dma_wait3A_156 = tpu.memref_slice %arg10[%add3A_73, %dma_wait3A] : memref<10240x128xf32, #tpu.memory_space<vmem_shared>> -> memref<32x128xf32, #tpu.memory_space<vmem_shared>>
      %dma_wait3A_157 = arith.constant 0 : i32
      %dma_wait3A_158 = tpu.memref_slice %arg10[%add3A_73, %dma_wait3A_157] : memref<10240x128xf32, #tpu.memory_space<vmem_shared>> -> memref<32x128xf32, #tpu.memory_space<vmem_shared>>
      tpu.wait_dma2 semaphore(%run_scoped3A : memref<!tpu.dma_semaphore, #tpu.memory_space<semaphore_mem>>) src(%arg9 : memref<32x128xf32, #tpu.memory_space<vmem>>) dst(%dma_wait3A_158 : memref<32x128xf32, #tpu.memory_space<vmem_shared>>)
      tpu.yield
    }) : () -> ()
    %mul3A_74 = arith.constant 640 : i32
    %mul3A_75 = arith.muli %arg1, %mul3A_74 : i32
    %add3A_76 = arith.constant 576 : i32
    %add3A_77 = arith.addi %mul3A_75, %add3A_76 : i32
    "tpu.region"() ({
      %run_scoped3A = tpu.sem_alloc : memref<!tpu.dma_semaphore, #tpu.memory_space<semaphore_mem>>
      %dma_start3A_152 = arith.constant 0 : i32
      %dma_start3A_153 = tpu.memref_slice %arg10[%add3A_77, %dma_start3A_152] : memref<10240x128xf32, #tpu.memory_space<vmem_shared>> -> memref<32x128xf32, #tpu.memory_space<vmem_shared>>
      %dma_start3A_154 = arith.constant 0 : i32
      %dma_start3A_155 = tpu.memref_slice %arg10[%add3A_77, %dma_start3A_154] : memref<10240x128xf32, #tpu.memory_space<vmem_shared>> -> memref<32x128xf32, #tpu.memory_space<vmem_shared>>
      tpu.enqueue_dma source(%arg9 : memref<32x128xf32, #tpu.memory_space<vmem>>) target(%dma_start3A_155 : memref<32x128xf32, #tpu.memory_space<vmem_shared>>) target_semaphore(%run_scoped3A : memref<!tpu.dma_semaphore, #tpu.memory_space<semaphore_mem>>)
      %dma_wait3A = arith.constant 0 : i32
      %dma_wait3A_156 = tpu.memref_slice %arg10[%add3A_77, %dma_wait3A] : memref<10240x128xf32, #tpu.memory_space<vmem_shared>> -> memref<32x128xf32, #tpu.memory_space<vmem_shared>>
      %dma_wait3A_157 = arith.constant 0 : i32
      %dma_wait3A_158 = tpu.memref_slice %arg10[%add3A_77, %dma_wait3A_157] : memref<10240x128xf32, #tpu.memory_space<vmem_shared>> -> memref<32x128xf32, #tpu.memory_space<vmem_shared>>
      tpu.wait_dma2 semaphore(%run_scoped3A : memref<!tpu.dma_semaphore, #tpu.memory_space<semaphore_mem>>) src(%arg9 : memref<32x128xf32, #tpu.memory_space<vmem>>) dst(%dma_wait3A_158 : memref<32x128xf32, #tpu.memory_space<vmem_shared>>)
      tpu.yield
    }) : () -> ()
    %mul3A_78 = arith.constant 640 : i32
    %mul3A_79 = arith.muli %arg1, %mul3A_78 : i32
    %add3A_80 = arith.constant 608 : i32
    %add3A_81 = arith.addi %mul3A_79, %add3A_80 : i32
    "tpu.region"() ({
      %run_scoped3A = tpu.sem_alloc : memref<!tpu.dma_semaphore, #tpu.memory_space<semaphore_mem>>
      %dma_start3A_152 = arith.constant 0 : i32
      %dma_start3A_153 = tpu.memref_slice %arg10[%add3A_81, %dma_start3A_152] : memref<10240x128xf32, #tpu.memory_space<vmem_shared>> -> memref<32x128xf32, #tpu.memory_space<vmem_shared>>
      %dma_start3A_154 = arith.constant 0 : i32
      %dma_start3A_155 = tpu.memref_slice %arg10[%add3A_81, %dma_start3A_154] : memref<10240x128xf32, #tpu.memory_space<vmem_shared>> -> memref<32x128xf32, #tpu.memory_space<vmem_shared>>
      tpu.enqueue_dma source(%arg9 : memref<32x128xf32, #tpu.memory_space<vmem>>) target(%dma_start3A_155 : memref<32x128xf32, #tpu.memory_space<vmem_shared>>) target_semaphore(%run_scoped3A : memref<!tpu.dma_semaphore, #tpu.memory_space<semaphore_mem>>)
      %dma_wait3A = arith.constant 0 : i32
      %dma_wait3A_156 = tpu.memref_slice %arg10[%add3A_81, %dma_wait3A] : memref<10240x128xf32, #tpu.memory_space<vmem_shared>> -> memref<32x128xf32, #tpu.memory_space<vmem_shared>>
      %dma_wait3A_157 = arith.constant 0 : i32
      %dma_wait3A_158 = tpu.memref_slice %arg10[%add3A_81, %dma_wait3A_157] : memref<10240x128xf32, #tpu.memory_space<vmem_shared>> -> memref<32x128xf32, #tpu.memory_space<vmem_shared>>
      tpu.wait_dma2 semaphore(%run_scoped3A : memref<!tpu.dma_semaphore, #tpu.memory_space<semaphore_mem>>) src(%arg9 : memref<32x128xf32, #tpu.memory_space<vmem>>) dst(%dma_wait3A_158 : memref<32x128xf32, #tpu.memory_space<vmem_shared>>)
      tpu.yield
    }) : () -> ()
    %barrier3A = arith.constant 0 : index
    tpu.barrier barrier_id(%barrier3A)
    %add3A_82 = arith.constant 0 : i32
    %add3A_83 = arith.addi %add3A_82, %arg0 : i32
    %mul3A_84 = arith.constant 16 : i32
    %mul3A_85 = arith.muli %add3A_83, %mul3A_84 : i32
    %add3A_86 = arith.addi %mul3A_85, %arg1 : i32
    %mul3A_87 = arith.constant 10240 : i32
    %mul3A_88 = arith.muli %add3A_86, %mul3A_87 : i32
    %add3A_89 = arith.constant 0 : i32
    %add3A_90 = arith.addi %mul3A_88, %add3A_89 : i32
    "tpu.region"() ({
      %run_scoped3A = tpu.sem_alloc : memref<!tpu.dma_semaphore, #tpu.memory_space<semaphore_mem>>
      %dma_start3A_152 = tpu.memref_slice %arg3[%add3A_90] : memref<327680xi32, #tpu.memory_space<hbm>> -> memref<5120xi32, #tpu.memory_space<hbm>>
      %dma_start3A_153 = tpu.memref_slice %arg3[%add3A_90] : memref<327680xi32, #tpu.memory_space<hbm>> -> memref<5120xi32, #tpu.memory_space<hbm>>
      tpu.enqueue_dma source(%dma_start3A_153 : memref<5120xi32, #tpu.memory_space<hbm>>) target(%arg6 : memref<5120xi32, #tpu.memory_space<vmem>>) target_semaphore(%run_scoped3A : memref<!tpu.dma_semaphore, #tpu.memory_space<semaphore_mem>>)
      %dma_wait3A = tpu.memref_slice %arg3[%add3A_90] : memref<327680xi32, #tpu.memory_space<hbm>> -> memref<5120xi32, #tpu.memory_space<hbm>>
      %dma_wait3A_154 = tpu.memref_slice %arg3[%add3A_90] : memref<327680xi32, #tpu.memory_space<hbm>> -> memref<5120xi32, #tpu.memory_space<hbm>>
      tpu.wait_dma2 semaphore(%run_scoped3A : memref<!tpu.dma_semaphore, #tpu.memory_space<semaphore_mem>>) src(%dma_wait3A_154 : memref<5120xi32, #tpu.memory_space<hbm>>) dst(%arg6 : memref<5120xi32, #tpu.memory_space<vmem>>)
      tpu.yield
    }) : () -> ()
    "tpu.region"() ({
      %run_scoped3A = tpu.sem_alloc : memref<!tpu.dma_semaphore, #tpu.memory_space<semaphore_mem>>
      %dma_start3A_152 = tpu.memref_slice %arg4[%add3A_90] : memref<327680xi32, #tpu.memory_space<hbm>> -> memref<5120xi32, #tpu.memory_space<hbm>>
      %dma_start3A_153 = tpu.memref_slice %arg4[%add3A_90] : memref<327680xi32, #tpu.memory_space<hbm>> -> memref<5120xi32, #tpu.memory_space<hbm>>
      tpu.enqueue_dma source(%dma_start3A_153 : memref<5120xi32, #tpu.memory_space<hbm>>) target(%arg7 : memref<5120xi32, #tpu.memory_space<vmem>>) target_semaphore(%run_scoped3A : memref<!tpu.dma_semaphore, #tpu.memory_space<semaphore_mem>>)
      %dma_wait3A = tpu.memref_slice %arg4[%add3A_90] : memref<327680xi32, #tpu.memory_space<hbm>> -> memref<5120xi32, #tpu.memory_space<hbm>>
      %dma_wait3A_154 = tpu.memref_slice %arg4[%add3A_90] : memref<327680xi32, #tpu.memory_space<hbm>> -> memref<5120xi32, #tpu.memory_space<hbm>>
      tpu.wait_dma2 semaphore(%run_scoped3A : memref<!tpu.dma_semaphore, #tpu.memory_space<semaphore_mem>>) src(%dma_wait3A_154 : memref<5120xi32, #tpu.memory_space<hbm>>) dst(%arg7 : memref<5120xi32, #tpu.memory_space<vmem>>)
      tpu.yield
    }) : () -> ()
    %dma_start3A = arith.constant 0 : i32
    %dma_start3A_91 = arith.constant 0 : i32
    %dma_start3A_92 = arith.constant 0 : i32
    %dma_start3A_93 = tpu.memref_slice %arg8[%dma_start3A, %dma_start3A_91, %dma_start3A_92] : memref<2x128x128xf32, #tpu.memory_space<vmem>> -> memref<1x128x128xf32, #tpu.memory_space<vmem>>
    %dma_start3A_94 = tpu.memref_squeeze %dma_start3A_93 : memref<1x128x128xf32, #tpu.memory_space<vmem>> -> memref<128x128xf32, #tpu.memory_space<vmem>>
    %dma_start3A_95 = arith.constant 0 : i32
    %dma_start3A_96 = tpu.memref_slice %arg6[%dma_start3A_95] : memref<5120xi32, #tpu.memory_space<vmem>> -> memref<128xi32, #tpu.memory_space<vmem>>
    %dma_start3A_97 = arith.constant 0 : i32
    %dma_start3A_98 = arith.constant 0 : i32
    %dma_start3A_99 = tpu.memref_slice %arg2[%dma_start3A_97, %dma_start3A_98] : memref<10000x128xf32, #tpu.memory_space<hbm>> -> memref<10000x128xf32, #tpu.memory_space<hbm>>
    tpu.enqueue_indirect_dma source(%dma_start3A_99 : memref<10000x128xf32, #tpu.memory_space<hbm>>) target(%dma_start3A_94 : memref<128x128xf32, #tpu.memory_space<vmem>>) offsets(%dma_start3A_96 : memref<128xi32, #tpu.memory_space<vmem>>) semaphore(%arg11 : memref<!tpu.dma_semaphore, #tpu.memory_space<semaphore_mem>>)
    %dma_start3A_100 = arith.constant 1 : i32
    %dma_start3A_101 = arith.constant 0 : i32
    %dma_start3A_102 = arith.constant 0 : i32
    %dma_start3A_103 = tpu.memref_slice %arg8[%dma_start3A_100, %dma_start3A_101, %dma_start3A_102] : memref<2x128x128xf32, #tpu.memory_space<vmem>> -> memref<1x128x128xf32, #tpu.memory_space<vmem>>
    %dma_start3A_104 = tpu.memref_squeeze %dma_start3A_103 : memref<1x128x128xf32, #tpu.memory_space<vmem>> -> memref<128x128xf32, #tpu.memory_space<vmem>>
    %dma_start3A_105 = arith.constant 128 : i32
    %dma_start3A_106 = tpu.memref_slice %arg6[%dma_start3A_105] : memref<5120xi32, #tpu.memory_space<vmem>> -> memref<128xi32, #tpu.memory_space<vmem>>
    %dma_start3A_107 = arith.constant 0 : i32
    %dma_start3A_108 = arith.constant 0 : i32
    %dma_start3A_109 = tpu.memref_slice %arg2[%dma_start3A_107, %dma_start3A_108] : memref<10000x128xf32, #tpu.memory_space<hbm>> -> memref<10000x128xf32, #tpu.memory_space<hbm>>
    tpu.enqueue_indirect_dma source(%dma_start3A_109 : memref<10000x128xf32, #tpu.memory_space<hbm>>) target(%dma_start3A_104 : memref<128x128xf32, #tpu.memory_space<vmem>>) offsets(%dma_start3A_106 : memref<128xi32, #tpu.memory_space<vmem>>) semaphore(%arg12 : memref<!tpu.dma_semaphore, #tpu.memory_space<semaphore_mem>>)
    %scan3A_110 = arith.constant 0 : i32
    %scan3A_111 = arith.constant 20 : i32
    %scan3A_112 = arith.addi %scan3A_110, %scan3A_111 : i32
    %scan3A_113 = arith.constant 1 : i32
    scf.for %scan3A_152 = %scan3A_110 to %scan3A_112 step %scan3A_113  : i32 {
      %mul3A_153 = arith.constant 1 : i32
      %mul3A_154 = arith.muli %scan3A_152, %mul3A_153 : i32
      %add3A_155 = arith.constant 0 : i32
      %add3A_156 = arith.addi %add3A_155, %mul3A_154 : i32
      %mul3A_157 = arith.constant 2 : i32
      %mul3A_158 = arith.muli %add3A_156, %mul3A_157 : i32
      %add3A_159 = arith.constant 0 : i32
      %add3A_160 = arith.addi %mul3A_158, %add3A_159 : i32
      %dma_wait3A = arith.constant 0 : i32
      %dma_wait3A_161 = arith.constant 0 : i32
      %dma_wait3A_162 = arith.constant 0 : i32
      %dma_wait3A_163 = tpu.memref_slice %arg8[%dma_wait3A, %dma_wait3A_161, %dma_wait3A_162] : memref<2x128x128xf32, #tpu.memory_space<vmem>> -> memref<1x128x128xf32, #tpu.memory_space<vmem>>
      %dma_wait3A_164 = tpu.memref_squeeze %dma_wait3A_163 : memref<1x128x128xf32, #tpu.memory_space<vmem>> -> memref<128x128xf32, #tpu.memory_space<vmem>>
      %dma_wait3A_165 = arith.constant 0 : i32
      %dma_wait3A_166 = arith.constant 0 : i32
      %dma_wait3A_167 = tpu.memref_slice %arg2[%dma_wait3A_165, %dma_wait3A_166] : memref<10000x128xf32, #tpu.memory_space<hbm>> -> memref<128x128xf32, #tpu.memory_space<hbm>>
      %dma_wait3A_168 = arith.constant 0 : i32
      %dma_wait3A_169 = arith.constant 0 : i32
      %dma_wait3A_170 = tpu.memref_slice %arg8[%dma_wait3A, %dma_wait3A_168, %dma_wait3A_169] : memref<2x128x128xf32, #tpu.memory_space<vmem>> -> memref<1x128x128xf32, #tpu.memory_space<vmem>>
      %dma_wait3A_171 = tpu.memref_squeeze %dma_wait3A_170 : memref<1x128x128xf32, #tpu.memory_space<vmem>> -> memref<128x128xf32, #tpu.memory_space<vmem>>
      %dma_wait3A_172 = arith.constant 0 : i32
      %dma_wait3A_173 = arith.constant 0 : i32
      %dma_wait3A_174 = tpu.memref_slice %arg2[%dma_wait3A_172, %dma_wait3A_173] : memref<10000x128xf32, #tpu.memory_space<hbm>> -> memref<128x128xf32, #tpu.memory_space<hbm>>
      tpu.wait_dma2 semaphore(%arg11 : memref<!tpu.dma_semaphore, #tpu.memory_space<semaphore_mem>>) src(%dma_wait3A_174 : memref<128x128xf32, #tpu.memory_space<hbm>>) dst(%dma_wait3A_171 : memref<128x128xf32, #tpu.memory_space<vmem>>)
      %mul3A_175 = arith.constant 128 : i32
      %mul3A_176 = arith.muli %add3A_160, %mul3A_175 : i32
      %run_scoped3A = arith.constant 0 : i32
      "tpu.region"() ({
        %run_scoped3A_210 = tpu.sem_alloc : memref<!tpu.dma_semaphore, #tpu.memory_space<semaphore_mem>>
        %dma_start3A_211 = arith.constant 0 : i32
        %dma_start3A_212 = arith.constant 0 : i32
        %dma_start3A_213 = tpu.memref_slice %arg8[%run_scoped3A, %dma_start3A_211, %dma_start3A_212] : memref<2x128x128xf32, #tpu.memory_space<vmem>> -> memref<1x128x128xf32, #tpu.memory_space<vmem>>
        %dma_start3A_214 = tpu.memref_squeeze %dma_start3A_213 : memref<1x128x128xf32, #tpu.memory_space<vmem>> -> memref<128x128xf32, #tpu.memory_space<vmem>>
        %dma_start3A_215 = tpu.memref_slice %arg7[%mul3A_176] : memref<5120xi32, #tpu.memory_space<vmem>> -> memref<128xi32, #tpu.memory_space<vmem>>
        %dma_start3A_216 = arith.constant 0 : i32
        %dma_start3A_217 = arith.constant 0 : i32
        %dma_start3A_218 = tpu.memref_slice %arg10[%dma_start3A_216, %dma_start3A_217] : memref<10240x128xf32, #tpu.memory_space<vmem_shared>> -> memref<10240x128xf32, #tpu.memory_space<vmem_shared>>
        tpu.enqueue_indirect_dma source(%dma_start3A_214 : memref<128x128xf32, #tpu.memory_space<vmem>>) target(%dma_start3A_218 : memref<10240x128xf32, #tpu.memory_space<vmem_shared>>) offsets(%dma_start3A_215 : memref<128xi32, #tpu.memory_space<vmem>>) semaphore(%run_scoped3A_210 : memref<!tpu.dma_semaphore, #tpu.memory_space<semaphore_mem>>) {add = true}
        %dma_wait3A_219 = arith.constant 0 : i32
        %dma_wait3A_220 = arith.constant 0 : i32
        %dma_wait3A_221 = tpu.memref_slice %arg8[%run_scoped3A, %dma_wait3A_219, %dma_wait3A_220] : memref<2x128x128xf32, #tpu.memory_space<vmem>> -> memref<1x128x128xf32, #tpu.memory_space<vmem>>
        %dma_wait3A_222 = tpu.memref_squeeze %dma_wait3A_221 : memref<1x128x128xf32, #tpu.memory_space<vmem>> -> memref<128x128xf32, #tpu.memory_space<vmem>>
        %dma_wait3A_223 = tpu.memref_slice %arg7[%mul3A_176] : memref<5120xi32, #tpu.memory_space<vmem>> -> memref<128xi32, #tpu.memory_space<vmem>>
        %dma_wait3A_224 = arith.constant 0 : i32
        %dma_wait3A_225 = arith.constant 0 : i32
        %dma_wait3A_226 = tpu.memref_slice %arg10[%dma_wait3A_224, %dma_wait3A_225] : memref<10240x128xf32, #tpu.memory_space<vmem_shared>> -> memref<10240x128xf32, #tpu.memory_space<vmem_shared>>
        tpu.wait_indirect_dma semaphore(%run_scoped3A_210 : memref<!tpu.dma_semaphore, #tpu.memory_space<semaphore_mem>>) src(%dma_wait3A_222 : memref<128x128xf32, #tpu.memory_space<vmem>>) dst(%dma_wait3A_226 : memref<10240x128xf32, #tpu.memory_space<vmem_shared>>)
        tpu.yield
      }) : () -> ()
      %add3A_177 = arith.constant 2 : i32
      %add3A_178 = arith.addi %add3A_160, %add3A_177 : i32
      %lt3A = arith.constant 40 : i32
      %lt3A_179 = arith.cmpi slt, %add3A_178, %lt3A : i32
      %convert_element_type3A = arith.extui %lt3A_179 : i1 to i32
      %cond3A = arith.constant 0 : i32
      %cond3A_180 = arith.cmpi ne, %convert_element_type3A, %cond3A : i32
      scf.if %cond3A_180 {
        %add3A_210 = arith.constant 2 : i32
        %add3A_211 = arith.addi %add3A_160, %add3A_210 : i32
        %mul3A_212 = arith.constant 128 : i32
        %mul3A_213 = arith.muli %add3A_211, %mul3A_212 : i32
        %dma_start3A_214 = arith.constant 0 : i32
        %dma_start3A_215 = arith.constant 0 : i32
        %dma_start3A_216 = arith.constant 0 : i32
        %dma_start3A_217 = tpu.memref_slice %arg8[%dma_start3A_214, %dma_start3A_215, %dma_start3A_216] : memref<2x128x128xf32, #tpu.memory_space<vmem>> -> memref<1x128x128xf32, #tpu.memory_space<vmem>>
        %dma_start3A_218 = tpu.memref_squeeze %dma_start3A_217 : memref<1x128x128xf32, #tpu.memory_space<vmem>> -> memref<128x128xf32, #tpu.memory_space<vmem>>
        %dma_start3A_219 = tpu.memref_slice %arg6[%mul3A_213] : memref<5120xi32, #tpu.memory_space<vmem>> -> memref<128xi32, #tpu.memory_space<vmem>>
        %dma_start3A_220 = arith.constant 0 : i32
        %dma_start3A_221 = arith.constant 0 : i32
        %dma_start3A_222 = tpu.memref_slice %arg2[%dma_start3A_220, %dma_start3A_221] : memref<10000x128xf32, #tpu.memory_space<hbm>> -> memref<10000x128xf32, #tpu.memory_space<hbm>>
        tpu.enqueue_indirect_dma source(%dma_start3A_222 : memref<10000x128xf32, #tpu.memory_space<hbm>>) target(%dma_start3A_218 : memref<128x128xf32, #tpu.memory_space<vmem>>) offsets(%dma_start3A_219 : memref<128xi32, #tpu.memory_space<vmem>>) semaphore(%arg11 : memref<!tpu.dma_semaphore, #tpu.memory_space<semaphore_mem>>)
      } else {
      }
      %mul3A_181 = arith.constant 2 : i32
      %mul3A_182 = arith.muli %add3A_156, %mul3A_181 : i32
      %add3A_183 = arith.constant 1 : i32
      %add3A_184 = arith.addi %mul3A_182, %add3A_183 : i32
      %dma_wait3A_185 = arith.constant 1 : i32
      %dma_wait3A_186 = arith.constant 0 : i32
      %dma_wait3A_187 = arith.constant 0 : i32
      %dma_wait3A_188 = tpu.memref_slice %arg8[%dma_wait3A_185, %dma_wait3A_186, %dma_wait3A_187] : memref<2x128x128xf32, #tpu.memory_space<vmem>> -> memref<1x128x128xf32, #tpu.memory_space<vmem>>
      %dma_wait3A_189 = tpu.memref_squeeze %dma_wait3A_188 : memref<1x128x128xf32, #tpu.memory_space<vmem>> -> memref<128x128xf32, #tpu.memory_space<vmem>>
      %dma_wait3A_190 = arith.constant 0 : i32
      %dma_wait3A_191 = arith.constant 0 : i32
      %dma_wait3A_192 = tpu.memref_slice %arg2[%dma_wait3A_190, %dma_wait3A_191] : memref<10000x128xf32, #tpu.memory_space<hbm>> -> memref<128x128xf32, #tpu.memory_space<hbm>>
      %dma_wait3A_193 = arith.constant 0 : i32
      %dma_wait3A_194 = arith.constant 0 : i32
      %dma_wait3A_195 = tpu.memref_slice %arg8[%dma_wait3A_185, %dma_wait3A_193, %dma_wait3A_194] : memref<2x128x128xf32, #tpu.memory_space<vmem>> -> memref<1x128x128xf32, #tpu.memory_space<vmem>>
      %dma_wait3A_196 = tpu.memref_squeeze %dma_wait3A_195 : memref<1x128x128xf32, #tpu.memory_space<vmem>> -> memref<128x128xf32, #tpu.memory_space<vmem>>
      %dma_wait3A_197 = arith.constant 0 : i32
      %dma_wait3A_198 = arith.constant 0 : i32
      %dma_wait3A_199 = tpu.memref_slice %arg2[%dma_wait3A_197, %dma_wait3A_198] : memref<10000x128xf32, #tpu.memory_space<hbm>> -> memref<128x128xf32, #tpu.memory_space<hbm>>
      tpu.wait_dma2 semaphore(%arg12 : memref<!tpu.dma_semaphore, #tpu.memory_space<semaphore_mem>>) src(%dma_wait3A_199 : memref<128x128xf32, #tpu.memory_space<hbm>>) dst(%dma_wait3A_196 : memref<128x128xf32, #tpu.memory_space<vmem>>)
      %mul3A_200 = arith.constant 128 : i32
      %mul3A_201 = arith.muli %add3A_184, %mul3A_200 : i32
      %run_scoped3A_202 = arith.constant 1 : i32
      "tpu.region"() ({
        %run_scoped3A_210 = tpu.sem_alloc : memref<!tpu.dma_semaphore, #tpu.memory_space<semaphore_mem>>
        %dma_start3A_211 = arith.constant 0 : i32
        %dma_start3A_212 = arith.constant 0 : i32
        %dma_start3A_213 = tpu.memref_slice %arg8[%run_scoped3A_202, %dma_start3A_211, %dma_start3A_212] : memref<2x128x128xf32, #tpu.memory_space<vmem>> -> memref<1x128x128xf32, #tpu.memory_space<vmem>>
        %dma_start3A_214 = tpu.memref_squeeze %dma_start3A_213 : memref<1x128x128xf32, #tpu.memory_space<vmem>> -> memref<128x128xf32, #tpu.memory_space<vmem>>
        %dma_start3A_215 = tpu.memref_slice %arg7[%mul3A_201] : memref<5120xi32, #tpu.memory_space<vmem>> -> memref<128xi32, #tpu.memory_space<vmem>>
        %dma_start3A_216 = arith.constant 0 : i32
        %dma_start3A_217 = arith.constant 0 : i32
        %dma_start3A_218 = tpu.memref_slice %arg10[%dma_start3A_216, %dma_start3A_217] : memref<10240x128xf32, #tpu.memory_space<vmem_shared>> -> memref<10240x128xf32, #tpu.memory_space<vmem_shared>>
        tpu.enqueue_indirect_dma source(%dma_start3A_214 : memref<128x128xf32, #tpu.memory_space<vmem>>) target(%dma_start3A_218 : memref<10240x128xf32, #tpu.memory_space<vmem_shared>>) offsets(%dma_start3A_215 : memref<128xi32, #tpu.memory_space<vmem>>) semaphore(%run_scoped3A_210 : memref<!tpu.dma_semaphore, #tpu.memory_space<semaphore_mem>>) {add = true}
        %dma_wait3A_219 = arith.constant 0 : i32
        %dma_wait3A_220 = arith.constant 0 : i32
        %dma_wait3A_221 = tpu.memref_slice %arg8[%run_scoped3A_202, %dma_wait3A_219, %dma_wait3A_220] : memref<2x128x128xf32, #tpu.memory_space<vmem>> -> memref<1x128x128xf32, #tpu.memory_space<vmem>>
        %dma_wait3A_222 = tpu.memref_squeeze %dma_wait3A_221 : memref<1x128x128xf32, #tpu.memory_space<vmem>> -> memref<128x128xf32, #tpu.memory_space<vmem>>
        %dma_wait3A_223 = tpu.memref_slice %arg7[%mul3A_201] : memref<5120xi32, #tpu.memory_space<vmem>> -> memref<128xi32, #tpu.memory_space<vmem>>
        %dma_wait3A_224 = arith.constant 0 : i32
        %dma_wait3A_225 = arith.constant 0 : i32
        %dma_wait3A_226 = tpu.memref_slice %arg10[%dma_wait3A_224, %dma_wait3A_225] : memref<10240x128xf32, #tpu.memory_space<vmem_shared>> -> memref<10240x128xf32, #tpu.memory_space<vmem_shared>>
        tpu.wait_indirect_dma semaphore(%run_scoped3A_210 : memref<!tpu.dma_semaphore, #tpu.memory_space<semaphore_mem>>) src(%dma_wait3A_222 : memref<128x128xf32, #tpu.memory_space<vmem>>) dst(%dma_wait3A_226 : memref<10240x128xf32, #tpu.memory_space<vmem_shared>>)
        tpu.yield
      }) : () -> ()
      %add3A_203 = arith.constant 2 : i32
      %add3A_204 = arith.addi %add3A_184, %add3A_203 : i32
      %lt3A_205 = arith.constant 40 : i32
      %lt3A_206 = arith.cmpi slt, %add3A_204, %lt3A_205 : i32
      %convert_element_type3A_207 = arith.extui %lt3A_206 : i1 to i32
      %cond3A_208 = arith.constant 0 : i32
      %cond3A_209 = arith.cmpi ne, %convert_element_type3A_207, %cond3A_208 : i32
      scf.if %cond3A_209 {
        %add3A_210 = arith.constant 2 : i32
        %add3A_211 = arith.addi %add3A_184, %add3A_210 : i32
        %mul3A_212 = arith.constant 128 : i32
        %mul3A_213 = arith.muli %add3A_211, %mul3A_212 : i32
        %dma_start3A_214 = arith.constant 1 : i32
        %dma_start3A_215 = arith.constant 0 : i32
        %dma_start3A_216 = arith.constant 0 : i32
        %dma_start3A_217 = tpu.memref_slice %arg8[%dma_start3A_214, %dma_start3A_215, %dma_start3A_216] : memref<2x128x128xf32, #tpu.memory_space<vmem>> -> memref<1x128x128xf32, #tpu.memory_space<vmem>>
        %dma_start3A_218 = tpu.memref_squeeze %dma_start3A_217 : memref<1x128x128xf32, #tpu.memory_space<vmem>> -> memref<128x128xf32, #tpu.memory_space<vmem>>
        %dma_start3A_219 = tpu.memref_slice %arg6[%mul3A_213] : memref<5120xi32, #tpu.memory_space<vmem>> -> memref<128xi32, #tpu.memory_space<vmem>>
        %dma_start3A_220 = arith.constant 0 : i32
        %dma_start3A_221 = arith.constant 0 : i32
        %dma_start3A_222 = tpu.memref_slice %arg2[%dma_start3A_220, %dma_start3A_221] : memref<10000x128xf32, #tpu.memory_space<hbm>> -> memref<10000x128xf32, #tpu.memory_space<hbm>>
        tpu.enqueue_indirect_dma source(%dma_start3A_222 : memref<10000x128xf32, #tpu.memory_space<hbm>>) target(%dma_start3A_218 : memref<128x128xf32, #tpu.memory_space<vmem>>) offsets(%dma_start3A_219 : memref<128xi32, #tpu.memory_space<vmem>>) semaphore(%arg12 : memref<!tpu.dma_semaphore, #tpu.memory_space<semaphore_mem>>)
      } else {
      }
    }
    %scan3A_114 = arith.constant 20 : i32
    %add3A_115 = arith.constant 5120 : i32
    %add3A_116 = arith.addi %mul3A_88, %add3A_115 : i32
    "tpu.region"() ({
      %run_scoped3A = tpu.sem_alloc : memref<!tpu.dma_semaphore, #tpu.memory_space<semaphore_mem>>
      %dma_start3A_152 = tpu.memref_slice %arg3[%add3A_116] : memref<327680xi32, #tpu.memory_space<hbm>> -> memref<5120xi32, #tpu.memory_space<hbm>>
      %dma_start3A_153 = tpu.memref_slice %arg3[%add3A_116] : memref<327680xi32, #tpu.memory_space<hbm>> -> memref<5120xi32, #tpu.memory_space<hbm>>
      tpu.enqueue_dma source(%dma_start3A_153 : memref<5120xi32, #tpu.memory_space<hbm>>) target(%arg6 : memref<5120xi32, #tpu.memory_space<vmem>>) target_semaphore(%run_scoped3A : memref<!tpu.dma_semaphore, #tpu.memory_space<semaphore_mem>>)
      %dma_wait3A = tpu.memref_slice %arg3[%add3A_116] : memref<327680xi32, #tpu.memory_space<hbm>> -> memref<5120xi32, #tpu.memory_space<hbm>>
      %dma_wait3A_154 = tpu.memref_slice %arg3[%add3A_116] : memref<327680xi32, #tpu.memory_space<hbm>> -> memref<5120xi32, #tpu.memory_space<hbm>>
      tpu.wait_dma2 semaphore(%run_scoped3A : memref<!tpu.dma_semaphore, #tpu.memory_space<semaphore_mem>>) src(%dma_wait3A_154 : memref<5120xi32, #tpu.memory_space<hbm>>) dst(%arg6 : memref<5120xi32, #tpu.memory_space<vmem>>)
      tpu.yield
    }) : () -> ()
    "tpu.region"() ({
      %run_scoped3A = tpu.sem_alloc : memref<!tpu.dma_semaphore, #tpu.memory_space<semaphore_mem>>
      %dma_start3A_152 = tpu.memref_slice %arg4[%add3A_116] : memref<327680xi32, #tpu.memory_space<hbm>> -> memref<5120xi32, #tpu.memory_space<hbm>>
      %dma_start3A_153 = tpu.memref_slice %arg4[%add3A_116] : memref<327680xi32, #tpu.memory_space<hbm>> -> memref<5120xi32, #tpu.memory_space<hbm>>
      tpu.enqueue_dma source(%dma_start3A_153 : memref<5120xi32, #tpu.memory_space<hbm>>) target(%arg7 : memref<5120xi32, #tpu.memory_space<vmem>>) target_semaphore(%run_scoped3A : memref<!tpu.dma_semaphore, #tpu.memory_space<semaphore_mem>>)
      %dma_wait3A = tpu.memref_slice %arg4[%add3A_116] : memref<327680xi32, #tpu.memory_space<hbm>> -> memref<5120xi32, #tpu.memory_space<hbm>>
      %dma_wait3A_154 = tpu.memref_slice %arg4[%add3A_116] : memref<327680xi32, #tpu.memory_space<hbm>> -> memref<5120xi32, #tpu.memory_space<hbm>>
      tpu.wait_dma2 semaphore(%run_scoped3A : memref<!tpu.dma_semaphore, #tpu.memory_space<semaphore_mem>>) src(%dma_wait3A_154 : memref<5120xi32, #tpu.memory_space<hbm>>) dst(%arg7 : memref<5120xi32, #tpu.memory_space<vmem>>)
      tpu.yield
    }) : () -> ()
    %dma_start3A_117 = arith.constant 0 : i32
    %dma_start3A_118 = arith.constant 0 : i32
    %dma_start3A_119 = arith.constant 0 : i32
    %dma_start3A_120 = tpu.memref_slice %arg8[%dma_start3A_117, %dma_start3A_118, %dma_start3A_119] : memref<2x128x128xf32, #tpu.memory_space<vmem>> -> memref<1x128x128xf32, #tpu.memory_space<vmem>>
    %dma_start3A_121 = tpu.memref_squeeze %dma_start3A_120 : memref<1x128x128xf32, #tpu.memory_space<vmem>> -> memref<128x128xf32, #tpu.memory_space<vmem>>
    %dma_start3A_122 = arith.constant 0 : i32
    %dma_start3A_123 = tpu.memref_slice %arg6[%dma_start3A_122] : memref<5120xi32, #tpu.memory_space<vmem>> -> memref<128xi32, #tpu.memory_space<vmem>>
    %dma_start3A_124 = arith.constant 0 : i32
    %dma_start3A_125 = arith.constant 0 : i32
    %dma_start3A_126 = tpu.memref_slice %arg2[%dma_start3A_124, %dma_start3A_125] : memref<10000x128xf32, #tpu.memory_space<hbm>> -> memref<10000x128xf32, #tpu.memory_space<hbm>>
    tpu.enqueue_indirect_dma source(%dma_start3A_126 : memref<10000x128xf32, #tpu.memory_space<hbm>>) target(%dma_start3A_121 : memref<128x128xf32, #tpu.memory_space<vmem>>) offsets(%dma_start3A_123 : memref<128xi32, #tpu.memory_space<vmem>>) semaphore(%arg11 : memref<!tpu.dma_semaphore, #tpu.memory_space<semaphore_mem>>)
    %dma_start3A_127 = arith.constant 1 : i32
    %dma_start3A_128 = arith.constant 0 : i32
    %dma_start3A_129 = arith.constant 0 : i32
    %dma_start3A_130 = tpu.memref_slice %arg8[%dma_start3A_127, %dma_start3A_128, %dma_start3A_129] : memref<2x128x128xf32, #tpu.memory_space<vmem>> -> memref<1x128x128xf32, #tpu.memory_space<vmem>>
    %dma_start3A_131 = tpu.memref_squeeze %dma_start3A_130 : memref<1x128x128xf32, #tpu.memory_space<vmem>> -> memref<128x128xf32, #tpu.memory_space<vmem>>
    %dma_start3A_132 = arith.constant 128 : i32
    %dma_start3A_133 = tpu.memref_slice %arg6[%dma_start3A_132] : memref<5120xi32, #tpu.memory_space<vmem>> -> memref<128xi32, #tpu.memory_space<vmem>>
    %dma_start3A_134 = arith.constant 0 : i32
    %dma_start3A_135 = arith.constant 0 : i32
    %dma_start3A_136 = tpu.memref_slice %arg2[%dma_start3A_134, %dma_start3A_135] : memref<10000x128xf32, #tpu.memory_space<hbm>> -> memref<10000x128xf32, #tpu.memory_space<hbm>>
    tpu.enqueue_indirect_dma source(%dma_start3A_136 : memref<10000x128xf32, #tpu.memory_space<hbm>>) target(%dma_start3A_131 : memref<128x128xf32, #tpu.memory_space<vmem>>) offsets(%dma_start3A_133 : memref<128xi32, #tpu.memory_space<vmem>>) semaphore(%arg12 : memref<!tpu.dma_semaphore, #tpu.memory_space<semaphore_mem>>)
    %scan3A_137 = arith.constant 0 : i32
    %scan3A_138 = arith.constant 20 : i32
    %scan3A_139 = arith.addi %scan3A_137, %scan3A_138 : i32
    %scan3A_140 = arith.constant 1 : i32
    scf.for %scan3A_152 = %scan3A_137 to %scan3A_139 step %scan3A_140  : i32 {
      %mul3A_153 = arith.constant 1 : i32
      %mul3A_154 = arith.muli %scan3A_152, %mul3A_153 : i32
      %add3A_155 = arith.constant 0 : i32
      %add3A_156 = arith.addi %add3A_155, %mul3A_154 : i32
      %mul3A_157 = arith.constant 2 : i32
      %mul3A_158 = arith.muli %add3A_156, %mul3A_157 : i32
      %add3A_159 = arith.constant 0 : i32
      %add3A_160 = arith.addi %mul3A_158, %add3A_159 : i32
      %dma_wait3A = arith.constant 0 : i32
      %dma_wait3A_161 = arith.constant 0 : i32
      %dma_wait3A_162 = arith.constant 0 : i32
      %dma_wait3A_163 = tpu.memref_slice %arg8[%dma_wait3A, %dma_wait3A_161, %dma_wait3A_162] : memref<2x128x128xf32, #tpu.memory_space<vmem>> -> memref<1x128x128xf32, #tpu.memory_space<vmem>>
      %dma_wait3A_164 = tpu.memref_squeeze %dma_wait3A_163 : memref<1x128x128xf32, #tpu.memory_space<vmem>> -> memref<128x128xf32, #tpu.memory_space<vmem>>
      %dma_wait3A_165 = arith.constant 0 : i32
      %dma_wait3A_166 = arith.constant 0 : i32
      %dma_wait3A_167 = tpu.memref_slice %arg2[%dma_wait3A_165, %dma_wait3A_166] : memref<10000x128xf32, #tpu.memory_space<hbm>> -> memref<128x128xf32, #tpu.memory_space<hbm>>
      %dma_wait3A_168 = arith.constant 0 : i32
      %dma_wait3A_169 = arith.constant 0 : i32
      %dma_wait3A_170 = tpu.memref_slice %arg8[%dma_wait3A, %dma_wait3A_168, %dma_wait3A_169] : memref<2x128x128xf32, #tpu.memory_space<vmem>> -> memref<1x128x128xf32, #tpu.memory_space<vmem>>
      %dma_wait3A_171 = tpu.memref_squeeze %dma_wait3A_170 : memref<1x128x128xf32, #tpu.memory_space<vmem>> -> memref<128x128xf32, #tpu.memory_space<vmem>>
      %dma_wait3A_172 = arith.constant 0 : i32
      %dma_wait3A_173 = arith.constant 0 : i32
      %dma_wait3A_174 = tpu.memref_slice %arg2[%dma_wait3A_172, %dma_wait3A_173] : memref<10000x128xf32, #tpu.memory_space<hbm>> -> memref<128x128xf32, #tpu.memory_space<hbm>>
      tpu.wait_dma2 semaphore(%arg11 : memref<!tpu.dma_semaphore, #tpu.memory_space<semaphore_mem>>) src(%dma_wait3A_174 : memref<128x128xf32, #tpu.memory_space<hbm>>) dst(%dma_wait3A_171 : memref<128x128xf32, #tpu.memory_space<vmem>>)
      %mul3A_175 = arith.constant 128 : i32
      %mul3A_176 = arith.muli %add3A_160, %mul3A_175 : i32
      %run_scoped3A = arith.constant 0 : i32
      "tpu.region"() ({
        %run_scoped3A_210 = tpu.sem_alloc : memref<!tpu.dma_semaphore, #tpu.memory_space<semaphore_mem>>
        %dma_start3A_211 = arith.constant 0 : i32
        %dma_start3A_212 = arith.constant 0 : i32
        %dma_start3A_213 = tpu.memref_slice %arg8[%run_scoped3A, %dma_start3A_211, %dma_start3A_212] : memref<2x128x128xf32, #tpu.memory_space<vmem>> -> memref<1x128x128xf32, #tpu.memory_space<vmem>>
        %dma_start3A_214 = tpu.memref_squeeze %dma_start3A_213 : memref<1x128x128xf32, #tpu.memory_space<vmem>> -> memref<128x128xf32, #tpu.memory_space<vmem>>
        %dma_start3A_215 = tpu.memref_slice %arg7[%mul3A_176] : memref<5120xi32, #tpu.memory_space<vmem>> -> memref<128xi32, #tpu.memory_space<vmem>>
        %dma_start3A_216 = arith.constant 0 : i32
        %dma_start3A_217 = arith.constant 0 : i32
        %dma_start3A_218 = tpu.memref_slice %arg10[%dma_start3A_216, %dma_start3A_217] : memref<10240x128xf32, #tpu.memory_space<vmem_shared>> -> memref<10240x128xf32, #tpu.memory_space<vmem_shared>>
        tpu.enqueue_indirect_dma source(%dma_start3A_214 : memref<128x128xf32, #tpu.memory_space<vmem>>) target(%dma_start3A_218 : memref<10240x128xf32, #tpu.memory_space<vmem_shared>>) offsets(%dma_start3A_215 : memref<128xi32, #tpu.memory_space<vmem>>) semaphore(%run_scoped3A_210 : memref<!tpu.dma_semaphore, #tpu.memory_space<semaphore_mem>>) {add = true}
        %dma_wait3A_219 = arith.constant 0 : i32
        %dma_wait3A_220 = arith.constant 0 : i32
        %dma_wait3A_221 = tpu.memref_slice %arg8[%run_scoped3A, %dma_wait3A_219, %dma_wait3A_220] : memref<2x128x128xf32, #tpu.memory_space<vmem>> -> memref<1x128x128xf32, #tpu.memory_space<vmem>>
        %dma_wait3A_222 = tpu.memref_squeeze %dma_wait3A_221 : memref<1x128x128xf32, #tpu.memory_space<vmem>> -> memref<128x128xf32, #tpu.memory_space<vmem>>
        %dma_wait3A_223 = tpu.memref_slice %arg7[%mul3A_176] : memref<5120xi32, #tpu.memory_space<vmem>> -> memref<128xi32, #tpu.memory_space<vmem>>
        %dma_wait3A_224 = arith.constant 0 : i32
        %dma_wait3A_225 = arith.constant 0 : i32
        %dma_wait3A_226 = tpu.memref_slice %arg10[%dma_wait3A_224, %dma_wait3A_225] : memref<10240x128xf32, #tpu.memory_space<vmem_shared>> -> memref<10240x128xf32, #tpu.memory_space<vmem_shared>>
        tpu.wait_indirect_dma semaphore(%run_scoped3A_210 : memref<!tpu.dma_semaphore, #tpu.memory_space<semaphore_mem>>) src(%dma_wait3A_222 : memref<128x128xf32, #tpu.memory_space<vmem>>) dst(%dma_wait3A_226 : memref<10240x128xf32, #tpu.memory_space<vmem_shared>>)
        tpu.yield
      }) : () -> ()
      %add3A_177 = arith.constant 2 : i32
      %add3A_178 = arith.addi %add3A_160, %add3A_177 : i32
      %lt3A = arith.constant 40 : i32
      %lt3A_179 = arith.cmpi slt, %add3A_178, %lt3A : i32
      %convert_element_type3A = arith.extui %lt3A_179 : i1 to i32
      %cond3A = arith.constant 0 : i32
      %cond3A_180 = arith.cmpi ne, %convert_element_type3A, %cond3A : i32
      scf.if %cond3A_180 {
        %add3A_210 = arith.constant 2 : i32
        %add3A_211 = arith.addi %add3A_160, %add3A_210 : i32
        %mul3A_212 = arith.constant 128 : i32
        %mul3A_213 = arith.muli %add3A_211, %mul3A_212 : i32
        %dma_start3A_214 = arith.constant 0 : i32
        %dma_start3A_215 = arith.constant 0 : i32
        %dma_start3A_216 = arith.constant 0 : i32
        %dma_start3A_217 = tpu.memref_slice %arg8[%dma_start3A_214, %dma_start3A_215, %dma_start3A_216] : memref<2x128x128xf32, #tpu.memory_space<vmem>> -> memref<1x128x128xf32, #tpu.memory_space<vmem>>
        %dma_start3A_218 = tpu.memref_squeeze %dma_start3A_217 : memref<1x128x128xf32, #tpu.memory_space<vmem>> -> memref<128x128xf32, #tpu.memory_space<vmem>>
        %dma_start3A_219 = tpu.memref_slice %arg6[%mul3A_213] : memref<5120xi32, #tpu.memory_space<vmem>> -> memref<128xi32, #tpu.memory_space<vmem>>
        %dma_start3A_220 = arith.constant 0 : i32
        %dma_start3A_221 = arith.constant 0 : i32
        %dma_start3A_222 = tpu.memref_slice %arg2[%dma_start3A_220, %dma_start3A_221] : memref<10000x128xf32, #tpu.memory_space<hbm>> -> memref<10000x128xf32, #tpu.memory_space<hbm>>
        tpu.enqueue_indirect_dma source(%dma_start3A_222 : memref<10000x128xf32, #tpu.memory_space<hbm>>) target(%dma_start3A_218 : memref<128x128xf32, #tpu.memory_space<vmem>>) offsets(%dma_start3A_219 : memref<128xi32, #tpu.memory_space<vmem>>) semaphore(%arg11 : memref<!tpu.dma_semaphore, #tpu.memory_space<semaphore_mem>>)
      } else {
      }
      %mul3A_181 = arith.constant 2 : i32
      %mul3A_182 = arith.muli %add3A_156, %mul3A_181 : i32
      %add3A_183 = arith.constant 1 : i32
      %add3A_184 = arith.addi %mul3A_182, %add3A_183 : i32
      %dma_wait3A_185 = arith.constant 1 : i32
      %dma_wait3A_186 = arith.constant 0 : i32
      %dma_wait3A_187 = arith.constant 0 : i32
      %dma_wait3A_188 = tpu.memref_slice %arg8[%dma_wait3A_185, %dma_wait3A_186, %dma_wait3A_187] : memref<2x128x128xf32, #tpu.memory_space<vmem>> -> memref<1x128x128xf32, #tpu.memory_space<vmem>>
      %dma_wait3A_189 = tpu.memref_squeeze %dma_wait3A_188 : memref<1x128x128xf32, #tpu.memory_space<vmem>> -> memref<128x128xf32, #tpu.memory_space<vmem>>
      %dma_wait3A_190 = arith.constant 0 : i32
      %dma_wait3A_191 = arith.constant 0 : i32
      %dma_wait3A_192 = tpu.memref_slice %arg2[%dma_wait3A_190, %dma_wait3A_191] : memref<10000x128xf32, #tpu.memory_space<hbm>> -> memref<128x128xf32, #tpu.memory_space<hbm>>
      %dma_wait3A_193 = arith.constant 0 : i32
      %dma_wait3A_194 = arith.constant 0 : i32
      %dma_wait3A_195 = tpu.memref_slice %arg8[%dma_wait3A_185, %dma_wait3A_193, %dma_wait3A_194] : memref<2x128x128xf32, #tpu.memory_space<vmem>> -> memref<1x128x128xf32, #tpu.memory_space<vmem>>
      %dma_wait3A_196 = tpu.memref_squeeze %dma_wait3A_195 : memref<1x128x128xf32, #tpu.memory_space<vmem>> -> memref<128x128xf32, #tpu.memory_space<vmem>>
      %dma_wait3A_197 = arith.constant 0 : i32
      %dma_wait3A_198 = arith.constant 0 : i32
      %dma_wait3A_199 = tpu.memref_slice %arg2[%dma_wait3A_197, %dma_wait3A_198] : memref<10000x128xf32, #tpu.memory_space<hbm>> -> memref<128x128xf32, #tpu.memory_space<hbm>>
      tpu.wait_dma2 semaphore(%arg12 : memref<!tpu.dma_semaphore, #tpu.memory_space<semaphore_mem>>) src(%dma_wait3A_199 : memref<128x128xf32, #tpu.memory_space<hbm>>) dst(%dma_wait3A_196 : memref<128x128xf32, #tpu.memory_space<vmem>>)
      %mul3A_200 = arith.constant 128 : i32
      %mul3A_201 = arith.muli %add3A_184, %mul3A_200 : i32
      %run_scoped3A_202 = arith.constant 1 : i32
      "tpu.region"() ({
        %run_scoped3A_210 = tpu.sem_alloc : memref<!tpu.dma_semaphore, #tpu.memory_space<semaphore_mem>>
        %dma_start3A_211 = arith.constant 0 : i32
        %dma_start3A_212 = arith.constant 0 : i32
        %dma_start3A_213 = tpu.memref_slice %arg8[%run_scoped3A_202, %dma_start3A_211, %dma_start3A_212] : memref<2x128x128xf32, #tpu.memory_space<vmem>> -> memref<1x128x128xf32, #tpu.memory_space<vmem>>
        %dma_start3A_214 = tpu.memref_squeeze %dma_start3A_213 : memref<1x128x128xf32, #tpu.memory_space<vmem>> -> memref<128x128xf32, #tpu.memory_space<vmem>>
        %dma_start3A_215 = tpu.memref_slice %arg7[%mul3A_201] : memref<5120xi32, #tpu.memory_space<vmem>> -> memref<128xi32, #tpu.memory_space<vmem>>
        %dma_start3A_216 = arith.constant 0 : i32
        %dma_start3A_217 = arith.constant 0 : i32
        %dma_start3A_218 = tpu.memref_slice %arg10[%dma_start3A_216, %dma_start3A_217] : memref<10240x128xf32, #tpu.memory_space<vmem_shared>> -> memref<10240x128xf32, #tpu.memory_space<vmem_shared>>
        tpu.enqueue_indirect_dma source(%dma_start3A_214 : memref<128x128xf32, #tpu.memory_space<vmem>>) target(%dma_start3A_218 : memref<10240x128xf32, #tpu.memory_space<vmem_shared>>) offsets(%dma_start3A_215 : memref<128xi32, #tpu.memory_space<vmem>>) semaphore(%run_scoped3A_210 : memref<!tpu.dma_semaphore, #tpu.memory_space<semaphore_mem>>) {add = true}
        %dma_wait3A_219 = arith.constant 0 : i32
        %dma_wait3A_220 = arith.constant 0 : i32
        %dma_wait3A_221 = tpu.memref_slice %arg8[%run_scoped3A_202, %dma_wait3A_219, %dma_wait3A_220] : memref<2x128x128xf32, #tpu.memory_space<vmem>> -> memref<1x128x128xf32, #tpu.memory_space<vmem>>
        %dma_wait3A_222 = tpu.memref_squeeze %dma_wait3A_221 : memref<1x128x128xf32, #tpu.memory_space<vmem>> -> memref<128x128xf32, #tpu.memory_space<vmem>>
        %dma_wait3A_223 = tpu.memref_slice %arg7[%mul3A_201] : memref<5120xi32, #tpu.memory_space<vmem>> -> memref<128xi32, #tpu.memory_space<vmem>>
        %dma_wait3A_224 = arith.constant 0 : i32
        %dma_wait3A_225 = arith.constant 0 : i32
        %dma_wait3A_226 = tpu.memref_slice %arg10[%dma_wait3A_224, %dma_wait3A_225] : memref<10240x128xf32, #tpu.memory_space<vmem_shared>> -> memref<10240x128xf32, #tpu.memory_space<vmem_shared>>
        tpu.wait_indirect_dma semaphore(%run_scoped3A_210 : memref<!tpu.dma_semaphore, #tpu.memory_space<semaphore_mem>>) src(%dma_wait3A_222 : memref<128x128xf32, #tpu.memory_space<vmem>>) dst(%dma_wait3A_226 : memref<10240x128xf32, #tpu.memory_space<vmem_shared>>)
        tpu.yield
      }) : () -> ()
      %add3A_203 = arith.constant 2 : i32
      %add3A_204 = arith.addi %add3A_184, %add3A_203 : i32
      %lt3A_205 = arith.constant 40 : i32
      %lt3A_206 = arith.cmpi slt, %add3A_204, %lt3A_205 : i32
      %convert_element_type3A_207 = arith.extui %lt3A_206 : i1 to i32
      %cond3A_208 = arith.constant 0 : i32
      %cond3A_209 = arith.cmpi ne, %convert_element_type3A_207, %cond3A_208 : i32
      scf.if %cond3A_209 {
        %add3A_210 = arith.constant 2 : i32
        %add3A_211 = arith.addi %add3A_184, %add3A_210 : i32
        %mul3A_212 = arith.constant 128 : i32
        %mul3A_213 = arith.muli %add3A_211, %mul3A_212 : i32
        %dma_start3A_214 = arith.constant 1 : i32
        %dma_start3A_215 = arith.constant 0 : i32
        %dma_start3A_216 = arith.constant 0 : i32
        %dma_start3A_217 = tpu.memref_slice %arg8[%dma_start3A_214, %dma_start3A_215, %dma_start3A_216] : memref<2x128x128xf32, #tpu.memory_space<vmem>> -> memref<1x128x128xf32, #tpu.memory_space<vmem>>
        %dma_start3A_218 = tpu.memref_squeeze %dma_start3A_217 : memref<1x128x128xf32, #tpu.memory_space<vmem>> -> memref<128x128xf32, #tpu.memory_space<vmem>>
        %dma_start3A_219 = tpu.memref_slice %arg6[%mul3A_213] : memref<5120xi32, #tpu.memory_space<vmem>> -> memref<128xi32, #tpu.memory_space<vmem>>
        %dma_start3A_220 = arith.constant 0 : i32
        %dma_start3A_221 = arith.constant 0 : i32
        %dma_start3A_222 = tpu.memref_slice %arg2[%dma_start3A_220, %dma_start3A_221] : memref<10000x128xf32, #tpu.memory_space<hbm>> -> memref<10000x128xf32, #tpu.memory_space<hbm>>
        tpu.enqueue_indirect_dma source(%dma_start3A_222 : memref<10000x128xf32, #tpu.memory_space<hbm>>) target(%dma_start3A_218 : memref<128x128xf32, #tpu.memory_space<vmem>>) offsets(%dma_start3A_219 : memref<128xi32, #tpu.memory_space<vmem>>) semaphore(%arg12 : memref<!tpu.dma_semaphore, #tpu.memory_space<semaphore_mem>>)
      } else {
      }
    }
    %scan3A_141 = arith.constant 20 : i32
    %barrier3A_142 = arith.constant 0 : index
    tpu.barrier barrier_id(%barrier3A_142)
    %mul3A_143 = arith.constant 640 : i32
    %mul3A_144 = arith.muli %arg1, %mul3A_143 : i32
    %add3A_145 = arith.constant 0 : i32
    %add3A_146 = arith.addi %add3A_145, %arg0 : i32
    %mul3A_147 = arith.constant 10240 : i32
    %mul3A_148 = arith.muli %add3A_146, %mul3A_147 : i32
    %mul3A_149 = arith.constant 640 : i32
    %mul3A_150 = arith.muli %arg1, %mul3A_149 : i32
    %add3A_151 = arith.addi %mul3A_148, %mul3A_150 : i32
    "tpu.region"() ({
      %run_scoped3A = tpu.sem_alloc : memref<!tpu.dma_semaphore, #tpu.memory_space<semaphore_mem>>
      %dma_start3A_152 = arith.constant 0 : i32
      %dma_start3A_153 = tpu.memref_slice %arg5[%add3A_151, %dma_start3A_152] : memref<20480x128xf32, #tpu.memory_space<hbm>> -> memref<640x128xf32, #tpu.memory_space<hbm>>
      %dma_start3A_154 = arith.constant 0 : i32
      %dma_start3A_155 = tpu.memref_slice %arg10[%mul3A_144, %dma_start3A_154] : memref<10240x128xf32, #tpu.memory_space<vmem_shared>> -> memref<640x128xf32, #tpu.memory_space<vmem_shared>>
      tpu.enqueue_dma source(%dma_start3A_155 : memref<640x128xf32, #tpu.memory_space<vmem_shared>>) target(%dma_start3A_153 : memref<640x128xf32, #tpu.memory_space<hbm>>) target_semaphore(%run_scoped3A : memref<!tpu.dma_semaphore, #tpu.memory_space<semaphore_mem>>)
      %dma_wait3A = arith.constant 0 : i32
      %dma_wait3A_156 = tpu.memref_slice %arg5[%add3A_151, %dma_wait3A] : memref<20480x128xf32, #tpu.memory_space<hbm>> -> memref<640x128xf32, #tpu.memory_space<hbm>>
      %dma_wait3A_157 = arith.constant 0 : i32
      %dma_wait3A_158 = tpu.memref_slice %arg10[%mul3A_144, %dma_wait3A_157] : memref<10240x128xf32, #tpu.memory_space<vmem_shared>> -> memref<640x128xf32, #tpu.memory_space<vmem_shared>>
      tpu.wait_dma2 semaphore(%run_scoped3A : memref<!tpu.dma_semaphore, #tpu.memory_space<semaphore_mem>>) src(%dma_wait3A_158 : memref<640x128xf32, #tpu.memory_space<vmem_shared>>) dst(%dma_wait3A_156 : memref<640x128xf32, #tpu.memory_space<hbm>>)
      tpu.yield
    }) : () -> ()
    return
  }
}

#map = affine_map<(d0, d1) -> (0, 0)>
#map1 = affine_map<(d0, d1) -> (0)>
module attributes {stable_mosaic.version = 14 : i64} {
  func.func @k(%arg0: i32, %arg1: i32, %arg2: memref<30000x128xf32, #tpu.memory_space<hbm>>, %arg3: memref<983040xi32, #tpu.memory_space<hbm>>, %arg4: memref<983040xi32, #tpu.memory_space<hbm>>, %arg5: memref<61440x128xf32, #tpu.memory_space<hbm>>, %arg6: memref<5120xi32, #tpu.memory_space<vmem>>, %arg7: memref<5120xi32, #tpu.memory_space<vmem>>, %arg8: memref<2x128x128xf32, #tpu.memory_space<vmem>>, %arg9: memref<32x128xf32, #tpu.memory_space<vmem>>, %arg10: memref<10240x128xf32, #tpu.memory_space<vmem_shared>>, %arg11: memref<!tpu.dma_semaphore, #tpu.memory_space<semaphore_mem>>, %arg12: memref<!tpu.dma_semaphore, #tpu.memory_space<semaphore_mem>>) attributes {dimension_semantics = [#tpu.dimension_semantics<core_parallel>, #tpu.dimension_semantics<subcore_parallel>], iteration_bounds = array<i64: 2, 16>, scalar_prefetch = 0 : i64, scratch_operands = 7 : i64, tpu.core_type = #tpu.core_type<sc_vector_subcore>, window_params = [{transform_indices = #map}, {transform_indices = #map1}, {transform_indices = #map1}, {transform_indices = #map}]} {
    %scan3A = arith.constant 0 : i32
    %scan3A_0 = arith.constant 32 : i32
    %scan3A_1 = arith.addi %scan3A, %scan3A_0 : i32
    %scan3A_2 = arith.constant 1 : i32
    scf.for %scan3A_456 = %scan3A to %scan3A_1 step %scan3A_2  : i32 {
      %mul3A_457 = arith.constant 1 : i32
      %mul3A_458 = arith.muli %scan3A_456, %mul3A_457 : i32
      %add3A_459 = arith.constant 0 : i32
      %add3A_460 = arith.addi %add3A_459, %mul3A_458 : i32
      %broadcast_in_dim3A = arith.constant 0.000000e+00 : f32
      %broadcast_in_dim3A_461 = vector.broadcast %broadcast_in_dim3A : f32 to vector<16xf32>
      %swap3A = arith.index_cast %add3A_460 : i32 to index
      %swap3A_462 = arith.constant 0 : index
      %swap3A_463 = tpu.vector_load %arg9[%swap3A, %swap3A_462] {strides = array<i32>} : memref<32x128xf32, #tpu.memory_space<vmem>>, vector<1x16xf32>,
      %swap3A_464 = vector.shape_cast %swap3A_463 : vector<1x16xf32> to vector<16xf32>
      %swap3A_465 = vector.shape_cast %broadcast_in_dim3A_461 : vector<16xf32> to vector<1x16xf32>
      tpu.vector_store %arg9[%swap3A, %swap3A_462], %swap3A_465 {strides = array<i32>} : memref<32x128xf32, #tpu.memory_space<vmem>>, vector<1x16xf32>,
      %broadcast_in_dim3A_466 = arith.constant 0.000000e+00 : f32
      %broadcast_in_dim3A_467 = vector.broadcast %broadcast_in_dim3A_466 : f32 to vector<16xf32>
      %swap3A_468 = arith.index_cast %add3A_460 : i32 to index
      %swap3A_469 = arith.constant 16 : index
      %swap3A_470 = tpu.vector_load %arg9[%swap3A_468, %swap3A_469] {strides = array<i32>} : memref<32x128xf32, #tpu.memory_space<vmem>>, vector<1x16xf32>,
      %swap3A_471 = vector.shape_cast %swap3A_470 : vector<1x16xf32> to vector<16xf32>
      %swap3A_472 = vector.shape_cast %broadcast_in_dim3A_467 : vector<16xf32> to vector<1x16xf32>
      tpu.vector_store %arg9[%swap3A_468, %swap3A_469], %swap3A_472 {strides = array<i32>} : memref<32x128xf32, #tpu.memory_space<vmem>>, vector<1x16xf32>,
      %broadcast_in_dim3A_473 = arith.constant 0.000000e+00 : f32
      %broadcast_in_dim3A_474 = vector.broadcast %broadcast_in_dim3A_473 : f32 to vector<16xf32>
      %swap3A_475 = arith.index_cast %add3A_460 : i32 to index
      %swap3A_476 = arith.constant 32 : index
      %swap3A_477 = tpu.vector_load %arg9[%swap3A_475, %swap3A_476] {strides = array<i32>} : memref<32x128xf32, #tpu.memory_space<vmem>>, vector<1x16xf32>,
      %swap3A_478 = vector.shape_cast %swap3A_477 : vector<1x16xf32> to vector<16xf32>
      %swap3A_479 = vector.shape_cast %broadcast_in_dim3A_474 : vector<16xf32> to vector<1x16xf32>
      tpu.vector_store %arg9[%swap3A_475, %swap3A_476], %swap3A_479 {strides = array<i32>} : memref<32x128xf32, #tpu.memory_space<vmem>>, vector<1x16xf32>,
      %broadcast_in_dim3A_480 = arith.constant 0.000000e+00 : f32
      %broadcast_in_dim3A_481 = vector.broadcast %broadcast_in_dim3A_480 : f32 to vector<16xf32>
      %swap3A_482 = arith.index_cast %add3A_460 : i32 to index
      %swap3A_483 = arith.constant 48 : index
      %swap3A_484 = tpu.vector_load %arg9[%swap3A_482, %swap3A_483] {strides = array<i32>} : memref<32x128xf32, #tpu.memory_space<vmem>>, vector<1x16xf32>,
      %swap3A_485 = vector.shape_cast %swap3A_484 : vector<1x16xf32> to vector<16xf32>
      %swap3A_486 = vector.shape_cast %broadcast_in_dim3A_481 : vector<16xf32> to vector<1x16xf32>
      tpu.vector_store %arg9[%swap3A_482, %swap3A_483], %swap3A_486 {strides = array<i32>} : memref<32x128xf32, #tpu.memory_space<vmem>>, vector<1x16xf32>,
      %broadcast_in_dim3A_487 = arith.constant 0.000000e+00 : f32
      %broadcast_in_dim3A_488 = vector.broadcast %broadcast_in_dim3A_487 : f32 to vector<16xf32>
      %swap3A_489 = arith.index_cast %add3A_460 : i32 to index
      %swap3A_490 = arith.constant 64 : index
      %swap3A_491 = tpu.vector_load %arg9[%swap3A_489, %swap3A_490] {strides = array<i32>} : memref<32x128xf32, #tpu.memory_space<vmem>>, vector<1x16xf32>,
      %swap3A_492 = vector.shape_cast %swap3A_491 : vector<1x16xf32> to vector<16xf32>
      %swap3A_493 = vector.shape_cast %broadcast_in_dim3A_488 : vector<16xf32> to vector<1x16xf32>
      tpu.vector_store %arg9[%swap3A_489, %swap3A_490], %swap3A_493 {strides = array<i32>} : memref<32x128xf32, #tpu.memory_space<vmem>>, vector<1x16xf32>,
      %broadcast_in_dim3A_494 = arith.constant 0.000000e+00 : f32
      %broadcast_in_dim3A_495 = vector.broadcast %broadcast_in_dim3A_494 : f32 to vector<16xf32>
      %swap3A_496 = arith.index_cast %add3A_460 : i32 to index
      %swap3A_497 = arith.constant 80 : index
      %swap3A_498 = tpu.vector_load %arg9[%swap3A_496, %swap3A_497] {strides = array<i32>} : memref<32x128xf32, #tpu.memory_space<vmem>>, vector<1x16xf32>,
      %swap3A_499 = vector.shape_cast %swap3A_498 : vector<1x16xf32> to vector<16xf32>
      %swap3A_500 = vector.shape_cast %broadcast_in_dim3A_495 : vector<16xf32> to vector<1x16xf32>
      tpu.vector_store %arg9[%swap3A_496, %swap3A_497], %swap3A_500 {strides = array<i32>} : memref<32x128xf32, #tpu.memory_space<vmem>>, vector<1x16xf32>,
      %broadcast_in_dim3A_501 = arith.constant 0.000000e+00 : f32
      %broadcast_in_dim3A_502 = vector.broadcast %broadcast_in_dim3A_501 : f32 to vector<16xf32>
      %swap3A_503 = arith.index_cast %add3A_460 : i32 to index
      %swap3A_504 = arith.constant 96 : index
      %swap3A_505 = tpu.vector_load %arg9[%swap3A_503, %swap3A_504] {strides = array<i32>} : memref<32x128xf32, #tpu.memory_space<vmem>>, vector<1x16xf32>,
      %swap3A_506 = vector.shape_cast %swap3A_505 : vector<1x16xf32> to vector<16xf32>
      %swap3A_507 = vector.shape_cast %broadcast_in_dim3A_502 : vector<16xf32> to vector<1x16xf32>
      tpu.vector_store %arg9[%swap3A_503, %swap3A_504], %swap3A_507 {strides = array<i32>} : memref<32x128xf32, #tpu.memory_space<vmem>>, vector<1x16xf32>,
      %broadcast_in_dim3A_508 = arith.constant 0.000000e+00 : f32
      %broadcast_in_dim3A_509 = vector.broadcast %broadcast_in_dim3A_508 : f32 to vector<16xf32>
      %swap3A_510 = arith.index_cast %add3A_460 : i32 to index
      %swap3A_511 = arith.constant 112 : index
      %swap3A_512 = tpu.vector_load %arg9[%swap3A_510, %swap3A_511] {strides = array<i32>} : memref<32x128xf32, #tpu.memory_space<vmem>>, vector<1x16xf32>,
      %swap3A_513 = vector.shape_cast %swap3A_512 : vector<1x16xf32> to vector<16xf32>
      %swap3A_514 = vector.shape_cast %broadcast_in_dim3A_509 : vector<16xf32> to vector<1x16xf32>
      tpu.vector_store %arg9[%swap3A_510, %swap3A_511], %swap3A_514 {strides = array<i32>} : memref<32x128xf32, #tpu.memory_space<vmem>>, vector<1x16xf32>,
    }
    %scan3A_3 = arith.constant 32 : i32
    %mul3A = arith.constant 640 : i32
    %mul3A_4 = arith.muli %arg1, %mul3A : i32
    %add3A = arith.constant 0 : i32
    %add3A_5 = arith.addi %mul3A_4, %add3A : i32
    "tpu.region"() ({
      %run_scoped3A = tpu.sem_alloc : memref<!tpu.dma_semaphore, #tpu.memory_space<semaphore_mem>>
      %dma_start3A_456 = arith.constant 0 : i32
      %dma_start3A_457 = tpu.memref_slice %arg10[%add3A_5, %dma_start3A_456] : memref<10240x128xf32, #tpu.memory_space<vmem_shared>> -> memref<32x128xf32, #tpu.memory_space<vmem_shared>>
      %dma_start3A_458 = arith.constant 0 : i32
      %dma_start3A_459 = tpu.memref_slice %arg10[%add3A_5, %dma_start3A_458] : memref<10240x128xf32, #tpu.memory_space<vmem_shared>> -> memref<32x128xf32, #tpu.memory_space<vmem_shared>>
      tpu.enqueue_dma source(%arg9 : memref<32x128xf32, #tpu.memory_space<vmem>>) target(%dma_start3A_459 : memref<32x128xf32, #tpu.memory_space<vmem_shared>>) target_semaphore(%run_scoped3A : memref<!tpu.dma_semaphore, #tpu.memory_space<semaphore_mem>>)
      %dma_wait3A = arith.constant 0 : i32
      %dma_wait3A_460 = tpu.memref_slice %arg10[%add3A_5, %dma_wait3A] : memref<10240x128xf32, #tpu.memory_space<vmem_shared>> -> memref<32x128xf32, #tpu.memory_space<vmem_shared>>
      %dma_wait3A_461 = arith.constant 0 : i32
      %dma_wait3A_462 = tpu.memref_slice %arg10[%add3A_5, %dma_wait3A_461] : memref<10240x128xf32, #tpu.memory_space<vmem_shared>> -> memref<32x128xf32, #tpu.memory_space<vmem_shared>>
      tpu.wait_dma2 semaphore(%run_scoped3A : memref<!tpu.dma_semaphore, #tpu.memory_space<semaphore_mem>>) src(%arg9 : memref<32x128xf32, #tpu.memory_space<vmem>>) dst(%dma_wait3A_462 : memref<32x128xf32, #tpu.memory_space<vmem_shared>>)
      tpu.yield
    }) : () -> ()
    %mul3A_6 = arith.constant 640 : i32
    %mul3A_7 = arith.muli %arg1, %mul3A_6 : i32
    %add3A_8 = arith.constant 32 : i32
    %add3A_9 = arith.addi %mul3A_7, %add3A_8 : i32
    "tpu.region"() ({
      %run_scoped3A = tpu.sem_alloc : memref<!tpu.dma_semaphore, #tpu.memory_space<semaphore_mem>>
      %dma_start3A_456 = arith.constant 0 : i32
      %dma_start3A_457 = tpu.memref_slice %arg10[%add3A_9, %dma_start3A_456] : memref<10240x128xf32, #tpu.memory_space<vmem_shared>> -> memref<32x128xf32, #tpu.memory_space<vmem_shared>>
      %dma_start3A_458 = arith.constant 0 : i32
      %dma_start3A_459 = tpu.memref_slice %arg10[%add3A_9, %dma_start3A_458] : memref<10240x128xf32, #tpu.memory_space<vmem_shared>> -> memref<32x128xf32, #tpu.memory_space<vmem_shared>>
      tpu.enqueue_dma source(%arg9 : memref<32x128xf32, #tpu.memory_space<vmem>>) target(%dma_start3A_459 : memref<32x128xf32, #tpu.memory_space<vmem_shared>>) target_semaphore(%run_scoped3A : memref<!tpu.dma_semaphore, #tpu.memory_space<semaphore_mem>>)
      %dma_wait3A = arith.constant 0 : i32
      %dma_wait3A_460 = tpu.memref_slice %arg10[%add3A_9, %dma_wait3A] : memref<10240x128xf32, #tpu.memory_space<vmem_shared>> -> memref<32x128xf32, #tpu.memory_space<vmem_shared>>
      %dma_wait3A_461 = arith.constant 0 : i32
      %dma_wait3A_462 = tpu.memref_slice %arg10[%add3A_9, %dma_wait3A_461] : memref<10240x128xf32, #tpu.memory_space<vmem_shared>> -> memref<32x128xf32, #tpu.memory_space<vmem_shared>>
      tpu.wait_dma2 semaphore(%run_scoped3A : memref<!tpu.dma_semaphore, #tpu.memory_space<semaphore_mem>>) src(%arg9 : memref<32x128xf32, #tpu.memory_space<vmem>>) dst(%dma_wait3A_462 : memref<32x128xf32, #tpu.memory_space<vmem_shared>>)
      tpu.yield
    }) : () -> ()
    %mul3A_10 = arith.constant 640 : i32
    %mul3A_11 = arith.muli %arg1, %mul3A_10 : i32
    %add3A_12 = arith.constant 64 : i32
    %add3A_13 = arith.addi %mul3A_11, %add3A_12 : i32
    "tpu.region"() ({
      %run_scoped3A = tpu.sem_alloc : memref<!tpu.dma_semaphore, #tpu.memory_space<semaphore_mem>>
      %dma_start3A_456 = arith.constant 0 : i32
      %dma_start3A_457 = tpu.memref_slice %arg10[%add3A_13, %dma_start3A_456] : memref<10240x128xf32, #tpu.memory_space<vmem_shared>> -> memref<32x128xf32, #tpu.memory_space<vmem_shared>>
      %dma_start3A_458 = arith.constant 0 : i32
      %dma_start3A_459 = tpu.memref_slice %arg10[%add3A_13, %dma_start3A_458] : memref<10240x128xf32, #tpu.memory_space<vmem_shared>> -> memref<32x128xf32, #tpu.memory_space<vmem_shared>>
      tpu.enqueue_dma source(%arg9 : memref<32x128xf32, #tpu.memory_space<vmem>>) target(%dma_start3A_459 : memref<32x128xf32, #tpu.memory_space<vmem_shared>>) target_semaphore(%run_scoped3A : memref<!tpu.dma_semaphore, #tpu.memory_space<semaphore_mem>>)
      %dma_wait3A = arith.constant 0 : i32
      %dma_wait3A_460 = tpu.memref_slice %arg10[%add3A_13, %dma_wait3A] : memref<10240x128xf32, #tpu.memory_space<vmem_shared>> -> memref<32x128xf32, #tpu.memory_space<vmem_shared>>
      %dma_wait3A_461 = arith.constant 0 : i32
      %dma_wait3A_462 = tpu.memref_slice %arg10[%add3A_13, %dma_wait3A_461] : memref<10240x128xf32, #tpu.memory_space<vmem_shared>> -> memref<32x128xf32, #tpu.memory_space<vmem_shared>>
      tpu.wait_dma2 semaphore(%run_scoped3A : memref<!tpu.dma_semaphore, #tpu.memory_space<semaphore_mem>>) src(%arg9 : memref<32x128xf32, #tpu.memory_space<vmem>>) dst(%dma_wait3A_462 : memref<32x128xf32, #tpu.memory_space<vmem_shared>>)
      tpu.yield
    }) : () -> ()
    %mul3A_14 = arith.constant 640 : i32
    %mul3A_15 = arith.muli %arg1, %mul3A_14 : i32
    %add3A_16 = arith.constant 96 : i32
    %add3A_17 = arith.addi %mul3A_15, %add3A_16 : i32
    "tpu.region"() ({
      %run_scoped3A = tpu.sem_alloc : memref<!tpu.dma_semaphore, #tpu.memory_space<semaphore_mem>>
      %dma_start3A_456 = arith.constant 0 : i32
      %dma_start3A_457 = tpu.memref_slice %arg10[%add3A_17, %dma_start3A_456] : memref<10240x128xf32, #tpu.memory_space<vmem_shared>> -> memref<32x128xf32, #tpu.memory_space<vmem_shared>>
      %dma_start3A_458 = arith.constant 0 : i32
      %dma_start3A_459 = tpu.memref_slice %arg10[%add3A_17, %dma_start3A_458] : memref<10240x128xf32, #tpu.memory_space<vmem_shared>> -> memref<32x128xf32, #tpu.memory_space<vmem_shared>>
      tpu.enqueue_dma source(%arg9 : memref<32x128xf32, #tpu.memory_space<vmem>>) target(%dma_start3A_459 : memref<32x128xf32, #tpu.memory_space<vmem_shared>>) target_semaphore(%run_scoped3A : memref<!tpu.dma_semaphore, #tpu.memory_space<semaphore_mem>>)
      %dma_wait3A = arith.constant 0 : i32
      %dma_wait3A_460 = tpu.memref_slice %arg10[%add3A_17, %dma_wait3A] : memref<10240x128xf32, #tpu.memory_space<vmem_shared>> -> memref<32x128xf32, #tpu.memory_space<vmem_shared>>
      %dma_wait3A_461 = arith.constant 0 : i32
      %dma_wait3A_462 = tpu.memref_slice %arg10[%add3A_17, %dma_wait3A_461] : memref<10240x128xf32, #tpu.memory_space<vmem_shared>> -> memref<32x128xf32, #tpu.memory_space<vmem_shared>>
      tpu.wait_dma2 semaphore(%run_scoped3A : memref<!tpu.dma_semaphore, #tpu.memory_space<semaphore_mem>>) src(%arg9 : memref<32x128xf32, #tpu.memory_space<vmem>>) dst(%dma_wait3A_462 : memref<32x128xf32, #tpu.memory_space<vmem_shared>>)
      tpu.yield
    }) : () -> ()
    %mul3A_18 = arith.constant 640 : i32
    %mul3A_19 = arith.muli %arg1, %mul3A_18 : i32
    %add3A_20 = arith.constant 128 : i32
    %add3A_21 = arith.addi %mul3A_19, %add3A_20 : i32
    "tpu.region"() ({
      %run_scoped3A = tpu.sem_alloc : memref<!tpu.dma_semaphore, #tpu.memory_space<semaphore_mem>>
      %dma_start3A_456 = arith.constant 0 : i32
      %dma_start3A_457 = tpu.memref_slice %arg10[%add3A_21, %dma_start3A_456] : memref<10240x128xf32, #tpu.memory_space<vmem_shared>> -> memref<32x128xf32, #tpu.memory_space<vmem_shared>>
      %dma_start3A_458 = arith.constant 0 : i32
      %dma_start3A_459 = tpu.memref_slice %arg10[%add3A_21, %dma_start3A_458] : memref<10240x128xf32, #tpu.memory_space<vmem_shared>> -> memref<32x128xf32, #tpu.memory_space<vmem_shared>>
      tpu.enqueue_dma source(%arg9 : memref<32x128xf32, #tpu.memory_space<vmem>>) target(%dma_start3A_459 : memref<32x128xf32, #tpu.memory_space<vmem_shared>>) target_semaphore(%run_scoped3A : memref<!tpu.dma_semaphore, #tpu.memory_space<semaphore_mem>>)
      %dma_wait3A = arith.constant 0 : i32
      %dma_wait3A_460 = tpu.memref_slice %arg10[%add3A_21, %dma_wait3A] : memref<10240x128xf32, #tpu.memory_space<vmem_shared>> -> memref<32x128xf32, #tpu.memory_space<vmem_shared>>
      %dma_wait3A_461 = arith.constant 0 : i32
      %dma_wait3A_462 = tpu.memref_slice %arg10[%add3A_21, %dma_wait3A_461] : memref<10240x128xf32, #tpu.memory_space<vmem_shared>> -> memref<32x128xf32, #tpu.memory_space<vmem_shared>>
      tpu.wait_dma2 semaphore(%run_scoped3A : memref<!tpu.dma_semaphore, #tpu.memory_space<semaphore_mem>>) src(%arg9 : memref<32x128xf32, #tpu.memory_space<vmem>>) dst(%dma_wait3A_462 : memref<32x128xf32, #tpu.memory_space<vmem_shared>>)
      tpu.yield
    }) : () -> ()
    %mul3A_22 = arith.constant 640 : i32
    %mul3A_23 = arith.muli %arg1, %mul3A_22 : i32
    %add3A_24 = arith.constant 160 : i32
    %add3A_25 = arith.addi %mul3A_23, %add3A_24 : i32
    "tpu.region"() ({
      %run_scoped3A = tpu.sem_alloc : memref<!tpu.dma_semaphore, #tpu.memory_space<semaphore_mem>>
      %dma_start3A_456 = arith.constant 0 : i32
      %dma_start3A_457 = tpu.memref_slice %arg10[%add3A_25, %dma_start3A_456] : memref<10240x128xf32, #tpu.memory_space<vmem_shared>> -> memref<32x128xf32, #tpu.memory_space<vmem_shared>>
      %dma_start3A_458 = arith.constant 0 : i32
      %dma_start3A_459 = tpu.memref_slice %arg10[%add3A_25, %dma_start3A_458] : memref<10240x128xf32, #tpu.memory_space<vmem_shared>> -> memref<32x128xf32, #tpu.memory_space<vmem_shared>>
      tpu.enqueue_dma source(%arg9 : memref<32x128xf32, #tpu.memory_space<vmem>>) target(%dma_start3A_459 : memref<32x128xf32, #tpu.memory_space<vmem_shared>>) target_semaphore(%run_scoped3A : memref<!tpu.dma_semaphore, #tpu.memory_space<semaphore_mem>>)
      %dma_wait3A = arith.constant 0 : i32
      %dma_wait3A_460 = tpu.memref_slice %arg10[%add3A_25, %dma_wait3A] : memref<10240x128xf32, #tpu.memory_space<vmem_shared>> -> memref<32x128xf32, #tpu.memory_space<vmem_shared>>
      %dma_wait3A_461 = arith.constant 0 : i32
      %dma_wait3A_462 = tpu.memref_slice %arg10[%add3A_25, %dma_wait3A_461] : memref<10240x128xf32, #tpu.memory_space<vmem_shared>> -> memref<32x128xf32, #tpu.memory_space<vmem_shared>>
      tpu.wait_dma2 semaphore(%run_scoped3A : memref<!tpu.dma_semaphore, #tpu.memory_space<semaphore_mem>>) src(%arg9 : memref<32x128xf32, #tpu.memory_space<vmem>>) dst(%dma_wait3A_462 : memref<32x128xf32, #tpu.memory_space<vmem_shared>>)
      tpu.yield
    }) : () -> ()
    %mul3A_26 = arith.constant 640 : i32
    %mul3A_27 = arith.muli %arg1, %mul3A_26 : i32
    %add3A_28 = arith.constant 192 : i32
    %add3A_29 = arith.addi %mul3A_27, %add3A_28 : i32
    "tpu.region"() ({
      %run_scoped3A = tpu.sem_alloc : memref<!tpu.dma_semaphore, #tpu.memory_space<semaphore_mem>>
      %dma_start3A_456 = arith.constant 0 : i32
      %dma_start3A_457 = tpu.memref_slice %arg10[%add3A_29, %dma_start3A_456] : memref<10240x128xf32, #tpu.memory_space<vmem_shared>> -> memref<32x128xf32, #tpu.memory_space<vmem_shared>>
      %dma_start3A_458 = arith.constant 0 : i32
      %dma_start3A_459 = tpu.memref_slice %arg10[%add3A_29, %dma_start3A_458] : memref<10240x128xf32, #tpu.memory_space<vmem_shared>> -> memref<32x128xf32, #tpu.memory_space<vmem_shared>>
      tpu.enqueue_dma source(%arg9 : memref<32x128xf32, #tpu.memory_space<vmem>>) target(%dma_start3A_459 : memref<32x128xf32, #tpu.memory_space<vmem_shared>>) target_semaphore(%run_scoped3A : memref<!tpu.dma_semaphore, #tpu.memory_space<semaphore_mem>>)
      %dma_wait3A = arith.constant 0 : i32
      %dma_wait3A_460 = tpu.memref_slice %arg10[%add3A_29, %dma_wait3A] : memref<10240x128xf32, #tpu.memory_space<vmem_shared>> -> memref<32x128xf32, #tpu.memory_space<vmem_shared>>
      %dma_wait3A_461 = arith.constant 0 : i32
      %dma_wait3A_462 = tpu.memref_slice %arg10[%add3A_29, %dma_wait3A_461] : memref<10240x128xf32, #tpu.memory_space<vmem_shared>> -> memref<32x128xf32, #tpu.memory_space<vmem_shared>>
      tpu.wait_dma2 semaphore(%run_scoped3A : memref<!tpu.dma_semaphore, #tpu.memory_space<semaphore_mem>>) src(%arg9 : memref<32x128xf32, #tpu.memory_space<vmem>>) dst(%dma_wait3A_462 : memref<32x128xf32, #tpu.memory_space<vmem_shared>>)
      tpu.yield
    }) : () -> ()
    %mul3A_30 = arith.constant 640 : i32
    %mul3A_31 = arith.muli %arg1, %mul3A_30 : i32
    %add3A_32 = arith.constant 224 : i32
    %add3A_33 = arith.addi %mul3A_31, %add3A_32 : i32
    "tpu.region"() ({
      %run_scoped3A = tpu.sem_alloc : memref<!tpu.dma_semaphore, #tpu.memory_space<semaphore_mem>>
      %dma_start3A_456 = arith.constant 0 : i32
      %dma_start3A_457 = tpu.memref_slice %arg10[%add3A_33, %dma_start3A_456] : memref<10240x128xf32, #tpu.memory_space<vmem_shared>> -> memref<32x128xf32, #tpu.memory_space<vmem_shared>>
      %dma_start3A_458 = arith.constant 0 : i32
      %dma_start3A_459 = tpu.memref_slice %arg10[%add3A_33, %dma_start3A_458] : memref<10240x128xf32, #tpu.memory_space<vmem_shared>> -> memref<32x128xf32, #tpu.memory_space<vmem_shared>>
      tpu.enqueue_dma source(%arg9 : memref<32x128xf32, #tpu.memory_space<vmem>>) target(%dma_start3A_459 : memref<32x128xf32, #tpu.memory_space<vmem_shared>>) target_semaphore(%run_scoped3A : memref<!tpu.dma_semaphore, #tpu.memory_space<semaphore_mem>>)
      %dma_wait3A = arith.constant 0 : i32
      %dma_wait3A_460 = tpu.memref_slice %arg10[%add3A_33, %dma_wait3A] : memref<10240x128xf32, #tpu.memory_space<vmem_shared>> -> memref<32x128xf32, #tpu.memory_space<vmem_shared>>
      %dma_wait3A_461 = arith.constant 0 : i32
      %dma_wait3A_462 = tpu.memref_slice %arg10[%add3A_33, %dma_wait3A_461] : memref<10240x128xf32, #tpu.memory_space<vmem_shared>> -> memref<32x128xf32, #tpu.memory_space<vmem_shared>>
      tpu.wait_dma2 semaphore(%run_scoped3A : memref<!tpu.dma_semaphore, #tpu.memory_space<semaphore_mem>>) src(%arg9 : memref<32x128xf32, #tpu.memory_space<vmem>>) dst(%dma_wait3A_462 : memref<32x128xf32, #tpu.memory_space<vmem_shared>>)
      tpu.yield
    }) : () -> ()
    %mul3A_34 = arith.constant 640 : i32
    %mul3A_35 = arith.muli %arg1, %mul3A_34 : i32
    %add3A_36 = arith.constant 256 : i32
    %add3A_37 = arith.addi %mul3A_35, %add3A_36 : i32
    "tpu.region"() ({
      %run_scoped3A = tpu.sem_alloc : memref<!tpu.dma_semaphore, #tpu.memory_space<semaphore_mem>>
      %dma_start3A_456 = arith.constant 0 : i32
      %dma_start3A_457 = tpu.memref_slice %arg10[%add3A_37, %dma_start3A_456] : memref<10240x128xf32, #tpu.memory_space<vmem_shared>> -> memref<32x128xf32, #tpu.memory_space<vmem_shared>>
      %dma_start3A_458 = arith.constant 0 : i32
      %dma_start3A_459 = tpu.memref_slice %arg10[%add3A_37, %dma_start3A_458] : memref<10240x128xf32, #tpu.memory_space<vmem_shared>> -> memref<32x128xf32, #tpu.memory_space<vmem_shared>>
      tpu.enqueue_dma source(%arg9 : memref<32x128xf32, #tpu.memory_space<vmem>>) target(%dma_start3A_459 : memref<32x128xf32, #tpu.memory_space<vmem_shared>>) target_semaphore(%run_scoped3A : memref<!tpu.dma_semaphore, #tpu.memory_space<semaphore_mem>>)
      %dma_wait3A = arith.constant 0 : i32
      %dma_wait3A_460 = tpu.memref_slice %arg10[%add3A_37, %dma_wait3A] : memref<10240x128xf32, #tpu.memory_space<vmem_shared>> -> memref<32x128xf32, #tpu.memory_space<vmem_shared>>
      %dma_wait3A_461 = arith.constant 0 : i32
      %dma_wait3A_462 = tpu.memref_slice %arg10[%add3A_37, %dma_wait3A_461] : memref<10240x128xf32, #tpu.memory_space<vmem_shared>> -> memref<32x128xf32, #tpu.memory_space<vmem_shared>>
      tpu.wait_dma2 semaphore(%run_scoped3A : memref<!tpu.dma_semaphore, #tpu.memory_space<semaphore_mem>>) src(%arg9 : memref<32x128xf32, #tpu.memory_space<vmem>>) dst(%dma_wait3A_462 : memref<32x128xf32, #tpu.memory_space<vmem_shared>>)
      tpu.yield
    }) : () -> ()
    %mul3A_38 = arith.constant 640 : i32
    %mul3A_39 = arith.muli %arg1, %mul3A_38 : i32
    %add3A_40 = arith.constant 288 : i32
    %add3A_41 = arith.addi %mul3A_39, %add3A_40 : i32
    "tpu.region"() ({
      %run_scoped3A = tpu.sem_alloc : memref<!tpu.dma_semaphore, #tpu.memory_space<semaphore_mem>>
      %dma_start3A_456 = arith.constant 0 : i32
      %dma_start3A_457 = tpu.memref_slice %arg10[%add3A_41, %dma_start3A_456] : memref<10240x128xf32, #tpu.memory_space<vmem_shared>> -> memref<32x128xf32, #tpu.memory_space<vmem_shared>>
      %dma_start3A_458 = arith.constant 0 : i32
      %dma_start3A_459 = tpu.memref_slice %arg10[%add3A_41, %dma_start3A_458] : memref<10240x128xf32, #tpu.memory_space<vmem_shared>> -> memref<32x128xf32, #tpu.memory_space<vmem_shared>>
      tpu.enqueue_dma source(%arg9 : memref<32x128xf32, #tpu.memory_space<vmem>>) target(%dma_start3A_459 : memref<32x128xf32, #tpu.memory_space<vmem_shared>>) target_semaphore(%run_scoped3A : memref<!tpu.dma_semaphore, #tpu.memory_space<semaphore_mem>>)
      %dma_wait3A = arith.constant 0 : i32
      %dma_wait3A_460 = tpu.memref_slice %arg10[%add3A_41, %dma_wait3A] : memref<10240x128xf32, #tpu.memory_space<vmem_shared>> -> memref<32x128xf32, #tpu.memory_space<vmem_shared>>
      %dma_wait3A_461 = arith.constant 0 : i32
      %dma_wait3A_462 = tpu.memref_slice %arg10[%add3A_41, %dma_wait3A_461] : memref<10240x128xf32, #tpu.memory_space<vmem_shared>> -> memref<32x128xf32, #tpu.memory_space<vmem_shared>>
      tpu.wait_dma2 semaphore(%run_scoped3A : memref<!tpu.dma_semaphore, #tpu.memory_space<semaphore_mem>>) src(%arg9 : memref<32x128xf32, #tpu.memory_space<vmem>>) dst(%dma_wait3A_462 : memref<32x128xf32, #tpu.memory_space<vmem_shared>>)
      tpu.yield
    }) : () -> ()
    %mul3A_42 = arith.constant 640 : i32
    %mul3A_43 = arith.muli %arg1, %mul3A_42 : i32
    %add3A_44 = arith.constant 320 : i32
    %add3A_45 = arith.addi %mul3A_43, %add3A_44 : i32
    "tpu.region"() ({
      %run_scoped3A = tpu.sem_alloc : memref<!tpu.dma_semaphore, #tpu.memory_space<semaphore_mem>>
      %dma_start3A_456 = arith.constant 0 : i32
      %dma_start3A_457 = tpu.memref_slice %arg10[%add3A_45, %dma_start3A_456] : memref<10240x128xf32, #tpu.memory_space<vmem_shared>> -> memref<32x128xf32, #tpu.memory_space<vmem_shared>>
      %dma_start3A_458 = arith.constant 0 : i32
      %dma_start3A_459 = tpu.memref_slice %arg10[%add3A_45, %dma_start3A_458] : memref<10240x128xf32, #tpu.memory_space<vmem_shared>> -> memref<32x128xf32, #tpu.memory_space<vmem_shared>>
      tpu.enqueue_dma source(%arg9 : memref<32x128xf32, #tpu.memory_space<vmem>>) target(%dma_start3A_459 : memref<32x128xf32, #tpu.memory_space<vmem_shared>>) target_semaphore(%run_scoped3A : memref<!tpu.dma_semaphore, #tpu.memory_space<semaphore_mem>>)
      %dma_wait3A = arith.constant 0 : i32
      %dma_wait3A_460 = tpu.memref_slice %arg10[%add3A_45, %dma_wait3A] : memref<10240x128xf32, #tpu.memory_space<vmem_shared>> -> memref<32x128xf32, #tpu.memory_space<vmem_shared>>
      %dma_wait3A_461 = arith.constant 0 : i32
      %dma_wait3A_462 = tpu.memref_slice %arg10[%add3A_45, %dma_wait3A_461] : memref<10240x128xf32, #tpu.memory_space<vmem_shared>> -> memref<32x128xf32, #tpu.memory_space<vmem_shared>>
      tpu.wait_dma2 semaphore(%run_scoped3A : memref<!tpu.dma_semaphore, #tpu.memory_space<semaphore_mem>>) src(%arg9 : memref<32x128xf32, #tpu.memory_space<vmem>>) dst(%dma_wait3A_462 : memref<32x128xf32, #tpu.memory_space<vmem_shared>>)
      tpu.yield
    }) : () -> ()
    %mul3A_46 = arith.constant 640 : i32
    %mul3A_47 = arith.muli %arg1, %mul3A_46 : i32
    %add3A_48 = arith.constant 352 : i32
    %add3A_49 = arith.addi %mul3A_47, %add3A_48 : i32
    "tpu.region"() ({
      %run_scoped3A = tpu.sem_alloc : memref<!tpu.dma_semaphore, #tpu.memory_space<semaphore_mem>>
      %dma_start3A_456 = arith.constant 0 : i32
      %dma_start3A_457 = tpu.memref_slice %arg10[%add3A_49, %dma_start3A_456] : memref<10240x128xf32, #tpu.memory_space<vmem_shared>> -> memref<32x128xf32, #tpu.memory_space<vmem_shared>>
      %dma_start3A_458 = arith.constant 0 : i32
      %dma_start3A_459 = tpu.memref_slice %arg10[%add3A_49, %dma_start3A_458] : memref<10240x128xf32, #tpu.memory_space<vmem_shared>> -> memref<32x128xf32, #tpu.memory_space<vmem_shared>>
      tpu.enqueue_dma source(%arg9 : memref<32x128xf32, #tpu.memory_space<vmem>>) target(%dma_start3A_459 : memref<32x128xf32, #tpu.memory_space<vmem_shared>>) target_semaphore(%run_scoped3A : memref<!tpu.dma_semaphore, #tpu.memory_space<semaphore_mem>>)
      %dma_wait3A = arith.constant 0 : i32
      %dma_wait3A_460 = tpu.memref_slice %arg10[%add3A_49, %dma_wait3A] : memref<10240x128xf32, #tpu.memory_space<vmem_shared>> -> memref<32x128xf32, #tpu.memory_space<vmem_shared>>
      %dma_wait3A_461 = arith.constant 0 : i32
      %dma_wait3A_462 = tpu.memref_slice %arg10[%add3A_49, %dma_wait3A_461] : memref<10240x128xf32, #tpu.memory_space<vmem_shared>> -> memref<32x128xf32, #tpu.memory_space<vmem_shared>>
      tpu.wait_dma2 semaphore(%run_scoped3A : memref<!tpu.dma_semaphore, #tpu.memory_space<semaphore_mem>>) src(%arg9 : memref<32x128xf32, #tpu.memory_space<vmem>>) dst(%dma_wait3A_462 : memref<32x128xf32, #tpu.memory_space<vmem_shared>>)
      tpu.yield
    }) : () -> ()
    %mul3A_50 = arith.constant 640 : i32
    %mul3A_51 = arith.muli %arg1, %mul3A_50 : i32
    %add3A_52 = arith.constant 384 : i32
    %add3A_53 = arith.addi %mul3A_51, %add3A_52 : i32
    "tpu.region"() ({
      %run_scoped3A = tpu.sem_alloc : memref<!tpu.dma_semaphore, #tpu.memory_space<semaphore_mem>>
      %dma_start3A_456 = arith.constant 0 : i32
      %dma_start3A_457 = tpu.memref_slice %arg10[%add3A_53, %dma_start3A_456] : memref<10240x128xf32, #tpu.memory_space<vmem_shared>> -> memref<32x128xf32, #tpu.memory_space<vmem_shared>>
      %dma_start3A_458 = arith.constant 0 : i32
      %dma_start3A_459 = tpu.memref_slice %arg10[%add3A_53, %dma_start3A_458] : memref<10240x128xf32, #tpu.memory_space<vmem_shared>> -> memref<32x128xf32, #tpu.memory_space<vmem_shared>>
      tpu.enqueue_dma source(%arg9 : memref<32x128xf32, #tpu.memory_space<vmem>>) target(%dma_start3A_459 : memref<32x128xf32, #tpu.memory_space<vmem_shared>>) target_semaphore(%run_scoped3A : memref<!tpu.dma_semaphore, #tpu.memory_space<semaphore_mem>>)
      %dma_wait3A = arith.constant 0 : i32
      %dma_wait3A_460 = tpu.memref_slice %arg10[%add3A_53, %dma_wait3A] : memref<10240x128xf32, #tpu.memory_space<vmem_shared>> -> memref<32x128xf32, #tpu.memory_space<vmem_shared>>
      %dma_wait3A_461 = arith.constant 0 : i32
      %dma_wait3A_462 = tpu.memref_slice %arg10[%add3A_53, %dma_wait3A_461] : memref<10240x128xf32, #tpu.memory_space<vmem_shared>> -> memref<32x128xf32, #tpu.memory_space<vmem_shared>>
      tpu.wait_dma2 semaphore(%run_scoped3A : memref<!tpu.dma_semaphore, #tpu.memory_space<semaphore_mem>>) src(%arg9 : memref<32x128xf32, #tpu.memory_space<vmem>>) dst(%dma_wait3A_462 : memref<32x128xf32, #tpu.memory_space<vmem_shared>>)
      tpu.yield
    }) : () -> ()
    %mul3A_54 = arith.constant 640 : i32
    %mul3A_55 = arith.muli %arg1, %mul3A_54 : i32
    %add3A_56 = arith.constant 416 : i32
    %add3A_57 = arith.addi %mul3A_55, %add3A_56 : i32
    "tpu.region"() ({
      %run_scoped3A = tpu.sem_alloc : memref<!tpu.dma_semaphore, #tpu.memory_space<semaphore_mem>>
      %dma_start3A_456 = arith.constant 0 : i32
      %dma_start3A_457 = tpu.memref_slice %arg10[%add3A_57, %dma_start3A_456] : memref<10240x128xf32, #tpu.memory_space<vmem_shared>> -> memref<32x128xf32, #tpu.memory_space<vmem_shared>>
      %dma_start3A_458 = arith.constant 0 : i32
      %dma_start3A_459 = tpu.memref_slice %arg10[%add3A_57, %dma_start3A_458] : memref<10240x128xf32, #tpu.memory_space<vmem_shared>> -> memref<32x128xf32, #tpu.memory_space<vmem_shared>>
      tpu.enqueue_dma source(%arg9 : memref<32x128xf32, #tpu.memory_space<vmem>>) target(%dma_start3A_459 : memref<32x128xf32, #tpu.memory_space<vmem_shared>>) target_semaphore(%run_scoped3A : memref<!tpu.dma_semaphore, #tpu.memory_space<semaphore_mem>>)
      %dma_wait3A = arith.constant 0 : i32
      %dma_wait3A_460 = tpu.memref_slice %arg10[%add3A_57, %dma_wait3A] : memref<10240x128xf32, #tpu.memory_space<vmem_shared>> -> memref<32x128xf32, #tpu.memory_space<vmem_shared>>
      %dma_wait3A_461 = arith.constant 0 : i32
      %dma_wait3A_462 = tpu.memref_slice %arg10[%add3A_57, %dma_wait3A_461] : memref<10240x128xf32, #tpu.memory_space<vmem_shared>> -> memref<32x128xf32, #tpu.memory_space<vmem_shared>>
      tpu.wait_dma2 semaphore(%run_scoped3A : memref<!tpu.dma_semaphore, #tpu.memory_space<semaphore_mem>>) src(%arg9 : memref<32x128xf32, #tpu.memory_space<vmem>>) dst(%dma_wait3A_462 : memref<32x128xf32, #tpu.memory_space<vmem_shared>>)
      tpu.yield
    }) : () -> ()
    %mul3A_58 = arith.constant 640 : i32
    %mul3A_59 = arith.muli %arg1, %mul3A_58 : i32
    %add3A_60 = arith.constant 448 : i32
    %add3A_61 = arith.addi %mul3A_59, %add3A_60 : i32
    "tpu.region"() ({
      %run_scoped3A = tpu.sem_alloc : memref<!tpu.dma_semaphore, #tpu.memory_space<semaphore_mem>>
      %dma_start3A_456 = arith.constant 0 : i32
      %dma_start3A_457 = tpu.memref_slice %arg10[%add3A_61, %dma_start3A_456] : memref<10240x128xf32, #tpu.memory_space<vmem_shared>> -> memref<32x128xf32, #tpu.memory_space<vmem_shared>>
      %dma_start3A_458 = arith.constant 0 : i32
      %dma_start3A_459 = tpu.memref_slice %arg10[%add3A_61, %dma_start3A_458] : memref<10240x128xf32, #tpu.memory_space<vmem_shared>> -> memref<32x128xf32, #tpu.memory_space<vmem_shared>>
      tpu.enqueue_dma source(%arg9 : memref<32x128xf32, #tpu.memory_space<vmem>>) target(%dma_start3A_459 : memref<32x128xf32, #tpu.memory_space<vmem_shared>>) target_semaphore(%run_scoped3A : memref<!tpu.dma_semaphore, #tpu.memory_space<semaphore_mem>>)
      %dma_wait3A = arith.constant 0 : i32
      %dma_wait3A_460 = tpu.memref_slice %arg10[%add3A_61, %dma_wait3A] : memref<10240x128xf32, #tpu.memory_space<vmem_shared>> -> memref<32x128xf32, #tpu.memory_space<vmem_shared>>
      %dma_wait3A_461 = arith.constant 0 : i32
      %dma_wait3A_462 = tpu.memref_slice %arg10[%add3A_61, %dma_wait3A_461] : memref<10240x128xf32, #tpu.memory_space<vmem_shared>> -> memref<32x128xf32, #tpu.memory_space<vmem_shared>>
      tpu.wait_dma2 semaphore(%run_scoped3A : memref<!tpu.dma_semaphore, #tpu.memory_space<semaphore_mem>>) src(%arg9 : memref<32x128xf32, #tpu.memory_space<vmem>>) dst(%dma_wait3A_462 : memref<32x128xf32, #tpu.memory_space<vmem_shared>>)
      tpu.yield
    }) : () -> ()
    %mul3A_62 = arith.constant 640 : i32
    %mul3A_63 = arith.muli %arg1, %mul3A_62 : i32
    %add3A_64 = arith.constant 480 : i32
    %add3A_65 = arith.addi %mul3A_63, %add3A_64 : i32
    "tpu.region"() ({
      %run_scoped3A = tpu.sem_alloc : memref<!tpu.dma_semaphore, #tpu.memory_space<semaphore_mem>>
      %dma_start3A_456 = arith.constant 0 : i32
      %dma_start3A_457 = tpu.memref_slice %arg10[%add3A_65, %dma_start3A_456] : memref<10240x128xf32, #tpu.memory_space<vmem_shared>> -> memref<32x128xf32, #tpu.memory_space<vmem_shared>>
      %dma_start3A_458 = arith.constant 0 : i32
      %dma_start3A_459 = tpu.memref_slice %arg10[%add3A_65, %dma_start3A_458] : memref<10240x128xf32, #tpu.memory_space<vmem_shared>> -> memref<32x128xf32, #tpu.memory_space<vmem_shared>>
      tpu.enqueue_dma source(%arg9 : memref<32x128xf32, #tpu.memory_space<vmem>>) target(%dma_start3A_459 : memref<32x128xf32, #tpu.memory_space<vmem_shared>>) target_semaphore(%run_scoped3A : memref<!tpu.dma_semaphore, #tpu.memory_space<semaphore_mem>>)
      %dma_wait3A = arith.constant 0 : i32
      %dma_wait3A_460 = tpu.memref_slice %arg10[%add3A_65, %dma_wait3A] : memref<10240x128xf32, #tpu.memory_space<vmem_shared>> -> memref<32x128xf32, #tpu.memory_space<vmem_shared>>
      %dma_wait3A_461 = arith.constant 0 : i32
      %dma_wait3A_462 = tpu.memref_slice %arg10[%add3A_65, %dma_wait3A_461] : memref<10240x128xf32, #tpu.memory_space<vmem_shared>> -> memref<32x128xf32, #tpu.memory_space<vmem_shared>>
      tpu.wait_dma2 semaphore(%run_scoped3A : memref<!tpu.dma_semaphore, #tpu.memory_space<semaphore_mem>>) src(%arg9 : memref<32x128xf32, #tpu.memory_space<vmem>>) dst(%dma_wait3A_462 : memref<32x128xf32, #tpu.memory_space<vmem_shared>>)
      tpu.yield
    }) : () -> ()
    %mul3A_66 = arith.constant 640 : i32
    %mul3A_67 = arith.muli %arg1, %mul3A_66 : i32
    %add3A_68 = arith.constant 512 : i32
    %add3A_69 = arith.addi %mul3A_67, %add3A_68 : i32
    "tpu.region"() ({
      %run_scoped3A = tpu.sem_alloc : memref<!tpu.dma_semaphore, #tpu.memory_space<semaphore_mem>>
      %dma_start3A_456 = arith.constant 0 : i32
      %dma_start3A_457 = tpu.memref_slice %arg10[%add3A_69, %dma_start3A_456] : memref<10240x128xf32, #tpu.memory_space<vmem_shared>> -> memref<32x128xf32, #tpu.memory_space<vmem_shared>>
      %dma_start3A_458 = arith.constant 0 : i32
      %dma_start3A_459 = tpu.memref_slice %arg10[%add3A_69, %dma_start3A_458] : memref<10240x128xf32, #tpu.memory_space<vmem_shared>> -> memref<32x128xf32, #tpu.memory_space<vmem_shared>>
      tpu.enqueue_dma source(%arg9 : memref<32x128xf32, #tpu.memory_space<vmem>>) target(%dma_start3A_459 : memref<32x128xf32, #tpu.memory_space<vmem_shared>>) target_semaphore(%run_scoped3A : memref<!tpu.dma_semaphore, #tpu.memory_space<semaphore_mem>>)
      %dma_wait3A = arith.constant 0 : i32
      %dma_wait3A_460 = tpu.memref_slice %arg10[%add3A_69, %dma_wait3A] : memref<10240x128xf32, #tpu.memory_space<vmem_shared>> -> memref<32x128xf32, #tpu.memory_space<vmem_shared>>
      %dma_wait3A_461 = arith.constant 0 : i32
      %dma_wait3A_462 = tpu.memref_slice %arg10[%add3A_69, %dma_wait3A_461] : memref<10240x128xf32, #tpu.memory_space<vmem_shared>> -> memref<32x128xf32, #tpu.memory_space<vmem_shared>>
      tpu.wait_dma2 semaphore(%run_scoped3A : memref<!tpu.dma_semaphore, #tpu.memory_space<semaphore_mem>>) src(%arg9 : memref<32x128xf32, #tpu.memory_space<vmem>>) dst(%dma_wait3A_462 : memref<32x128xf32, #tpu.memory_space<vmem_shared>>)
      tpu.yield
    }) : () -> ()
    %mul3A_70 = arith.constant 640 : i32
    %mul3A_71 = arith.muli %arg1, %mul3A_70 : i32
    %add3A_72 = arith.constant 544 : i32
    %add3A_73 = arith.addi %mul3A_71, %add3A_72 : i32
    "tpu.region"() ({
      %run_scoped3A = tpu.sem_alloc : memref<!tpu.dma_semaphore, #tpu.memory_space<semaphore_mem>>
      %dma_start3A_456 = arith.constant 0 : i32
      %dma_start3A_457 = tpu.memref_slice %arg10[%add3A_73, %dma_start3A_456] : memref<10240x128xf32, #tpu.memory_space<vmem_shared>> -> memref<32x128xf32, #tpu.memory_space<vmem_shared>>
      %dma_start3A_458 = arith.constant 0 : i32
      %dma_start3A_459 = tpu.memref_slice %arg10[%add3A_73, %dma_start3A_458] : memref<10240x128xf32, #tpu.memory_space<vmem_shared>> -> memref<32x128xf32, #tpu.memory_space<vmem_shared>>
      tpu.enqueue_dma source(%arg9 : memref<32x128xf32, #tpu.memory_space<vmem>>) target(%dma_start3A_459 : memref<32x128xf32, #tpu.memory_space<vmem_shared>>) target_semaphore(%run_scoped3A : memref<!tpu.dma_semaphore, #tpu.memory_space<semaphore_mem>>)
      %dma_wait3A = arith.constant 0 : i32
      %dma_wait3A_460 = tpu.memref_slice %arg10[%add3A_73, %dma_wait3A] : memref<10240x128xf32, #tpu.memory_space<vmem_shared>> -> memref<32x128xf32, #tpu.memory_space<vmem_shared>>
      %dma_wait3A_461 = arith.constant 0 : i32
      %dma_wait3A_462 = tpu.memref_slice %arg10[%add3A_73, %dma_wait3A_461] : memref<10240x128xf32, #tpu.memory_space<vmem_shared>> -> memref<32x128xf32, #tpu.memory_space<vmem_shared>>
      tpu.wait_dma2 semaphore(%run_scoped3A : memref<!tpu.dma_semaphore, #tpu.memory_space<semaphore_mem>>) src(%arg9 : memref<32x128xf32, #tpu.memory_space<vmem>>) dst(%dma_wait3A_462 : memref<32x128xf32, #tpu.memory_space<vmem_shared>>)
      tpu.yield
    }) : () -> ()
    %mul3A_74 = arith.constant 640 : i32
    %mul3A_75 = arith.muli %arg1, %mul3A_74 : i32
    %add3A_76 = arith.constant 576 : i32
    %add3A_77 = arith.addi %mul3A_75, %add3A_76 : i32
    "tpu.region"() ({
      %run_scoped3A = tpu.sem_alloc : memref<!tpu.dma_semaphore, #tpu.memory_space<semaphore_mem>>
      %dma_start3A_456 = arith.constant 0 : i32
      %dma_start3A_457 = tpu.memref_slice %arg10[%add3A_77, %dma_start3A_456] : memref<10240x128xf32, #tpu.memory_space<vmem_shared>> -> memref<32x128xf32, #tpu.memory_space<vmem_shared>>
      %dma_start3A_458 = arith.constant 0 : i32
      %dma_start3A_459 = tpu.memref_slice %arg10[%add3A_77, %dma_start3A_458] : memref<10240x128xf32, #tpu.memory_space<vmem_shared>> -> memref<32x128xf32, #tpu.memory_space<vmem_shared>>
      tpu.enqueue_dma source(%arg9 : memref<32x128xf32, #tpu.memory_space<vmem>>) target(%dma_start3A_459 : memref<32x128xf32, #tpu.memory_space<vmem_shared>>) target_semaphore(%run_scoped3A : memref<!tpu.dma_semaphore, #tpu.memory_space<semaphore_mem>>)
      %dma_wait3A = arith.constant 0 : i32
      %dma_wait3A_460 = tpu.memref_slice %arg10[%add3A_77, %dma_wait3A] : memref<10240x128xf32, #tpu.memory_space<vmem_shared>> -> memref<32x128xf32, #tpu.memory_space<vmem_shared>>
      %dma_wait3A_461 = arith.constant 0 : i32
      %dma_wait3A_462 = tpu.memref_slice %arg10[%add3A_77, %dma_wait3A_461] : memref<10240x128xf32, #tpu.memory_space<vmem_shared>> -> memref<32x128xf32, #tpu.memory_space<vmem_shared>>
      tpu.wait_dma2 semaphore(%run_scoped3A : memref<!tpu.dma_semaphore, #tpu.memory_space<semaphore_mem>>) src(%arg9 : memref<32x128xf32, #tpu.memory_space<vmem>>) dst(%dma_wait3A_462 : memref<32x128xf32, #tpu.memory_space<vmem_shared>>)
      tpu.yield
    }) : () -> ()
    %mul3A_78 = arith.constant 640 : i32
    %mul3A_79 = arith.muli %arg1, %mul3A_78 : i32
    %add3A_80 = arith.constant 608 : i32
    %add3A_81 = arith.addi %mul3A_79, %add3A_80 : i32
    "tpu.region"() ({
      %run_scoped3A = tpu.sem_alloc : memref<!tpu.dma_semaphore, #tpu.memory_space<semaphore_mem>>
      %dma_start3A_456 = arith.constant 0 : i32
      %dma_start3A_457 = tpu.memref_slice %arg10[%add3A_81, %dma_start3A_456] : memref<10240x128xf32, #tpu.memory_space<vmem_shared>> -> memref<32x128xf32, #tpu.memory_space<vmem_shared>>
      %dma_start3A_458 = arith.constant 0 : i32
      %dma_start3A_459 = tpu.memref_slice %arg10[%add3A_81, %dma_start3A_458] : memref<10240x128xf32, #tpu.memory_space<vmem_shared>> -> memref<32x128xf32, #tpu.memory_space<vmem_shared>>
      tpu.enqueue_dma source(%arg9 : memref<32x128xf32, #tpu.memory_space<vmem>>) target(%dma_start3A_459 : memref<32x128xf32, #tpu.memory_space<vmem_shared>>) target_semaphore(%run_scoped3A : memref<!tpu.dma_semaphore, #tpu.memory_space<semaphore_mem>>)
      %dma_wait3A = arith.constant 0 : i32
      %dma_wait3A_460 = tpu.memref_slice %arg10[%add3A_81, %dma_wait3A] : memref<10240x128xf32, #tpu.memory_space<vmem_shared>> -> memref<32x128xf32, #tpu.memory_space<vmem_shared>>
      %dma_wait3A_461 = arith.constant 0 : i32
      %dma_wait3A_462 = tpu.memref_slice %arg10[%add3A_81, %dma_wait3A_461] : memref<10240x128xf32, #tpu.memory_space<vmem_shared>> -> memref<32x128xf32, #tpu.memory_space<vmem_shared>>
      tpu.wait_dma2 semaphore(%run_scoped3A : memref<!tpu.dma_semaphore, #tpu.memory_space<semaphore_mem>>) src(%arg9 : memref<32x128xf32, #tpu.memory_space<vmem>>) dst(%dma_wait3A_462 : memref<32x128xf32, #tpu.memory_space<vmem_shared>>)
      tpu.yield
    }) : () -> ()
    %barrier3A = arith.constant 0 : index
    tpu.barrier barrier_id(%barrier3A)
    %add3A_82 = arith.constant 0 : i32
    %add3A_83 = arith.addi %add3A_82, %arg0 : i32
    %mul3A_84 = arith.constant 16 : i32
    %mul3A_85 = arith.muli %add3A_83, %mul3A_84 : i32
    %add3A_86 = arith.addi %mul3A_85, %arg1 : i32
    %mul3A_87 = arith.constant 10240 : i32
    %mul3A_88 = arith.muli %add3A_86, %mul3A_87 : i32
    %add3A_89 = arith.constant 0 : i32
    %add3A_90 = arith.addi %mul3A_88, %add3A_89 : i32
    "tpu.region"() ({
      %run_scoped3A = tpu.sem_alloc : memref<!tpu.dma_semaphore, #tpu.memory_space<semaphore_mem>>
      %dma_start3A_456 = tpu.memref_slice %arg3[%add3A_90] : memref<983040xi32, #tpu.memory_space<hbm>> -> memref<5120xi32, #tpu.memory_space<hbm>>
      %dma_start3A_457 = tpu.memref_slice %arg3[%add3A_90] : memref<983040xi32, #tpu.memory_space<hbm>> -> memref<5120xi32, #tpu.memory_space<hbm>>
      tpu.enqueue_dma source(%dma_start3A_457 : memref<5120xi32, #tpu.memory_space<hbm>>) target(%arg6 : memref<5120xi32, #tpu.memory_space<vmem>>) target_semaphore(%run_scoped3A : memref<!tpu.dma_semaphore, #tpu.memory_space<semaphore_mem>>)
      %dma_wait3A = tpu.memref_slice %arg3[%add3A_90] : memref<983040xi32, #tpu.memory_space<hbm>> -> memref<5120xi32, #tpu.memory_space<hbm>>
      %dma_wait3A_458 = tpu.memref_slice %arg3[%add3A_90] : memref<983040xi32, #tpu.memory_space<hbm>> -> memref<5120xi32, #tpu.memory_space<hbm>>
      tpu.wait_dma2 semaphore(%run_scoped3A : memref<!tpu.dma_semaphore, #tpu.memory_space<semaphore_mem>>) src(%dma_wait3A_458 : memref<5120xi32, #tpu.memory_space<hbm>>) dst(%arg6 : memref<5120xi32, #tpu.memory_space<vmem>>)
      tpu.yield
    }) : () -> ()
    "tpu.region"() ({
      %run_scoped3A = tpu.sem_alloc : memref<!tpu.dma_semaphore, #tpu.memory_space<semaphore_mem>>
      %dma_start3A_456 = tpu.memref_slice %arg4[%add3A_90] : memref<983040xi32, #tpu.memory_space<hbm>> -> memref<5120xi32, #tpu.memory_space<hbm>>
      %dma_start3A_457 = tpu.memref_slice %arg4[%add3A_90] : memref<983040xi32, #tpu.memory_space<hbm>> -> memref<5120xi32, #tpu.memory_space<hbm>>
      tpu.enqueue_dma source(%dma_start3A_457 : memref<5120xi32, #tpu.memory_space<hbm>>) target(%arg7 : memref<5120xi32, #tpu.memory_space<vmem>>) target_semaphore(%run_scoped3A : memref<!tpu.dma_semaphore, #tpu.memory_space<semaphore_mem>>)
      %dma_wait3A = tpu.memref_slice %arg4[%add3A_90] : memref<983040xi32, #tpu.memory_space<hbm>> -> memref<5120xi32, #tpu.memory_space<hbm>>
      %dma_wait3A_458 = tpu.memref_slice %arg4[%add3A_90] : memref<983040xi32, #tpu.memory_space<hbm>> -> memref<5120xi32, #tpu.memory_space<hbm>>
      tpu.wait_dma2 semaphore(%run_scoped3A : memref<!tpu.dma_semaphore, #tpu.memory_space<semaphore_mem>>) src(%dma_wait3A_458 : memref<5120xi32, #tpu.memory_space<hbm>>) dst(%arg7 : memref<5120xi32, #tpu.memory_space<vmem>>)
      tpu.yield
    }) : () -> ()
    %dma_start3A = arith.constant 0 : i32
    %dma_start3A_91 = arith.constant 0 : i32
    %dma_start3A_92 = arith.constant 0 : i32
    %dma_start3A_93 = tpu.memref_slice %arg8[%dma_start3A, %dma_start3A_91, %dma_start3A_92] : memref<2x128x128xf32, #tpu.memory_space<vmem>> -> memref<1x128x128xf32, #tpu.memory_space<vmem>>
    %dma_start3A_94 = tpu.memref_squeeze %dma_start3A_93 : memref<1x128x128xf32, #tpu.memory_space<vmem>> -> memref<128x128xf32, #tpu.memory_space<vmem>>
    %dma_start3A_95 = arith.constant 0 : i32
    %dma_start3A_96 = tpu.memref_slice %arg6[%dma_start3A_95] : memref<5120xi32, #tpu.memory_space<vmem>> -> memref<128xi32, #tpu.memory_space<vmem>>
    %dma_start3A_97 = arith.constant 0 : i32
    %dma_start3A_98 = arith.constant 0 : i32
    %dma_start3A_99 = tpu.memref_slice %arg2[%dma_start3A_97, %dma_start3A_98] : memref<30000x128xf32, #tpu.memory_space<hbm>> -> memref<30000x128xf32, #tpu.memory_space<hbm>>
    tpu.enqueue_indirect_dma source(%dma_start3A_99 : memref<30000x128xf32, #tpu.memory_space<hbm>>) target(%dma_start3A_94 : memref<128x128xf32, #tpu.memory_space<vmem>>) offsets(%dma_start3A_96 : memref<128xi32, #tpu.memory_space<vmem>>) semaphore(%arg11 : memref<!tpu.dma_semaphore, #tpu.memory_space<semaphore_mem>>)
    %dma_start3A_100 = arith.constant 1 : i32
    %dma_start3A_101 = arith.constant 0 : i32
    %dma_start3A_102 = arith.constant 0 : i32
    %dma_start3A_103 = tpu.memref_slice %arg8[%dma_start3A_100, %dma_start3A_101, %dma_start3A_102] : memref<2x128x128xf32, #tpu.memory_space<vmem>> -> memref<1x128x128xf32, #tpu.memory_space<vmem>>
    %dma_start3A_104 = tpu.memref_squeeze %dma_start3A_103 : memref<1x128x128xf32, #tpu.memory_space<vmem>> -> memref<128x128xf32, #tpu.memory_space<vmem>>
    %dma_start3A_105 = arith.constant 128 : i32
    %dma_start3A_106 = tpu.memref_slice %arg6[%dma_start3A_105] : memref<5120xi32, #tpu.memory_space<vmem>> -> memref<128xi32, #tpu.memory_space<vmem>>
    %dma_start3A_107 = arith.constant 0 : i32
    %dma_start3A_108 = arith.constant 0 : i32
    %dma_start3A_109 = tpu.memref_slice %arg2[%dma_start3A_107, %dma_start3A_108] : memref<30000x128xf32, #tpu.memory_space<hbm>> -> memref<30000x128xf32, #tpu.memory_space<hbm>>
    tpu.enqueue_indirect_dma source(%dma_start3A_109 : memref<30000x128xf32, #tpu.memory_space<hbm>>) target(%dma_start3A_104 : memref<128x128xf32, #tpu.memory_space<vmem>>) offsets(%dma_start3A_106 : memref<128xi32, #tpu.memory_space<vmem>>) semaphore(%arg12 : memref<!tpu.dma_semaphore, #tpu.memory_space<semaphore_mem>>)
    %scan3A_110 = arith.constant 0 : i32
    %scan3A_111 = arith.constant 20 : i32
    %scan3A_112 = arith.addi %scan3A_110, %scan3A_111 : i32
    %scan3A_113 = arith.constant 1 : i32
    scf.for %scan3A_456 = %scan3A_110 to %scan3A_112 step %scan3A_113  : i32 {
      %mul3A_457 = arith.constant 1 : i32
      %mul3A_458 = arith.muli %scan3A_456, %mul3A_457 : i32
      %add3A_459 = arith.constant 0 : i32
      %add3A_460 = arith.addi %add3A_459, %mul3A_458 : i32
      %mul3A_461 = arith.constant 2 : i32
      %mul3A_462 = arith.muli %add3A_460, %mul3A_461 : i32
      %add3A_463 = arith.constant 0 : i32
      %add3A_464 = arith.addi %mul3A_462, %add3A_463 : i32
      %dma_wait3A = arith.constant 0 : i32
      %dma_wait3A_465 = arith.constant 0 : i32
      %dma_wait3A_466 = arith.constant 0 : i32
      %dma_wait3A_467 = tpu.memref_slice %arg8[%dma_wait3A, %dma_wait3A_465, %dma_wait3A_466] : memref<2x128x128xf32, #tpu.memory_space<vmem>> -> memref<1x128x128xf32, #tpu.memory_space<vmem>>
      %dma_wait3A_468 = tpu.memref_squeeze %dma_wait3A_467 : memref<1x128x128xf32, #tpu.memory_space<vmem>> -> memref<128x128xf32, #tpu.memory_space<vmem>>
      %dma_wait3A_469 = arith.constant 0 : i32
      %dma_wait3A_470 = arith.constant 0 : i32
      %dma_wait3A_471 = tpu.memref_slice %arg2[%dma_wait3A_469, %dma_wait3A_470] : memref<30000x128xf32, #tpu.memory_space<hbm>> -> memref<128x128xf32, #tpu.memory_space<hbm>>
      %dma_wait3A_472 = arith.constant 0 : i32
      %dma_wait3A_473 = arith.constant 0 : i32
      %dma_wait3A_474 = tpu.memref_slice %arg8[%dma_wait3A, %dma_wait3A_472, %dma_wait3A_473] : memref<2x128x128xf32, #tpu.memory_space<vmem>> -> memref<1x128x128xf32, #tpu.memory_space<vmem>>
      %dma_wait3A_475 = tpu.memref_squeeze %dma_wait3A_474 : memref<1x128x128xf32, #tpu.memory_space<vmem>> -> memref<128x128xf32, #tpu.memory_space<vmem>>
      %dma_wait3A_476 = arith.constant 0 : i32
      %dma_wait3A_477 = arith.constant 0 : i32
      %dma_wait3A_478 = tpu.memref_slice %arg2[%dma_wait3A_476, %dma_wait3A_477] : memref<30000x128xf32, #tpu.memory_space<hbm>> -> memref<128x128xf32, #tpu.memory_space<hbm>>
      tpu.wait_dma2 semaphore(%arg11 : memref<!tpu.dma_semaphore, #tpu.memory_space<semaphore_mem>>) src(%dma_wait3A_478 : memref<128x128xf32, #tpu.memory_space<hbm>>) dst(%dma_wait3A_475 : memref<128x128xf32, #tpu.memory_space<vmem>>)
      %mul3A_479 = arith.constant 128 : i32
      %mul3A_480 = arith.muli %add3A_464, %mul3A_479 : i32
      %run_scoped3A = arith.constant 0 : i32
      "tpu.region"() ({
        %run_scoped3A_514 = tpu.sem_alloc : memref<!tpu.dma_semaphore, #tpu.memory_space<semaphore_mem>>
        %dma_start3A_515 = arith.constant 0 : i32
        %dma_start3A_516 = arith.constant 0 : i32
        %dma_start3A_517 = tpu.memref_slice %arg8[%run_scoped3A, %dma_start3A_515, %dma_start3A_516] : memref<2x128x128xf32, #tpu.memory_space<vmem>> -> memref<1x128x128xf32, #tpu.memory_space<vmem>>
        %dma_start3A_518 = tpu.memref_squeeze %dma_start3A_517 : memref<1x128x128xf32, #tpu.memory_space<vmem>> -> memref<128x128xf32, #tpu.memory_space<vmem>>
        %dma_start3A_519 = tpu.memref_slice %arg7[%mul3A_480] : memref<5120xi32, #tpu.memory_space<vmem>> -> memref<128xi32, #tpu.memory_space<vmem>>
        %dma_start3A_520 = arith.constant 0 : i32
        %dma_start3A_521 = arith.constant 0 : i32
        %dma_start3A_522 = tpu.memref_slice %arg10[%dma_start3A_520, %dma_start3A_521] : memref<10240x128xf32, #tpu.memory_space<vmem_shared>> -> memref<10240x128xf32, #tpu.memory_space<vmem_shared>>
        tpu.enqueue_indirect_dma source(%dma_start3A_518 : memref<128x128xf32, #tpu.memory_space<vmem>>) target(%dma_start3A_522 : memref<10240x128xf32, #tpu.memory_space<vmem_shared>>) offsets(%dma_start3A_519 : memref<128xi32, #tpu.memory_space<vmem>>) semaphore(%run_scoped3A_514 : memref<!tpu.dma_semaphore, #tpu.memory_space<semaphore_mem>>) {add = true}
        %dma_wait3A_523 = arith.constant 0 : i32
        %dma_wait3A_524 = arith.constant 0 : i32
        %dma_wait3A_525 = tpu.memref_slice %arg8[%run_scoped3A, %dma_wait3A_523, %dma_wait3A_524] : memref<2x128x128xf32, #tpu.memory_space<vmem>> -> memref<1x128x128xf32, #tpu.memory_space<vmem>>
        %dma_wait3A_526 = tpu.memref_squeeze %dma_wait3A_525 : memref<1x128x128xf32, #tpu.memory_space<vmem>> -> memref<128x128xf32, #tpu.memory_space<vmem>>
        %dma_wait3A_527 = tpu.memref_slice %arg7[%mul3A_480] : memref<5120xi32, #tpu.memory_space<vmem>> -> memref<128xi32, #tpu.memory_space<vmem>>
        %dma_wait3A_528 = arith.constant 0 : i32
        %dma_wait3A_529 = arith.constant 0 : i32
        %dma_wait3A_530 = tpu.memref_slice %arg10[%dma_wait3A_528, %dma_wait3A_529] : memref<10240x128xf32, #tpu.memory_space<vmem_shared>> -> memref<10240x128xf32, #tpu.memory_space<vmem_shared>>
        tpu.wait_indirect_dma semaphore(%run_scoped3A_514 : memref<!tpu.dma_semaphore, #tpu.memory_space<semaphore_mem>>) src(%dma_wait3A_526 : memref<128x128xf32, #tpu.memory_space<vmem>>) dst(%dma_wait3A_530 : memref<10240x128xf32, #tpu.memory_space<vmem_shared>>)
        tpu.yield
      }) : () -> ()
      %add3A_481 = arith.constant 2 : i32
      %add3A_482 = arith.addi %add3A_464, %add3A_481 : i32
      %lt3A = arith.constant 40 : i32
      %lt3A_483 = arith.cmpi slt, %add3A_482, %lt3A : i32
      %convert_element_type3A = arith.extui %lt3A_483 : i1 to i32
      %cond3A = arith.constant 0 : i32
      %cond3A_484 = arith.cmpi ne, %convert_element_type3A, %cond3A : i32
      scf.if %cond3A_484 {
        %add3A_514 = arith.constant 2 : i32
        %add3A_515 = arith.addi %add3A_464, %add3A_514 : i32
        %mul3A_516 = arith.constant 128 : i32
        %mul3A_517 = arith.muli %add3A_515, %mul3A_516 : i32
        %dma_start3A_518 = arith.constant 0 : i32
        %dma_start3A_519 = arith.constant 0 : i32
        %dma_start3A_520 = arith.constant 0 : i32
        %dma_start3A_521 = tpu.memref_slice %arg8[%dma_start3A_518, %dma_start3A_519, %dma_start3A_520] : memref<2x128x128xf32, #tpu.memory_space<vmem>> -> memref<1x128x128xf32, #tpu.memory_space<vmem>>
        %dma_start3A_522 = tpu.memref_squeeze %dma_start3A_521 : memref<1x128x128xf32, #tpu.memory_space<vmem>> -> memref<128x128xf32, #tpu.memory_space<vmem>>
        %dma_start3A_523 = tpu.memref_slice %arg6[%mul3A_517] : memref<5120xi32, #tpu.memory_space<vmem>> -> memref<128xi32, #tpu.memory_space<vmem>>
        %dma_start3A_524 = arith.constant 0 : i32
        %dma_start3A_525 = arith.constant 0 : i32
        %dma_start3A_526 = tpu.memref_slice %arg2[%dma_start3A_524, %dma_start3A_525] : memref<30000x128xf32, #tpu.memory_space<hbm>> -> memref<30000x128xf32, #tpu.memory_space<hbm>>
        tpu.enqueue_indirect_dma source(%dma_start3A_526 : memref<30000x128xf32, #tpu.memory_space<hbm>>) target(%dma_start3A_522 : memref<128x128xf32, #tpu.memory_space<vmem>>) offsets(%dma_start3A_523 : memref<128xi32, #tpu.memory_space<vmem>>) semaphore(%arg11 : memref<!tpu.dma_semaphore, #tpu.memory_space<semaphore_mem>>)
      } else {
      }
      %mul3A_485 = arith.constant 2 : i32
      %mul3A_486 = arith.muli %add3A_460, %mul3A_485 : i32
      %add3A_487 = arith.constant 1 : i32
      %add3A_488 = arith.addi %mul3A_486, %add3A_487 : i32
      %dma_wait3A_489 = arith.constant 1 : i32
      %dma_wait3A_490 = arith.constant 0 : i32
      %dma_wait3A_491 = arith.constant 0 : i32
      %dma_wait3A_492 = tpu.memref_slice %arg8[%dma_wait3A_489, %dma_wait3A_490, %dma_wait3A_491] : memref<2x128x128xf32, #tpu.memory_space<vmem>> -> memref<1x128x128xf32, #tpu.memory_space<vmem>>
      %dma_wait3A_493 = tpu.memref_squeeze %dma_wait3A_492 : memref<1x128x128xf32, #tpu.memory_space<vmem>> -> memref<128x128xf32, #tpu.memory_space<vmem>>
      %dma_wait3A_494 = arith.constant 0 : i32
      %dma_wait3A_495 = arith.constant 0 : i32
      %dma_wait3A_496 = tpu.memref_slice %arg2[%dma_wait3A_494, %dma_wait3A_495] : memref<30000x128xf32, #tpu.memory_space<hbm>> -> memref<128x128xf32, #tpu.memory_space<hbm>>
      %dma_wait3A_497 = arith.constant 0 : i32
      %dma_wait3A_498 = arith.constant 0 : i32
      %dma_wait3A_499 = tpu.memref_slice %arg8[%dma_wait3A_489, %dma_wait3A_497, %dma_wait3A_498] : memref<2x128x128xf32, #tpu.memory_space<vmem>> -> memref<1x128x128xf32, #tpu.memory_space<vmem>>
      %dma_wait3A_500 = tpu.memref_squeeze %dma_wait3A_499 : memref<1x128x128xf32, #tpu.memory_space<vmem>> -> memref<128x128xf32, #tpu.memory_space<vmem>>
      %dma_wait3A_501 = arith.constant 0 : i32
      %dma_wait3A_502 = arith.constant 0 : i32
      %dma_wait3A_503 = tpu.memref_slice %arg2[%dma_wait3A_501, %dma_wait3A_502] : memref<30000x128xf32, #tpu.memory_space<hbm>> -> memref<128x128xf32, #tpu.memory_space<hbm>>
      tpu.wait_dma2 semaphore(%arg12 : memref<!tpu.dma_semaphore, #tpu.memory_space<semaphore_mem>>) src(%dma_wait3A_503 : memref<128x128xf32, #tpu.memory_space<hbm>>) dst(%dma_wait3A_500 : memref<128x128xf32, #tpu.memory_space<vmem>>)
      %mul3A_504 = arith.constant 128 : i32
      %mul3A_505 = arith.muli %add3A_488, %mul3A_504 : i32
      %run_scoped3A_506 = arith.constant 1 : i32
      "tpu.region"() ({
        %run_scoped3A_514 = tpu.sem_alloc : memref<!tpu.dma_semaphore, #tpu.memory_space<semaphore_mem>>
        %dma_start3A_515 = arith.constant 0 : i32
        %dma_start3A_516 = arith.constant 0 : i32
        %dma_start3A_517 = tpu.memref_slice %arg8[%run_scoped3A_506, %dma_start3A_515, %dma_start3A_516] : memref<2x128x128xf32, #tpu.memory_space<vmem>> -> memref<1x128x128xf32, #tpu.memory_space<vmem>>
        %dma_start3A_518 = tpu.memref_squeeze %dma_start3A_517 : memref<1x128x128xf32, #tpu.memory_space<vmem>> -> memref<128x128xf32, #tpu.memory_space<vmem>>
        %dma_start3A_519 = tpu.memref_slice %arg7[%mul3A_505] : memref<5120xi32, #tpu.memory_space<vmem>> -> memref<128xi32, #tpu.memory_space<vmem>>
        %dma_start3A_520 = arith.constant 0 : i32
        %dma_start3A_521 = arith.constant 0 : i32
        %dma_start3A_522 = tpu.memref_slice %arg10[%dma_start3A_520, %dma_start3A_521] : memref<10240x128xf32, #tpu.memory_space<vmem_shared>> -> memref<10240x128xf32, #tpu.memory_space<vmem_shared>>
        tpu.enqueue_indirect_dma source(%dma_start3A_518 : memref<128x128xf32, #tpu.memory_space<vmem>>) target(%dma_start3A_522 : memref<10240x128xf32, #tpu.memory_space<vmem_shared>>) offsets(%dma_start3A_519 : memref<128xi32, #tpu.memory_space<vmem>>) semaphore(%run_scoped3A_514 : memref<!tpu.dma_semaphore, #tpu.memory_space<semaphore_mem>>) {add = true}
        %dma_wait3A_523 = arith.constant 0 : i32
        %dma_wait3A_524 = arith.constant 0 : i32
        %dma_wait3A_525 = tpu.memref_slice %arg8[%run_scoped3A_506, %dma_wait3A_523, %dma_wait3A_524] : memref<2x128x128xf32, #tpu.memory_space<vmem>> -> memref<1x128x128xf32, #tpu.memory_space<vmem>>
        %dma_wait3A_526 = tpu.memref_squeeze %dma_wait3A_525 : memref<1x128x128xf32, #tpu.memory_space<vmem>> -> memref<128x128xf32, #tpu.memory_space<vmem>>
        %dma_wait3A_527 = tpu.memref_slice %arg7[%mul3A_505] : memref<5120xi32, #tpu.memory_space<vmem>> -> memref<128xi32, #tpu.memory_space<vmem>>
        %dma_wait3A_528 = arith.constant 0 : i32
        %dma_wait3A_529 = arith.constant 0 : i32
        %dma_wait3A_530 = tpu.memref_slice %arg10[%dma_wait3A_528, %dma_wait3A_529] : memref<10240x128xf32, #tpu.memory_space<vmem_shared>> -> memref<10240x128xf32, #tpu.memory_space<vmem_shared>>
        tpu.wait_indirect_dma semaphore(%run_scoped3A_514 : memref<!tpu.dma_semaphore, #tpu.memory_space<semaphore_mem>>) src(%dma_wait3A_526 : memref<128x128xf32, #tpu.memory_space<vmem>>) dst(%dma_wait3A_530 : memref<10240x128xf32, #tpu.memory_space<vmem_shared>>)
        tpu.yield
      }) : () -> ()
      %add3A_507 = arith.constant 2 : i32
      %add3A_508 = arith.addi %add3A_488, %add3A_507 : i32
      %lt3A_509 = arith.constant 40 : i32
      %lt3A_510 = arith.cmpi slt, %add3A_508, %lt3A_509 : i32
      %convert_element_type3A_511 = arith.extui %lt3A_510 : i1 to i32
      %cond3A_512 = arith.constant 0 : i32
      %cond3A_513 = arith.cmpi ne, %convert_element_type3A_511, %cond3A_512 : i32
      scf.if %cond3A_513 {
        %add3A_514 = arith.constant 2 : i32
        %add3A_515 = arith.addi %add3A_488, %add3A_514 : i32
        %mul3A_516 = arith.constant 128 : i32
        %mul3A_517 = arith.muli %add3A_515, %mul3A_516 : i32
        %dma_start3A_518 = arith.constant 1 : i32
        %dma_start3A_519 = arith.constant 0 : i32
        %dma_start3A_520 = arith.constant 0 : i32
        %dma_start3A_521 = tpu.memref_slice %arg8[%dma_start3A_518, %dma_start3A_519, %dma_start3A_520] : memref<2x128x128xf32, #tpu.memory_space<vmem>> -> memref<1x128x128xf32, #tpu.memory_space<vmem>>
        %dma_start3A_522 = tpu.memref_squeeze %dma_start3A_521 : memref<1x128x128xf32, #tpu.memory_space<vmem>> -> memref<128x128xf32, #tpu.memory_space<vmem>>
        %dma_start3A_523 = tpu.memref_slice %arg6[%mul3A_517] : memref<5120xi32, #tpu.memory_space<vmem>> -> memref<128xi32, #tpu.memory_space<vmem>>
        %dma_start3A_524 = arith.constant 0 : i32
        %dma_start3A_525 = arith.constant 0 : i32
        %dma_start3A_526 = tpu.memref_slice %arg2[%dma_start3A_524, %dma_start3A_525] : memref<30000x128xf32, #tpu.memory_space<hbm>> -> memref<30000x128xf32, #tpu.memory_space<hbm>>
        tpu.enqueue_indirect_dma source(%dma_start3A_526 : memref<30000x128xf32, #tpu.memory_space<hbm>>) target(%dma_start3A_522 : memref<128x128xf32, #tpu.memory_space<vmem>>) offsets(%dma_start3A_523 : memref<128xi32, #tpu.memory_space<vmem>>) semaphore(%arg12 : memref<!tpu.dma_semaphore, #tpu.memory_space<semaphore_mem>>)
      } else {
      }
    }
    %scan3A_114 = arith.constant 20 : i32
    %add3A_115 = arith.constant 5120 : i32
    %add3A_116 = arith.addi %mul3A_88, %add3A_115 : i32
    "tpu.region"() ({
      %run_scoped3A = tpu.sem_alloc : memref<!tpu.dma_semaphore, #tpu.memory_space<semaphore_mem>>
      %dma_start3A_456 = tpu.memref_slice %arg3[%add3A_116] : memref<983040xi32, #tpu.memory_space<hbm>> -> memref<5120xi32, #tpu.memory_space<hbm>>
      %dma_start3A_457 = tpu.memref_slice %arg3[%add3A_116] : memref<983040xi32, #tpu.memory_space<hbm>> -> memref<5120xi32, #tpu.memory_space<hbm>>
      tpu.enqueue_dma source(%dma_start3A_457 : memref<5120xi32, #tpu.memory_space<hbm>>) target(%arg6 : memref<5120xi32, #tpu.memory_space<vmem>>) target_semaphore(%run_scoped3A : memref<!tpu.dma_semaphore, #tpu.memory_space<semaphore_mem>>)
      %dma_wait3A = tpu.memref_slice %arg3[%add3A_116] : memref<983040xi32, #tpu.memory_space<hbm>> -> memref<5120xi32, #tpu.memory_space<hbm>>
      %dma_wait3A_458 = tpu.memref_slice %arg3[%add3A_116] : memref<983040xi32, #tpu.memory_space<hbm>> -> memref<5120xi32, #tpu.memory_space<hbm>>
      tpu.wait_dma2 semaphore(%run_scoped3A : memref<!tpu.dma_semaphore, #tpu.memory_space<semaphore_mem>>) src(%dma_wait3A_458 : memref<5120xi32, #tpu.memory_space<hbm>>) dst(%arg6 : memref<5120xi32, #tpu.memory_space<vmem>>)
      tpu.yield
    }) : () -> ()
    "tpu.region"() ({
      %run_scoped3A = tpu.sem_alloc : memref<!tpu.dma_semaphore, #tpu.memory_space<semaphore_mem>>
      %dma_start3A_456 = tpu.memref_slice %arg4[%add3A_116] : memref<983040xi32, #tpu.memory_space<hbm>> -> memref<5120xi32, #tpu.memory_space<hbm>>
      %dma_start3A_457 = tpu.memref_slice %arg4[%add3A_116] : memref<983040xi32, #tpu.memory_space<hbm>> -> memref<5120xi32, #tpu.memory_space<hbm>>
      tpu.enqueue_dma source(%dma_start3A_457 : memref<5120xi32, #tpu.memory_space<hbm>>) target(%arg7 : memref<5120xi32, #tpu.memory_space<vmem>>) target_semaphore(%run_scoped3A : memref<!tpu.dma_semaphore, #tpu.memory_space<semaphore_mem>>)
      %dma_wait3A = tpu.memref_slice %arg4[%add3A_116] : memref<983040xi32, #tpu.memory_space<hbm>> -> memref<5120xi32, #tpu.memory_space<hbm>>
      %dma_wait3A_458 = tpu.memref_slice %arg4[%add3A_116] : memref<983040xi32, #tpu.memory_space<hbm>> -> memref<5120xi32, #tpu.memory_space<hbm>>
      tpu.wait_dma2 semaphore(%run_scoped3A : memref<!tpu.dma_semaphore, #tpu.memory_space<semaphore_mem>>) src(%dma_wait3A_458 : memref<5120xi32, #tpu.memory_space<hbm>>) dst(%arg7 : memref<5120xi32, #tpu.memory_space<vmem>>)
      tpu.yield
    }) : () -> ()
    %dma_start3A_117 = arith.constant 0 : i32
    %dma_start3A_118 = arith.constant 0 : i32
    %dma_start3A_119 = arith.constant 0 : i32
    %dma_start3A_120 = tpu.memref_slice %arg8[%dma_start3A_117, %dma_start3A_118, %dma_start3A_119] : memref<2x128x128xf32, #tpu.memory_space<vmem>> -> memref<1x128x128xf32, #tpu.memory_space<vmem>>
    %dma_start3A_121 = tpu.memref_squeeze %dma_start3A_120 : memref<1x128x128xf32, #tpu.memory_space<vmem>> -> memref<128x128xf32, #tpu.memory_space<vmem>>
    %dma_start3A_122 = arith.constant 0 : i32
    %dma_start3A_123 = tpu.memref_slice %arg6[%dma_start3A_122] : memref<5120xi32, #tpu.memory_space<vmem>> -> memref<128xi32, #tpu.memory_space<vmem>>
    %dma_start3A_124 = arith.constant 0 : i32
    %dma_start3A_125 = arith.constant 0 : i32
    %dma_start3A_126 = tpu.memref_slice %arg2[%dma_start3A_124, %dma_start3A_125] : memref<30000x128xf32, #tpu.memory_space<hbm>> -> memref<30000x128xf32, #tpu.memory_space<hbm>>
    tpu.enqueue_indirect_dma source(%dma_start3A_126 : memref<30000x128xf32, #tpu.memory_space<hbm>>) target(%dma_start3A_121 : memref<128x128xf32, #tpu.memory_space<vmem>>) offsets(%dma_start3A_123 : memref<128xi32, #tpu.memory_space<vmem>>) semaphore(%arg11 : memref<!tpu.dma_semaphore, #tpu.memory_space<semaphore_mem>>)
    %dma_start3A_127 = arith.constant 1 : i32
    %dma_start3A_128 = arith.constant 0 : i32
    %dma_start3A_129 = arith.constant 0 : i32
    %dma_start3A_130 = tpu.memref_slice %arg8[%dma_start3A_127, %dma_start3A_128, %dma_start3A_129] : memref<2x128x128xf32, #tpu.memory_space<vmem>> -> memref<1x128x128xf32, #tpu.memory_space<vmem>>
    %dma_start3A_131 = tpu.memref_squeeze %dma_start3A_130 : memref<1x128x128xf32, #tpu.memory_space<vmem>> -> memref<128x128xf32, #tpu.memory_space<vmem>>
    %dma_start3A_132 = arith.constant 128 : i32
    %dma_start3A_133 = tpu.memref_slice %arg6[%dma_start3A_132] : memref<5120xi32, #tpu.memory_space<vmem>> -> memref<128xi32, #tpu.memory_space<vmem>>
    %dma_start3A_134 = arith.constant 0 : i32
    %dma_start3A_135 = arith.constant 0 : i32
    %dma_start3A_136 = tpu.memref_slice %arg2[%dma_start3A_134, %dma_start3A_135] : memref<30000x128xf32, #tpu.memory_space<hbm>> -> memref<30000x128xf32, #tpu.memory_space<hbm>>
    tpu.enqueue_indirect_dma source(%dma_start3A_136 : memref<30000x128xf32, #tpu.memory_space<hbm>>) target(%dma_start3A_131 : memref<128x128xf32, #tpu.memory_space<vmem>>) offsets(%dma_start3A_133 : memref<128xi32, #tpu.memory_space<vmem>>) semaphore(%arg12 : memref<!tpu.dma_semaphore, #tpu.memory_space<semaphore_mem>>)
    %scan3A_137 = arith.constant 0 : i32
    %scan3A_138 = arith.constant 20 : i32
    %scan3A_139 = arith.addi %scan3A_137, %scan3A_138 : i32
    %scan3A_140 = arith.constant 1 : i32
    scf.for %scan3A_456 = %scan3A_137 to %scan3A_139 step %scan3A_140  : i32 {
      %mul3A_457 = arith.constant 1 : i32
      %mul3A_458 = arith.muli %scan3A_456, %mul3A_457 : i32
      %add3A_459 = arith.constant 0 : i32
      %add3A_460 = arith.addi %add3A_459, %mul3A_458 : i32
      %mul3A_461 = arith.constant 2 : i32
      %mul3A_462 = arith.muli %add3A_460, %mul3A_461 : i32
      %add3A_463 = arith.constant 0 : i32
      %add3A_464 = arith.addi %mul3A_462, %add3A_463 : i32
      %dma_wait3A = arith.constant 0 : i32
      %dma_wait3A_465 = arith.constant 0 : i32
      %dma_wait3A_466 = arith.constant 0 : i32
      %dma_wait3A_467 = tpu.memref_slice %arg8[%dma_wait3A, %dma_wait3A_465, %dma_wait3A_466] : memref<2x128x128xf32, #tpu.memory_space<vmem>> -> memref<1x128x128xf32, #tpu.memory_space<vmem>>
      %dma_wait3A_468 = tpu.memref_squeeze %dma_wait3A_467 : memref<1x128x128xf32, #tpu.memory_space<vmem>> -> memref<128x128xf32, #tpu.memory_space<vmem>>
      %dma_wait3A_469 = arith.constant 0 : i32
      %dma_wait3A_470 = arith.constant 0 : i32
      %dma_wait3A_471 = tpu.memref_slice %arg2[%dma_wait3A_469, %dma_wait3A_470] : memref<30000x128xf32, #tpu.memory_space<hbm>> -> memref<128x128xf32, #tpu.memory_space<hbm>>
      %dma_wait3A_472 = arith.constant 0 : i32
      %dma_wait3A_473 = arith.constant 0 : i32
      %dma_wait3A_474 = tpu.memref_slice %arg8[%dma_wait3A, %dma_wait3A_472, %dma_wait3A_473] : memref<2x128x128xf32, #tpu.memory_space<vmem>> -> memref<1x128x128xf32, #tpu.memory_space<vmem>>
      %dma_wait3A_475 = tpu.memref_squeeze %dma_wait3A_474 : memref<1x128x128xf32, #tpu.memory_space<vmem>> -> memref<128x128xf32, #tpu.memory_space<vmem>>
      %dma_wait3A_476 = arith.constant 0 : i32
      %dma_wait3A_477 = arith.constant 0 : i32
      %dma_wait3A_478 = tpu.memref_slice %arg2[%dma_wait3A_476, %dma_wait3A_477] : memref<30000x128xf32, #tpu.memory_space<hbm>> -> memref<128x128xf32, #tpu.memory_space<hbm>>
      tpu.wait_dma2 semaphore(%arg11 : memref<!tpu.dma_semaphore, #tpu.memory_space<semaphore_mem>>) src(%dma_wait3A_478 : memref<128x128xf32, #tpu.memory_space<hbm>>) dst(%dma_wait3A_475 : memref<128x128xf32, #tpu.memory_space<vmem>>)
      %mul3A_479 = arith.constant 128 : i32
      %mul3A_480 = arith.muli %add3A_464, %mul3A_479 : i32
      %run_scoped3A = arith.constant 0 : i32
      "tpu.region"() ({
        %run_scoped3A_514 = tpu.sem_alloc : memref<!tpu.dma_semaphore, #tpu.memory_space<semaphore_mem>>
        %dma_start3A_515 = arith.constant 0 : i32
        %dma_start3A_516 = arith.constant 0 : i32
        %dma_start3A_517 = tpu.memref_slice %arg8[%run_scoped3A, %dma_start3A_515, %dma_start3A_516] : memref<2x128x128xf32, #tpu.memory_space<vmem>> -> memref<1x128x128xf32, #tpu.memory_space<vmem>>
        %dma_start3A_518 = tpu.memref_squeeze %dma_start3A_517 : memref<1x128x128xf32, #tpu.memory_space<vmem>> -> memref<128x128xf32, #tpu.memory_space<vmem>>
        %dma_start3A_519 = tpu.memref_slice %arg7[%mul3A_480] : memref<5120xi32, #tpu.memory_space<vmem>> -> memref<128xi32, #tpu.memory_space<vmem>>
        %dma_start3A_520 = arith.constant 0 : i32
        %dma_start3A_521 = arith.constant 0 : i32
        %dma_start3A_522 = tpu.memref_slice %arg10[%dma_start3A_520, %dma_start3A_521] : memref<10240x128xf32, #tpu.memory_space<vmem_shared>> -> memref<10240x128xf32, #tpu.memory_space<vmem_shared>>
        tpu.enqueue_indirect_dma source(%dma_start3A_518 : memref<128x128xf32, #tpu.memory_space<vmem>>) target(%dma_start3A_522 : memref<10240x128xf32, #tpu.memory_space<vmem_shared>>) offsets(%dma_start3A_519 : memref<128xi32, #tpu.memory_space<vmem>>) semaphore(%run_scoped3A_514 : memref<!tpu.dma_semaphore, #tpu.memory_space<semaphore_mem>>) {add = true}
        %dma_wait3A_523 = arith.constant 0 : i32
        %dma_wait3A_524 = arith.constant 0 : i32
        %dma_wait3A_525 = tpu.memref_slice %arg8[%run_scoped3A, %dma_wait3A_523, %dma_wait3A_524] : memref<2x128x128xf32, #tpu.memory_space<vmem>> -> memref<1x128x128xf32, #tpu.memory_space<vmem>>
        %dma_wait3A_526 = tpu.memref_squeeze %dma_wait3A_525 : memref<1x128x128xf32, #tpu.memory_space<vmem>> -> memref<128x128xf32, #tpu.memory_space<vmem>>
        %dma_wait3A_527 = tpu.memref_slice %arg7[%mul3A_480] : memref<5120xi32, #tpu.memory_space<vmem>> -> memref<128xi32, #tpu.memory_space<vmem>>
        %dma_wait3A_528 = arith.constant 0 : i32
        %dma_wait3A_529 = arith.constant 0 : i32
        %dma_wait3A_530 = tpu.memref_slice %arg10[%dma_wait3A_528, %dma_wait3A_529] : memref<10240x128xf32, #tpu.memory_space<vmem_shared>> -> memref<10240x128xf32, #tpu.memory_space<vmem_shared>>
        tpu.wait_indirect_dma semaphore(%run_scoped3A_514 : memref<!tpu.dma_semaphore, #tpu.memory_space<semaphore_mem>>) src(%dma_wait3A_526 : memref<128x128xf32, #tpu.memory_space<vmem>>) dst(%dma_wait3A_530 : memref<10240x128xf32, #tpu.memory_space<vmem_shared>>)
        tpu.yield
      }) : () -> ()
      %add3A_481 = arith.constant 2 : i32
      %add3A_482 = arith.addi %add3A_464, %add3A_481 : i32
      %lt3A = arith.constant 40 : i32
      %lt3A_483 = arith.cmpi slt, %add3A_482, %lt3A : i32
      %convert_element_type3A = arith.extui %lt3A_483 : i1 to i32
      %cond3A = arith.constant 0 : i32
      %cond3A_484 = arith.cmpi ne, %convert_element_type3A, %cond3A : i32
      scf.if %cond3A_484 {
        %add3A_514 = arith.constant 2 : i32
        %add3A_515 = arith.addi %add3A_464, %add3A_514 : i32
        %mul3A_516 = arith.constant 128 : i32
        %mul3A_517 = arith.muli %add3A_515, %mul3A_516 : i32
        %dma_start3A_518 = arith.constant 0 : i32
        %dma_start3A_519 = arith.constant 0 : i32
        %dma_start3A_520 = arith.constant 0 : i32
        %dma_start3A_521 = tpu.memref_slice %arg8[%dma_start3A_518, %dma_start3A_519, %dma_start3A_520] : memref<2x128x128xf32, #tpu.memory_space<vmem>> -> memref<1x128x128xf32, #tpu.memory_space<vmem>>
        %dma_start3A_522 = tpu.memref_squeeze %dma_start3A_521 : memref<1x128x128xf32, #tpu.memory_space<vmem>> -> memref<128x128xf32, #tpu.memory_space<vmem>>
        %dma_start3A_523 = tpu.memref_slice %arg6[%mul3A_517] : memref<5120xi32, #tpu.memory_space<vmem>> -> memref<128xi32, #tpu.memory_space<vmem>>
        %dma_start3A_524 = arith.constant 0 : i32
        %dma_start3A_525 = arith.constant 0 : i32
        %dma_start3A_526 = tpu.memref_slice %arg2[%dma_start3A_524, %dma_start3A_525] : memref<30000x128xf32, #tpu.memory_space<hbm>> -> memref<30000x128xf32, #tpu.memory_space<hbm>>
        tpu.enqueue_indirect_dma source(%dma_start3A_526 : memref<30000x128xf32, #tpu.memory_space<hbm>>) target(%dma_start3A_522 : memref<128x128xf32, #tpu.memory_space<vmem>>) offsets(%dma_start3A_523 : memref<128xi32, #tpu.memory_space<vmem>>) semaphore(%arg11 : memref<!tpu.dma_semaphore, #tpu.memory_space<semaphore_mem>>)
      } else {
      }
      %mul3A_485 = arith.constant 2 : i32
      %mul3A_486 = arith.muli %add3A_460, %mul3A_485 : i32
      %add3A_487 = arith.constant 1 : i32
      %add3A_488 = arith.addi %mul3A_486, %add3A_487 : i32
      %dma_wait3A_489 = arith.constant 1 : i32
      %dma_wait3A_490 = arith.constant 0 : i32
      %dma_wait3A_491 = arith.constant 0 : i32
      %dma_wait3A_492 = tpu.memref_slice %arg8[%dma_wait3A_489, %dma_wait3A_490, %dma_wait3A_491] : memref<2x128x128xf32, #tpu.memory_space<vmem>> -> memref<1x128x128xf32, #tpu.memory_space<vmem>>
      %dma_wait3A_493 = tpu.memref_squeeze %dma_wait3A_492 : memref<1x128x128xf32, #tpu.memory_space<vmem>> -> memref<128x128xf32, #tpu.memory_space<vmem>>
      %dma_wait3A_494 = arith.constant 0 : i32
      %dma_wait3A_495 = arith.constant 0 : i32
      %dma_wait3A_496 = tpu.memref_slice %arg2[%dma_wait3A_494, %dma_wait3A_495] : memref<30000x128xf32, #tpu.memory_space<hbm>> -> memref<128x128xf32, #tpu.memory_space<hbm>>
      %dma_wait3A_497 = arith.constant 0 : i32
      %dma_wait3A_498 = arith.constant 0 : i32
      %dma_wait3A_499 = tpu.memref_slice %arg8[%dma_wait3A_489, %dma_wait3A_497, %dma_wait3A_498] : memref<2x128x128xf32, #tpu.memory_space<vmem>> -> memref<1x128x128xf32, #tpu.memory_space<vmem>>
      %dma_wait3A_500 = tpu.memref_squeeze %dma_wait3A_499 : memref<1x128x128xf32, #tpu.memory_space<vmem>> -> memref<128x128xf32, #tpu.memory_space<vmem>>
      %dma_wait3A_501 = arith.constant 0 : i32
      %dma_wait3A_502 = arith.constant 0 : i32
      %dma_wait3A_503 = tpu.memref_slice %arg2[%dma_wait3A_501, %dma_wait3A_502] : memref<30000x128xf32, #tpu.memory_space<hbm>> -> memref<128x128xf32, #tpu.memory_space<hbm>>
      tpu.wait_dma2 semaphore(%arg12 : memref<!tpu.dma_semaphore, #tpu.memory_space<semaphore_mem>>) src(%dma_wait3A_503 : memref<128x128xf32, #tpu.memory_space<hbm>>) dst(%dma_wait3A_500 : memref<128x128xf32, #tpu.memory_space<vmem>>)
      %mul3A_504 = arith.constant 128 : i32
      %mul3A_505 = arith.muli %add3A_488, %mul3A_504 : i32
      %run_scoped3A_506 = arith.constant 1 : i32
      "tpu.region"() ({
        %run_scoped3A_514 = tpu.sem_alloc : memref<!tpu.dma_semaphore, #tpu.memory_space<semaphore_mem>>
        %dma_start3A_515 = arith.constant 0 : i32
        %dma_start3A_516 = arith.constant 0 : i32
        %dma_start3A_517 = tpu.memref_slice %arg8[%run_scoped3A_506, %dma_start3A_515, %dma_start3A_516] : memref<2x128x128xf32, #tpu.memory_space<vmem>> -> memref<1x128x128xf32, #tpu.memory_space<vmem>>
        %dma_start3A_518 = tpu.memref_squeeze %dma_start3A_517 : memref<1x128x128xf32, #tpu.memory_space<vmem>> -> memref<128x128xf32, #tpu.memory_space<vmem>>
        %dma_start3A_519 = tpu.memref_slice %arg7[%mul3A_505] : memref<5120xi32, #tpu.memory_space<vmem>> -> memref<128xi32, #tpu.memory_space<vmem>>
        %dma_start3A_520 = arith.constant 0 : i32
        %dma_start3A_521 = arith.constant 0 : i32
        %dma_start3A_522 = tpu.memref_slice %arg10[%dma_start3A_520, %dma_start3A_521] : memref<10240x128xf32, #tpu.memory_space<vmem_shared>> -> memref<10240x128xf32, #tpu.memory_space<vmem_shared>>
        tpu.enqueue_indirect_dma source(%dma_start3A_518 : memref<128x128xf32, #tpu.memory_space<vmem>>) target(%dma_start3A_522 : memref<10240x128xf32, #tpu.memory_space<vmem_shared>>) offsets(%dma_start3A_519 : memref<128xi32, #tpu.memory_space<vmem>>) semaphore(%run_scoped3A_514 : memref<!tpu.dma_semaphore, #tpu.memory_space<semaphore_mem>>) {add = true}
        %dma_wait3A_523 = arith.constant 0 : i32
        %dma_wait3A_524 = arith.constant 0 : i32
        %dma_wait3A_525 = tpu.memref_slice %arg8[%run_scoped3A_506, %dma_wait3A_523, %dma_wait3A_524] : memref<2x128x128xf32, #tpu.memory_space<vmem>> -> memref<1x128x128xf32, #tpu.memory_space<vmem>>
        %dma_wait3A_526 = tpu.memref_squeeze %dma_wait3A_525 : memref<1x128x128xf32, #tpu.memory_space<vmem>> -> memref<128x128xf32, #tpu.memory_space<vmem>>
        %dma_wait3A_527 = tpu.memref_slice %arg7[%mul3A_505] : memref<5120xi32, #tpu.memory_space<vmem>> -> memref<128xi32, #tpu.memory_space<vmem>>
        %dma_wait3A_528 = arith.constant 0 : i32
        %dma_wait3A_529 = arith.constant 0 : i32
        %dma_wait3A_530 = tpu.memref_slice %arg10[%dma_wait3A_528, %dma_wait3A_529] : memref<10240x128xf32, #tpu.memory_space<vmem_shared>> -> memref<10240x128xf32, #tpu.memory_space<vmem_shared>>
        tpu.wait_indirect_dma semaphore(%run_scoped3A_514 : memref<!tpu.dma_semaphore, #tpu.memory_space<semaphore_mem>>) src(%dma_wait3A_526 : memref<128x128xf32, #tpu.memory_space<vmem>>) dst(%dma_wait3A_530 : memref<10240x128xf32, #tpu.memory_space<vmem_shared>>)
        tpu.yield
      }) : () -> ()
      %add3A_507 = arith.constant 2 : i32
      %add3A_508 = arith.addi %add3A_488, %add3A_507 : i32
      %lt3A_509 = arith.constant 40 : i32
      %lt3A_510 = arith.cmpi slt, %add3A_508, %lt3A_509 : i32
      %convert_element_type3A_511 = arith.extui %lt3A_510 : i1 to i32
      %cond3A_512 = arith.constant 0 : i32
      %cond3A_513 = arith.cmpi ne, %convert_element_type3A_511, %cond3A_512 : i32
      scf.if %cond3A_513 {
        %add3A_514 = arith.constant 2 : i32
        %add3A_515 = arith.addi %add3A_488, %add3A_514 : i32
        %mul3A_516 = arith.constant 128 : i32
        %mul3A_517 = arith.muli %add3A_515, %mul3A_516 : i32
        %dma_start3A_518 = arith.constant 1 : i32
        %dma_start3A_519 = arith.constant 0 : i32
        %dma_start3A_520 = arith.constant 0 : i32
        %dma_start3A_521 = tpu.memref_slice %arg8[%dma_start3A_518, %dma_start3A_519, %dma_start3A_520] : memref<2x128x128xf32, #tpu.memory_space<vmem>> -> memref<1x128x128xf32, #tpu.memory_space<vmem>>
        %dma_start3A_522 = tpu.memref_squeeze %dma_start3A_521 : memref<1x128x128xf32, #tpu.memory_space<vmem>> -> memref<128x128xf32, #tpu.memory_space<vmem>>
        %dma_start3A_523 = tpu.memref_slice %arg6[%mul3A_517] : memref<5120xi32, #tpu.memory_space<vmem>> -> memref<128xi32, #tpu.memory_space<vmem>>
        %dma_start3A_524 = arith.constant 0 : i32
        %dma_start3A_525 = arith.constant 0 : i32
        %dma_start3A_526 = tpu.memref_slice %arg2[%dma_start3A_524, %dma_start3A_525] : memref<30000x128xf32, #tpu.memory_space<hbm>> -> memref<30000x128xf32, #tpu.memory_space<hbm>>
        tpu.enqueue_indirect_dma source(%dma_start3A_526 : memref<30000x128xf32, #tpu.memory_space<hbm>>) target(%dma_start3A_522 : memref<128x128xf32, #tpu.memory_space<vmem>>) offsets(%dma_start3A_523 : memref<128xi32, #tpu.memory_space<vmem>>) semaphore(%arg12 : memref<!tpu.dma_semaphore, #tpu.memory_space<semaphore_mem>>)
      } else {
      }
    }
    %scan3A_141 = arith.constant 20 : i32
    %barrier3A_142 = arith.constant 0 : index
    tpu.barrier barrier_id(%barrier3A_142)
    %mul3A_143 = arith.constant 640 : i32
    %mul3A_144 = arith.muli %arg1, %mul3A_143 : i32
    %add3A_145 = arith.constant 0 : i32
    %add3A_146 = arith.addi %add3A_145, %arg0 : i32
    %mul3A_147 = arith.constant 10240 : i32
    %mul3A_148 = arith.muli %add3A_146, %mul3A_147 : i32
    %mul3A_149 = arith.constant 640 : i32
    %mul3A_150 = arith.muli %arg1, %mul3A_149 : i32
    %add3A_151 = arith.addi %mul3A_148, %mul3A_150 : i32
    "tpu.region"() ({
      %run_scoped3A = tpu.sem_alloc : memref<!tpu.dma_semaphore, #tpu.memory_space<semaphore_mem>>
      %dma_start3A_456 = arith.constant 0 : i32
      %dma_start3A_457 = tpu.memref_slice %arg5[%add3A_151, %dma_start3A_456] : memref<61440x128xf32, #tpu.memory_space<hbm>> -> memref<640x128xf32, #tpu.memory_space<hbm>>
      %dma_start3A_458 = arith.constant 0 : i32
      %dma_start3A_459 = tpu.memref_slice %arg10[%mul3A_144, %dma_start3A_458] : memref<10240x128xf32, #tpu.memory_space<vmem_shared>> -> memref<640x128xf32, #tpu.memory_space<vmem_shared>>
      tpu.enqueue_dma source(%dma_start3A_459 : memref<640x128xf32, #tpu.memory_space<vmem_shared>>) target(%dma_start3A_457 : memref<640x128xf32, #tpu.memory_space<hbm>>) target_semaphore(%run_scoped3A : memref<!tpu.dma_semaphore, #tpu.memory_space<semaphore_mem>>)
      %dma_wait3A = arith.constant 0 : i32
      %dma_wait3A_460 = tpu.memref_slice %arg5[%add3A_151, %dma_wait3A] : memref<61440x128xf32, #tpu.memory_space<hbm>> -> memref<640x128xf32, #tpu.memory_space<hbm>>
      %dma_wait3A_461 = arith.constant 0 : i32
      %dma_wait3A_462 = tpu.memref_slice %arg10[%mul3A_144, %dma_wait3A_461] : memref<10240x128xf32, #tpu.memory_space<vmem_shared>> -> memref<640x128xf32, #tpu.memory_space<vmem_shared>>
      tpu.wait_dma2 semaphore(%run_scoped3A : memref<!tpu.dma_semaphore, #tpu.memory_space<semaphore_mem>>) src(%dma_wait3A_462 : memref<640x128xf32, #tpu.memory_space<vmem_shared>>) dst(%dma_wait3A_460 : memref<640x128xf32, #tpu.memory_space<hbm>>)
      tpu.yield
    }) : () -> ()
    %mul3A_152 = arith.constant 640 : i32
    %mul3A_153 = arith.muli %arg1, %mul3A_152 : i32
    %add3A_154 = arith.constant 0 : i32
    %add3A_155 = arith.addi %mul3A_153, %add3A_154 : i32
    "tpu.region"() ({
      %run_scoped3A = tpu.sem_alloc : memref<!tpu.dma_semaphore, #tpu.memory_space<semaphore_mem>>
      %dma_start3A_456 = arith.constant 0 : i32
      %dma_start3A_457 = tpu.memref_slice %arg10[%add3A_155, %dma_start3A_456] : memref<10240x128xf32, #tpu.memory_space<vmem_shared>> -> memref<32x128xf32, #tpu.memory_space<vmem_shared>>
      %dma_start3A_458 = arith.constant 0 : i32
      %dma_start3A_459 = tpu.memref_slice %arg10[%add3A_155, %dma_start3A_458] : memref<10240x128xf32, #tpu.memory_space<vmem_shared>> -> memref<32x128xf32, #tpu.memory_space<vmem_shared>>
      tpu.enqueue_dma source(%arg9 : memref<32x128xf32, #tpu.memory_space<vmem>>) target(%dma_start3A_459 : memref<32x128xf32, #tpu.memory_space<vmem_shared>>) target_semaphore(%run_scoped3A : memref<!tpu.dma_semaphore, #tpu.memory_space<semaphore_mem>>)
      %dma_wait3A = arith.constant 0 : i32
      %dma_wait3A_460 = tpu.memref_slice %arg10[%add3A_155, %dma_wait3A] : memref<10240x128xf32, #tpu.memory_space<vmem_shared>> -> memref<32x128xf32, #tpu.memory_space<vmem_shared>>
      %dma_wait3A_461 = arith.constant 0 : i32
      %dma_wait3A_462 = tpu.memref_slice %arg10[%add3A_155, %dma_wait3A_461] : memref<10240x128xf32, #tpu.memory_space<vmem_shared>> -> memref<32x128xf32, #tpu.memory_space<vmem_shared>>
      tpu.wait_dma2 semaphore(%run_scoped3A : memref<!tpu.dma_semaphore, #tpu.memory_space<semaphore_mem>>) src(%arg9 : memref<32x128xf32, #tpu.memory_space<vmem>>) dst(%dma_wait3A_462 : memref<32x128xf32, #tpu.memory_space<vmem_shared>>)
      tpu.yield
    }) : () -> ()
    %mul3A_156 = arith.constant 640 : i32
    %mul3A_157 = arith.muli %arg1, %mul3A_156 : i32
    %add3A_158 = arith.constant 32 : i32
    %add3A_159 = arith.addi %mul3A_157, %add3A_158 : i32
    "tpu.region"() ({
      %run_scoped3A = tpu.sem_alloc : memref<!tpu.dma_semaphore, #tpu.memory_space<semaphore_mem>>
      %dma_start3A_456 = arith.constant 0 : i32
      %dma_start3A_457 = tpu.memref_slice %arg10[%add3A_159, %dma_start3A_456] : memref<10240x128xf32, #tpu.memory_space<vmem_shared>> -> memref<32x128xf32, #tpu.memory_space<vmem_shared>>
      %dma_start3A_458 = arith.constant 0 : i32
      %dma_start3A_459 = tpu.memref_slice %arg10[%add3A_159, %dma_start3A_458] : memref<10240x128xf32, #tpu.memory_space<vmem_shared>> -> memref<32x128xf32, #tpu.memory_space<vmem_shared>>
      tpu.enqueue_dma source(%arg9 : memref<32x128xf32, #tpu.memory_space<vmem>>) target(%dma_start3A_459 : memref<32x128xf32, #tpu.memory_space<vmem_shared>>) target_semaphore(%run_scoped3A : memref<!tpu.dma_semaphore, #tpu.memory_space<semaphore_mem>>)
      %dma_wait3A = arith.constant 0 : i32
      %dma_wait3A_460 = tpu.memref_slice %arg10[%add3A_159, %dma_wait3A] : memref<10240x128xf32, #tpu.memory_space<vmem_shared>> -> memref<32x128xf32, #tpu.memory_space<vmem_shared>>
      %dma_wait3A_461 = arith.constant 0 : i32
      %dma_wait3A_462 = tpu.memref_slice %arg10[%add3A_159, %dma_wait3A_461] : memref<10240x128xf32, #tpu.memory_space<vmem_shared>> -> memref<32x128xf32, #tpu.memory_space<vmem_shared>>
      tpu.wait_dma2 semaphore(%run_scoped3A : memref<!tpu.dma_semaphore, #tpu.memory_space<semaphore_mem>>) src(%arg9 : memref<32x128xf32, #tpu.memory_space<vmem>>) dst(%dma_wait3A_462 : memref<32x128xf32, #tpu.memory_space<vmem_shared>>)
      tpu.yield
    }) : () -> ()
    %mul3A_160 = arith.constant 640 : i32
    %mul3A_161 = arith.muli %arg1, %mul3A_160 : i32
    %add3A_162 = arith.constant 64 : i32
    %add3A_163 = arith.addi %mul3A_161, %add3A_162 : i32
    "tpu.region"() ({
      %run_scoped3A = tpu.sem_alloc : memref<!tpu.dma_semaphore, #tpu.memory_space<semaphore_mem>>
      %dma_start3A_456 = arith.constant 0 : i32
      %dma_start3A_457 = tpu.memref_slice %arg10[%add3A_163, %dma_start3A_456] : memref<10240x128xf32, #tpu.memory_space<vmem_shared>> -> memref<32x128xf32, #tpu.memory_space<vmem_shared>>
      %dma_start3A_458 = arith.constant 0 : i32
      %dma_start3A_459 = tpu.memref_slice %arg10[%add3A_163, %dma_start3A_458] : memref<10240x128xf32, #tpu.memory_space<vmem_shared>> -> memref<32x128xf32, #tpu.memory_space<vmem_shared>>
      tpu.enqueue_dma source(%arg9 : memref<32x128xf32, #tpu.memory_space<vmem>>) target(%dma_start3A_459 : memref<32x128xf32, #tpu.memory_space<vmem_shared>>) target_semaphore(%run_scoped3A : memref<!tpu.dma_semaphore, #tpu.memory_space<semaphore_mem>>)
      %dma_wait3A = arith.constant 0 : i32
      %dma_wait3A_460 = tpu.memref_slice %arg10[%add3A_163, %dma_wait3A] : memref<10240x128xf32, #tpu.memory_space<vmem_shared>> -> memref<32x128xf32, #tpu.memory_space<vmem_shared>>
      %dma_wait3A_461 = arith.constant 0 : i32
      %dma_wait3A_462 = tpu.memref_slice %arg10[%add3A_163, %dma_wait3A_461] : memref<10240x128xf32, #tpu.memory_space<vmem_shared>> -> memref<32x128xf32, #tpu.memory_space<vmem_shared>>
      tpu.wait_dma2 semaphore(%run_scoped3A : memref<!tpu.dma_semaphore, #tpu.memory_space<semaphore_mem>>) src(%arg9 : memref<32x128xf32, #tpu.memory_space<vmem>>) dst(%dma_wait3A_462 : memref<32x128xf32, #tpu.memory_space<vmem_shared>>)
      tpu.yield
    }) : () -> ()
    %mul3A_164 = arith.constant 640 : i32
    %mul3A_165 = arith.muli %arg1, %mul3A_164 : i32
    %add3A_166 = arith.constant 96 : i32
    %add3A_167 = arith.addi %mul3A_165, %add3A_166 : i32
    "tpu.region"() ({
      %run_scoped3A = tpu.sem_alloc : memref<!tpu.dma_semaphore, #tpu.memory_space<semaphore_mem>>
      %dma_start3A_456 = arith.constant 0 : i32
      %dma_start3A_457 = tpu.memref_slice %arg10[%add3A_167, %dma_start3A_456] : memref<10240x128xf32, #tpu.memory_space<vmem_shared>> -> memref<32x128xf32, #tpu.memory_space<vmem_shared>>
      %dma_start3A_458 = arith.constant 0 : i32
      %dma_start3A_459 = tpu.memref_slice %arg10[%add3A_167, %dma_start3A_458] : memref<10240x128xf32, #tpu.memory_space<vmem_shared>> -> memref<32x128xf32, #tpu.memory_space<vmem_shared>>
      tpu.enqueue_dma source(%arg9 : memref<32x128xf32, #tpu.memory_space<vmem>>) target(%dma_start3A_459 : memref<32x128xf32, #tpu.memory_space<vmem_shared>>) target_semaphore(%run_scoped3A : memref<!tpu.dma_semaphore, #tpu.memory_space<semaphore_mem>>)
      %dma_wait3A = arith.constant 0 : i32
      %dma_wait3A_460 = tpu.memref_slice %arg10[%add3A_167, %dma_wait3A] : memref<10240x128xf32, #tpu.memory_space<vmem_shared>> -> memref<32x128xf32, #tpu.memory_space<vmem_shared>>
      %dma_wait3A_461 = arith.constant 0 : i32
      %dma_wait3A_462 = tpu.memref_slice %arg10[%add3A_167, %dma_wait3A_461] : memref<10240x128xf32, #tpu.memory_space<vmem_shared>> -> memref<32x128xf32, #tpu.memory_space<vmem_shared>>
      tpu.wait_dma2 semaphore(%run_scoped3A : memref<!tpu.dma_semaphore, #tpu.memory_space<semaphore_mem>>) src(%arg9 : memref<32x128xf32, #tpu.memory_space<vmem>>) dst(%dma_wait3A_462 : memref<32x128xf32, #tpu.memory_space<vmem_shared>>)
      tpu.yield
    }) : () -> ()
    %mul3A_168 = arith.constant 640 : i32
    %mul3A_169 = arith.muli %arg1, %mul3A_168 : i32
    %add3A_170 = arith.constant 128 : i32
    %add3A_171 = arith.addi %mul3A_169, %add3A_170 : i32
    "tpu.region"() ({
      %run_scoped3A = tpu.sem_alloc : memref<!tpu.dma_semaphore, #tpu.memory_space<semaphore_mem>>
      %dma_start3A_456 = arith.constant 0 : i32
      %dma_start3A_457 = tpu.memref_slice %arg10[%add3A_171, %dma_start3A_456] : memref<10240x128xf32, #tpu.memory_space<vmem_shared>> -> memref<32x128xf32, #tpu.memory_space<vmem_shared>>
      %dma_start3A_458 = arith.constant 0 : i32
      %dma_start3A_459 = tpu.memref_slice %arg10[%add3A_171, %dma_start3A_458] : memref<10240x128xf32, #tpu.memory_space<vmem_shared>> -> memref<32x128xf32, #tpu.memory_space<vmem_shared>>
      tpu.enqueue_dma source(%arg9 : memref<32x128xf32, #tpu.memory_space<vmem>>) target(%dma_start3A_459 : memref<32x128xf32, #tpu.memory_space<vmem_shared>>) target_semaphore(%run_scoped3A : memref<!tpu.dma_semaphore, #tpu.memory_space<semaphore_mem>>)
      %dma_wait3A = arith.constant 0 : i32
      %dma_wait3A_460 = tpu.memref_slice %arg10[%add3A_171, %dma_wait3A] : memref<10240x128xf32, #tpu.memory_space<vmem_shared>> -> memref<32x128xf32, #tpu.memory_space<vmem_shared>>
      %dma_wait3A_461 = arith.constant 0 : i32
      %dma_wait3A_462 = tpu.memref_slice %arg10[%add3A_171, %dma_wait3A_461] : memref<10240x128xf32, #tpu.memory_space<vmem_shared>> -> memref<32x128xf32, #tpu.memory_space<vmem_shared>>
      tpu.wait_dma2 semaphore(%run_scoped3A : memref<!tpu.dma_semaphore, #tpu.memory_space<semaphore_mem>>) src(%arg9 : memref<32x128xf32, #tpu.memory_space<vmem>>) dst(%dma_wait3A_462 : memref<32x128xf32, #tpu.memory_space<vmem_shared>>)
      tpu.yield
    }) : () -> ()
    %mul3A_172 = arith.constant 640 : i32
    %mul3A_173 = arith.muli %arg1, %mul3A_172 : i32
    %add3A_174 = arith.constant 160 : i32
    %add3A_175 = arith.addi %mul3A_173, %add3A_174 : i32
    "tpu.region"() ({
      %run_scoped3A = tpu.sem_alloc : memref<!tpu.dma_semaphore, #tpu.memory_space<semaphore_mem>>
      %dma_start3A_456 = arith.constant 0 : i32
      %dma_start3A_457 = tpu.memref_slice %arg10[%add3A_175, %dma_start3A_456] : memref<10240x128xf32, #tpu.memory_space<vmem_shared>> -> memref<32x128xf32, #tpu.memory_space<vmem_shared>>
      %dma_start3A_458 = arith.constant 0 : i32
      %dma_start3A_459 = tpu.memref_slice %arg10[%add3A_175, %dma_start3A_458] : memref<10240x128xf32, #tpu.memory_space<vmem_shared>> -> memref<32x128xf32, #tpu.memory_space<vmem_shared>>
      tpu.enqueue_dma source(%arg9 : memref<32x128xf32, #tpu.memory_space<vmem>>) target(%dma_start3A_459 : memref<32x128xf32, #tpu.memory_space<vmem_shared>>) target_semaphore(%run_scoped3A : memref<!tpu.dma_semaphore, #tpu.memory_space<semaphore_mem>>)
      %dma_wait3A = arith.constant 0 : i32
      %dma_wait3A_460 = tpu.memref_slice %arg10[%add3A_175, %dma_wait3A] : memref<10240x128xf32, #tpu.memory_space<vmem_shared>> -> memref<32x128xf32, #tpu.memory_space<vmem_shared>>
      %dma_wait3A_461 = arith.constant 0 : i32
      %dma_wait3A_462 = tpu.memref_slice %arg10[%add3A_175, %dma_wait3A_461] : memref<10240x128xf32, #tpu.memory_space<vmem_shared>> -> memref<32x128xf32, #tpu.memory_space<vmem_shared>>
      tpu.wait_dma2 semaphore(%run_scoped3A : memref<!tpu.dma_semaphore, #tpu.memory_space<semaphore_mem>>) src(%arg9 : memref<32x128xf32, #tpu.memory_space<vmem>>) dst(%dma_wait3A_462 : memref<32x128xf32, #tpu.memory_space<vmem_shared>>)
      tpu.yield
    }) : () -> ()
    %mul3A_176 = arith.constant 640 : i32
    %mul3A_177 = arith.muli %arg1, %mul3A_176 : i32
    %add3A_178 = arith.constant 192 : i32
    %add3A_179 = arith.addi %mul3A_177, %add3A_178 : i32
    "tpu.region"() ({
      %run_scoped3A = tpu.sem_alloc : memref<!tpu.dma_semaphore, #tpu.memory_space<semaphore_mem>>
      %dma_start3A_456 = arith.constant 0 : i32
      %dma_start3A_457 = tpu.memref_slice %arg10[%add3A_179, %dma_start3A_456] : memref<10240x128xf32, #tpu.memory_space<vmem_shared>> -> memref<32x128xf32, #tpu.memory_space<vmem_shared>>
      %dma_start3A_458 = arith.constant 0 : i32
      %dma_start3A_459 = tpu.memref_slice %arg10[%add3A_179, %dma_start3A_458] : memref<10240x128xf32, #tpu.memory_space<vmem_shared>> -> memref<32x128xf32, #tpu.memory_space<vmem_shared>>
      tpu.enqueue_dma source(%arg9 : memref<32x128xf32, #tpu.memory_space<vmem>>) target(%dma_start3A_459 : memref<32x128xf32, #tpu.memory_space<vmem_shared>>) target_semaphore(%run_scoped3A : memref<!tpu.dma_semaphore, #tpu.memory_space<semaphore_mem>>)
      %dma_wait3A = arith.constant 0 : i32
      %dma_wait3A_460 = tpu.memref_slice %arg10[%add3A_179, %dma_wait3A] : memref<10240x128xf32, #tpu.memory_space<vmem_shared>> -> memref<32x128xf32, #tpu.memory_space<vmem_shared>>
      %dma_wait3A_461 = arith.constant 0 : i32
      %dma_wait3A_462 = tpu.memref_slice %arg10[%add3A_179, %dma_wait3A_461] : memref<10240x128xf32, #tpu.memory_space<vmem_shared>> -> memref<32x128xf32, #tpu.memory_space<vmem_shared>>
      tpu.wait_dma2 semaphore(%run_scoped3A : memref<!tpu.dma_semaphore, #tpu.memory_space<semaphore_mem>>) src(%arg9 : memref<32x128xf32, #tpu.memory_space<vmem>>) dst(%dma_wait3A_462 : memref<32x128xf32, #tpu.memory_space<vmem_shared>>)
      tpu.yield
    }) : () -> ()
    %mul3A_180 = arith.constant 640 : i32
    %mul3A_181 = arith.muli %arg1, %mul3A_180 : i32
    %add3A_182 = arith.constant 224 : i32
    %add3A_183 = arith.addi %mul3A_181, %add3A_182 : i32
    "tpu.region"() ({
      %run_scoped3A = tpu.sem_alloc : memref<!tpu.dma_semaphore, #tpu.memory_space<semaphore_mem>>
      %dma_start3A_456 = arith.constant 0 : i32
      %dma_start3A_457 = tpu.memref_slice %arg10[%add3A_183, %dma_start3A_456] : memref<10240x128xf32, #tpu.memory_space<vmem_shared>> -> memref<32x128xf32, #tpu.memory_space<vmem_shared>>
      %dma_start3A_458 = arith.constant 0 : i32
      %dma_start3A_459 = tpu.memref_slice %arg10[%add3A_183, %dma_start3A_458] : memref<10240x128xf32, #tpu.memory_space<vmem_shared>> -> memref<32x128xf32, #tpu.memory_space<vmem_shared>>
      tpu.enqueue_dma source(%arg9 : memref<32x128xf32, #tpu.memory_space<vmem>>) target(%dma_start3A_459 : memref<32x128xf32, #tpu.memory_space<vmem_shared>>) target_semaphore(%run_scoped3A : memref<!tpu.dma_semaphore, #tpu.memory_space<semaphore_mem>>)
      %dma_wait3A = arith.constant 0 : i32
      %dma_wait3A_460 = tpu.memref_slice %arg10[%add3A_183, %dma_wait3A] : memref<10240x128xf32, #tpu.memory_space<vmem_shared>> -> memref<32x128xf32, #tpu.memory_space<vmem_shared>>
      %dma_wait3A_461 = arith.constant 0 : i32
      %dma_wait3A_462 = tpu.memref_slice %arg10[%add3A_183, %dma_wait3A_461] : memref<10240x128xf32, #tpu.memory_space<vmem_shared>> -> memref<32x128xf32, #tpu.memory_space<vmem_shared>>
      tpu.wait_dma2 semaphore(%run_scoped3A : memref<!tpu.dma_semaphore, #tpu.memory_space<semaphore_mem>>) src(%arg9 : memref<32x128xf32, #tpu.memory_space<vmem>>) dst(%dma_wait3A_462 : memref<32x128xf32, #tpu.memory_space<vmem_shared>>)
      tpu.yield
    }) : () -> ()
    %mul3A_184 = arith.constant 640 : i32
    %mul3A_185 = arith.muli %arg1, %mul3A_184 : i32
    %add3A_186 = arith.constant 256 : i32
    %add3A_187 = arith.addi %mul3A_185, %add3A_186 : i32
    "tpu.region"() ({
      %run_scoped3A = tpu.sem_alloc : memref<!tpu.dma_semaphore, #tpu.memory_space<semaphore_mem>>
      %dma_start3A_456 = arith.constant 0 : i32
      %dma_start3A_457 = tpu.memref_slice %arg10[%add3A_187, %dma_start3A_456] : memref<10240x128xf32, #tpu.memory_space<vmem_shared>> -> memref<32x128xf32, #tpu.memory_space<vmem_shared>>
      %dma_start3A_458 = arith.constant 0 : i32
      %dma_start3A_459 = tpu.memref_slice %arg10[%add3A_187, %dma_start3A_458] : memref<10240x128xf32, #tpu.memory_space<vmem_shared>> -> memref<32x128xf32, #tpu.memory_space<vmem_shared>>
      tpu.enqueue_dma source(%arg9 : memref<32x128xf32, #tpu.memory_space<vmem>>) target(%dma_start3A_459 : memref<32x128xf32, #tpu.memory_space<vmem_shared>>) target_semaphore(%run_scoped3A : memref<!tpu.dma_semaphore, #tpu.memory_space<semaphore_mem>>)
      %dma_wait3A = arith.constant 0 : i32
      %dma_wait3A_460 = tpu.memref_slice %arg10[%add3A_187, %dma_wait3A] : memref<10240x128xf32, #tpu.memory_space<vmem_shared>> -> memref<32x128xf32, #tpu.memory_space<vmem_shared>>
      %dma_wait3A_461 = arith.constant 0 : i32
      %dma_wait3A_462 = tpu.memref_slice %arg10[%add3A_187, %dma_wait3A_461] : memref<10240x128xf32, #tpu.memory_space<vmem_shared>> -> memref<32x128xf32, #tpu.memory_space<vmem_shared>>
      tpu.wait_dma2 semaphore(%run_scoped3A : memref<!tpu.dma_semaphore, #tpu.memory_space<semaphore_mem>>) src(%arg9 : memref<32x128xf32, #tpu.memory_space<vmem>>) dst(%dma_wait3A_462 : memref<32x128xf32, #tpu.memory_space<vmem_shared>>)
      tpu.yield
    }) : () -> ()
    %mul3A_188 = arith.constant 640 : i32
    %mul3A_189 = arith.muli %arg1, %mul3A_188 : i32
    %add3A_190 = arith.constant 288 : i32
    %add3A_191 = arith.addi %mul3A_189, %add3A_190 : i32
    "tpu.region"() ({
      %run_scoped3A = tpu.sem_alloc : memref<!tpu.dma_semaphore, #tpu.memory_space<semaphore_mem>>
      %dma_start3A_456 = arith.constant 0 : i32
      %dma_start3A_457 = tpu.memref_slice %arg10[%add3A_191, %dma_start3A_456] : memref<10240x128xf32, #tpu.memory_space<vmem_shared>> -> memref<32x128xf32, #tpu.memory_space<vmem_shared>>
      %dma_start3A_458 = arith.constant 0 : i32
      %dma_start3A_459 = tpu.memref_slice %arg10[%add3A_191, %dma_start3A_458] : memref<10240x128xf32, #tpu.memory_space<vmem_shared>> -> memref<32x128xf32, #tpu.memory_space<vmem_shared>>
      tpu.enqueue_dma source(%arg9 : memref<32x128xf32, #tpu.memory_space<vmem>>) target(%dma_start3A_459 : memref<32x128xf32, #tpu.memory_space<vmem_shared>>) target_semaphore(%run_scoped3A : memref<!tpu.dma_semaphore, #tpu.memory_space<semaphore_mem>>)
      %dma_wait3A = arith.constant 0 : i32
      %dma_wait3A_460 = tpu.memref_slice %arg10[%add3A_191, %dma_wait3A] : memref<10240x128xf32, #tpu.memory_space<vmem_shared>> -> memref<32x128xf32, #tpu.memory_space<vmem_shared>>
      %dma_wait3A_461 = arith.constant 0 : i32
      %dma_wait3A_462 = tpu.memref_slice %arg10[%add3A_191, %dma_wait3A_461] : memref<10240x128xf32, #tpu.memory_space<vmem_shared>> -> memref<32x128xf32, #tpu.memory_space<vmem_shared>>
      tpu.wait_dma2 semaphore(%run_scoped3A : memref<!tpu.dma_semaphore, #tpu.memory_space<semaphore_mem>>) src(%arg9 : memref<32x128xf32, #tpu.memory_space<vmem>>) dst(%dma_wait3A_462 : memref<32x128xf32, #tpu.memory_space<vmem_shared>>)
      tpu.yield
    }) : () -> ()
    %mul3A_192 = arith.constant 640 : i32
    %mul3A_193 = arith.muli %arg1, %mul3A_192 : i32
    %add3A_194 = arith.constant 320 : i32
    %add3A_195 = arith.addi %mul3A_193, %add3A_194 : i32
    "tpu.region"() ({
      %run_scoped3A = tpu.sem_alloc : memref<!tpu.dma_semaphore, #tpu.memory_space<semaphore_mem>>
      %dma_start3A_456 = arith.constant 0 : i32
      %dma_start3A_457 = tpu.memref_slice %arg10[%add3A_195, %dma_start3A_456] : memref<10240x128xf32, #tpu.memory_space<vmem_shared>> -> memref<32x128xf32, #tpu.memory_space<vmem_shared>>
      %dma_start3A_458 = arith.constant 0 : i32
      %dma_start3A_459 = tpu.memref_slice %arg10[%add3A_195, %dma_start3A_458] : memref<10240x128xf32, #tpu.memory_space<vmem_shared>> -> memref<32x128xf32, #tpu.memory_space<vmem_shared>>
      tpu.enqueue_dma source(%arg9 : memref<32x128xf32, #tpu.memory_space<vmem>>) target(%dma_start3A_459 : memref<32x128xf32, #tpu.memory_space<vmem_shared>>) target_semaphore(%run_scoped3A : memref<!tpu.dma_semaphore, #tpu.memory_space<semaphore_mem>>)
      %dma_wait3A = arith.constant 0 : i32
      %dma_wait3A_460 = tpu.memref_slice %arg10[%add3A_195, %dma_wait3A] : memref<10240x128xf32, #tpu.memory_space<vmem_shared>> -> memref<32x128xf32, #tpu.memory_space<vmem_shared>>
      %dma_wait3A_461 = arith.constant 0 : i32
      %dma_wait3A_462 = tpu.memref_slice %arg10[%add3A_195, %dma_wait3A_461] : memref<10240x128xf32, #tpu.memory_space<vmem_shared>> -> memref<32x128xf32, #tpu.memory_space<vmem_shared>>
      tpu.wait_dma2 semaphore(%run_scoped3A : memref<!tpu.dma_semaphore, #tpu.memory_space<semaphore_mem>>) src(%arg9 : memref<32x128xf32, #tpu.memory_space<vmem>>) dst(%dma_wait3A_462 : memref<32x128xf32, #tpu.memory_space<vmem_shared>>)
      tpu.yield
    }) : () -> ()
    %mul3A_196 = arith.constant 640 : i32
    %mul3A_197 = arith.muli %arg1, %mul3A_196 : i32
    %add3A_198 = arith.constant 352 : i32
    %add3A_199 = arith.addi %mul3A_197, %add3A_198 : i32
    "tpu.region"() ({
      %run_scoped3A = tpu.sem_alloc : memref<!tpu.dma_semaphore, #tpu.memory_space<semaphore_mem>>
      %dma_start3A_456 = arith.constant 0 : i32
      %dma_start3A_457 = tpu.memref_slice %arg10[%add3A_199, %dma_start3A_456] : memref<10240x128xf32, #tpu.memory_space<vmem_shared>> -> memref<32x128xf32, #tpu.memory_space<vmem_shared>>
      %dma_start3A_458 = arith.constant 0 : i32
      %dma_start3A_459 = tpu.memref_slice %arg10[%add3A_199, %dma_start3A_458] : memref<10240x128xf32, #tpu.memory_space<vmem_shared>> -> memref<32x128xf32, #tpu.memory_space<vmem_shared>>
      tpu.enqueue_dma source(%arg9 : memref<32x128xf32, #tpu.memory_space<vmem>>) target(%dma_start3A_459 : memref<32x128xf32, #tpu.memory_space<vmem_shared>>) target_semaphore(%run_scoped3A : memref<!tpu.dma_semaphore, #tpu.memory_space<semaphore_mem>>)
      %dma_wait3A = arith.constant 0 : i32
      %dma_wait3A_460 = tpu.memref_slice %arg10[%add3A_199, %dma_wait3A] : memref<10240x128xf32, #tpu.memory_space<vmem_shared>> -> memref<32x128xf32, #tpu.memory_space<vmem_shared>>
      %dma_wait3A_461 = arith.constant 0 : i32
      %dma_wait3A_462 = tpu.memref_slice %arg10[%add3A_199, %dma_wait3A_461] : memref<10240x128xf32, #tpu.memory_space<vmem_shared>> -> memref<32x128xf32, #tpu.memory_space<vmem_shared>>
      tpu.wait_dma2 semaphore(%run_scoped3A : memref<!tpu.dma_semaphore, #tpu.memory_space<semaphore_mem>>) src(%arg9 : memref<32x128xf32, #tpu.memory_space<vmem>>) dst(%dma_wait3A_462 : memref<32x128xf32, #tpu.memory_space<vmem_shared>>)
      tpu.yield
    }) : () -> ()
    %mul3A_200 = arith.constant 640 : i32
    %mul3A_201 = arith.muli %arg1, %mul3A_200 : i32
    %add3A_202 = arith.constant 384 : i32
    %add3A_203 = arith.addi %mul3A_201, %add3A_202 : i32
    "tpu.region"() ({
      %run_scoped3A = tpu.sem_alloc : memref<!tpu.dma_semaphore, #tpu.memory_space<semaphore_mem>>
      %dma_start3A_456 = arith.constant 0 : i32
      %dma_start3A_457 = tpu.memref_slice %arg10[%add3A_203, %dma_start3A_456] : memref<10240x128xf32, #tpu.memory_space<vmem_shared>> -> memref<32x128xf32, #tpu.memory_space<vmem_shared>>
      %dma_start3A_458 = arith.constant 0 : i32
      %dma_start3A_459 = tpu.memref_slice %arg10[%add3A_203, %dma_start3A_458] : memref<10240x128xf32, #tpu.memory_space<vmem_shared>> -> memref<32x128xf32, #tpu.memory_space<vmem_shared>>
      tpu.enqueue_dma source(%arg9 : memref<32x128xf32, #tpu.memory_space<vmem>>) target(%dma_start3A_459 : memref<32x128xf32, #tpu.memory_space<vmem_shared>>) target_semaphore(%run_scoped3A : memref<!tpu.dma_semaphore, #tpu.memory_space<semaphore_mem>>)
      %dma_wait3A = arith.constant 0 : i32
      %dma_wait3A_460 = tpu.memref_slice %arg10[%add3A_203, %dma_wait3A] : memref<10240x128xf32, #tpu.memory_space<vmem_shared>> -> memref<32x128xf32, #tpu.memory_space<vmem_shared>>
      %dma_wait3A_461 = arith.constant 0 : i32
      %dma_wait3A_462 = tpu.memref_slice %arg10[%add3A_203, %dma_wait3A_461] : memref<10240x128xf32, #tpu.memory_space<vmem_shared>> -> memref<32x128xf32, #tpu.memory_space<vmem_shared>>
      tpu.wait_dma2 semaphore(%run_scoped3A : memref<!tpu.dma_semaphore, #tpu.memory_space<semaphore_mem>>) src(%arg9 : memref<32x128xf32, #tpu.memory_space<vmem>>) dst(%dma_wait3A_462 : memref<32x128xf32, #tpu.memory_space<vmem_shared>>)
      tpu.yield
    }) : () -> ()
    %mul3A_204 = arith.constant 640 : i32
    %mul3A_205 = arith.muli %arg1, %mul3A_204 : i32
    %add3A_206 = arith.constant 416 : i32
    %add3A_207 = arith.addi %mul3A_205, %add3A_206 : i32
    "tpu.region"() ({
      %run_scoped3A = tpu.sem_alloc : memref<!tpu.dma_semaphore, #tpu.memory_space<semaphore_mem>>
      %dma_start3A_456 = arith.constant 0 : i32
      %dma_start3A_457 = tpu.memref_slice %arg10[%add3A_207, %dma_start3A_456] : memref<10240x128xf32, #tpu.memory_space<vmem_shared>> -> memref<32x128xf32, #tpu.memory_space<vmem_shared>>
      %dma_start3A_458 = arith.constant 0 : i32
      %dma_start3A_459 = tpu.memref_slice %arg10[%add3A_207, %dma_start3A_458] : memref<10240x128xf32, #tpu.memory_space<vmem_shared>> -> memref<32x128xf32, #tpu.memory_space<vmem_shared>>
      tpu.enqueue_dma source(%arg9 : memref<32x128xf32, #tpu.memory_space<vmem>>) target(%dma_start3A_459 : memref<32x128xf32, #tpu.memory_space<vmem_shared>>) target_semaphore(%run_scoped3A : memref<!tpu.dma_semaphore, #tpu.memory_space<semaphore_mem>>)
      %dma_wait3A = arith.constant 0 : i32
      %dma_wait3A_460 = tpu.memref_slice %arg10[%add3A_207, %dma_wait3A] : memref<10240x128xf32, #tpu.memory_space<vmem_shared>> -> memref<32x128xf32, #tpu.memory_space<vmem_shared>>
      %dma_wait3A_461 = arith.constant 0 : i32
      %dma_wait3A_462 = tpu.memref_slice %arg10[%add3A_207, %dma_wait3A_461] : memref<10240x128xf32, #tpu.memory_space<vmem_shared>> -> memref<32x128xf32, #tpu.memory_space<vmem_shared>>
      tpu.wait_dma2 semaphore(%run_scoped3A : memref<!tpu.dma_semaphore, #tpu.memory_space<semaphore_mem>>) src(%arg9 : memref<32x128xf32, #tpu.memory_space<vmem>>) dst(%dma_wait3A_462 : memref<32x128xf32, #tpu.memory_space<vmem_shared>>)
      tpu.yield
    }) : () -> ()
    %mul3A_208 = arith.constant 640 : i32
    %mul3A_209 = arith.muli %arg1, %mul3A_208 : i32
    %add3A_210 = arith.constant 448 : i32
    %add3A_211 = arith.addi %mul3A_209, %add3A_210 : i32
    "tpu.region"() ({
      %run_scoped3A = tpu.sem_alloc : memref<!tpu.dma_semaphore, #tpu.memory_space<semaphore_mem>>
      %dma_start3A_456 = arith.constant 0 : i32
      %dma_start3A_457 = tpu.memref_slice %arg10[%add3A_211, %dma_start3A_456] : memref<10240x128xf32, #tpu.memory_space<vmem_shared>> -> memref<32x128xf32, #tpu.memory_space<vmem_shared>>
      %dma_start3A_458 = arith.constant 0 : i32
      %dma_start3A_459 = tpu.memref_slice %arg10[%add3A_211, %dma_start3A_458] : memref<10240x128xf32, #tpu.memory_space<vmem_shared>> -> memref<32x128xf32, #tpu.memory_space<vmem_shared>>
      tpu.enqueue_dma source(%arg9 : memref<32x128xf32, #tpu.memory_space<vmem>>) target(%dma_start3A_459 : memref<32x128xf32, #tpu.memory_space<vmem_shared>>) target_semaphore(%run_scoped3A : memref<!tpu.dma_semaphore, #tpu.memory_space<semaphore_mem>>)
      %dma_wait3A = arith.constant 0 : i32
      %dma_wait3A_460 = tpu.memref_slice %arg10[%add3A_211, %dma_wait3A] : memref<10240x128xf32, #tpu.memory_space<vmem_shared>> -> memref<32x128xf32, #tpu.memory_space<vmem_shared>>
      %dma_wait3A_461 = arith.constant 0 : i32
      %dma_wait3A_462 = tpu.memref_slice %arg10[%add3A_211, %dma_wait3A_461] : memref<10240x128xf32, #tpu.memory_space<vmem_shared>> -> memref<32x128xf32, #tpu.memory_space<vmem_shared>>
      tpu.wait_dma2 semaphore(%run_scoped3A : memref<!tpu.dma_semaphore, #tpu.memory_space<semaphore_mem>>) src(%arg9 : memref<32x128xf32, #tpu.memory_space<vmem>>) dst(%dma_wait3A_462 : memref<32x128xf32, #tpu.memory_space<vmem_shared>>)
      tpu.yield
    }) : () -> ()
    %mul3A_212 = arith.constant 640 : i32
    %mul3A_213 = arith.muli %arg1, %mul3A_212 : i32
    %add3A_214 = arith.constant 480 : i32
    %add3A_215 = arith.addi %mul3A_213, %add3A_214 : i32
    "tpu.region"() ({
      %run_scoped3A = tpu.sem_alloc : memref<!tpu.dma_semaphore, #tpu.memory_space<semaphore_mem>>
      %dma_start3A_456 = arith.constant 0 : i32
      %dma_start3A_457 = tpu.memref_slice %arg10[%add3A_215, %dma_start3A_456] : memref<10240x128xf32, #tpu.memory_space<vmem_shared>> -> memref<32x128xf32, #tpu.memory_space<vmem_shared>>
      %dma_start3A_458 = arith.constant 0 : i32
      %dma_start3A_459 = tpu.memref_slice %arg10[%add3A_215, %dma_start3A_458] : memref<10240x128xf32, #tpu.memory_space<vmem_shared>> -> memref<32x128xf32, #tpu.memory_space<vmem_shared>>
      tpu.enqueue_dma source(%arg9 : memref<32x128xf32, #tpu.memory_space<vmem>>) target(%dma_start3A_459 : memref<32x128xf32, #tpu.memory_space<vmem_shared>>) target_semaphore(%run_scoped3A : memref<!tpu.dma_semaphore, #tpu.memory_space<semaphore_mem>>)
      %dma_wait3A = arith.constant 0 : i32
      %dma_wait3A_460 = tpu.memref_slice %arg10[%add3A_215, %dma_wait3A] : memref<10240x128xf32, #tpu.memory_space<vmem_shared>> -> memref<32x128xf32, #tpu.memory_space<vmem_shared>>
      %dma_wait3A_461 = arith.constant 0 : i32
      %dma_wait3A_462 = tpu.memref_slice %arg10[%add3A_215, %dma_wait3A_461] : memref<10240x128xf32, #tpu.memory_space<vmem_shared>> -> memref<32x128xf32, #tpu.memory_space<vmem_shared>>
      tpu.wait_dma2 semaphore(%run_scoped3A : memref<!tpu.dma_semaphore, #tpu.memory_space<semaphore_mem>>) src(%arg9 : memref<32x128xf32, #tpu.memory_space<vmem>>) dst(%dma_wait3A_462 : memref<32x128xf32, #tpu.memory_space<vmem_shared>>)
      tpu.yield
    }) : () -> ()
    %mul3A_216 = arith.constant 640 : i32
    %mul3A_217 = arith.muli %arg1, %mul3A_216 : i32
    %add3A_218 = arith.constant 512 : i32
    %add3A_219 = arith.addi %mul3A_217, %add3A_218 : i32
    "tpu.region"() ({
      %run_scoped3A = tpu.sem_alloc : memref<!tpu.dma_semaphore, #tpu.memory_space<semaphore_mem>>
      %dma_start3A_456 = arith.constant 0 : i32
      %dma_start3A_457 = tpu.memref_slice %arg10[%add3A_219, %dma_start3A_456] : memref<10240x128xf32, #tpu.memory_space<vmem_shared>> -> memref<32x128xf32, #tpu.memory_space<vmem_shared>>
      %dma_start3A_458 = arith.constant 0 : i32
      %dma_start3A_459 = tpu.memref_slice %arg10[%add3A_219, %dma_start3A_458] : memref<10240x128xf32, #tpu.memory_space<vmem_shared>> -> memref<32x128xf32, #tpu.memory_space<vmem_shared>>
      tpu.enqueue_dma source(%arg9 : memref<32x128xf32, #tpu.memory_space<vmem>>) target(%dma_start3A_459 : memref<32x128xf32, #tpu.memory_space<vmem_shared>>) target_semaphore(%run_scoped3A : memref<!tpu.dma_semaphore, #tpu.memory_space<semaphore_mem>>)
      %dma_wait3A = arith.constant 0 : i32
      %dma_wait3A_460 = tpu.memref_slice %arg10[%add3A_219, %dma_wait3A] : memref<10240x128xf32, #tpu.memory_space<vmem_shared>> -> memref<32x128xf32, #tpu.memory_space<vmem_shared>>
      %dma_wait3A_461 = arith.constant 0 : i32
      %dma_wait3A_462 = tpu.memref_slice %arg10[%add3A_219, %dma_wait3A_461] : memref<10240x128xf32, #tpu.memory_space<vmem_shared>> -> memref<32x128xf32, #tpu.memory_space<vmem_shared>>
      tpu.wait_dma2 semaphore(%run_scoped3A : memref<!tpu.dma_semaphore, #tpu.memory_space<semaphore_mem>>) src(%arg9 : memref<32x128xf32, #tpu.memory_space<vmem>>) dst(%dma_wait3A_462 : memref<32x128xf32, #tpu.memory_space<vmem_shared>>)
      tpu.yield
    }) : () -> ()
    %mul3A_220 = arith.constant 640 : i32
    %mul3A_221 = arith.muli %arg1, %mul3A_220 : i32
    %add3A_222 = arith.constant 544 : i32
    %add3A_223 = arith.addi %mul3A_221, %add3A_222 : i32
    "tpu.region"() ({
      %run_scoped3A = tpu.sem_alloc : memref<!tpu.dma_semaphore, #tpu.memory_space<semaphore_mem>>
      %dma_start3A_456 = arith.constant 0 : i32
      %dma_start3A_457 = tpu.memref_slice %arg10[%add3A_223, %dma_start3A_456] : memref<10240x128xf32, #tpu.memory_space<vmem_shared>> -> memref<32x128xf32, #tpu.memory_space<vmem_shared>>
      %dma_start3A_458 = arith.constant 0 : i32
      %dma_start3A_459 = tpu.memref_slice %arg10[%add3A_223, %dma_start3A_458] : memref<10240x128xf32, #tpu.memory_space<vmem_shared>> -> memref<32x128xf32, #tpu.memory_space<vmem_shared>>
      tpu.enqueue_dma source(%arg9 : memref<32x128xf32, #tpu.memory_space<vmem>>) target(%dma_start3A_459 : memref<32x128xf32, #tpu.memory_space<vmem_shared>>) target_semaphore(%run_scoped3A : memref<!tpu.dma_semaphore, #tpu.memory_space<semaphore_mem>>)
      %dma_wait3A = arith.constant 0 : i32
      %dma_wait3A_460 = tpu.memref_slice %arg10[%add3A_223, %dma_wait3A] : memref<10240x128xf32, #tpu.memory_space<vmem_shared>> -> memref<32x128xf32, #tpu.memory_space<vmem_shared>>
      %dma_wait3A_461 = arith.constant 0 : i32
      %dma_wait3A_462 = tpu.memref_slice %arg10[%add3A_223, %dma_wait3A_461] : memref<10240x128xf32, #tpu.memory_space<vmem_shared>> -> memref<32x128xf32, #tpu.memory_space<vmem_shared>>
      tpu.wait_dma2 semaphore(%run_scoped3A : memref<!tpu.dma_semaphore, #tpu.memory_space<semaphore_mem>>) src(%arg9 : memref<32x128xf32, #tpu.memory_space<vmem>>) dst(%dma_wait3A_462 : memref<32x128xf32, #tpu.memory_space<vmem_shared>>)
      tpu.yield
    }) : () -> ()
    %mul3A_224 = arith.constant 640 : i32
    %mul3A_225 = arith.muli %arg1, %mul3A_224 : i32
    %add3A_226 = arith.constant 576 : i32
    %add3A_227 = arith.addi %mul3A_225, %add3A_226 : i32
    "tpu.region"() ({
      %run_scoped3A = tpu.sem_alloc : memref<!tpu.dma_semaphore, #tpu.memory_space<semaphore_mem>>
      %dma_start3A_456 = arith.constant 0 : i32
      %dma_start3A_457 = tpu.memref_slice %arg10[%add3A_227, %dma_start3A_456] : memref<10240x128xf32, #tpu.memory_space<vmem_shared>> -> memref<32x128xf32, #tpu.memory_space<vmem_shared>>
      %dma_start3A_458 = arith.constant 0 : i32
      %dma_start3A_459 = tpu.memref_slice %arg10[%add3A_227, %dma_start3A_458] : memref<10240x128xf32, #tpu.memory_space<vmem_shared>> -> memref<32x128xf32, #tpu.memory_space<vmem_shared>>
      tpu.enqueue_dma source(%arg9 : memref<32x128xf32, #tpu.memory_space<vmem>>) target(%dma_start3A_459 : memref<32x128xf32, #tpu.memory_space<vmem_shared>>) target_semaphore(%run_scoped3A : memref<!tpu.dma_semaphore, #tpu.memory_space<semaphore_mem>>)
      %dma_wait3A = arith.constant 0 : i32
      %dma_wait3A_460 = tpu.memref_slice %arg10[%add3A_227, %dma_wait3A] : memref<10240x128xf32, #tpu.memory_space<vmem_shared>> -> memref<32x128xf32, #tpu.memory_space<vmem_shared>>
      %dma_wait3A_461 = arith.constant 0 : i32
      %dma_wait3A_462 = tpu.memref_slice %arg10[%add3A_227, %dma_wait3A_461] : memref<10240x128xf32, #tpu.memory_space<vmem_shared>> -> memref<32x128xf32, #tpu.memory_space<vmem_shared>>
      tpu.wait_dma2 semaphore(%run_scoped3A : memref<!tpu.dma_semaphore, #tpu.memory_space<semaphore_mem>>) src(%arg9 : memref<32x128xf32, #tpu.memory_space<vmem>>) dst(%dma_wait3A_462 : memref<32x128xf32, #tpu.memory_space<vmem_shared>>)
      tpu.yield
    }) : () -> ()
    %mul3A_228 = arith.constant 640 : i32
    %mul3A_229 = arith.muli %arg1, %mul3A_228 : i32
    %add3A_230 = arith.constant 608 : i32
    %add3A_231 = arith.addi %mul3A_229, %add3A_230 : i32
    "tpu.region"() ({
      %run_scoped3A = tpu.sem_alloc : memref<!tpu.dma_semaphore, #tpu.memory_space<semaphore_mem>>
      %dma_start3A_456 = arith.constant 0 : i32
      %dma_start3A_457 = tpu.memref_slice %arg10[%add3A_231, %dma_start3A_456] : memref<10240x128xf32, #tpu.memory_space<vmem_shared>> -> memref<32x128xf32, #tpu.memory_space<vmem_shared>>
      %dma_start3A_458 = arith.constant 0 : i32
      %dma_start3A_459 = tpu.memref_slice %arg10[%add3A_231, %dma_start3A_458] : memref<10240x128xf32, #tpu.memory_space<vmem_shared>> -> memref<32x128xf32, #tpu.memory_space<vmem_shared>>
      tpu.enqueue_dma source(%arg9 : memref<32x128xf32, #tpu.memory_space<vmem>>) target(%dma_start3A_459 : memref<32x128xf32, #tpu.memory_space<vmem_shared>>) target_semaphore(%run_scoped3A : memref<!tpu.dma_semaphore, #tpu.memory_space<semaphore_mem>>)
      %dma_wait3A = arith.constant 0 : i32
      %dma_wait3A_460 = tpu.memref_slice %arg10[%add3A_231, %dma_wait3A] : memref<10240x128xf32, #tpu.memory_space<vmem_shared>> -> memref<32x128xf32, #tpu.memory_space<vmem_shared>>
      %dma_wait3A_461 = arith.constant 0 : i32
      %dma_wait3A_462 = tpu.memref_slice %arg10[%add3A_231, %dma_wait3A_461] : memref<10240x128xf32, #tpu.memory_space<vmem_shared>> -> memref<32x128xf32, #tpu.memory_space<vmem_shared>>
      tpu.wait_dma2 semaphore(%run_scoped3A : memref<!tpu.dma_semaphore, #tpu.memory_space<semaphore_mem>>) src(%arg9 : memref<32x128xf32, #tpu.memory_space<vmem>>) dst(%dma_wait3A_462 : memref<32x128xf32, #tpu.memory_space<vmem_shared>>)
      tpu.yield
    }) : () -> ()
    %barrier3A_232 = arith.constant 0 : index
    tpu.barrier barrier_id(%barrier3A_232)
    %add3A_233 = arith.constant 2 : i32
    %add3A_234 = arith.addi %add3A_233, %arg0 : i32
    %mul3A_235 = arith.constant 16 : i32
    %mul3A_236 = arith.muli %add3A_234, %mul3A_235 : i32
    %add3A_237 = arith.addi %mul3A_236, %arg1 : i32
    %mul3A_238 = arith.constant 10240 : i32
    %mul3A_239 = arith.muli %add3A_237, %mul3A_238 : i32
    %add3A_240 = arith.constant 0 : i32
    %add3A_241 = arith.addi %mul3A_239, %add3A_240 : i32
    "tpu.region"() ({
      %run_scoped3A = tpu.sem_alloc : memref<!tpu.dma_semaphore, #tpu.memory_space<semaphore_mem>>
      %dma_start3A_456 = tpu.memref_slice %arg3[%add3A_241] : memref<983040xi32, #tpu.memory_space<hbm>> -> memref<5120xi32, #tpu.memory_space<hbm>>
      %dma_start3A_457 = tpu.memref_slice %arg3[%add3A_241] : memref<983040xi32, #tpu.memory_space<hbm>> -> memref<5120xi32, #tpu.memory_space<hbm>>
      tpu.enqueue_dma source(%dma_start3A_457 : memref<5120xi32, #tpu.memory_space<hbm>>) target(%arg6 : memref<5120xi32, #tpu.memory_space<vmem>>) target_semaphore(%run_scoped3A : memref<!tpu.dma_semaphore, #tpu.memory_space<semaphore_mem>>)
      %dma_wait3A = tpu.memref_slice %arg3[%add3A_241] : memref<983040xi32, #tpu.memory_space<hbm>> -> memref<5120xi32, #tpu.memory_space<hbm>>
      %dma_wait3A_458 = tpu.memref_slice %arg3[%add3A_241] : memref<983040xi32, #tpu.memory_space<hbm>> -> memref<5120xi32, #tpu.memory_space<hbm>>
      tpu.wait_dma2 semaphore(%run_scoped3A : memref<!tpu.dma_semaphore, #tpu.memory_space<semaphore_mem>>) src(%dma_wait3A_458 : memref<5120xi32, #tpu.memory_space<hbm>>) dst(%arg6 : memref<5120xi32, #tpu.memory_space<vmem>>)
      tpu.yield
    }) : () -> ()
    "tpu.region"() ({
      %run_scoped3A = tpu.sem_alloc : memref<!tpu.dma_semaphore, #tpu.memory_space<semaphore_mem>>
      %dma_start3A_456 = tpu.memref_slice %arg4[%add3A_241] : memref<983040xi32, #tpu.memory_space<hbm>> -> memref<5120xi32, #tpu.memory_space<hbm>>
      %dma_start3A_457 = tpu.memref_slice %arg4[%add3A_241] : memref<983040xi32, #tpu.memory_space<hbm>> -> memref<5120xi32, #tpu.memory_space<hbm>>
      tpu.enqueue_dma source(%dma_start3A_457 : memref<5120xi32, #tpu.memory_space<hbm>>) target(%arg7 : memref<5120xi32, #tpu.memory_space<vmem>>) target_semaphore(%run_scoped3A : memref<!tpu.dma_semaphore, #tpu.memory_space<semaphore_mem>>)
      %dma_wait3A = tpu.memref_slice %arg4[%add3A_241] : memref<983040xi32, #tpu.memory_space<hbm>> -> memref<5120xi32, #tpu.memory_space<hbm>>
      %dma_wait3A_458 = tpu.memref_slice %arg4[%add3A_241] : memref<983040xi32, #tpu.memory_space<hbm>> -> memref<5120xi32, #tpu.memory_space<hbm>>
      tpu.wait_dma2 semaphore(%run_scoped3A : memref<!tpu.dma_semaphore, #tpu.memory_space<semaphore_mem>>) src(%dma_wait3A_458 : memref<5120xi32, #tpu.memory_space<hbm>>) dst(%arg7 : memref<5120xi32, #tpu.memory_space<vmem>>)
      tpu.yield
    }) : () -> ()
    %dma_start3A_242 = arith.constant 0 : i32
    %dma_start3A_243 = arith.constant 0 : i32
    %dma_start3A_244 = arith.constant 0 : i32
    %dma_start3A_245 = tpu.memref_slice %arg8[%dma_start3A_242, %dma_start3A_243, %dma_start3A_244] : memref<2x128x128xf32, #tpu.memory_space<vmem>> -> memref<1x128x128xf32, #tpu.memory_space<vmem>>
    %dma_start3A_246 = tpu.memref_squeeze %dma_start3A_245 : memref<1x128x128xf32, #tpu.memory_space<vmem>> -> memref<128x128xf32, #tpu.memory_space<vmem>>
    %dma_start3A_247 = arith.constant 0 : i32
    %dma_start3A_248 = tpu.memref_slice %arg6[%dma_start3A_247] : memref<5120xi32, #tpu.memory_space<vmem>> -> memref<128xi32, #tpu.memory_space<vmem>>
    %dma_start3A_249 = arith.constant 0 : i32
    %dma_start3A_250 = arith.constant 0 : i32
    %dma_start3A_251 = tpu.memref_slice %arg2[%dma_start3A_249, %dma_start3A_250] : memref<30000x128xf32, #tpu.memory_space<hbm>> -> memref<30000x128xf32, #tpu.memory_space<hbm>>
    tpu.enqueue_indirect_dma source(%dma_start3A_251 : memref<30000x128xf32, #tpu.memory_space<hbm>>) target(%dma_start3A_246 : memref<128x128xf32, #tpu.memory_space<vmem>>) offsets(%dma_start3A_248 : memref<128xi32, #tpu.memory_space<vmem>>) semaphore(%arg11 : memref<!tpu.dma_semaphore, #tpu.memory_space<semaphore_mem>>)
    %dma_start3A_252 = arith.constant 1 : i32
    %dma_start3A_253 = arith.constant 0 : i32
    %dma_start3A_254 = arith.constant 0 : i32
    %dma_start3A_255 = tpu.memref_slice %arg8[%dma_start3A_252, %dma_start3A_253, %dma_start3A_254] : memref<2x128x128xf32, #tpu.memory_space<vmem>> -> memref<1x128x128xf32, #tpu.memory_space<vmem>>
    %dma_start3A_256 = tpu.memref_squeeze %dma_start3A_255 : memref<1x128x128xf32, #tpu.memory_space<vmem>> -> memref<128x128xf32, #tpu.memory_space<vmem>>
    %dma_start3A_257 = arith.constant 128 : i32
    %dma_start3A_258 = tpu.memref_slice %arg6[%dma_start3A_257] : memref<5120xi32, #tpu.memory_space<vmem>> -> memref<128xi32, #tpu.memory_space<vmem>>
    %dma_start3A_259 = arith.constant 0 : i32
    %dma_start3A_260 = arith.constant 0 : i32
    %dma_start3A_261 = tpu.memref_slice %arg2[%dma_start3A_259, %dma_start3A_260] : memref<30000x128xf32, #tpu.memory_space<hbm>> -> memref<30000x128xf32, #tpu.memory_space<hbm>>
    tpu.enqueue_indirect_dma source(%dma_start3A_261 : memref<30000x128xf32, #tpu.memory_space<hbm>>) target(%dma_start3A_256 : memref<128x128xf32, #tpu.memory_space<vmem>>) offsets(%dma_start3A_258 : memref<128xi32, #tpu.memory_space<vmem>>) semaphore(%arg12 : memref<!tpu.dma_semaphore, #tpu.memory_space<semaphore_mem>>)
    %scan3A_262 = arith.constant 0 : i32
    %scan3A_263 = arith.constant 20 : i32
    %scan3A_264 = arith.addi %scan3A_262, %scan3A_263 : i32
    %scan3A_265 = arith.constant 1 : i32
    scf.for %scan3A_456 = %scan3A_262 to %scan3A_264 step %scan3A_265  : i32 {
      %mul3A_457 = arith.constant 1 : i32
      %mul3A_458 = arith.muli %scan3A_456, %mul3A_457 : i32
      %add3A_459 = arith.constant 0 : i32
      %add3A_460 = arith.addi %add3A_459, %mul3A_458 : i32
      %mul3A_461 = arith.constant 2 : i32
      %mul3A_462 = arith.muli %add3A_460, %mul3A_461 : i32
      %add3A_463 = arith.constant 0 : i32
      %add3A_464 = arith.addi %mul3A_462, %add3A_463 : i32
      %dma_wait3A = arith.constant 0 : i32
      %dma_wait3A_465 = arith.constant 0 : i32
      %dma_wait3A_466 = arith.constant 0 : i32
      %dma_wait3A_467 = tpu.memref_slice %arg8[%dma_wait3A, %dma_wait3A_465, %dma_wait3A_466] : memref<2x128x128xf32, #tpu.memory_space<vmem>> -> memref<1x128x128xf32, #tpu.memory_space<vmem>>
      %dma_wait3A_468 = tpu.memref_squeeze %dma_wait3A_467 : memref<1x128x128xf32, #tpu.memory_space<vmem>> -> memref<128x128xf32, #tpu.memory_space<vmem>>
      %dma_wait3A_469 = arith.constant 0 : i32
      %dma_wait3A_470 = arith.constant 0 : i32
      %dma_wait3A_471 = tpu.memref_slice %arg2[%dma_wait3A_469, %dma_wait3A_470] : memref<30000x128xf32, #tpu.memory_space<hbm>> -> memref<128x128xf32, #tpu.memory_space<hbm>>
      %dma_wait3A_472 = arith.constant 0 : i32
      %dma_wait3A_473 = arith.constant 0 : i32
      %dma_wait3A_474 = tpu.memref_slice %arg8[%dma_wait3A, %dma_wait3A_472, %dma_wait3A_473] : memref<2x128x128xf32, #tpu.memory_space<vmem>> -> memref<1x128x128xf32, #tpu.memory_space<vmem>>
      %dma_wait3A_475 = tpu.memref_squeeze %dma_wait3A_474 : memref<1x128x128xf32, #tpu.memory_space<vmem>> -> memref<128x128xf32, #tpu.memory_space<vmem>>
      %dma_wait3A_476 = arith.constant 0 : i32
      %dma_wait3A_477 = arith.constant 0 : i32
      %dma_wait3A_478 = tpu.memref_slice %arg2[%dma_wait3A_476, %dma_wait3A_477] : memref<30000x128xf32, #tpu.memory_space<hbm>> -> memref<128x128xf32, #tpu.memory_space<hbm>>
      tpu.wait_dma2 semaphore(%arg11 : memref<!tpu.dma_semaphore, #tpu.memory_space<semaphore_mem>>) src(%dma_wait3A_478 : memref<128x128xf32, #tpu.memory_space<hbm>>) dst(%dma_wait3A_475 : memref<128x128xf32, #tpu.memory_space<vmem>>)
      %mul3A_479 = arith.constant 128 : i32
      %mul3A_480 = arith.muli %add3A_464, %mul3A_479 : i32
      %run_scoped3A = arith.constant 0 : i32
      "tpu.region"() ({
        %run_scoped3A_514 = tpu.sem_alloc : memref<!tpu.dma_semaphore, #tpu.memory_space<semaphore_mem>>
        %dma_start3A_515 = arith.constant 0 : i32
        %dma_start3A_516 = arith.constant 0 : i32
        %dma_start3A_517 = tpu.memref_slice %arg8[%run_scoped3A, %dma_start3A_515, %dma_start3A_516] : memref<2x128x128xf32, #tpu.memory_space<vmem>> -> memref<1x128x128xf32, #tpu.memory_space<vmem>>
        %dma_start3A_518 = tpu.memref_squeeze %dma_start3A_517 : memref<1x128x128xf32, #tpu.memory_space<vmem>> -> memref<128x128xf32, #tpu.memory_space<vmem>>
        %dma_start3A_519 = tpu.memref_slice %arg7[%mul3A_480] : memref<5120xi32, #tpu.memory_space<vmem>> -> memref<128xi32, #tpu.memory_space<vmem>>
        %dma_start3A_520 = arith.constant 0 : i32
        %dma_start3A_521 = arith.constant 0 : i32
        %dma_start3A_522 = tpu.memref_slice %arg10[%dma_start3A_520, %dma_start3A_521] : memref<10240x128xf32, #tpu.memory_space<vmem_shared>> -> memref<10240x128xf32, #tpu.memory_space<vmem_shared>>
        tpu.enqueue_indirect_dma source(%dma_start3A_518 : memref<128x128xf32, #tpu.memory_space<vmem>>) target(%dma_start3A_522 : memref<10240x128xf32, #tpu.memory_space<vmem_shared>>) offsets(%dma_start3A_519 : memref<128xi32, #tpu.memory_space<vmem>>) semaphore(%run_scoped3A_514 : memref<!tpu.dma_semaphore, #tpu.memory_space<semaphore_mem>>) {add = true}
        %dma_wait3A_523 = arith.constant 0 : i32
        %dma_wait3A_524 = arith.constant 0 : i32
        %dma_wait3A_525 = tpu.memref_slice %arg8[%run_scoped3A, %dma_wait3A_523, %dma_wait3A_524] : memref<2x128x128xf32, #tpu.memory_space<vmem>> -> memref<1x128x128xf32, #tpu.memory_space<vmem>>
        %dma_wait3A_526 = tpu.memref_squeeze %dma_wait3A_525 : memref<1x128x128xf32, #tpu.memory_space<vmem>> -> memref<128x128xf32, #tpu.memory_space<vmem>>
        %dma_wait3A_527 = tpu.memref_slice %arg7[%mul3A_480] : memref<5120xi32, #tpu.memory_space<vmem>> -> memref<128xi32, #tpu.memory_space<vmem>>
        %dma_wait3A_528 = arith.constant 0 : i32
        %dma_wait3A_529 = arith.constant 0 : i32
        %dma_wait3A_530 = tpu.memref_slice %arg10[%dma_wait3A_528, %dma_wait3A_529] : memref<10240x128xf32, #tpu.memory_space<vmem_shared>> -> memref<10240x128xf32, #tpu.memory_space<vmem_shared>>
        tpu.wait_indirect_dma semaphore(%run_scoped3A_514 : memref<!tpu.dma_semaphore, #tpu.memory_space<semaphore_mem>>) src(%dma_wait3A_526 : memref<128x128xf32, #tpu.memory_space<vmem>>) dst(%dma_wait3A_530 : memref<10240x128xf32, #tpu.memory_space<vmem_shared>>)
        tpu.yield
      }) : () -> ()
      %add3A_481 = arith.constant 2 : i32
      %add3A_482 = arith.addi %add3A_464, %add3A_481 : i32
      %lt3A = arith.constant 40 : i32
      %lt3A_483 = arith.cmpi slt, %add3A_482, %lt3A : i32
      %convert_element_type3A = arith.extui %lt3A_483 : i1 to i32
      %cond3A = arith.constant 0 : i32
      %cond3A_484 = arith.cmpi ne, %convert_element_type3A, %cond3A : i32
      scf.if %cond3A_484 {
        %add3A_514 = arith.constant 2 : i32
        %add3A_515 = arith.addi %add3A_464, %add3A_514 : i32
        %mul3A_516 = arith.constant 128 : i32
        %mul3A_517 = arith.muli %add3A_515, %mul3A_516 : i32
        %dma_start3A_518 = arith.constant 0 : i32
        %dma_start3A_519 = arith.constant 0 : i32
        %dma_start3A_520 = arith.constant 0 : i32
        %dma_start3A_521 = tpu.memref_slice %arg8[%dma_start3A_518, %dma_start3A_519, %dma_start3A_520] : memref<2x128x128xf32, #tpu.memory_space<vmem>> -> memref<1x128x128xf32, #tpu.memory_space<vmem>>
        %dma_start3A_522 = tpu.memref_squeeze %dma_start3A_521 : memref<1x128x128xf32, #tpu.memory_space<vmem>> -> memref<128x128xf32, #tpu.memory_space<vmem>>
        %dma_start3A_523 = tpu.memref_slice %arg6[%mul3A_517] : memref<5120xi32, #tpu.memory_space<vmem>> -> memref<128xi32, #tpu.memory_space<vmem>>
        %dma_start3A_524 = arith.constant 0 : i32
        %dma_start3A_525 = arith.constant 0 : i32
        %dma_start3A_526 = tpu.memref_slice %arg2[%dma_start3A_524, %dma_start3A_525] : memref<30000x128xf32, #tpu.memory_space<hbm>> -> memref<30000x128xf32, #tpu.memory_space<hbm>>
        tpu.enqueue_indirect_dma source(%dma_start3A_526 : memref<30000x128xf32, #tpu.memory_space<hbm>>) target(%dma_start3A_522 : memref<128x128xf32, #tpu.memory_space<vmem>>) offsets(%dma_start3A_523 : memref<128xi32, #tpu.memory_space<vmem>>) semaphore(%arg11 : memref<!tpu.dma_semaphore, #tpu.memory_space<semaphore_mem>>)
      } else {
      }
      %mul3A_485 = arith.constant 2 : i32
      %mul3A_486 = arith.muli %add3A_460, %mul3A_485 : i32
      %add3A_487 = arith.constant 1 : i32
      %add3A_488 = arith.addi %mul3A_486, %add3A_487 : i32
      %dma_wait3A_489 = arith.constant 1 : i32
      %dma_wait3A_490 = arith.constant 0 : i32
      %dma_wait3A_491 = arith.constant 0 : i32
      %dma_wait3A_492 = tpu.memref_slice %arg8[%dma_wait3A_489, %dma_wait3A_490, %dma_wait3A_491] : memref<2x128x128xf32, #tpu.memory_space<vmem>> -> memref<1x128x128xf32, #tpu.memory_space<vmem>>
      %dma_wait3A_493 = tpu.memref_squeeze %dma_wait3A_492 : memref<1x128x128xf32, #tpu.memory_space<vmem>> -> memref<128x128xf32, #tpu.memory_space<vmem>>
      %dma_wait3A_494 = arith.constant 0 : i32
      %dma_wait3A_495 = arith.constant 0 : i32
      %dma_wait3A_496 = tpu.memref_slice %arg2[%dma_wait3A_494, %dma_wait3A_495] : memref<30000x128xf32, #tpu.memory_space<hbm>> -> memref<128x128xf32, #tpu.memory_space<hbm>>
      %dma_wait3A_497 = arith.constant 0 : i32
      %dma_wait3A_498 = arith.constant 0 : i32
      %dma_wait3A_499 = tpu.memref_slice %arg8[%dma_wait3A_489, %dma_wait3A_497, %dma_wait3A_498] : memref<2x128x128xf32, #tpu.memory_space<vmem>> -> memref<1x128x128xf32, #tpu.memory_space<vmem>>
      %dma_wait3A_500 = tpu.memref_squeeze %dma_wait3A_499 : memref<1x128x128xf32, #tpu.memory_space<vmem>> -> memref<128x128xf32, #tpu.memory_space<vmem>>
      %dma_wait3A_501 = arith.constant 0 : i32
      %dma_wait3A_502 = arith.constant 0 : i32
      %dma_wait3A_503 = tpu.memref_slice %arg2[%dma_wait3A_501, %dma_wait3A_502] : memref<30000x128xf32, #tpu.memory_space<hbm>> -> memref<128x128xf32, #tpu.memory_space<hbm>>
      tpu.wait_dma2 semaphore(%arg12 : memref<!tpu.dma_semaphore, #tpu.memory_space<semaphore_mem>>) src(%dma_wait3A_503 : memref<128x128xf32, #tpu.memory_space<hbm>>) dst(%dma_wait3A_500 : memref<128x128xf32, #tpu.memory_space<vmem>>)
      %mul3A_504 = arith.constant 128 : i32
      %mul3A_505 = arith.muli %add3A_488, %mul3A_504 : i32
      %run_scoped3A_506 = arith.constant 1 : i32
      "tpu.region"() ({
        %run_scoped3A_514 = tpu.sem_alloc : memref<!tpu.dma_semaphore, #tpu.memory_space<semaphore_mem>>
        %dma_start3A_515 = arith.constant 0 : i32
        %dma_start3A_516 = arith.constant 0 : i32
        %dma_start3A_517 = tpu.memref_slice %arg8[%run_scoped3A_506, %dma_start3A_515, %dma_start3A_516] : memref<2x128x128xf32, #tpu.memory_space<vmem>> -> memref<1x128x128xf32, #tpu.memory_space<vmem>>
        %dma_start3A_518 = tpu.memref_squeeze %dma_start3A_517 : memref<1x128x128xf32, #tpu.memory_space<vmem>> -> memref<128x128xf32, #tpu.memory_space<vmem>>
        %dma_start3A_519 = tpu.memref_slice %arg7[%mul3A_505] : memref<5120xi32, #tpu.memory_space<vmem>> -> memref<128xi32, #tpu.memory_space<vmem>>
        %dma_start3A_520 = arith.constant 0 : i32
        %dma_start3A_521 = arith.constant 0 : i32
        %dma_start3A_522 = tpu.memref_slice %arg10[%dma_start3A_520, %dma_start3A_521] : memref<10240x128xf32, #tpu.memory_space<vmem_shared>> -> memref<10240x128xf32, #tpu.memory_space<vmem_shared>>
        tpu.enqueue_indirect_dma source(%dma_start3A_518 : memref<128x128xf32, #tpu.memory_space<vmem>>) target(%dma_start3A_522 : memref<10240x128xf32, #tpu.memory_space<vmem_shared>>) offsets(%dma_start3A_519 : memref<128xi32, #tpu.memory_space<vmem>>) semaphore(%run_scoped3A_514 : memref<!tpu.dma_semaphore, #tpu.memory_space<semaphore_mem>>) {add = true}
        %dma_wait3A_523 = arith.constant 0 : i32
        %dma_wait3A_524 = arith.constant 0 : i32
        %dma_wait3A_525 = tpu.memref_slice %arg8[%run_scoped3A_506, %dma_wait3A_523, %dma_wait3A_524] : memref<2x128x128xf32, #tpu.memory_space<vmem>> -> memref<1x128x128xf32, #tpu.memory_space<vmem>>
        %dma_wait3A_526 = tpu.memref_squeeze %dma_wait3A_525 : memref<1x128x128xf32, #tpu.memory_space<vmem>> -> memref<128x128xf32, #tpu.memory_space<vmem>>
        %dma_wait3A_527 = tpu.memref_slice %arg7[%mul3A_505] : memref<5120xi32, #tpu.memory_space<vmem>> -> memref<128xi32, #tpu.memory_space<vmem>>
        %dma_wait3A_528 = arith.constant 0 : i32
        %dma_wait3A_529 = arith.constant 0 : i32
        %dma_wait3A_530 = tpu.memref_slice %arg10[%dma_wait3A_528, %dma_wait3A_529] : memref<10240x128xf32, #tpu.memory_space<vmem_shared>> -> memref<10240x128xf32, #tpu.memory_space<vmem_shared>>
        tpu.wait_indirect_dma semaphore(%run_scoped3A_514 : memref<!tpu.dma_semaphore, #tpu.memory_space<semaphore_mem>>) src(%dma_wait3A_526 : memref<128x128xf32, #tpu.memory_space<vmem>>) dst(%dma_wait3A_530 : memref<10240x128xf32, #tpu.memory_space<vmem_shared>>)
        tpu.yield
      }) : () -> ()
      %add3A_507 = arith.constant 2 : i32
      %add3A_508 = arith.addi %add3A_488, %add3A_507 : i32
      %lt3A_509 = arith.constant 40 : i32
      %lt3A_510 = arith.cmpi slt, %add3A_508, %lt3A_509 : i32
      %convert_element_type3A_511 = arith.extui %lt3A_510 : i1 to i32
      %cond3A_512 = arith.constant 0 : i32
      %cond3A_513 = arith.cmpi ne, %convert_element_type3A_511, %cond3A_512 : i32
      scf.if %cond3A_513 {
        %add3A_514 = arith.constant 2 : i32
        %add3A_515 = arith.addi %add3A_488, %add3A_514 : i32
        %mul3A_516 = arith.constant 128 : i32
        %mul3A_517 = arith.muli %add3A_515, %mul3A_516 : i32
        %dma_start3A_518 = arith.constant 1 : i32
        %dma_start3A_519 = arith.constant 0 : i32
        %dma_start3A_520 = arith.constant 0 : i32
        %dma_start3A_521 = tpu.memref_slice %arg8[%dma_start3A_518, %dma_start3A_519, %dma_start3A_520] : memref<2x128x128xf32, #tpu.memory_space<vmem>> -> memref<1x128x128xf32, #tpu.memory_space<vmem>>
        %dma_start3A_522 = tpu.memref_squeeze %dma_start3A_521 : memref<1x128x128xf32, #tpu.memory_space<vmem>> -> memref<128x128xf32, #tpu.memory_space<vmem>>
        %dma_start3A_523 = tpu.memref_slice %arg6[%mul3A_517] : memref<5120xi32, #tpu.memory_space<vmem>> -> memref<128xi32, #tpu.memory_space<vmem>>
        %dma_start3A_524 = arith.constant 0 : i32
        %dma_start3A_525 = arith.constant 0 : i32
        %dma_start3A_526 = tpu.memref_slice %arg2[%dma_start3A_524, %dma_start3A_525] : memref<30000x128xf32, #tpu.memory_space<hbm>> -> memref<30000x128xf32, #tpu.memory_space<hbm>>
        tpu.enqueue_indirect_dma source(%dma_start3A_526 : memref<30000x128xf32, #tpu.memory_space<hbm>>) target(%dma_start3A_522 : memref<128x128xf32, #tpu.memory_space<vmem>>) offsets(%dma_start3A_523 : memref<128xi32, #tpu.memory_space<vmem>>) semaphore(%arg12 : memref<!tpu.dma_semaphore, #tpu.memory_space<semaphore_mem>>)
      } else {
      }
    }
    %scan3A_266 = arith.constant 20 : i32
    %add3A_267 = arith.constant 5120 : i32
    %add3A_268 = arith.addi %mul3A_239, %add3A_267 : i32
    "tpu.region"() ({
      %run_scoped3A = tpu.sem_alloc : memref<!tpu.dma_semaphore, #tpu.memory_space<semaphore_mem>>
      %dma_start3A_456 = tpu.memref_slice %arg3[%add3A_268] : memref<983040xi32, #tpu.memory_space<hbm>> -> memref<5120xi32, #tpu.memory_space<hbm>>
      %dma_start3A_457 = tpu.memref_slice %arg3[%add3A_268] : memref<983040xi32, #tpu.memory_space<hbm>> -> memref<5120xi32, #tpu.memory_space<hbm>>
      tpu.enqueue_dma source(%dma_start3A_457 : memref<5120xi32, #tpu.memory_space<hbm>>) target(%arg6 : memref<5120xi32, #tpu.memory_space<vmem>>) target_semaphore(%run_scoped3A : memref<!tpu.dma_semaphore, #tpu.memory_space<semaphore_mem>>)
      %dma_wait3A = tpu.memref_slice %arg3[%add3A_268] : memref<983040xi32, #tpu.memory_space<hbm>> -> memref<5120xi32, #tpu.memory_space<hbm>>
      %dma_wait3A_458 = tpu.memref_slice %arg3[%add3A_268] : memref<983040xi32, #tpu.memory_space<hbm>> -> memref<5120xi32, #tpu.memory_space<hbm>>
      tpu.wait_dma2 semaphore(%run_scoped3A : memref<!tpu.dma_semaphore, #tpu.memory_space<semaphore_mem>>) src(%dma_wait3A_458 : memref<5120xi32, #tpu.memory_space<hbm>>) dst(%arg6 : memref<5120xi32, #tpu.memory_space<vmem>>)
      tpu.yield
    }) : () -> ()
    "tpu.region"() ({
      %run_scoped3A = tpu.sem_alloc : memref<!tpu.dma_semaphore, #tpu.memory_space<semaphore_mem>>
      %dma_start3A_456 = tpu.memref_slice %arg4[%add3A_268] : memref<983040xi32, #tpu.memory_space<hbm>> -> memref<5120xi32, #tpu.memory_space<hbm>>
      %dma_start3A_457 = tpu.memref_slice %arg4[%add3A_268] : memref<983040xi32, #tpu.memory_space<hbm>> -> memref<5120xi32, #tpu.memory_space<hbm>>
      tpu.enqueue_dma source(%dma_start3A_457 : memref<5120xi32, #tpu.memory_space<hbm>>) target(%arg7 : memref<5120xi32, #tpu.memory_space<vmem>>) target_semaphore(%run_scoped3A : memref<!tpu.dma_semaphore, #tpu.memory_space<semaphore_mem>>)
      %dma_wait3A = tpu.memref_slice %arg4[%add3A_268] : memref<983040xi32, #tpu.memory_space<hbm>> -> memref<5120xi32, #tpu.memory_space<hbm>>
      %dma_wait3A_458 = tpu.memref_slice %arg4[%add3A_268] : memref<983040xi32, #tpu.memory_space<hbm>> -> memref<5120xi32, #tpu.memory_space<hbm>>
      tpu.wait_dma2 semaphore(%run_scoped3A : memref<!tpu.dma_semaphore, #tpu.memory_space<semaphore_mem>>) src(%dma_wait3A_458 : memref<5120xi32, #tpu.memory_space<hbm>>) dst(%arg7 : memref<5120xi32, #tpu.memory_space<vmem>>)
      tpu.yield
    }) : () -> ()
    %dma_start3A_269 = arith.constant 0 : i32
    %dma_start3A_270 = arith.constant 0 : i32
    %dma_start3A_271 = arith.constant 0 : i32
    %dma_start3A_272 = tpu.memref_slice %arg8[%dma_start3A_269, %dma_start3A_270, %dma_start3A_271] : memref<2x128x128xf32, #tpu.memory_space<vmem>> -> memref<1x128x128xf32, #tpu.memory_space<vmem>>
    %dma_start3A_273 = tpu.memref_squeeze %dma_start3A_272 : memref<1x128x128xf32, #tpu.memory_space<vmem>> -> memref<128x128xf32, #tpu.memory_space<vmem>>
    %dma_start3A_274 = arith.constant 0 : i32
    %dma_start3A_275 = tpu.memref_slice %arg6[%dma_start3A_274] : memref<5120xi32, #tpu.memory_space<vmem>> -> memref<128xi32, #tpu.memory_space<vmem>>
    %dma_start3A_276 = arith.constant 0 : i32
    %dma_start3A_277 = arith.constant 0 : i32
    %dma_start3A_278 = tpu.memref_slice %arg2[%dma_start3A_276, %dma_start3A_277] : memref<30000x128xf32, #tpu.memory_space<hbm>> -> memref<30000x128xf32, #tpu.memory_space<hbm>>
    tpu.enqueue_indirect_dma source(%dma_start3A_278 : memref<30000x128xf32, #tpu.memory_space<hbm>>) target(%dma_start3A_273 : memref<128x128xf32, #tpu.memory_space<vmem>>) offsets(%dma_start3A_275 : memref<128xi32, #tpu.memory_space<vmem>>) semaphore(%arg11 : memref<!tpu.dma_semaphore, #tpu.memory_space<semaphore_mem>>)
    %dma_start3A_279 = arith.constant 1 : i32
    %dma_start3A_280 = arith.constant 0 : i32
    %dma_start3A_281 = arith.constant 0 : i32
    %dma_start3A_282 = tpu.memref_slice %arg8[%dma_start3A_279, %dma_start3A_280, %dma_start3A_281] : memref<2x128x128xf32, #tpu.memory_space<vmem>> -> memref<1x128x128xf32, #tpu.memory_space<vmem>>
    %dma_start3A_283 = tpu.memref_squeeze %dma_start3A_282 : memref<1x128x128xf32, #tpu.memory_space<vmem>> -> memref<128x128xf32, #tpu.memory_space<vmem>>
    %dma_start3A_284 = arith.constant 128 : i32
    %dma_start3A_285 = tpu.memref_slice %arg6[%dma_start3A_284] : memref<5120xi32, #tpu.memory_space<vmem>> -> memref<128xi32, #tpu.memory_space<vmem>>
    %dma_start3A_286 = arith.constant 0 : i32
    %dma_start3A_287 = arith.constant 0 : i32
    %dma_start3A_288 = tpu.memref_slice %arg2[%dma_start3A_286, %dma_start3A_287] : memref<30000x128xf32, #tpu.memory_space<hbm>> -> memref<30000x128xf32, #tpu.memory_space<hbm>>
    tpu.enqueue_indirect_dma source(%dma_start3A_288 : memref<30000x128xf32, #tpu.memory_space<hbm>>) target(%dma_start3A_283 : memref<128x128xf32, #tpu.memory_space<vmem>>) offsets(%dma_start3A_285 : memref<128xi32, #tpu.memory_space<vmem>>) semaphore(%arg12 : memref<!tpu.dma_semaphore, #tpu.memory_space<semaphore_mem>>)
    %scan3A_289 = arith.constant 0 : i32
    %scan3A_290 = arith.constant 20 : i32
    %scan3A_291 = arith.addi %scan3A_289, %scan3A_290 : i32
    %scan3A_292 = arith.constant 1 : i32
    scf.for %scan3A_456 = %scan3A_289 to %scan3A_291 step %scan3A_292  : i32 {
      %mul3A_457 = arith.constant 1 : i32
      %mul3A_458 = arith.muli %scan3A_456, %mul3A_457 : i32
      %add3A_459 = arith.constant 0 : i32
      %add3A_460 = arith.addi %add3A_459, %mul3A_458 : i32
      %mul3A_461 = arith.constant 2 : i32
      %mul3A_462 = arith.muli %add3A_460, %mul3A_461 : i32
      %add3A_463 = arith.constant 0 : i32
      %add3A_464 = arith.addi %mul3A_462, %add3A_463 : i32
      %dma_wait3A = arith.constant 0 : i32
      %dma_wait3A_465 = arith.constant 0 : i32
      %dma_wait3A_466 = arith.constant 0 : i32
      %dma_wait3A_467 = tpu.memref_slice %arg8[%dma_wait3A, %dma_wait3A_465, %dma_wait3A_466] : memref<2x128x128xf32, #tpu.memory_space<vmem>> -> memref<1x128x128xf32, #tpu.memory_space<vmem>>
      %dma_wait3A_468 = tpu.memref_squeeze %dma_wait3A_467 : memref<1x128x128xf32, #tpu.memory_space<vmem>> -> memref<128x128xf32, #tpu.memory_space<vmem>>
      %dma_wait3A_469 = arith.constant 0 : i32
      %dma_wait3A_470 = arith.constant 0 : i32
      %dma_wait3A_471 = tpu.memref_slice %arg2[%dma_wait3A_469, %dma_wait3A_470] : memref<30000x128xf32, #tpu.memory_space<hbm>> -> memref<128x128xf32, #tpu.memory_space<hbm>>
      %dma_wait3A_472 = arith.constant 0 : i32
      %dma_wait3A_473 = arith.constant 0 : i32
      %dma_wait3A_474 = tpu.memref_slice %arg8[%dma_wait3A, %dma_wait3A_472, %dma_wait3A_473] : memref<2x128x128xf32, #tpu.memory_space<vmem>> -> memref<1x128x128xf32, #tpu.memory_space<vmem>>
      %dma_wait3A_475 = tpu.memref_squeeze %dma_wait3A_474 : memref<1x128x128xf32, #tpu.memory_space<vmem>> -> memref<128x128xf32, #tpu.memory_space<vmem>>
      %dma_wait3A_476 = arith.constant 0 : i32
      %dma_wait3A_477 = arith.constant 0 : i32
      %dma_wait3A_478 = tpu.memref_slice %arg2[%dma_wait3A_476, %dma_wait3A_477] : memref<30000x128xf32, #tpu.memory_space<hbm>> -> memref<128x128xf32, #tpu.memory_space<hbm>>
      tpu.wait_dma2 semaphore(%arg11 : memref<!tpu.dma_semaphore, #tpu.memory_space<semaphore_mem>>) src(%dma_wait3A_478 : memref<128x128xf32, #tpu.memory_space<hbm>>) dst(%dma_wait3A_475 : memref<128x128xf32, #tpu.memory_space<vmem>>)
      %mul3A_479 = arith.constant 128 : i32
      %mul3A_480 = arith.muli %add3A_464, %mul3A_479 : i32
      %run_scoped3A = arith.constant 0 : i32
      "tpu.region"() ({
        %run_scoped3A_514 = tpu.sem_alloc : memref<!tpu.dma_semaphore, #tpu.memory_space<semaphore_mem>>
        %dma_start3A_515 = arith.constant 0 : i32
        %dma_start3A_516 = arith.constant 0 : i32
        %dma_start3A_517 = tpu.memref_slice %arg8[%run_scoped3A, %dma_start3A_515, %dma_start3A_516] : memref<2x128x128xf32, #tpu.memory_space<vmem>> -> memref<1x128x128xf32, #tpu.memory_space<vmem>>
        %dma_start3A_518 = tpu.memref_squeeze %dma_start3A_517 : memref<1x128x128xf32, #tpu.memory_space<vmem>> -> memref<128x128xf32, #tpu.memory_space<vmem>>
        %dma_start3A_519 = tpu.memref_slice %arg7[%mul3A_480] : memref<5120xi32, #tpu.memory_space<vmem>> -> memref<128xi32, #tpu.memory_space<vmem>>
        %dma_start3A_520 = arith.constant 0 : i32
        %dma_start3A_521 = arith.constant 0 : i32
        %dma_start3A_522 = tpu.memref_slice %arg10[%dma_start3A_520, %dma_start3A_521] : memref<10240x128xf32, #tpu.memory_space<vmem_shared>> -> memref<10240x128xf32, #tpu.memory_space<vmem_shared>>
        tpu.enqueue_indirect_dma source(%dma_start3A_518 : memref<128x128xf32, #tpu.memory_space<vmem>>) target(%dma_start3A_522 : memref<10240x128xf32, #tpu.memory_space<vmem_shared>>) offsets(%dma_start3A_519 : memref<128xi32, #tpu.memory_space<vmem>>) semaphore(%run_scoped3A_514 : memref<!tpu.dma_semaphore, #tpu.memory_space<semaphore_mem>>) {add = true}
        %dma_wait3A_523 = arith.constant 0 : i32
        %dma_wait3A_524 = arith.constant 0 : i32
        %dma_wait3A_525 = tpu.memref_slice %arg8[%run_scoped3A, %dma_wait3A_523, %dma_wait3A_524] : memref<2x128x128xf32, #tpu.memory_space<vmem>> -> memref<1x128x128xf32, #tpu.memory_space<vmem>>
        %dma_wait3A_526 = tpu.memref_squeeze %dma_wait3A_525 : memref<1x128x128xf32, #tpu.memory_space<vmem>> -> memref<128x128xf32, #tpu.memory_space<vmem>>
        %dma_wait3A_527 = tpu.memref_slice %arg7[%mul3A_480] : memref<5120xi32, #tpu.memory_space<vmem>> -> memref<128xi32, #tpu.memory_space<vmem>>
        %dma_wait3A_528 = arith.constant 0 : i32
        %dma_wait3A_529 = arith.constant 0 : i32
        %dma_wait3A_530 = tpu.memref_slice %arg10[%dma_wait3A_528, %dma_wait3A_529] : memref<10240x128xf32, #tpu.memory_space<vmem_shared>> -> memref<10240x128xf32, #tpu.memory_space<vmem_shared>>
        tpu.wait_indirect_dma semaphore(%run_scoped3A_514 : memref<!tpu.dma_semaphore, #tpu.memory_space<semaphore_mem>>) src(%dma_wait3A_526 : memref<128x128xf32, #tpu.memory_space<vmem>>) dst(%dma_wait3A_530 : memref<10240x128xf32, #tpu.memory_space<vmem_shared>>)
        tpu.yield
      }) : () -> ()
      %add3A_481 = arith.constant 2 : i32
      %add3A_482 = arith.addi %add3A_464, %add3A_481 : i32
      %lt3A = arith.constant 40 : i32
      %lt3A_483 = arith.cmpi slt, %add3A_482, %lt3A : i32
      %convert_element_type3A = arith.extui %lt3A_483 : i1 to i32
      %cond3A = arith.constant 0 : i32
      %cond3A_484 = arith.cmpi ne, %convert_element_type3A, %cond3A : i32
      scf.if %cond3A_484 {
        %add3A_514 = arith.constant 2 : i32
        %add3A_515 = arith.addi %add3A_464, %add3A_514 : i32
        %mul3A_516 = arith.constant 128 : i32
        %mul3A_517 = arith.muli %add3A_515, %mul3A_516 : i32
        %dma_start3A_518 = arith.constant 0 : i32
        %dma_start3A_519 = arith.constant 0 : i32
        %dma_start3A_520 = arith.constant 0 : i32
        %dma_start3A_521 = tpu.memref_slice %arg8[%dma_start3A_518, %dma_start3A_519, %dma_start3A_520] : memref<2x128x128xf32, #tpu.memory_space<vmem>> -> memref<1x128x128xf32, #tpu.memory_space<vmem>>
        %dma_start3A_522 = tpu.memref_squeeze %dma_start3A_521 : memref<1x128x128xf32, #tpu.memory_space<vmem>> -> memref<128x128xf32, #tpu.memory_space<vmem>>
        %dma_start3A_523 = tpu.memref_slice %arg6[%mul3A_517] : memref<5120xi32, #tpu.memory_space<vmem>> -> memref<128xi32, #tpu.memory_space<vmem>>
        %dma_start3A_524 = arith.constant 0 : i32
        %dma_start3A_525 = arith.constant 0 : i32
        %dma_start3A_526 = tpu.memref_slice %arg2[%dma_start3A_524, %dma_start3A_525] : memref<30000x128xf32, #tpu.memory_space<hbm>> -> memref<30000x128xf32, #tpu.memory_space<hbm>>
        tpu.enqueue_indirect_dma source(%dma_start3A_526 : memref<30000x128xf32, #tpu.memory_space<hbm>>) target(%dma_start3A_522 : memref<128x128xf32, #tpu.memory_space<vmem>>) offsets(%dma_start3A_523 : memref<128xi32, #tpu.memory_space<vmem>>) semaphore(%arg11 : memref<!tpu.dma_semaphore, #tpu.memory_space<semaphore_mem>>)
      } else {
      }
      %mul3A_485 = arith.constant 2 : i32
      %mul3A_486 = arith.muli %add3A_460, %mul3A_485 : i32
      %add3A_487 = arith.constant 1 : i32
      %add3A_488 = arith.addi %mul3A_486, %add3A_487 : i32
      %dma_wait3A_489 = arith.constant 1 : i32
      %dma_wait3A_490 = arith.constant 0 : i32
      %dma_wait3A_491 = arith.constant 0 : i32
      %dma_wait3A_492 = tpu.memref_slice %arg8[%dma_wait3A_489, %dma_wait3A_490, %dma_wait3A_491] : memref<2x128x128xf32, #tpu.memory_space<vmem>> -> memref<1x128x128xf32, #tpu.memory_space<vmem>>
      %dma_wait3A_493 = tpu.memref_squeeze %dma_wait3A_492 : memref<1x128x128xf32, #tpu.memory_space<vmem>> -> memref<128x128xf32, #tpu.memory_space<vmem>>
      %dma_wait3A_494 = arith.constant 0 : i32
      %dma_wait3A_495 = arith.constant 0 : i32
      %dma_wait3A_496 = tpu.memref_slice %arg2[%dma_wait3A_494, %dma_wait3A_495] : memref<30000x128xf32, #tpu.memory_space<hbm>> -> memref<128x128xf32, #tpu.memory_space<hbm>>
      %dma_wait3A_497 = arith.constant 0 : i32
      %dma_wait3A_498 = arith.constant 0 : i32
      %dma_wait3A_499 = tpu.memref_slice %arg8[%dma_wait3A_489, %dma_wait3A_497, %dma_wait3A_498] : memref<2x128x128xf32, #tpu.memory_space<vmem>> -> memref<1x128x128xf32, #tpu.memory_space<vmem>>
      %dma_wait3A_500 = tpu.memref_squeeze %dma_wait3A_499 : memref<1x128x128xf32, #tpu.memory_space<vmem>> -> memref<128x128xf32, #tpu.memory_space<vmem>>
      %dma_wait3A_501 = arith.constant 0 : i32
      %dma_wait3A_502 = arith.constant 0 : i32
      %dma_wait3A_503 = tpu.memref_slice %arg2[%dma_wait3A_501, %dma_wait3A_502] : memref<30000x128xf32, #tpu.memory_space<hbm>> -> memref<128x128xf32, #tpu.memory_space<hbm>>
      tpu.wait_dma2 semaphore(%arg12 : memref<!tpu.dma_semaphore, #tpu.memory_space<semaphore_mem>>) src(%dma_wait3A_503 : memref<128x128xf32, #tpu.memory_space<hbm>>) dst(%dma_wait3A_500 : memref<128x128xf32, #tpu.memory_space<vmem>>)
      %mul3A_504 = arith.constant 128 : i32
      %mul3A_505 = arith.muli %add3A_488, %mul3A_504 : i32
      %run_scoped3A_506 = arith.constant 1 : i32
      "tpu.region"() ({
        %run_scoped3A_514 = tpu.sem_alloc : memref<!tpu.dma_semaphore, #tpu.memory_space<semaphore_mem>>
        %dma_start3A_515 = arith.constant 0 : i32
        %dma_start3A_516 = arith.constant 0 : i32
        %dma_start3A_517 = tpu.memref_slice %arg8[%run_scoped3A_506, %dma_start3A_515, %dma_start3A_516] : memref<2x128x128xf32, #tpu.memory_space<vmem>> -> memref<1x128x128xf32, #tpu.memory_space<vmem>>
        %dma_start3A_518 = tpu.memref_squeeze %dma_start3A_517 : memref<1x128x128xf32, #tpu.memory_space<vmem>> -> memref<128x128xf32, #tpu.memory_space<vmem>>
        %dma_start3A_519 = tpu.memref_slice %arg7[%mul3A_505] : memref<5120xi32, #tpu.memory_space<vmem>> -> memref<128xi32, #tpu.memory_space<vmem>>
        %dma_start3A_520 = arith.constant 0 : i32
        %dma_start3A_521 = arith.constant 0 : i32
        %dma_start3A_522 = tpu.memref_slice %arg10[%dma_start3A_520, %dma_start3A_521] : memref<10240x128xf32, #tpu.memory_space<vmem_shared>> -> memref<10240x128xf32, #tpu.memory_space<vmem_shared>>
        tpu.enqueue_indirect_dma source(%dma_start3A_518 : memref<128x128xf32, #tpu.memory_space<vmem>>) target(%dma_start3A_522 : memref<10240x128xf32, #tpu.memory_space<vmem_shared>>) offsets(%dma_start3A_519 : memref<128xi32, #tpu.memory_space<vmem>>) semaphore(%run_scoped3A_514 : memref<!tpu.dma_semaphore, #tpu.memory_space<semaphore_mem>>) {add = true}
        %dma_wait3A_523 = arith.constant 0 : i32
        %dma_wait3A_524 = arith.constant 0 : i32
        %dma_wait3A_525 = tpu.memref_slice %arg8[%run_scoped3A_506, %dma_wait3A_523, %dma_wait3A_524] : memref<2x128x128xf32, #tpu.memory_space<vmem>> -> memref<1x128x128xf32, #tpu.memory_space<vmem>>
        %dma_wait3A_526 = tpu.memref_squeeze %dma_wait3A_525 : memref<1x128x128xf32, #tpu.memory_space<vmem>> -> memref<128x128xf32, #tpu.memory_space<vmem>>
        %dma_wait3A_527 = tpu.memref_slice %arg7[%mul3A_505] : memref<5120xi32, #tpu.memory_space<vmem>> -> memref<128xi32, #tpu.memory_space<vmem>>
        %dma_wait3A_528 = arith.constant 0 : i32
        %dma_wait3A_529 = arith.constant 0 : i32
        %dma_wait3A_530 = tpu.memref_slice %arg10[%dma_wait3A_528, %dma_wait3A_529] : memref<10240x128xf32, #tpu.memory_space<vmem_shared>> -> memref<10240x128xf32, #tpu.memory_space<vmem_shared>>
        tpu.wait_indirect_dma semaphore(%run_scoped3A_514 : memref<!tpu.dma_semaphore, #tpu.memory_space<semaphore_mem>>) src(%dma_wait3A_526 : memref<128x128xf32, #tpu.memory_space<vmem>>) dst(%dma_wait3A_530 : memref<10240x128xf32, #tpu.memory_space<vmem_shared>>)
        tpu.yield
      }) : () -> ()
      %add3A_507 = arith.constant 2 : i32
      %add3A_508 = arith.addi %add3A_488, %add3A_507 : i32
      %lt3A_509 = arith.constant 40 : i32
      %lt3A_510 = arith.cmpi slt, %add3A_508, %lt3A_509 : i32
      %convert_element_type3A_511 = arith.extui %lt3A_510 : i1 to i32
      %cond3A_512 = arith.constant 0 : i32
      %cond3A_513 = arith.cmpi ne, %convert_element_type3A_511, %cond3A_512 : i32
      scf.if %cond3A_513 {
        %add3A_514 = arith.constant 2 : i32
        %add3A_515 = arith.addi %add3A_488, %add3A_514 : i32
        %mul3A_516 = arith.constant 128 : i32
        %mul3A_517 = arith.muli %add3A_515, %mul3A_516 : i32
        %dma_start3A_518 = arith.constant 1 : i32
        %dma_start3A_519 = arith.constant 0 : i32
        %dma_start3A_520 = arith.constant 0 : i32
        %dma_start3A_521 = tpu.memref_slice %arg8[%dma_start3A_518, %dma_start3A_519, %dma_start3A_520] : memref<2x128x128xf32, #tpu.memory_space<vmem>> -> memref<1x128x128xf32, #tpu.memory_space<vmem>>
        %dma_start3A_522 = tpu.memref_squeeze %dma_start3A_521 : memref<1x128x128xf32, #tpu.memory_space<vmem>> -> memref<128x128xf32, #tpu.memory_space<vmem>>
        %dma_start3A_523 = tpu.memref_slice %arg6[%mul3A_517] : memref<5120xi32, #tpu.memory_space<vmem>> -> memref<128xi32, #tpu.memory_space<vmem>>
        %dma_start3A_524 = arith.constant 0 : i32
        %dma_start3A_525 = arith.constant 0 : i32
        %dma_start3A_526 = tpu.memref_slice %arg2[%dma_start3A_524, %dma_start3A_525] : memref<30000x128xf32, #tpu.memory_space<hbm>> -> memref<30000x128xf32, #tpu.memory_space<hbm>>
        tpu.enqueue_indirect_dma source(%dma_start3A_526 : memref<30000x128xf32, #tpu.memory_space<hbm>>) target(%dma_start3A_522 : memref<128x128xf32, #tpu.memory_space<vmem>>) offsets(%dma_start3A_523 : memref<128xi32, #tpu.memory_space<vmem>>) semaphore(%arg12 : memref<!tpu.dma_semaphore, #tpu.memory_space<semaphore_mem>>)
      } else {
      }
    }
    %scan3A_293 = arith.constant 20 : i32
    %barrier3A_294 = arith.constant 0 : index
    tpu.barrier barrier_id(%barrier3A_294)
    %mul3A_295 = arith.constant 640 : i32
    %mul3A_296 = arith.muli %arg1, %mul3A_295 : i32
    %add3A_297 = arith.constant 2 : i32
    %add3A_298 = arith.addi %add3A_297, %arg0 : i32
    %mul3A_299 = arith.constant 10240 : i32
    %mul3A_300 = arith.muli %add3A_298, %mul3A_299 : i32
    %mul3A_301 = arith.constant 640 : i32
    %mul3A_302 = arith.muli %arg1, %mul3A_301 : i32
    %add3A_303 = arith.addi %mul3A_300, %mul3A_302 : i32
    "tpu.region"() ({
      %run_scoped3A = tpu.sem_alloc : memref<!tpu.dma_semaphore, #tpu.memory_space<semaphore_mem>>
      %dma_start3A_456 = arith.constant 0 : i32
      %dma_start3A_457 = tpu.memref_slice %arg5[%add3A_303, %dma_start3A_456] : memref<61440x128xf32, #tpu.memory_space<hbm>> -> memref<640x128xf32, #tpu.memory_space<hbm>>
      %dma_start3A_458 = arith.constant 0 : i32
      %dma_start3A_459 = tpu.memref_slice %arg10[%mul3A_296, %dma_start3A_458] : memref<10240x128xf32, #tpu.memory_space<vmem_shared>> -> memref<640x128xf32, #tpu.memory_space<vmem_shared>>
      tpu.enqueue_dma source(%dma_start3A_459 : memref<640x128xf32, #tpu.memory_space<vmem_shared>>) target(%dma_start3A_457 : memref<640x128xf32, #tpu.memory_space<hbm>>) target_semaphore(%run_scoped3A : memref<!tpu.dma_semaphore, #tpu.memory_space<semaphore_mem>>)
      %dma_wait3A = arith.constant 0 : i32
      %dma_wait3A_460 = tpu.memref_slice %arg5[%add3A_303, %dma_wait3A] : memref<61440x128xf32, #tpu.memory_space<hbm>> -> memref<640x128xf32, #tpu.memory_space<hbm>>
      %dma_wait3A_461 = arith.constant 0 : i32
      %dma_wait3A_462 = tpu.memref_slice %arg10[%mul3A_296, %dma_wait3A_461] : memref<10240x128xf32, #tpu.memory_space<vmem_shared>> -> memref<640x128xf32, #tpu.memory_space<vmem_shared>>
      tpu.wait_dma2 semaphore(%run_scoped3A : memref<!tpu.dma_semaphore, #tpu.memory_space<semaphore_mem>>) src(%dma_wait3A_462 : memref<640x128xf32, #tpu.memory_space<vmem_shared>>) dst(%dma_wait3A_460 : memref<640x128xf32, #tpu.memory_space<hbm>>)
      tpu.yield
    }) : () -> ()
    %mul3A_304 = arith.constant 640 : i32
    %mul3A_305 = arith.muli %arg1, %mul3A_304 : i32
    %add3A_306 = arith.constant 0 : i32
    %add3A_307 = arith.addi %mul3A_305, %add3A_306 : i32
    "tpu.region"() ({
      %run_scoped3A = tpu.sem_alloc : memref<!tpu.dma_semaphore, #tpu.memory_space<semaphore_mem>>
      %dma_start3A_456 = arith.constant 0 : i32
      %dma_start3A_457 = tpu.memref_slice %arg10[%add3A_307, %dma_start3A_456] : memref<10240x128xf32, #tpu.memory_space<vmem_shared>> -> memref<32x128xf32, #tpu.memory_space<vmem_shared>>
      %dma_start3A_458 = arith.constant 0 : i32
      %dma_start3A_459 = tpu.memref_slice %arg10[%add3A_307, %dma_start3A_458] : memref<10240x128xf32, #tpu.memory_space<vmem_shared>> -> memref<32x128xf32, #tpu.memory_space<vmem_shared>>
      tpu.enqueue_dma source(%arg9 : memref<32x128xf32, #tpu.memory_space<vmem>>) target(%dma_start3A_459 : memref<32x128xf32, #tpu.memory_space<vmem_shared>>) target_semaphore(%run_scoped3A : memref<!tpu.dma_semaphore, #tpu.memory_space<semaphore_mem>>)
      %dma_wait3A = arith.constant 0 : i32
      %dma_wait3A_460 = tpu.memref_slice %arg10[%add3A_307, %dma_wait3A] : memref<10240x128xf32, #tpu.memory_space<vmem_shared>> -> memref<32x128xf32, #tpu.memory_space<vmem_shared>>
      %dma_wait3A_461 = arith.constant 0 : i32
      %dma_wait3A_462 = tpu.memref_slice %arg10[%add3A_307, %dma_wait3A_461] : memref<10240x128xf32, #tpu.memory_space<vmem_shared>> -> memref<32x128xf32, #tpu.memory_space<vmem_shared>>
      tpu.wait_dma2 semaphore(%run_scoped3A : memref<!tpu.dma_semaphore, #tpu.memory_space<semaphore_mem>>) src(%arg9 : memref<32x128xf32, #tpu.memory_space<vmem>>) dst(%dma_wait3A_462 : memref<32x128xf32, #tpu.memory_space<vmem_shared>>)
      tpu.yield
    }) : () -> ()
    %mul3A_308 = arith.constant 640 : i32
    %mul3A_309 = arith.muli %arg1, %mul3A_308 : i32
    %add3A_310 = arith.constant 32 : i32
    %add3A_311 = arith.addi %mul3A_309, %add3A_310 : i32
    "tpu.region"() ({
      %run_scoped3A = tpu.sem_alloc : memref<!tpu.dma_semaphore, #tpu.memory_space<semaphore_mem>>
      %dma_start3A_456 = arith.constant 0 : i32
      %dma_start3A_457 = tpu.memref_slice %arg10[%add3A_311, %dma_start3A_456] : memref<10240x128xf32, #tpu.memory_space<vmem_shared>> -> memref<32x128xf32, #tpu.memory_space<vmem_shared>>
      %dma_start3A_458 = arith.constant 0 : i32
      %dma_start3A_459 = tpu.memref_slice %arg10[%add3A_311, %dma_start3A_458] : memref<10240x128xf32, #tpu.memory_space<vmem_shared>> -> memref<32x128xf32, #tpu.memory_space<vmem_shared>>
      tpu.enqueue_dma source(%arg9 : memref<32x128xf32, #tpu.memory_space<vmem>>) target(%dma_start3A_459 : memref<32x128xf32, #tpu.memory_space<vmem_shared>>) target_semaphore(%run_scoped3A : memref<!tpu.dma_semaphore, #tpu.memory_space<semaphore_mem>>)
      %dma_wait3A = arith.constant 0 : i32
      %dma_wait3A_460 = tpu.memref_slice %arg10[%add3A_311, %dma_wait3A] : memref<10240x128xf32, #tpu.memory_space<vmem_shared>> -> memref<32x128xf32, #tpu.memory_space<vmem_shared>>
      %dma_wait3A_461 = arith.constant 0 : i32
      %dma_wait3A_462 = tpu.memref_slice %arg10[%add3A_311, %dma_wait3A_461] : memref<10240x128xf32, #tpu.memory_space<vmem_shared>> -> memref<32x128xf32, #tpu.memory_space<vmem_shared>>
      tpu.wait_dma2 semaphore(%run_scoped3A : memref<!tpu.dma_semaphore, #tpu.memory_space<semaphore_mem>>) src(%arg9 : memref<32x128xf32, #tpu.memory_space<vmem>>) dst(%dma_wait3A_462 : memref<32x128xf32, #tpu.memory_space<vmem_shared>>)
      tpu.yield
    }) : () -> ()
    %mul3A_312 = arith.constant 640 : i32
    %mul3A_313 = arith.muli %arg1, %mul3A_312 : i32
    %add3A_314 = arith.constant 64 : i32
    %add3A_315 = arith.addi %mul3A_313, %add3A_314 : i32
    "tpu.region"() ({
      %run_scoped3A = tpu.sem_alloc : memref<!tpu.dma_semaphore, #tpu.memory_space<semaphore_mem>>
      %dma_start3A_456 = arith.constant 0 : i32
      %dma_start3A_457 = tpu.memref_slice %arg10[%add3A_315, %dma_start3A_456] : memref<10240x128xf32, #tpu.memory_space<vmem_shared>> -> memref<32x128xf32, #tpu.memory_space<vmem_shared>>
      %dma_start3A_458 = arith.constant 0 : i32
      %dma_start3A_459 = tpu.memref_slice %arg10[%add3A_315, %dma_start3A_458] : memref<10240x128xf32, #tpu.memory_space<vmem_shared>> -> memref<32x128xf32, #tpu.memory_space<vmem_shared>>
      tpu.enqueue_dma source(%arg9 : memref<32x128xf32, #tpu.memory_space<vmem>>) target(%dma_start3A_459 : memref<32x128xf32, #tpu.memory_space<vmem_shared>>) target_semaphore(%run_scoped3A : memref<!tpu.dma_semaphore, #tpu.memory_space<semaphore_mem>>)
      %dma_wait3A = arith.constant 0 : i32
      %dma_wait3A_460 = tpu.memref_slice %arg10[%add3A_315, %dma_wait3A] : memref<10240x128xf32, #tpu.memory_space<vmem_shared>> -> memref<32x128xf32, #tpu.memory_space<vmem_shared>>
      %dma_wait3A_461 = arith.constant 0 : i32
      %dma_wait3A_462 = tpu.memref_slice %arg10[%add3A_315, %dma_wait3A_461] : memref<10240x128xf32, #tpu.memory_space<vmem_shared>> -> memref<32x128xf32, #tpu.memory_space<vmem_shared>>
      tpu.wait_dma2 semaphore(%run_scoped3A : memref<!tpu.dma_semaphore, #tpu.memory_space<semaphore_mem>>) src(%arg9 : memref<32x128xf32, #tpu.memory_space<vmem>>) dst(%dma_wait3A_462 : memref<32x128xf32, #tpu.memory_space<vmem_shared>>)
      tpu.yield
    }) : () -> ()
    %mul3A_316 = arith.constant 640 : i32
    %mul3A_317 = arith.muli %arg1, %mul3A_316 : i32
    %add3A_318 = arith.constant 96 : i32
    %add3A_319 = arith.addi %mul3A_317, %add3A_318 : i32
    "tpu.region"() ({
      %run_scoped3A = tpu.sem_alloc : memref<!tpu.dma_semaphore, #tpu.memory_space<semaphore_mem>>
      %dma_start3A_456 = arith.constant 0 : i32
      %dma_start3A_457 = tpu.memref_slice %arg10[%add3A_319, %dma_start3A_456] : memref<10240x128xf32, #tpu.memory_space<vmem_shared>> -> memref<32x128xf32, #tpu.memory_space<vmem_shared>>
      %dma_start3A_458 = arith.constant 0 : i32
      %dma_start3A_459 = tpu.memref_slice %arg10[%add3A_319, %dma_start3A_458] : memref<10240x128xf32, #tpu.memory_space<vmem_shared>> -> memref<32x128xf32, #tpu.memory_space<vmem_shared>>
      tpu.enqueue_dma source(%arg9 : memref<32x128xf32, #tpu.memory_space<vmem>>) target(%dma_start3A_459 : memref<32x128xf32, #tpu.memory_space<vmem_shared>>) target_semaphore(%run_scoped3A : memref<!tpu.dma_semaphore, #tpu.memory_space<semaphore_mem>>)
      %dma_wait3A = arith.constant 0 : i32
      %dma_wait3A_460 = tpu.memref_slice %arg10[%add3A_319, %dma_wait3A] : memref<10240x128xf32, #tpu.memory_space<vmem_shared>> -> memref<32x128xf32, #tpu.memory_space<vmem_shared>>
      %dma_wait3A_461 = arith.constant 0 : i32
      %dma_wait3A_462 = tpu.memref_slice %arg10[%add3A_319, %dma_wait3A_461] : memref<10240x128xf32, #tpu.memory_space<vmem_shared>> -> memref<32x128xf32, #tpu.memory_space<vmem_shared>>
      tpu.wait_dma2 semaphore(%run_scoped3A : memref<!tpu.dma_semaphore, #tpu.memory_space<semaphore_mem>>) src(%arg9 : memref<32x128xf32, #tpu.memory_space<vmem>>) dst(%dma_wait3A_462 : memref<32x128xf32, #tpu.memory_space<vmem_shared>>)
      tpu.yield
    }) : () -> ()
    %mul3A_320 = arith.constant 640 : i32
    %mul3A_321 = arith.muli %arg1, %mul3A_320 : i32
    %add3A_322 = arith.constant 128 : i32
    %add3A_323 = arith.addi %mul3A_321, %add3A_322 : i32
    "tpu.region"() ({
      %run_scoped3A = tpu.sem_alloc : memref<!tpu.dma_semaphore, #tpu.memory_space<semaphore_mem>>
      %dma_start3A_456 = arith.constant 0 : i32
      %dma_start3A_457 = tpu.memref_slice %arg10[%add3A_323, %dma_start3A_456] : memref<10240x128xf32, #tpu.memory_space<vmem_shared>> -> memref<32x128xf32, #tpu.memory_space<vmem_shared>>
      %dma_start3A_458 = arith.constant 0 : i32
      %dma_start3A_459 = tpu.memref_slice %arg10[%add3A_323, %dma_start3A_458] : memref<10240x128xf32, #tpu.memory_space<vmem_shared>> -> memref<32x128xf32, #tpu.memory_space<vmem_shared>>
      tpu.enqueue_dma source(%arg9 : memref<32x128xf32, #tpu.memory_space<vmem>>) target(%dma_start3A_459 : memref<32x128xf32, #tpu.memory_space<vmem_shared>>) target_semaphore(%run_scoped3A : memref<!tpu.dma_semaphore, #tpu.memory_space<semaphore_mem>>)
      %dma_wait3A = arith.constant 0 : i32
      %dma_wait3A_460 = tpu.memref_slice %arg10[%add3A_323, %dma_wait3A] : memref<10240x128xf32, #tpu.memory_space<vmem_shared>> -> memref<32x128xf32, #tpu.memory_space<vmem_shared>>
      %dma_wait3A_461 = arith.constant 0 : i32
      %dma_wait3A_462 = tpu.memref_slice %arg10[%add3A_323, %dma_wait3A_461] : memref<10240x128xf32, #tpu.memory_space<vmem_shared>> -> memref<32x128xf32, #tpu.memory_space<vmem_shared>>
      tpu.wait_dma2 semaphore(%run_scoped3A : memref<!tpu.dma_semaphore, #tpu.memory_space<semaphore_mem>>) src(%arg9 : memref<32x128xf32, #tpu.memory_space<vmem>>) dst(%dma_wait3A_462 : memref<32x128xf32, #tpu.memory_space<vmem_shared>>)
      tpu.yield
    }) : () -> ()
    %mul3A_324 = arith.constant 640 : i32
    %mul3A_325 = arith.muli %arg1, %mul3A_324 : i32
    %add3A_326 = arith.constant 160 : i32
    %add3A_327 = arith.addi %mul3A_325, %add3A_326 : i32
    "tpu.region"() ({
      %run_scoped3A = tpu.sem_alloc : memref<!tpu.dma_semaphore, #tpu.memory_space<semaphore_mem>>
      %dma_start3A_456 = arith.constant 0 : i32
      %dma_start3A_457 = tpu.memref_slice %arg10[%add3A_327, %dma_start3A_456] : memref<10240x128xf32, #tpu.memory_space<vmem_shared>> -> memref<32x128xf32, #tpu.memory_space<vmem_shared>>
      %dma_start3A_458 = arith.constant 0 : i32
      %dma_start3A_459 = tpu.memref_slice %arg10[%add3A_327, %dma_start3A_458] : memref<10240x128xf32, #tpu.memory_space<vmem_shared>> -> memref<32x128xf32, #tpu.memory_space<vmem_shared>>
      tpu.enqueue_dma source(%arg9 : memref<32x128xf32, #tpu.memory_space<vmem>>) target(%dma_start3A_459 : memref<32x128xf32, #tpu.memory_space<vmem_shared>>) target_semaphore(%run_scoped3A : memref<!tpu.dma_semaphore, #tpu.memory_space<semaphore_mem>>)
      %dma_wait3A = arith.constant 0 : i32
      %dma_wait3A_460 = tpu.memref_slice %arg10[%add3A_327, %dma_wait3A] : memref<10240x128xf32, #tpu.memory_space<vmem_shared>> -> memref<32x128xf32, #tpu.memory_space<vmem_shared>>
      %dma_wait3A_461 = arith.constant 0 : i32
      %dma_wait3A_462 = tpu.memref_slice %arg10[%add3A_327, %dma_wait3A_461] : memref<10240x128xf32, #tpu.memory_space<vmem_shared>> -> memref<32x128xf32, #tpu.memory_space<vmem_shared>>
      tpu.wait_dma2 semaphore(%run_scoped3A : memref<!tpu.dma_semaphore, #tpu.memory_space<semaphore_mem>>) src(%arg9 : memref<32x128xf32, #tpu.memory_space<vmem>>) dst(%dma_wait3A_462 : memref<32x128xf32, #tpu.memory_space<vmem_shared>>)
      tpu.yield
    }) : () -> ()
    %mul3A_328 = arith.constant 640 : i32
    %mul3A_329 = arith.muli %arg1, %mul3A_328 : i32
    %add3A_330 = arith.constant 192 : i32
    %add3A_331 = arith.addi %mul3A_329, %add3A_330 : i32
    "tpu.region"() ({
      %run_scoped3A = tpu.sem_alloc : memref<!tpu.dma_semaphore, #tpu.memory_space<semaphore_mem>>
      %dma_start3A_456 = arith.constant 0 : i32
      %dma_start3A_457 = tpu.memref_slice %arg10[%add3A_331, %dma_start3A_456] : memref<10240x128xf32, #tpu.memory_space<vmem_shared>> -> memref<32x128xf32, #tpu.memory_space<vmem_shared>>
      %dma_start3A_458 = arith.constant 0 : i32
      %dma_start3A_459 = tpu.memref_slice %arg10[%add3A_331, %dma_start3A_458] : memref<10240x128xf32, #tpu.memory_space<vmem_shared>> -> memref<32x128xf32, #tpu.memory_space<vmem_shared>>
      tpu.enqueue_dma source(%arg9 : memref<32x128xf32, #tpu.memory_space<vmem>>) target(%dma_start3A_459 : memref<32x128xf32, #tpu.memory_space<vmem_shared>>) target_semaphore(%run_scoped3A : memref<!tpu.dma_semaphore, #tpu.memory_space<semaphore_mem>>)
      %dma_wait3A = arith.constant 0 : i32
      %dma_wait3A_460 = tpu.memref_slice %arg10[%add3A_331, %dma_wait3A] : memref<10240x128xf32, #tpu.memory_space<vmem_shared>> -> memref<32x128xf32, #tpu.memory_space<vmem_shared>>
      %dma_wait3A_461 = arith.constant 0 : i32
      %dma_wait3A_462 = tpu.memref_slice %arg10[%add3A_331, %dma_wait3A_461] : memref<10240x128xf32, #tpu.memory_space<vmem_shared>> -> memref<32x128xf32, #tpu.memory_space<vmem_shared>>
      tpu.wait_dma2 semaphore(%run_scoped3A : memref<!tpu.dma_semaphore, #tpu.memory_space<semaphore_mem>>) src(%arg9 : memref<32x128xf32, #tpu.memory_space<vmem>>) dst(%dma_wait3A_462 : memref<32x128xf32, #tpu.memory_space<vmem_shared>>)
      tpu.yield
    }) : () -> ()
    %mul3A_332 = arith.constant 640 : i32
    %mul3A_333 = arith.muli %arg1, %mul3A_332 : i32
    %add3A_334 = arith.constant 224 : i32
    %add3A_335 = arith.addi %mul3A_333, %add3A_334 : i32
    "tpu.region"() ({
      %run_scoped3A = tpu.sem_alloc : memref<!tpu.dma_semaphore, #tpu.memory_space<semaphore_mem>>
      %dma_start3A_456 = arith.constant 0 : i32
      %dma_start3A_457 = tpu.memref_slice %arg10[%add3A_335, %dma_start3A_456] : memref<10240x128xf32, #tpu.memory_space<vmem_shared>> -> memref<32x128xf32, #tpu.memory_space<vmem_shared>>
      %dma_start3A_458 = arith.constant 0 : i32
      %dma_start3A_459 = tpu.memref_slice %arg10[%add3A_335, %dma_start3A_458] : memref<10240x128xf32, #tpu.memory_space<vmem_shared>> -> memref<32x128xf32, #tpu.memory_space<vmem_shared>>
      tpu.enqueue_dma source(%arg9 : memref<32x128xf32, #tpu.memory_space<vmem>>) target(%dma_start3A_459 : memref<32x128xf32, #tpu.memory_space<vmem_shared>>) target_semaphore(%run_scoped3A : memref<!tpu.dma_semaphore, #tpu.memory_space<semaphore_mem>>)
      %dma_wait3A = arith.constant 0 : i32
      %dma_wait3A_460 = tpu.memref_slice %arg10[%add3A_335, %dma_wait3A] : memref<10240x128xf32, #tpu.memory_space<vmem_shared>> -> memref<32x128xf32, #tpu.memory_space<vmem_shared>>
      %dma_wait3A_461 = arith.constant 0 : i32
      %dma_wait3A_462 = tpu.memref_slice %arg10[%add3A_335, %dma_wait3A_461] : memref<10240x128xf32, #tpu.memory_space<vmem_shared>> -> memref<32x128xf32, #tpu.memory_space<vmem_shared>>
      tpu.wait_dma2 semaphore(%run_scoped3A : memref<!tpu.dma_semaphore, #tpu.memory_space<semaphore_mem>>) src(%arg9 : memref<32x128xf32, #tpu.memory_space<vmem>>) dst(%dma_wait3A_462 : memref<32x128xf32, #tpu.memory_space<vmem_shared>>)
      tpu.yield
    }) : () -> ()
    %mul3A_336 = arith.constant 640 : i32
    %mul3A_337 = arith.muli %arg1, %mul3A_336 : i32
    %add3A_338 = arith.constant 256 : i32
    %add3A_339 = arith.addi %mul3A_337, %add3A_338 : i32
    "tpu.region"() ({
      %run_scoped3A = tpu.sem_alloc : memref<!tpu.dma_semaphore, #tpu.memory_space<semaphore_mem>>
      %dma_start3A_456 = arith.constant 0 : i32
      %dma_start3A_457 = tpu.memref_slice %arg10[%add3A_339, %dma_start3A_456] : memref<10240x128xf32, #tpu.memory_space<vmem_shared>> -> memref<32x128xf32, #tpu.memory_space<vmem_shared>>
      %dma_start3A_458 = arith.constant 0 : i32
      %dma_start3A_459 = tpu.memref_slice %arg10[%add3A_339, %dma_start3A_458] : memref<10240x128xf32, #tpu.memory_space<vmem_shared>> -> memref<32x128xf32, #tpu.memory_space<vmem_shared>>
      tpu.enqueue_dma source(%arg9 : memref<32x128xf32, #tpu.memory_space<vmem>>) target(%dma_start3A_459 : memref<32x128xf32, #tpu.memory_space<vmem_shared>>) target_semaphore(%run_scoped3A : memref<!tpu.dma_semaphore, #tpu.memory_space<semaphore_mem>>)
      %dma_wait3A = arith.constant 0 : i32
      %dma_wait3A_460 = tpu.memref_slice %arg10[%add3A_339, %dma_wait3A] : memref<10240x128xf32, #tpu.memory_space<vmem_shared>> -> memref<32x128xf32, #tpu.memory_space<vmem_shared>>
      %dma_wait3A_461 = arith.constant 0 : i32
      %dma_wait3A_462 = tpu.memref_slice %arg10[%add3A_339, %dma_wait3A_461] : memref<10240x128xf32, #tpu.memory_space<vmem_shared>> -> memref<32x128xf32, #tpu.memory_space<vmem_shared>>
      tpu.wait_dma2 semaphore(%run_scoped3A : memref<!tpu.dma_semaphore, #tpu.memory_space<semaphore_mem>>) src(%arg9 : memref<32x128xf32, #tpu.memory_space<vmem>>) dst(%dma_wait3A_462 : memref<32x128xf32, #tpu.memory_space<vmem_shared>>)
      tpu.yield
    }) : () -> ()
    %mul3A_340 = arith.constant 640 : i32
    %mul3A_341 = arith.muli %arg1, %mul3A_340 : i32
    %add3A_342 = arith.constant 288 : i32
    %add3A_343 = arith.addi %mul3A_341, %add3A_342 : i32
    "tpu.region"() ({
      %run_scoped3A = tpu.sem_alloc : memref<!tpu.dma_semaphore, #tpu.memory_space<semaphore_mem>>
      %dma_start3A_456 = arith.constant 0 : i32
      %dma_start3A_457 = tpu.memref_slice %arg10[%add3A_343, %dma_start3A_456] : memref<10240x128xf32, #tpu.memory_space<vmem_shared>> -> memref<32x128xf32, #tpu.memory_space<vmem_shared>>
      %dma_start3A_458 = arith.constant 0 : i32
      %dma_start3A_459 = tpu.memref_slice %arg10[%add3A_343, %dma_start3A_458] : memref<10240x128xf32, #tpu.memory_space<vmem_shared>> -> memref<32x128xf32, #tpu.memory_space<vmem_shared>>
      tpu.enqueue_dma source(%arg9 : memref<32x128xf32, #tpu.memory_space<vmem>>) target(%dma_start3A_459 : memref<32x128xf32, #tpu.memory_space<vmem_shared>>) target_semaphore(%run_scoped3A : memref<!tpu.dma_semaphore, #tpu.memory_space<semaphore_mem>>)
      %dma_wait3A = arith.constant 0 : i32
      %dma_wait3A_460 = tpu.memref_slice %arg10[%add3A_343, %dma_wait3A] : memref<10240x128xf32, #tpu.memory_space<vmem_shared>> -> memref<32x128xf32, #tpu.memory_space<vmem_shared>>
      %dma_wait3A_461 = arith.constant 0 : i32
      %dma_wait3A_462 = tpu.memref_slice %arg10[%add3A_343, %dma_wait3A_461] : memref<10240x128xf32, #tpu.memory_space<vmem_shared>> -> memref<32x128xf32, #tpu.memory_space<vmem_shared>>
      tpu.wait_dma2 semaphore(%run_scoped3A : memref<!tpu.dma_semaphore, #tpu.memory_space<semaphore_mem>>) src(%arg9 : memref<32x128xf32, #tpu.memory_space<vmem>>) dst(%dma_wait3A_462 : memref<32x128xf32, #tpu.memory_space<vmem_shared>>)
      tpu.yield
    }) : () -> ()
    %mul3A_344 = arith.constant 640 : i32
    %mul3A_345 = arith.muli %arg1, %mul3A_344 : i32
    %add3A_346 = arith.constant 320 : i32
    %add3A_347 = arith.addi %mul3A_345, %add3A_346 : i32
    "tpu.region"() ({
      %run_scoped3A = tpu.sem_alloc : memref<!tpu.dma_semaphore, #tpu.memory_space<semaphore_mem>>
      %dma_start3A_456 = arith.constant 0 : i32
      %dma_start3A_457 = tpu.memref_slice %arg10[%add3A_347, %dma_start3A_456] : memref<10240x128xf32, #tpu.memory_space<vmem_shared>> -> memref<32x128xf32, #tpu.memory_space<vmem_shared>>
      %dma_start3A_458 = arith.constant 0 : i32
      %dma_start3A_459 = tpu.memref_slice %arg10[%add3A_347, %dma_start3A_458] : memref<10240x128xf32, #tpu.memory_space<vmem_shared>> -> memref<32x128xf32, #tpu.memory_space<vmem_shared>>
      tpu.enqueue_dma source(%arg9 : memref<32x128xf32, #tpu.memory_space<vmem>>) target(%dma_start3A_459 : memref<32x128xf32, #tpu.memory_space<vmem_shared>>) target_semaphore(%run_scoped3A : memref<!tpu.dma_semaphore, #tpu.memory_space<semaphore_mem>>)
      %dma_wait3A = arith.constant 0 : i32
      %dma_wait3A_460 = tpu.memref_slice %arg10[%add3A_347, %dma_wait3A] : memref<10240x128xf32, #tpu.memory_space<vmem_shared>> -> memref<32x128xf32, #tpu.memory_space<vmem_shared>>
      %dma_wait3A_461 = arith.constant 0 : i32
      %dma_wait3A_462 = tpu.memref_slice %arg10[%add3A_347, %dma_wait3A_461] : memref<10240x128xf32, #tpu.memory_space<vmem_shared>> -> memref<32x128xf32, #tpu.memory_space<vmem_shared>>
      tpu.wait_dma2 semaphore(%run_scoped3A : memref<!tpu.dma_semaphore, #tpu.memory_space<semaphore_mem>>) src(%arg9 : memref<32x128xf32, #tpu.memory_space<vmem>>) dst(%dma_wait3A_462 : memref<32x128xf32, #tpu.memory_space<vmem_shared>>)
      tpu.yield
    }) : () -> ()
    %mul3A_348 = arith.constant 640 : i32
    %mul3A_349 = arith.muli %arg1, %mul3A_348 : i32
    %add3A_350 = arith.constant 352 : i32
    %add3A_351 = arith.addi %mul3A_349, %add3A_350 : i32
    "tpu.region"() ({
      %run_scoped3A = tpu.sem_alloc : memref<!tpu.dma_semaphore, #tpu.memory_space<semaphore_mem>>
      %dma_start3A_456 = arith.constant 0 : i32
      %dma_start3A_457 = tpu.memref_slice %arg10[%add3A_351, %dma_start3A_456] : memref<10240x128xf32, #tpu.memory_space<vmem_shared>> -> memref<32x128xf32, #tpu.memory_space<vmem_shared>>
      %dma_start3A_458 = arith.constant 0 : i32
      %dma_start3A_459 = tpu.memref_slice %arg10[%add3A_351, %dma_start3A_458] : memref<10240x128xf32, #tpu.memory_space<vmem_shared>> -> memref<32x128xf32, #tpu.memory_space<vmem_shared>>
      tpu.enqueue_dma source(%arg9 : memref<32x128xf32, #tpu.memory_space<vmem>>) target(%dma_start3A_459 : memref<32x128xf32, #tpu.memory_space<vmem_shared>>) target_semaphore(%run_scoped3A : memref<!tpu.dma_semaphore, #tpu.memory_space<semaphore_mem>>)
      %dma_wait3A = arith.constant 0 : i32
      %dma_wait3A_460 = tpu.memref_slice %arg10[%add3A_351, %dma_wait3A] : memref<10240x128xf32, #tpu.memory_space<vmem_shared>> -> memref<32x128xf32, #tpu.memory_space<vmem_shared>>
      %dma_wait3A_461 = arith.constant 0 : i32
      %dma_wait3A_462 = tpu.memref_slice %arg10[%add3A_351, %dma_wait3A_461] : memref<10240x128xf32, #tpu.memory_space<vmem_shared>> -> memref<32x128xf32, #tpu.memory_space<vmem_shared>>
      tpu.wait_dma2 semaphore(%run_scoped3A : memref<!tpu.dma_semaphore, #tpu.memory_space<semaphore_mem>>) src(%arg9 : memref<32x128xf32, #tpu.memory_space<vmem>>) dst(%dma_wait3A_462 : memref<32x128xf32, #tpu.memory_space<vmem_shared>>)
      tpu.yield
    }) : () -> ()
    %mul3A_352 = arith.constant 640 : i32
    %mul3A_353 = arith.muli %arg1, %mul3A_352 : i32
    %add3A_354 = arith.constant 384 : i32
    %add3A_355 = arith.addi %mul3A_353, %add3A_354 : i32
    "tpu.region"() ({
      %run_scoped3A = tpu.sem_alloc : memref<!tpu.dma_semaphore, #tpu.memory_space<semaphore_mem>>
      %dma_start3A_456 = arith.constant 0 : i32
      %dma_start3A_457 = tpu.memref_slice %arg10[%add3A_355, %dma_start3A_456] : memref<10240x128xf32, #tpu.memory_space<vmem_shared>> -> memref<32x128xf32, #tpu.memory_space<vmem_shared>>
      %dma_start3A_458 = arith.constant 0 : i32
      %dma_start3A_459 = tpu.memref_slice %arg10[%add3A_355, %dma_start3A_458] : memref<10240x128xf32, #tpu.memory_space<vmem_shared>> -> memref<32x128xf32, #tpu.memory_space<vmem_shared>>
      tpu.enqueue_dma source(%arg9 : memref<32x128xf32, #tpu.memory_space<vmem>>) target(%dma_start3A_459 : memref<32x128xf32, #tpu.memory_space<vmem_shared>>) target_semaphore(%run_scoped3A : memref<!tpu.dma_semaphore, #tpu.memory_space<semaphore_mem>>)
      %dma_wait3A = arith.constant 0 : i32
      %dma_wait3A_460 = tpu.memref_slice %arg10[%add3A_355, %dma_wait3A] : memref<10240x128xf32, #tpu.memory_space<vmem_shared>> -> memref<32x128xf32, #tpu.memory_space<vmem_shared>>
      %dma_wait3A_461 = arith.constant 0 : i32
      %dma_wait3A_462 = tpu.memref_slice %arg10[%add3A_355, %dma_wait3A_461] : memref<10240x128xf32, #tpu.memory_space<vmem_shared>> -> memref<32x128xf32, #tpu.memory_space<vmem_shared>>
      tpu.wait_dma2 semaphore(%run_scoped3A : memref<!tpu.dma_semaphore, #tpu.memory_space<semaphore_mem>>) src(%arg9 : memref<32x128xf32, #tpu.memory_space<vmem>>) dst(%dma_wait3A_462 : memref<32x128xf32, #tpu.memory_space<vmem_shared>>)
      tpu.yield
    }) : () -> ()
    %mul3A_356 = arith.constant 640 : i32
    %mul3A_357 = arith.muli %arg1, %mul3A_356 : i32
    %add3A_358 = arith.constant 416 : i32
    %add3A_359 = arith.addi %mul3A_357, %add3A_358 : i32
    "tpu.region"() ({
      %run_scoped3A = tpu.sem_alloc : memref<!tpu.dma_semaphore, #tpu.memory_space<semaphore_mem>>
      %dma_start3A_456 = arith.constant 0 : i32
      %dma_start3A_457 = tpu.memref_slice %arg10[%add3A_359, %dma_start3A_456] : memref<10240x128xf32, #tpu.memory_space<vmem_shared>> -> memref<32x128xf32, #tpu.memory_space<vmem_shared>>
      %dma_start3A_458 = arith.constant 0 : i32
      %dma_start3A_459 = tpu.memref_slice %arg10[%add3A_359, %dma_start3A_458] : memref<10240x128xf32, #tpu.memory_space<vmem_shared>> -> memref<32x128xf32, #tpu.memory_space<vmem_shared>>
      tpu.enqueue_dma source(%arg9 : memref<32x128xf32, #tpu.memory_space<vmem>>) target(%dma_start3A_459 : memref<32x128xf32, #tpu.memory_space<vmem_shared>>) target_semaphore(%run_scoped3A : memref<!tpu.dma_semaphore, #tpu.memory_space<semaphore_mem>>)
      %dma_wait3A = arith.constant 0 : i32
      %dma_wait3A_460 = tpu.memref_slice %arg10[%add3A_359, %dma_wait3A] : memref<10240x128xf32, #tpu.memory_space<vmem_shared>> -> memref<32x128xf32, #tpu.memory_space<vmem_shared>>
      %dma_wait3A_461 = arith.constant 0 : i32
      %dma_wait3A_462 = tpu.memref_slice %arg10[%add3A_359, %dma_wait3A_461] : memref<10240x128xf32, #tpu.memory_space<vmem_shared>> -> memref<32x128xf32, #tpu.memory_space<vmem_shared>>
      tpu.wait_dma2 semaphore(%run_scoped3A : memref<!tpu.dma_semaphore, #tpu.memory_space<semaphore_mem>>) src(%arg9 : memref<32x128xf32, #tpu.memory_space<vmem>>) dst(%dma_wait3A_462 : memref<32x128xf32, #tpu.memory_space<vmem_shared>>)
      tpu.yield
    }) : () -> ()
    %mul3A_360 = arith.constant 640 : i32
    %mul3A_361 = arith.muli %arg1, %mul3A_360 : i32
    %add3A_362 = arith.constant 448 : i32
    %add3A_363 = arith.addi %mul3A_361, %add3A_362 : i32
    "tpu.region"() ({
      %run_scoped3A = tpu.sem_alloc : memref<!tpu.dma_semaphore, #tpu.memory_space<semaphore_mem>>
      %dma_start3A_456 = arith.constant 0 : i32
      %dma_start3A_457 = tpu.memref_slice %arg10[%add3A_363, %dma_start3A_456] : memref<10240x128xf32, #tpu.memory_space<vmem_shared>> -> memref<32x128xf32, #tpu.memory_space<vmem_shared>>
      %dma_start3A_458 = arith.constant 0 : i32
      %dma_start3A_459 = tpu.memref_slice %arg10[%add3A_363, %dma_start3A_458] : memref<10240x128xf32, #tpu.memory_space<vmem_shared>> -> memref<32x128xf32, #tpu.memory_space<vmem_shared>>
      tpu.enqueue_dma source(%arg9 : memref<32x128xf32, #tpu.memory_space<vmem>>) target(%dma_start3A_459 : memref<32x128xf32, #tpu.memory_space<vmem_shared>>) target_semaphore(%run_scoped3A : memref<!tpu.dma_semaphore, #tpu.memory_space<semaphore_mem>>)
      %dma_wait3A = arith.constant 0 : i32
      %dma_wait3A_460 = tpu.memref_slice %arg10[%add3A_363, %dma_wait3A] : memref<10240x128xf32, #tpu.memory_space<vmem_shared>> -> memref<32x128xf32, #tpu.memory_space<vmem_shared>>
      %dma_wait3A_461 = arith.constant 0 : i32
      %dma_wait3A_462 = tpu.memref_slice %arg10[%add3A_363, %dma_wait3A_461] : memref<10240x128xf32, #tpu.memory_space<vmem_shared>> -> memref<32x128xf32, #tpu.memory_space<vmem_shared>>
      tpu.wait_dma2 semaphore(%run_scoped3A : memref<!tpu.dma_semaphore, #tpu.memory_space<semaphore_mem>>) src(%arg9 : memref<32x128xf32, #tpu.memory_space<vmem>>) dst(%dma_wait3A_462 : memref<32x128xf32, #tpu.memory_space<vmem_shared>>)
      tpu.yield
    }) : () -> ()
    %mul3A_364 = arith.constant 640 : i32
    %mul3A_365 = arith.muli %arg1, %mul3A_364 : i32
    %add3A_366 = arith.constant 480 : i32
    %add3A_367 = arith.addi %mul3A_365, %add3A_366 : i32
    "tpu.region"() ({
      %run_scoped3A = tpu.sem_alloc : memref<!tpu.dma_semaphore, #tpu.memory_space<semaphore_mem>>
      %dma_start3A_456 = arith.constant 0 : i32
      %dma_start3A_457 = tpu.memref_slice %arg10[%add3A_367, %dma_start3A_456] : memref<10240x128xf32, #tpu.memory_space<vmem_shared>> -> memref<32x128xf32, #tpu.memory_space<vmem_shared>>
      %dma_start3A_458 = arith.constant 0 : i32
      %dma_start3A_459 = tpu.memref_slice %arg10[%add3A_367, %dma_start3A_458] : memref<10240x128xf32, #tpu.memory_space<vmem_shared>> -> memref<32x128xf32, #tpu.memory_space<vmem_shared>>
      tpu.enqueue_dma source(%arg9 : memref<32x128xf32, #tpu.memory_space<vmem>>) target(%dma_start3A_459 : memref<32x128xf32, #tpu.memory_space<vmem_shared>>) target_semaphore(%run_scoped3A : memref<!tpu.dma_semaphore, #tpu.memory_space<semaphore_mem>>)
      %dma_wait3A = arith.constant 0 : i32
      %dma_wait3A_460 = tpu.memref_slice %arg10[%add3A_367, %dma_wait3A] : memref<10240x128xf32, #tpu.memory_space<vmem_shared>> -> memref<32x128xf32, #tpu.memory_space<vmem_shared>>
      %dma_wait3A_461 = arith.constant 0 : i32
      %dma_wait3A_462 = tpu.memref_slice %arg10[%add3A_367, %dma_wait3A_461] : memref<10240x128xf32, #tpu.memory_space<vmem_shared>> -> memref<32x128xf32, #tpu.memory_space<vmem_shared>>
      tpu.wait_dma2 semaphore(%run_scoped3A : memref<!tpu.dma_semaphore, #tpu.memory_space<semaphore_mem>>) src(%arg9 : memref<32x128xf32, #tpu.memory_space<vmem>>) dst(%dma_wait3A_462 : memref<32x128xf32, #tpu.memory_space<vmem_shared>>)
      tpu.yield
    }) : () -> ()
    %mul3A_368 = arith.constant 640 : i32
    %mul3A_369 = arith.muli %arg1, %mul3A_368 : i32
    %add3A_370 = arith.constant 512 : i32
    %add3A_371 = arith.addi %mul3A_369, %add3A_370 : i32
    "tpu.region"() ({
      %run_scoped3A = tpu.sem_alloc : memref<!tpu.dma_semaphore, #tpu.memory_space<semaphore_mem>>
      %dma_start3A_456 = arith.constant 0 : i32
      %dma_start3A_457 = tpu.memref_slice %arg10[%add3A_371, %dma_start3A_456] : memref<10240x128xf32, #tpu.memory_space<vmem_shared>> -> memref<32x128xf32, #tpu.memory_space<vmem_shared>>
      %dma_start3A_458 = arith.constant 0 : i32
      %dma_start3A_459 = tpu.memref_slice %arg10[%add3A_371, %dma_start3A_458] : memref<10240x128xf32, #tpu.memory_space<vmem_shared>> -> memref<32x128xf32, #tpu.memory_space<vmem_shared>>
      tpu.enqueue_dma source(%arg9 : memref<32x128xf32, #tpu.memory_space<vmem>>) target(%dma_start3A_459 : memref<32x128xf32, #tpu.memory_space<vmem_shared>>) target_semaphore(%run_scoped3A : memref<!tpu.dma_semaphore, #tpu.memory_space<semaphore_mem>>)
      %dma_wait3A = arith.constant 0 : i32
      %dma_wait3A_460 = tpu.memref_slice %arg10[%add3A_371, %dma_wait3A] : memref<10240x128xf32, #tpu.memory_space<vmem_shared>> -> memref<32x128xf32, #tpu.memory_space<vmem_shared>>
      %dma_wait3A_461 = arith.constant 0 : i32
      %dma_wait3A_462 = tpu.memref_slice %arg10[%add3A_371, %dma_wait3A_461] : memref<10240x128xf32, #tpu.memory_space<vmem_shared>> -> memref<32x128xf32, #tpu.memory_space<vmem_shared>>
      tpu.wait_dma2 semaphore(%run_scoped3A : memref<!tpu.dma_semaphore, #tpu.memory_space<semaphore_mem>>) src(%arg9 : memref<32x128xf32, #tpu.memory_space<vmem>>) dst(%dma_wait3A_462 : memref<32x128xf32, #tpu.memory_space<vmem_shared>>)
      tpu.yield
    }) : () -> ()
    %mul3A_372 = arith.constant 640 : i32
    %mul3A_373 = arith.muli %arg1, %mul3A_372 : i32
    %add3A_374 = arith.constant 544 : i32
    %add3A_375 = arith.addi %mul3A_373, %add3A_374 : i32
    "tpu.region"() ({
      %run_scoped3A = tpu.sem_alloc : memref<!tpu.dma_semaphore, #tpu.memory_space<semaphore_mem>>
      %dma_start3A_456 = arith.constant 0 : i32
      %dma_start3A_457 = tpu.memref_slice %arg10[%add3A_375, %dma_start3A_456] : memref<10240x128xf32, #tpu.memory_space<vmem_shared>> -> memref<32x128xf32, #tpu.memory_space<vmem_shared>>
      %dma_start3A_458 = arith.constant 0 : i32
      %dma_start3A_459 = tpu.memref_slice %arg10[%add3A_375, %dma_start3A_458] : memref<10240x128xf32, #tpu.memory_space<vmem_shared>> -> memref<32x128xf32, #tpu.memory_space<vmem_shared>>
      tpu.enqueue_dma source(%arg9 : memref<32x128xf32, #tpu.memory_space<vmem>>) target(%dma_start3A_459 : memref<32x128xf32, #tpu.memory_space<vmem_shared>>) target_semaphore(%run_scoped3A : memref<!tpu.dma_semaphore, #tpu.memory_space<semaphore_mem>>)
      %dma_wait3A = arith.constant 0 : i32
      %dma_wait3A_460 = tpu.memref_slice %arg10[%add3A_375, %dma_wait3A] : memref<10240x128xf32, #tpu.memory_space<vmem_shared>> -> memref<32x128xf32, #tpu.memory_space<vmem_shared>>
      %dma_wait3A_461 = arith.constant 0 : i32
      %dma_wait3A_462 = tpu.memref_slice %arg10[%add3A_375, %dma_wait3A_461] : memref<10240x128xf32, #tpu.memory_space<vmem_shared>> -> memref<32x128xf32, #tpu.memory_space<vmem_shared>>
      tpu.wait_dma2 semaphore(%run_scoped3A : memref<!tpu.dma_semaphore, #tpu.memory_space<semaphore_mem>>) src(%arg9 : memref<32x128xf32, #tpu.memory_space<vmem>>) dst(%dma_wait3A_462 : memref<32x128xf32, #tpu.memory_space<vmem_shared>>)
      tpu.yield
    }) : () -> ()
    %mul3A_376 = arith.constant 640 : i32
    %mul3A_377 = arith.muli %arg1, %mul3A_376 : i32
    %add3A_378 = arith.constant 576 : i32
    %add3A_379 = arith.addi %mul3A_377, %add3A_378 : i32
    "tpu.region"() ({
      %run_scoped3A = tpu.sem_alloc : memref<!tpu.dma_semaphore, #tpu.memory_space<semaphore_mem>>
      %dma_start3A_456 = arith.constant 0 : i32
      %dma_start3A_457 = tpu.memref_slice %arg10[%add3A_379, %dma_start3A_456] : memref<10240x128xf32, #tpu.memory_space<vmem_shared>> -> memref<32x128xf32, #tpu.memory_space<vmem_shared>>
      %dma_start3A_458 = arith.constant 0 : i32
      %dma_start3A_459 = tpu.memref_slice %arg10[%add3A_379, %dma_start3A_458] : memref<10240x128xf32, #tpu.memory_space<vmem_shared>> -> memref<32x128xf32, #tpu.memory_space<vmem_shared>>
      tpu.enqueue_dma source(%arg9 : memref<32x128xf32, #tpu.memory_space<vmem>>) target(%dma_start3A_459 : memref<32x128xf32, #tpu.memory_space<vmem_shared>>) target_semaphore(%run_scoped3A : memref<!tpu.dma_semaphore, #tpu.memory_space<semaphore_mem>>)
      %dma_wait3A = arith.constant 0 : i32
      %dma_wait3A_460 = tpu.memref_slice %arg10[%add3A_379, %dma_wait3A] : memref<10240x128xf32, #tpu.memory_space<vmem_shared>> -> memref<32x128xf32, #tpu.memory_space<vmem_shared>>
      %dma_wait3A_461 = arith.constant 0 : i32
      %dma_wait3A_462 = tpu.memref_slice %arg10[%add3A_379, %dma_wait3A_461] : memref<10240x128xf32, #tpu.memory_space<vmem_shared>> -> memref<32x128xf32, #tpu.memory_space<vmem_shared>>
      tpu.wait_dma2 semaphore(%run_scoped3A : memref<!tpu.dma_semaphore, #tpu.memory_space<semaphore_mem>>) src(%arg9 : memref<32x128xf32, #tpu.memory_space<vmem>>) dst(%dma_wait3A_462 : memref<32x128xf32, #tpu.memory_space<vmem_shared>>)
      tpu.yield
    }) : () -> ()
    %mul3A_380 = arith.constant 640 : i32
    %mul3A_381 = arith.muli %arg1, %mul3A_380 : i32
    %add3A_382 = arith.constant 608 : i32
    %add3A_383 = arith.addi %mul3A_381, %add3A_382 : i32
    "tpu.region"() ({
      %run_scoped3A = tpu.sem_alloc : memref<!tpu.dma_semaphore, #tpu.memory_space<semaphore_mem>>
      %dma_start3A_456 = arith.constant 0 : i32
      %dma_start3A_457 = tpu.memref_slice %arg10[%add3A_383, %dma_start3A_456] : memref<10240x128xf32, #tpu.memory_space<vmem_shared>> -> memref<32x128xf32, #tpu.memory_space<vmem_shared>>
      %dma_start3A_458 = arith.constant 0 : i32
      %dma_start3A_459 = tpu.memref_slice %arg10[%add3A_383, %dma_start3A_458] : memref<10240x128xf32, #tpu.memory_space<vmem_shared>> -> memref<32x128xf32, #tpu.memory_space<vmem_shared>>
      tpu.enqueue_dma source(%arg9 : memref<32x128xf32, #tpu.memory_space<vmem>>) target(%dma_start3A_459 : memref<32x128xf32, #tpu.memory_space<vmem_shared>>) target_semaphore(%run_scoped3A : memref<!tpu.dma_semaphore, #tpu.memory_space<semaphore_mem>>)
      %dma_wait3A = arith.constant 0 : i32
      %dma_wait3A_460 = tpu.memref_slice %arg10[%add3A_383, %dma_wait3A] : memref<10240x128xf32, #tpu.memory_space<vmem_shared>> -> memref<32x128xf32, #tpu.memory_space<vmem_shared>>
      %dma_wait3A_461 = arith.constant 0 : i32
      %dma_wait3A_462 = tpu.memref_slice %arg10[%add3A_383, %dma_wait3A_461] : memref<10240x128xf32, #tpu.memory_space<vmem_shared>> -> memref<32x128xf32, #tpu.memory_space<vmem_shared>>
      tpu.wait_dma2 semaphore(%run_scoped3A : memref<!tpu.dma_semaphore, #tpu.memory_space<semaphore_mem>>) src(%arg9 : memref<32x128xf32, #tpu.memory_space<vmem>>) dst(%dma_wait3A_462 : memref<32x128xf32, #tpu.memory_space<vmem_shared>>)
      tpu.yield
    }) : () -> ()
    %barrier3A_384 = arith.constant 0 : index
    tpu.barrier barrier_id(%barrier3A_384)
    %add3A_385 = arith.constant 4 : i32
    %add3A_386 = arith.addi %add3A_385, %arg0 : i32
    %mul3A_387 = arith.constant 16 : i32
    %mul3A_388 = arith.muli %add3A_386, %mul3A_387 : i32
    %add3A_389 = arith.addi %mul3A_388, %arg1 : i32
    %mul3A_390 = arith.constant 10240 : i32
    %mul3A_391 = arith.muli %add3A_389, %mul3A_390 : i32
    %add3A_392 = arith.constant 0 : i32
    %add3A_393 = arith.addi %mul3A_391, %add3A_392 : i32
    "tpu.region"() ({
      %run_scoped3A = tpu.sem_alloc : memref<!tpu.dma_semaphore, #tpu.memory_space<semaphore_mem>>
      %dma_start3A_456 = tpu.memref_slice %arg3[%add3A_393] : memref<983040xi32, #tpu.memory_space<hbm>> -> memref<5120xi32, #tpu.memory_space<hbm>>
      %dma_start3A_457 = tpu.memref_slice %arg3[%add3A_393] : memref<983040xi32, #tpu.memory_space<hbm>> -> memref<5120xi32, #tpu.memory_space<hbm>>
      tpu.enqueue_dma source(%dma_start3A_457 : memref<5120xi32, #tpu.memory_space<hbm>>) target(%arg6 : memref<5120xi32, #tpu.memory_space<vmem>>) target_semaphore(%run_scoped3A : memref<!tpu.dma_semaphore, #tpu.memory_space<semaphore_mem>>)
      %dma_wait3A = tpu.memref_slice %arg3[%add3A_393] : memref<983040xi32, #tpu.memory_space<hbm>> -> memref<5120xi32, #tpu.memory_space<hbm>>
      %dma_wait3A_458 = tpu.memref_slice %arg3[%add3A_393] : memref<983040xi32, #tpu.memory_space<hbm>> -> memref<5120xi32, #tpu.memory_space<hbm>>
      tpu.wait_dma2 semaphore(%run_scoped3A : memref<!tpu.dma_semaphore, #tpu.memory_space<semaphore_mem>>) src(%dma_wait3A_458 : memref<5120xi32, #tpu.memory_space<hbm>>) dst(%arg6 : memref<5120xi32, #tpu.memory_space<vmem>>)
      tpu.yield
    }) : () -> ()
    "tpu.region"() ({
      %run_scoped3A = tpu.sem_alloc : memref<!tpu.dma_semaphore, #tpu.memory_space<semaphore_mem>>
      %dma_start3A_456 = tpu.memref_slice %arg4[%add3A_393] : memref<983040xi32, #tpu.memory_space<hbm>> -> memref<5120xi32, #tpu.memory_space<hbm>>
      %dma_start3A_457 = tpu.memref_slice %arg4[%add3A_393] : memref<983040xi32, #tpu.memory_space<hbm>> -> memref<5120xi32, #tpu.memory_space<hbm>>
      tpu.enqueue_dma source(%dma_start3A_457 : memref<5120xi32, #tpu.memory_space<hbm>>) target(%arg7 : memref<5120xi32, #tpu.memory_space<vmem>>) target_semaphore(%run_scoped3A : memref<!tpu.dma_semaphore, #tpu.memory_space<semaphore_mem>>)
      %dma_wait3A = tpu.memref_slice %arg4[%add3A_393] : memref<983040xi32, #tpu.memory_space<hbm>> -> memref<5120xi32, #tpu.memory_space<hbm>>
      %dma_wait3A_458 = tpu.memref_slice %arg4[%add3A_393] : memref<983040xi32, #tpu.memory_space<hbm>> -> memref<5120xi32, #tpu.memory_space<hbm>>
      tpu.wait_dma2 semaphore(%run_scoped3A : memref<!tpu.dma_semaphore, #tpu.memory_space<semaphore_mem>>) src(%dma_wait3A_458 : memref<5120xi32, #tpu.memory_space<hbm>>) dst(%arg7 : memref<5120xi32, #tpu.memory_space<vmem>>)
      tpu.yield
    }) : () -> ()
    %dma_start3A_394 = arith.constant 0 : i32
    %dma_start3A_395 = arith.constant 0 : i32
    %dma_start3A_396 = arith.constant 0 : i32
    %dma_start3A_397 = tpu.memref_slice %arg8[%dma_start3A_394, %dma_start3A_395, %dma_start3A_396] : memref<2x128x128xf32, #tpu.memory_space<vmem>> -> memref<1x128x128xf32, #tpu.memory_space<vmem>>
    %dma_start3A_398 = tpu.memref_squeeze %dma_start3A_397 : memref<1x128x128xf32, #tpu.memory_space<vmem>> -> memref<128x128xf32, #tpu.memory_space<vmem>>
    %dma_start3A_399 = arith.constant 0 : i32
    %dma_start3A_400 = tpu.memref_slice %arg6[%dma_start3A_399] : memref<5120xi32, #tpu.memory_space<vmem>> -> memref<128xi32, #tpu.memory_space<vmem>>
    %dma_start3A_401 = arith.constant 0 : i32
    %dma_start3A_402 = arith.constant 0 : i32
    %dma_start3A_403 = tpu.memref_slice %arg2[%dma_start3A_401, %dma_start3A_402] : memref<30000x128xf32, #tpu.memory_space<hbm>> -> memref<30000x128xf32, #tpu.memory_space<hbm>>
    tpu.enqueue_indirect_dma source(%dma_start3A_403 : memref<30000x128xf32, #tpu.memory_space<hbm>>) target(%dma_start3A_398 : memref<128x128xf32, #tpu.memory_space<vmem>>) offsets(%dma_start3A_400 : memref<128xi32, #tpu.memory_space<vmem>>) semaphore(%arg11 : memref<!tpu.dma_semaphore, #tpu.memory_space<semaphore_mem>>)
    %dma_start3A_404 = arith.constant 1 : i32
    %dma_start3A_405 = arith.constant 0 : i32
    %dma_start3A_406 = arith.constant 0 : i32
    %dma_start3A_407 = tpu.memref_slice %arg8[%dma_start3A_404, %dma_start3A_405, %dma_start3A_406] : memref<2x128x128xf32, #tpu.memory_space<vmem>> -> memref<1x128x128xf32, #tpu.memory_space<vmem>>
    %dma_start3A_408 = tpu.memref_squeeze %dma_start3A_407 : memref<1x128x128xf32, #tpu.memory_space<vmem>> -> memref<128x128xf32, #tpu.memory_space<vmem>>
    %dma_start3A_409 = arith.constant 128 : i32
    %dma_start3A_410 = tpu.memref_slice %arg6[%dma_start3A_409] : memref<5120xi32, #tpu.memory_space<vmem>> -> memref<128xi32, #tpu.memory_space<vmem>>
    %dma_start3A_411 = arith.constant 0 : i32
    %dma_start3A_412 = arith.constant 0 : i32
    %dma_start3A_413 = tpu.memref_slice %arg2[%dma_start3A_411, %dma_start3A_412] : memref<30000x128xf32, #tpu.memory_space<hbm>> -> memref<30000x128xf32, #tpu.memory_space<hbm>>
    tpu.enqueue_indirect_dma source(%dma_start3A_413 : memref<30000x128xf32, #tpu.memory_space<hbm>>) target(%dma_start3A_408 : memref<128x128xf32, #tpu.memory_space<vmem>>) offsets(%dma_start3A_410 : memref<128xi32, #tpu.memory_space<vmem>>) semaphore(%arg12 : memref<!tpu.dma_semaphore, #tpu.memory_space<semaphore_mem>>)
    %scan3A_414 = arith.constant 0 : i32
    %scan3A_415 = arith.constant 20 : i32
    %scan3A_416 = arith.addi %scan3A_414, %scan3A_415 : i32
    %scan3A_417 = arith.constant 1 : i32
    scf.for %scan3A_456 = %scan3A_414 to %scan3A_416 step %scan3A_417  : i32 {
      %mul3A_457 = arith.constant 1 : i32
      %mul3A_458 = arith.muli %scan3A_456, %mul3A_457 : i32
      %add3A_459 = arith.constant 0 : i32
      %add3A_460 = arith.addi %add3A_459, %mul3A_458 : i32
      %mul3A_461 = arith.constant 2 : i32
      %mul3A_462 = arith.muli %add3A_460, %mul3A_461 : i32
      %add3A_463 = arith.constant 0 : i32
      %add3A_464 = arith.addi %mul3A_462, %add3A_463 : i32
      %dma_wait3A = arith.constant 0 : i32
      %dma_wait3A_465 = arith.constant 0 : i32
      %dma_wait3A_466 = arith.constant 0 : i32
      %dma_wait3A_467 = tpu.memref_slice %arg8[%dma_wait3A, %dma_wait3A_465, %dma_wait3A_466] : memref<2x128x128xf32, #tpu.memory_space<vmem>> -> memref<1x128x128xf32, #tpu.memory_space<vmem>>
      %dma_wait3A_468 = tpu.memref_squeeze %dma_wait3A_467 : memref<1x128x128xf32, #tpu.memory_space<vmem>> -> memref<128x128xf32, #tpu.memory_space<vmem>>
      %dma_wait3A_469 = arith.constant 0 : i32
      %dma_wait3A_470 = arith.constant 0 : i32
      %dma_wait3A_471 = tpu.memref_slice %arg2[%dma_wait3A_469, %dma_wait3A_470] : memref<30000x128xf32, #tpu.memory_space<hbm>> -> memref<128x128xf32, #tpu.memory_space<hbm>>
      %dma_wait3A_472 = arith.constant 0 : i32
      %dma_wait3A_473 = arith.constant 0 : i32
      %dma_wait3A_474 = tpu.memref_slice %arg8[%dma_wait3A, %dma_wait3A_472, %dma_wait3A_473] : memref<2x128x128xf32, #tpu.memory_space<vmem>> -> memref<1x128x128xf32, #tpu.memory_space<vmem>>
      %dma_wait3A_475 = tpu.memref_squeeze %dma_wait3A_474 : memref<1x128x128xf32, #tpu.memory_space<vmem>> -> memref<128x128xf32, #tpu.memory_space<vmem>>
      %dma_wait3A_476 = arith.constant 0 : i32
      %dma_wait3A_477 = arith.constant 0 : i32
      %dma_wait3A_478 = tpu.memref_slice %arg2[%dma_wait3A_476, %dma_wait3A_477] : memref<30000x128xf32, #tpu.memory_space<hbm>> -> memref<128x128xf32, #tpu.memory_space<hbm>>
      tpu.wait_dma2 semaphore(%arg11 : memref<!tpu.dma_semaphore, #tpu.memory_space<semaphore_mem>>) src(%dma_wait3A_478 : memref<128x128xf32, #tpu.memory_space<hbm>>) dst(%dma_wait3A_475 : memref<128x128xf32, #tpu.memory_space<vmem>>)
      %mul3A_479 = arith.constant 128 : i32
      %mul3A_480 = arith.muli %add3A_464, %mul3A_479 : i32
      %run_scoped3A = arith.constant 0 : i32
      "tpu.region"() ({
        %run_scoped3A_514 = tpu.sem_alloc : memref<!tpu.dma_semaphore, #tpu.memory_space<semaphore_mem>>
        %dma_start3A_515 = arith.constant 0 : i32
        %dma_start3A_516 = arith.constant 0 : i32
        %dma_start3A_517 = tpu.memref_slice %arg8[%run_scoped3A, %dma_start3A_515, %dma_start3A_516] : memref<2x128x128xf32, #tpu.memory_space<vmem>> -> memref<1x128x128xf32, #tpu.memory_space<vmem>>
        %dma_start3A_518 = tpu.memref_squeeze %dma_start3A_517 : memref<1x128x128xf32, #tpu.memory_space<vmem>> -> memref<128x128xf32, #tpu.memory_space<vmem>>
        %dma_start3A_519 = tpu.memref_slice %arg7[%mul3A_480] : memref<5120xi32, #tpu.memory_space<vmem>> -> memref<128xi32, #tpu.memory_space<vmem>>
        %dma_start3A_520 = arith.constant 0 : i32
        %dma_start3A_521 = arith.constant 0 : i32
        %dma_start3A_522 = tpu.memref_slice %arg10[%dma_start3A_520, %dma_start3A_521] : memref<10240x128xf32, #tpu.memory_space<vmem_shared>> -> memref<10240x128xf32, #tpu.memory_space<vmem_shared>>
        tpu.enqueue_indirect_dma source(%dma_start3A_518 : memref<128x128xf32, #tpu.memory_space<vmem>>) target(%dma_start3A_522 : memref<10240x128xf32, #tpu.memory_space<vmem_shared>>) offsets(%dma_start3A_519 : memref<128xi32, #tpu.memory_space<vmem>>) semaphore(%run_scoped3A_514 : memref<!tpu.dma_semaphore, #tpu.memory_space<semaphore_mem>>) {add = true}
        %dma_wait3A_523 = arith.constant 0 : i32
        %dma_wait3A_524 = arith.constant 0 : i32
        %dma_wait3A_525 = tpu.memref_slice %arg8[%run_scoped3A, %dma_wait3A_523, %dma_wait3A_524] : memref<2x128x128xf32, #tpu.memory_space<vmem>> -> memref<1x128x128xf32, #tpu.memory_space<vmem>>
        %dma_wait3A_526 = tpu.memref_squeeze %dma_wait3A_525 : memref<1x128x128xf32, #tpu.memory_space<vmem>> -> memref<128x128xf32, #tpu.memory_space<vmem>>
        %dma_wait3A_527 = tpu.memref_slice %arg7[%mul3A_480] : memref<5120xi32, #tpu.memory_space<vmem>> -> memref<128xi32, #tpu.memory_space<vmem>>
        %dma_wait3A_528 = arith.constant 0 : i32
        %dma_wait3A_529 = arith.constant 0 : i32
        %dma_wait3A_530 = tpu.memref_slice %arg10[%dma_wait3A_528, %dma_wait3A_529] : memref<10240x128xf32, #tpu.memory_space<vmem_shared>> -> memref<10240x128xf32, #tpu.memory_space<vmem_shared>>
        tpu.wait_indirect_dma semaphore(%run_scoped3A_514 : memref<!tpu.dma_semaphore, #tpu.memory_space<semaphore_mem>>) src(%dma_wait3A_526 : memref<128x128xf32, #tpu.memory_space<vmem>>) dst(%dma_wait3A_530 : memref<10240x128xf32, #tpu.memory_space<vmem_shared>>)
        tpu.yield
      }) : () -> ()
      %add3A_481 = arith.constant 2 : i32
      %add3A_482 = arith.addi %add3A_464, %add3A_481 : i32
      %lt3A = arith.constant 40 : i32
      %lt3A_483 = arith.cmpi slt, %add3A_482, %lt3A : i32
      %convert_element_type3A = arith.extui %lt3A_483 : i1 to i32
      %cond3A = arith.constant 0 : i32
      %cond3A_484 = arith.cmpi ne, %convert_element_type3A, %cond3A : i32
      scf.if %cond3A_484 {
        %add3A_514 = arith.constant 2 : i32
        %add3A_515 = arith.addi %add3A_464, %add3A_514 : i32
        %mul3A_516 = arith.constant 128 : i32
        %mul3A_517 = arith.muli %add3A_515, %mul3A_516 : i32
        %dma_start3A_518 = arith.constant 0 : i32
        %dma_start3A_519 = arith.constant 0 : i32
        %dma_start3A_520 = arith.constant 0 : i32
        %dma_start3A_521 = tpu.memref_slice %arg8[%dma_start3A_518, %dma_start3A_519, %dma_start3A_520] : memref<2x128x128xf32, #tpu.memory_space<vmem>> -> memref<1x128x128xf32, #tpu.memory_space<vmem>>
        %dma_start3A_522 = tpu.memref_squeeze %dma_start3A_521 : memref<1x128x128xf32, #tpu.memory_space<vmem>> -> memref<128x128xf32, #tpu.memory_space<vmem>>
        %dma_start3A_523 = tpu.memref_slice %arg6[%mul3A_517] : memref<5120xi32, #tpu.memory_space<vmem>> -> memref<128xi32, #tpu.memory_space<vmem>>
        %dma_start3A_524 = arith.constant 0 : i32
        %dma_start3A_525 = arith.constant 0 : i32
        %dma_start3A_526 = tpu.memref_slice %arg2[%dma_start3A_524, %dma_start3A_525] : memref<30000x128xf32, #tpu.memory_space<hbm>> -> memref<30000x128xf32, #tpu.memory_space<hbm>>
        tpu.enqueue_indirect_dma source(%dma_start3A_526 : memref<30000x128xf32, #tpu.memory_space<hbm>>) target(%dma_start3A_522 : memref<128x128xf32, #tpu.memory_space<vmem>>) offsets(%dma_start3A_523 : memref<128xi32, #tpu.memory_space<vmem>>) semaphore(%arg11 : memref<!tpu.dma_semaphore, #tpu.memory_space<semaphore_mem>>)
      } else {
      }
      %mul3A_485 = arith.constant 2 : i32
      %mul3A_486 = arith.muli %add3A_460, %mul3A_485 : i32
      %add3A_487 = arith.constant 1 : i32
      %add3A_488 = arith.addi %mul3A_486, %add3A_487 : i32
      %dma_wait3A_489 = arith.constant 1 : i32
      %dma_wait3A_490 = arith.constant 0 : i32
      %dma_wait3A_491 = arith.constant 0 : i32
      %dma_wait3A_492 = tpu.memref_slice %arg8[%dma_wait3A_489, %dma_wait3A_490, %dma_wait3A_491] : memref<2x128x128xf32, #tpu.memory_space<vmem>> -> memref<1x128x128xf32, #tpu.memory_space<vmem>>
      %dma_wait3A_493 = tpu.memref_squeeze %dma_wait3A_492 : memref<1x128x128xf32, #tpu.memory_space<vmem>> -> memref<128x128xf32, #tpu.memory_space<vmem>>
      %dma_wait3A_494 = arith.constant 0 : i32
      %dma_wait3A_495 = arith.constant 0 : i32
      %dma_wait3A_496 = tpu.memref_slice %arg2[%dma_wait3A_494, %dma_wait3A_495] : memref<30000x128xf32, #tpu.memory_space<hbm>> -> memref<128x128xf32, #tpu.memory_space<hbm>>
      %dma_wait3A_497 = arith.constant 0 : i32
      %dma_wait3A_498 = arith.constant 0 : i32
      %dma_wait3A_499 = tpu.memref_slice %arg8[%dma_wait3A_489, %dma_wait3A_497, %dma_wait3A_498] : memref<2x128x128xf32, #tpu.memory_space<vmem>> -> memref<1x128x128xf32, #tpu.memory_space<vmem>>
      %dma_wait3A_500 = tpu.memref_squeeze %dma_wait3A_499 : memref<1x128x128xf32, #tpu.memory_space<vmem>> -> memref<128x128xf32, #tpu.memory_space<vmem>>
      %dma_wait3A_501 = arith.constant 0 : i32
      %dma_wait3A_502 = arith.constant 0 : i32
      %dma_wait3A_503 = tpu.memref_slice %arg2[%dma_wait3A_501, %dma_wait3A_502] : memref<30000x128xf32, #tpu.memory_space<hbm>> -> memref<128x128xf32, #tpu.memory_space<hbm>>
      tpu.wait_dma2 semaphore(%arg12 : memref<!tpu.dma_semaphore, #tpu.memory_space<semaphore_mem>>) src(%dma_wait3A_503 : memref<128x128xf32, #tpu.memory_space<hbm>>) dst(%dma_wait3A_500 : memref<128x128xf32, #tpu.memory_space<vmem>>)
      %mul3A_504 = arith.constant 128 : i32
      %mul3A_505 = arith.muli %add3A_488, %mul3A_504 : i32
      %run_scoped3A_506 = arith.constant 1 : i32
      "tpu.region"() ({
        %run_scoped3A_514 = tpu.sem_alloc : memref<!tpu.dma_semaphore, #tpu.memory_space<semaphore_mem>>
        %dma_start3A_515 = arith.constant 0 : i32
        %dma_start3A_516 = arith.constant 0 : i32
        %dma_start3A_517 = tpu.memref_slice %arg8[%run_scoped3A_506, %dma_start3A_515, %dma_start3A_516] : memref<2x128x128xf32, #tpu.memory_space<vmem>> -> memref<1x128x128xf32, #tpu.memory_space<vmem>>
        %dma_start3A_518 = tpu.memref_squeeze %dma_start3A_517 : memref<1x128x128xf32, #tpu.memory_space<vmem>> -> memref<128x128xf32, #tpu.memory_space<vmem>>
        %dma_start3A_519 = tpu.memref_slice %arg7[%mul3A_505] : memref<5120xi32, #tpu.memory_space<vmem>> -> memref<128xi32, #tpu.memory_space<vmem>>
        %dma_start3A_520 = arith.constant 0 : i32
        %dma_start3A_521 = arith.constant 0 : i32
        %dma_start3A_522 = tpu.memref_slice %arg10[%dma_start3A_520, %dma_start3A_521] : memref<10240x128xf32, #tpu.memory_space<vmem_shared>> -> memref<10240x128xf32, #tpu.memory_space<vmem_shared>>
        tpu.enqueue_indirect_dma source(%dma_start3A_518 : memref<128x128xf32, #tpu.memory_space<vmem>>) target(%dma_start3A_522 : memref<10240x128xf32, #tpu.memory_space<vmem_shared>>) offsets(%dma_start3A_519 : memref<128xi32, #tpu.memory_space<vmem>>) semaphore(%run_scoped3A_514 : memref<!tpu.dma_semaphore, #tpu.memory_space<semaphore_mem>>) {add = true}
        %dma_wait3A_523 = arith.constant 0 : i32
        %dma_wait3A_524 = arith.constant 0 : i32
        %dma_wait3A_525 = tpu.memref_slice %arg8[%run_scoped3A_506, %dma_wait3A_523, %dma_wait3A_524] : memref<2x128x128xf32, #tpu.memory_space<vmem>> -> memref<1x128x128xf32, #tpu.memory_space<vmem>>
        %dma_wait3A_526 = tpu.memref_squeeze %dma_wait3A_525 : memref<1x128x128xf32, #tpu.memory_space<vmem>> -> memref<128x128xf32, #tpu.memory_space<vmem>>
        %dma_wait3A_527 = tpu.memref_slice %arg7[%mul3A_505] : memref<5120xi32, #tpu.memory_space<vmem>> -> memref<128xi32, #tpu.memory_space<vmem>>
        %dma_wait3A_528 = arith.constant 0 : i32
        %dma_wait3A_529 = arith.constant 0 : i32
        %dma_wait3A_530 = tpu.memref_slice %arg10[%dma_wait3A_528, %dma_wait3A_529] : memref<10240x128xf32, #tpu.memory_space<vmem_shared>> -> memref<10240x128xf32, #tpu.memory_space<vmem_shared>>
        tpu.wait_indirect_dma semaphore(%run_scoped3A_514 : memref<!tpu.dma_semaphore, #tpu.memory_space<semaphore_mem>>) src(%dma_wait3A_526 : memref<128x128xf32, #tpu.memory_space<vmem>>) dst(%dma_wait3A_530 : memref<10240x128xf32, #tpu.memory_space<vmem_shared>>)
        tpu.yield
      }) : () -> ()
      %add3A_507 = arith.constant 2 : i32
      %add3A_508 = arith.addi %add3A_488, %add3A_507 : i32
      %lt3A_509 = arith.constant 40 : i32
      %lt3A_510 = arith.cmpi slt, %add3A_508, %lt3A_509 : i32
      %convert_element_type3A_511 = arith.extui %lt3A_510 : i1 to i32
      %cond3A_512 = arith.constant 0 : i32
      %cond3A_513 = arith.cmpi ne, %convert_element_type3A_511, %cond3A_512 : i32
      scf.if %cond3A_513 {
        %add3A_514 = arith.constant 2 : i32
        %add3A_515 = arith.addi %add3A_488, %add3A_514 : i32
        %mul3A_516 = arith.constant 128 : i32
        %mul3A_517 = arith.muli %add3A_515, %mul3A_516 : i32
        %dma_start3A_518 = arith.constant 1 : i32
        %dma_start3A_519 = arith.constant 0 : i32
        %dma_start3A_520 = arith.constant 0 : i32
        %dma_start3A_521 = tpu.memref_slice %arg8[%dma_start3A_518, %dma_start3A_519, %dma_start3A_520] : memref<2x128x128xf32, #tpu.memory_space<vmem>> -> memref<1x128x128xf32, #tpu.memory_space<vmem>>
        %dma_start3A_522 = tpu.memref_squeeze %dma_start3A_521 : memref<1x128x128xf32, #tpu.memory_space<vmem>> -> memref<128x128xf32, #tpu.memory_space<vmem>>
        %dma_start3A_523 = tpu.memref_slice %arg6[%mul3A_517] : memref<5120xi32, #tpu.memory_space<vmem>> -> memref<128xi32, #tpu.memory_space<vmem>>
        %dma_start3A_524 = arith.constant 0 : i32
        %dma_start3A_525 = arith.constant 0 : i32
        %dma_start3A_526 = tpu.memref_slice %arg2[%dma_start3A_524, %dma_start3A_525] : memref<30000x128xf32, #tpu.memory_space<hbm>> -> memref<30000x128xf32, #tpu.memory_space<hbm>>
        tpu.enqueue_indirect_dma source(%dma_start3A_526 : memref<30000x128xf32, #tpu.memory_space<hbm>>) target(%dma_start3A_522 : memref<128x128xf32, #tpu.memory_space<vmem>>) offsets(%dma_start3A_523 : memref<128xi32, #tpu.memory_space<vmem>>) semaphore(%arg12 : memref<!tpu.dma_semaphore, #tpu.memory_space<semaphore_mem>>)
      } else {
      }
    }
    %scan3A_418 = arith.constant 20 : i32
    %add3A_419 = arith.constant 5120 : i32
    %add3A_420 = arith.addi %mul3A_391, %add3A_419 : i32
    "tpu.region"() ({
      %run_scoped3A = tpu.sem_alloc : memref<!tpu.dma_semaphore, #tpu.memory_space<semaphore_mem>>
      %dma_start3A_456 = tpu.memref_slice %arg3[%add3A_420] : memref<983040xi32, #tpu.memory_space<hbm>> -> memref<5120xi32, #tpu.memory_space<hbm>>
      %dma_start3A_457 = tpu.memref_slice %arg3[%add3A_420] : memref<983040xi32, #tpu.memory_space<hbm>> -> memref<5120xi32, #tpu.memory_space<hbm>>
      tpu.enqueue_dma source(%dma_start3A_457 : memref<5120xi32, #tpu.memory_space<hbm>>) target(%arg6 : memref<5120xi32, #tpu.memory_space<vmem>>) target_semaphore(%run_scoped3A : memref<!tpu.dma_semaphore, #tpu.memory_space<semaphore_mem>>)
      %dma_wait3A = tpu.memref_slice %arg3[%add3A_420] : memref<983040xi32, #tpu.memory_space<hbm>> -> memref<5120xi32, #tpu.memory_space<hbm>>
      %dma_wait3A_458 = tpu.memref_slice %arg3[%add3A_420] : memref<983040xi32, #tpu.memory_space<hbm>> -> memref<5120xi32, #tpu.memory_space<hbm>>
      tpu.wait_dma2 semaphore(%run_scoped3A : memref<!tpu.dma_semaphore, #tpu.memory_space<semaphore_mem>>) src(%dma_wait3A_458 : memref<5120xi32, #tpu.memory_space<hbm>>) dst(%arg6 : memref<5120xi32, #tpu.memory_space<vmem>>)
      tpu.yield
    }) : () -> ()
    "tpu.region"() ({
      %run_scoped3A = tpu.sem_alloc : memref<!tpu.dma_semaphore, #tpu.memory_space<semaphore_mem>>
      %dma_start3A_456 = tpu.memref_slice %arg4[%add3A_420] : memref<983040xi32, #tpu.memory_space<hbm>> -> memref<5120xi32, #tpu.memory_space<hbm>>
      %dma_start3A_457 = tpu.memref_slice %arg4[%add3A_420] : memref<983040xi32, #tpu.memory_space<hbm>> -> memref<5120xi32, #tpu.memory_space<hbm>>
      tpu.enqueue_dma source(%dma_start3A_457 : memref<5120xi32, #tpu.memory_space<hbm>>) target(%arg7 : memref<5120xi32, #tpu.memory_space<vmem>>) target_semaphore(%run_scoped3A : memref<!tpu.dma_semaphore, #tpu.memory_space<semaphore_mem>>)
      %dma_wait3A = tpu.memref_slice %arg4[%add3A_420] : memref<983040xi32, #tpu.memory_space<hbm>> -> memref<5120xi32, #tpu.memory_space<hbm>>
      %dma_wait3A_458 = tpu.memref_slice %arg4[%add3A_420] : memref<983040xi32, #tpu.memory_space<hbm>> -> memref<5120xi32, #tpu.memory_space<hbm>>
      tpu.wait_dma2 semaphore(%run_scoped3A : memref<!tpu.dma_semaphore, #tpu.memory_space<semaphore_mem>>) src(%dma_wait3A_458 : memref<5120xi32, #tpu.memory_space<hbm>>) dst(%arg7 : memref<5120xi32, #tpu.memory_space<vmem>>)
      tpu.yield
    }) : () -> ()
    %dma_start3A_421 = arith.constant 0 : i32
    %dma_start3A_422 = arith.constant 0 : i32
    %dma_start3A_423 = arith.constant 0 : i32
    %dma_start3A_424 = tpu.memref_slice %arg8[%dma_start3A_421, %dma_start3A_422, %dma_start3A_423] : memref<2x128x128xf32, #tpu.memory_space<vmem>> -> memref<1x128x128xf32, #tpu.memory_space<vmem>>
    %dma_start3A_425 = tpu.memref_squeeze %dma_start3A_424 : memref<1x128x128xf32, #tpu.memory_space<vmem>> -> memref<128x128xf32, #tpu.memory_space<vmem>>
    %dma_start3A_426 = arith.constant 0 : i32
    %dma_start3A_427 = tpu.memref_slice %arg6[%dma_start3A_426] : memref<5120xi32, #tpu.memory_space<vmem>> -> memref<128xi32, #tpu.memory_space<vmem>>
    %dma_start3A_428 = arith.constant 0 : i32
    %dma_start3A_429 = arith.constant 0 : i32
    %dma_start3A_430 = tpu.memref_slice %arg2[%dma_start3A_428, %dma_start3A_429] : memref<30000x128xf32, #tpu.memory_space<hbm>> -> memref<30000x128xf32, #tpu.memory_space<hbm>>
    tpu.enqueue_indirect_dma source(%dma_start3A_430 : memref<30000x128xf32, #tpu.memory_space<hbm>>) target(%dma_start3A_425 : memref<128x128xf32, #tpu.memory_space<vmem>>) offsets(%dma_start3A_427 : memref<128xi32, #tpu.memory_space<vmem>>) semaphore(%arg11 : memref<!tpu.dma_semaphore, #tpu.memory_space<semaphore_mem>>)
    %dma_start3A_431 = arith.constant 1 : i32
    %dma_start3A_432 = arith.constant 0 : i32
    %dma_start3A_433 = arith.constant 0 : i32
    %dma_start3A_434 = tpu.memref_slice %arg8[%dma_start3A_431, %dma_start3A_432, %dma_start3A_433] : memref<2x128x128xf32, #tpu.memory_space<vmem>> -> memref<1x128x128xf32, #tpu.memory_space<vmem>>
    %dma_start3A_435 = tpu.memref_squeeze %dma_start3A_434 : memref<1x128x128xf32, #tpu.memory_space<vmem>> -> memref<128x128xf32, #tpu.memory_space<vmem>>
    %dma_start3A_436 = arith.constant 128 : i32
    %dma_start3A_437 = tpu.memref_slice %arg6[%dma_start3A_436] : memref<5120xi32, #tpu.memory_space<vmem>> -> memref<128xi32, #tpu.memory_space<vmem>>
    %dma_start3A_438 = arith.constant 0 : i32
    %dma_start3A_439 = arith.constant 0 : i32
    %dma_start3A_440 = tpu.memref_slice %arg2[%dma_start3A_438, %dma_start3A_439] : memref<30000x128xf32, #tpu.memory_space<hbm>> -> memref<30000x128xf32, #tpu.memory_space<hbm>>
    tpu.enqueue_indirect_dma source(%dma_start3A_440 : memref<30000x128xf32, #tpu.memory_space<hbm>>) target(%dma_start3A_435 : memref<128x128xf32, #tpu.memory_space<vmem>>) offsets(%dma_start3A_437 : memref<128xi32, #tpu.memory_space<vmem>>) semaphore(%arg12 : memref<!tpu.dma_semaphore, #tpu.memory_space<semaphore_mem>>)
    %scan3A_441 = arith.constant 0 : i32
    %scan3A_442 = arith.constant 20 : i32
    %scan3A_443 = arith.addi %scan3A_441, %scan3A_442 : i32
    %scan3A_444 = arith.constant 1 : i32
    scf.for %scan3A_456 = %scan3A_441 to %scan3A_443 step %scan3A_444  : i32 {
      %mul3A_457 = arith.constant 1 : i32
      %mul3A_458 = arith.muli %scan3A_456, %mul3A_457 : i32
      %add3A_459 = arith.constant 0 : i32
      %add3A_460 = arith.addi %add3A_459, %mul3A_458 : i32
      %mul3A_461 = arith.constant 2 : i32
      %mul3A_462 = arith.muli %add3A_460, %mul3A_461 : i32
      %add3A_463 = arith.constant 0 : i32
      %add3A_464 = arith.addi %mul3A_462, %add3A_463 : i32
      %dma_wait3A = arith.constant 0 : i32
      %dma_wait3A_465 = arith.constant 0 : i32
      %dma_wait3A_466 = arith.constant 0 : i32
      %dma_wait3A_467 = tpu.memref_slice %arg8[%dma_wait3A, %dma_wait3A_465, %dma_wait3A_466] : memref<2x128x128xf32, #tpu.memory_space<vmem>> -> memref<1x128x128xf32, #tpu.memory_space<vmem>>
      %dma_wait3A_468 = tpu.memref_squeeze %dma_wait3A_467 : memref<1x128x128xf32, #tpu.memory_space<vmem>> -> memref<128x128xf32, #tpu.memory_space<vmem>>
      %dma_wait3A_469 = arith.constant 0 : i32
      %dma_wait3A_470 = arith.constant 0 : i32
      %dma_wait3A_471 = tpu.memref_slice %arg2[%dma_wait3A_469, %dma_wait3A_470] : memref<30000x128xf32, #tpu.memory_space<hbm>> -> memref<128x128xf32, #tpu.memory_space<hbm>>
      %dma_wait3A_472 = arith.constant 0 : i32
      %dma_wait3A_473 = arith.constant 0 : i32
      %dma_wait3A_474 = tpu.memref_slice %arg8[%dma_wait3A, %dma_wait3A_472, %dma_wait3A_473] : memref<2x128x128xf32, #tpu.memory_space<vmem>> -> memref<1x128x128xf32, #tpu.memory_space<vmem>>
      %dma_wait3A_475 = tpu.memref_squeeze %dma_wait3A_474 : memref<1x128x128xf32, #tpu.memory_space<vmem>> -> memref<128x128xf32, #tpu.memory_space<vmem>>
      %dma_wait3A_476 = arith.constant 0 : i32
      %dma_wait3A_477 = arith.constant 0 : i32
      %dma_wait3A_478 = tpu.memref_slice %arg2[%dma_wait3A_476, %dma_wait3A_477] : memref<30000x128xf32, #tpu.memory_space<hbm>> -> memref<128x128xf32, #tpu.memory_space<hbm>>
      tpu.wait_dma2 semaphore(%arg11 : memref<!tpu.dma_semaphore, #tpu.memory_space<semaphore_mem>>) src(%dma_wait3A_478 : memref<128x128xf32, #tpu.memory_space<hbm>>) dst(%dma_wait3A_475 : memref<128x128xf32, #tpu.memory_space<vmem>>)
      %mul3A_479 = arith.constant 128 : i32
      %mul3A_480 = arith.muli %add3A_464, %mul3A_479 : i32
      %run_scoped3A = arith.constant 0 : i32
      "tpu.region"() ({
        %run_scoped3A_514 = tpu.sem_alloc : memref<!tpu.dma_semaphore, #tpu.memory_space<semaphore_mem>>
        %dma_start3A_515 = arith.constant 0 : i32
        %dma_start3A_516 = arith.constant 0 : i32
        %dma_start3A_517 = tpu.memref_slice %arg8[%run_scoped3A, %dma_start3A_515, %dma_start3A_516] : memref<2x128x128xf32, #tpu.memory_space<vmem>> -> memref<1x128x128xf32, #tpu.memory_space<vmem>>
        %dma_start3A_518 = tpu.memref_squeeze %dma_start3A_517 : memref<1x128x128xf32, #tpu.memory_space<vmem>> -> memref<128x128xf32, #tpu.memory_space<vmem>>
        %dma_start3A_519 = tpu.memref_slice %arg7[%mul3A_480] : memref<5120xi32, #tpu.memory_space<vmem>> -> memref<128xi32, #tpu.memory_space<vmem>>
        %dma_start3A_520 = arith.constant 0 : i32
        %dma_start3A_521 = arith.constant 0 : i32
        %dma_start3A_522 = tpu.memref_slice %arg10[%dma_start3A_520, %dma_start3A_521] : memref<10240x128xf32, #tpu.memory_space<vmem_shared>> -> memref<10240x128xf32, #tpu.memory_space<vmem_shared>>
        tpu.enqueue_indirect_dma source(%dma_start3A_518 : memref<128x128xf32, #tpu.memory_space<vmem>>) target(%dma_start3A_522 : memref<10240x128xf32, #tpu.memory_space<vmem_shared>>) offsets(%dma_start3A_519 : memref<128xi32, #tpu.memory_space<vmem>>) semaphore(%run_scoped3A_514 : memref<!tpu.dma_semaphore, #tpu.memory_space<semaphore_mem>>) {add = true}
        %dma_wait3A_523 = arith.constant 0 : i32
        %dma_wait3A_524 = arith.constant 0 : i32
        %dma_wait3A_525 = tpu.memref_slice %arg8[%run_scoped3A, %dma_wait3A_523, %dma_wait3A_524] : memref<2x128x128xf32, #tpu.memory_space<vmem>> -> memref<1x128x128xf32, #tpu.memory_space<vmem>>
        %dma_wait3A_526 = tpu.memref_squeeze %dma_wait3A_525 : memref<1x128x128xf32, #tpu.memory_space<vmem>> -> memref<128x128xf32, #tpu.memory_space<vmem>>
        %dma_wait3A_527 = tpu.memref_slice %arg7[%mul3A_480] : memref<5120xi32, #tpu.memory_space<vmem>> -> memref<128xi32, #tpu.memory_space<vmem>>
        %dma_wait3A_528 = arith.constant 0 : i32
        %dma_wait3A_529 = arith.constant 0 : i32
        %dma_wait3A_530 = tpu.memref_slice %arg10[%dma_wait3A_528, %dma_wait3A_529] : memref<10240x128xf32, #tpu.memory_space<vmem_shared>> -> memref<10240x128xf32, #tpu.memory_space<vmem_shared>>
        tpu.wait_indirect_dma semaphore(%run_scoped3A_514 : memref<!tpu.dma_semaphore, #tpu.memory_space<semaphore_mem>>) src(%dma_wait3A_526 : memref<128x128xf32, #tpu.memory_space<vmem>>) dst(%dma_wait3A_530 : memref<10240x128xf32, #tpu.memory_space<vmem_shared>>)
        tpu.yield
      }) : () -> ()
      %add3A_481 = arith.constant 2 : i32
      %add3A_482 = arith.addi %add3A_464, %add3A_481 : i32
      %lt3A = arith.constant 40 : i32
      %lt3A_483 = arith.cmpi slt, %add3A_482, %lt3A : i32
      %convert_element_type3A = arith.extui %lt3A_483 : i1 to i32
      %cond3A = arith.constant 0 : i32
      %cond3A_484 = arith.cmpi ne, %convert_element_type3A, %cond3A : i32
      scf.if %cond3A_484 {
        %add3A_514 = arith.constant 2 : i32
        %add3A_515 = arith.addi %add3A_464, %add3A_514 : i32
        %mul3A_516 = arith.constant 128 : i32
        %mul3A_517 = arith.muli %add3A_515, %mul3A_516 : i32
        %dma_start3A_518 = arith.constant 0 : i32
        %dma_start3A_519 = arith.constant 0 : i32
        %dma_start3A_520 = arith.constant 0 : i32
        %dma_start3A_521 = tpu.memref_slice %arg8[%dma_start3A_518, %dma_start3A_519, %dma_start3A_520] : memref<2x128x128xf32, #tpu.memory_space<vmem>> -> memref<1x128x128xf32, #tpu.memory_space<vmem>>
        %dma_start3A_522 = tpu.memref_squeeze %dma_start3A_521 : memref<1x128x128xf32, #tpu.memory_space<vmem>> -> memref<128x128xf32, #tpu.memory_space<vmem>>
        %dma_start3A_523 = tpu.memref_slice %arg6[%mul3A_517] : memref<5120xi32, #tpu.memory_space<vmem>> -> memref<128xi32, #tpu.memory_space<vmem>>
        %dma_start3A_524 = arith.constant 0 : i32
        %dma_start3A_525 = arith.constant 0 : i32
        %dma_start3A_526 = tpu.memref_slice %arg2[%dma_start3A_524, %dma_start3A_525] : memref<30000x128xf32, #tpu.memory_space<hbm>> -> memref<30000x128xf32, #tpu.memory_space<hbm>>
        tpu.enqueue_indirect_dma source(%dma_start3A_526 : memref<30000x128xf32, #tpu.memory_space<hbm>>) target(%dma_start3A_522 : memref<128x128xf32, #tpu.memory_space<vmem>>) offsets(%dma_start3A_523 : memref<128xi32, #tpu.memory_space<vmem>>) semaphore(%arg11 : memref<!tpu.dma_semaphore, #tpu.memory_space<semaphore_mem>>)
      } else {
      }
      %mul3A_485 = arith.constant 2 : i32
      %mul3A_486 = arith.muli %add3A_460, %mul3A_485 : i32
      %add3A_487 = arith.constant 1 : i32
      %add3A_488 = arith.addi %mul3A_486, %add3A_487 : i32
      %dma_wait3A_489 = arith.constant 1 : i32
      %dma_wait3A_490 = arith.constant 0 : i32
      %dma_wait3A_491 = arith.constant 0 : i32
      %dma_wait3A_492 = tpu.memref_slice %arg8[%dma_wait3A_489, %dma_wait3A_490, %dma_wait3A_491] : memref<2x128x128xf32, #tpu.memory_space<vmem>> -> memref<1x128x128xf32, #tpu.memory_space<vmem>>
      %dma_wait3A_493 = tpu.memref_squeeze %dma_wait3A_492 : memref<1x128x128xf32, #tpu.memory_space<vmem>> -> memref<128x128xf32, #tpu.memory_space<vmem>>
      %dma_wait3A_494 = arith.constant 0 : i32
      %dma_wait3A_495 = arith.constant 0 : i32
      %dma_wait3A_496 = tpu.memref_slice %arg2[%dma_wait3A_494, %dma_wait3A_495] : memref<30000x128xf32, #tpu.memory_space<hbm>> -> memref<128x128xf32, #tpu.memory_space<hbm>>
      %dma_wait3A_497 = arith.constant 0 : i32
      %dma_wait3A_498 = arith.constant 0 : i32
      %dma_wait3A_499 = tpu.memref_slice %arg8[%dma_wait3A_489, %dma_wait3A_497, %dma_wait3A_498] : memref<2x128x128xf32, #tpu.memory_space<vmem>> -> memref<1x128x128xf32, #tpu.memory_space<vmem>>
      %dma_wait3A_500 = tpu.memref_squeeze %dma_wait3A_499 : memref<1x128x128xf32, #tpu.memory_space<vmem>> -> memref<128x128xf32, #tpu.memory_space<vmem>>
      %dma_wait3A_501 = arith.constant 0 : i32
      %dma_wait3A_502 = arith.constant 0 : i32
      %dma_wait3A_503 = tpu.memref_slice %arg2[%dma_wait3A_501, %dma_wait3A_502] : memref<30000x128xf32, #tpu.memory_space<hbm>> -> memref<128x128xf32, #tpu.memory_space<hbm>>
      tpu.wait_dma2 semaphore(%arg12 : memref<!tpu.dma_semaphore, #tpu.memory_space<semaphore_mem>>) src(%dma_wait3A_503 : memref<128x128xf32, #tpu.memory_space<hbm>>) dst(%dma_wait3A_500 : memref<128x128xf32, #tpu.memory_space<vmem>>)
      %mul3A_504 = arith.constant 128 : i32
      %mul3A_505 = arith.muli %add3A_488, %mul3A_504 : i32
      %run_scoped3A_506 = arith.constant 1 : i32
      "tpu.region"() ({
        %run_scoped3A_514 = tpu.sem_alloc : memref<!tpu.dma_semaphore, #tpu.memory_space<semaphore_mem>>
        %dma_start3A_515 = arith.constant 0 : i32
        %dma_start3A_516 = arith.constant 0 : i32
        %dma_start3A_517 = tpu.memref_slice %arg8[%run_scoped3A_506, %dma_start3A_515, %dma_start3A_516] : memref<2x128x128xf32, #tpu.memory_space<vmem>> -> memref<1x128x128xf32, #tpu.memory_space<vmem>>
        %dma_start3A_518 = tpu.memref_squeeze %dma_start3A_517 : memref<1x128x128xf32, #tpu.memory_space<vmem>> -> memref<128x128xf32, #tpu.memory_space<vmem>>
        %dma_start3A_519 = tpu.memref_slice %arg7[%mul3A_505] : memref<5120xi32, #tpu.memory_space<vmem>> -> memref<128xi32, #tpu.memory_space<vmem>>
        %dma_start3A_520 = arith.constant 0 : i32
        %dma_start3A_521 = arith.constant 0 : i32
        %dma_start3A_522 = tpu.memref_slice %arg10[%dma_start3A_520, %dma_start3A_521] : memref<10240x128xf32, #tpu.memory_space<vmem_shared>> -> memref<10240x128xf32, #tpu.memory_space<vmem_shared>>
        tpu.enqueue_indirect_dma source(%dma_start3A_518 : memref<128x128xf32, #tpu.memory_space<vmem>>) target(%dma_start3A_522 : memref<10240x128xf32, #tpu.memory_space<vmem_shared>>) offsets(%dma_start3A_519 : memref<128xi32, #tpu.memory_space<vmem>>) semaphore(%run_scoped3A_514 : memref<!tpu.dma_semaphore, #tpu.memory_space<semaphore_mem>>) {add = true}
        %dma_wait3A_523 = arith.constant 0 : i32
        %dma_wait3A_524 = arith.constant 0 : i32
        %dma_wait3A_525 = tpu.memref_slice %arg8[%run_scoped3A_506, %dma_wait3A_523, %dma_wait3A_524] : memref<2x128x128xf32, #tpu.memory_space<vmem>> -> memref<1x128x128xf32, #tpu.memory_space<vmem>>
        %dma_wait3A_526 = tpu.memref_squeeze %dma_wait3A_525 : memref<1x128x128xf32, #tpu.memory_space<vmem>> -> memref<128x128xf32, #tpu.memory_space<vmem>>
        %dma_wait3A_527 = tpu.memref_slice %arg7[%mul3A_505] : memref<5120xi32, #tpu.memory_space<vmem>> -> memref<128xi32, #tpu.memory_space<vmem>>
        %dma_wait3A_528 = arith.constant 0 : i32
        %dma_wait3A_529 = arith.constant 0 : i32
        %dma_wait3A_530 = tpu.memref_slice %arg10[%dma_wait3A_528, %dma_wait3A_529] : memref<10240x128xf32, #tpu.memory_space<vmem_shared>> -> memref<10240x128xf32, #tpu.memory_space<vmem_shared>>
        tpu.wait_indirect_dma semaphore(%run_scoped3A_514 : memref<!tpu.dma_semaphore, #tpu.memory_space<semaphore_mem>>) src(%dma_wait3A_526 : memref<128x128xf32, #tpu.memory_space<vmem>>) dst(%dma_wait3A_530 : memref<10240x128xf32, #tpu.memory_space<vmem_shared>>)
        tpu.yield
      }) : () -> ()
      %add3A_507 = arith.constant 2 : i32
      %add3A_508 = arith.addi %add3A_488, %add3A_507 : i32
      %lt3A_509 = arith.constant 40 : i32
      %lt3A_510 = arith.cmpi slt, %add3A_508, %lt3A_509 : i32
      %convert_element_type3A_511 = arith.extui %lt3A_510 : i1 to i32
      %cond3A_512 = arith.constant 0 : i32
      %cond3A_513 = arith.cmpi ne, %convert_element_type3A_511, %cond3A_512 : i32
      scf.if %cond3A_513 {
        %add3A_514 = arith.constant 2 : i32
        %add3A_515 = arith.addi %add3A_488, %add3A_514 : i32
        %mul3A_516 = arith.constant 128 : i32
        %mul3A_517 = arith.muli %add3A_515, %mul3A_516 : i32
        %dma_start3A_518 = arith.constant 1 : i32
        %dma_start3A_519 = arith.constant 0 : i32
        %dma_start3A_520 = arith.constant 0 : i32
        %dma_start3A_521 = tpu.memref_slice %arg8[%dma_start3A_518, %dma_start3A_519, %dma_start3A_520] : memref<2x128x128xf32, #tpu.memory_space<vmem>> -> memref<1x128x128xf32, #tpu.memory_space<vmem>>
        %dma_start3A_522 = tpu.memref_squeeze %dma_start3A_521 : memref<1x128x128xf32, #tpu.memory_space<vmem>> -> memref<128x128xf32, #tpu.memory_space<vmem>>
        %dma_start3A_523 = tpu.memref_slice %arg6[%mul3A_517] : memref<5120xi32, #tpu.memory_space<vmem>> -> memref<128xi32, #tpu.memory_space<vmem>>
        %dma_start3A_524 = arith.constant 0 : i32
        %dma_start3A_525 = arith.constant 0 : i32
        %dma_start3A_526 = tpu.memref_slice %arg2[%dma_start3A_524, %dma_start3A_525] : memref<30000x128xf32, #tpu.memory_space<hbm>> -> memref<30000x128xf32, #tpu.memory_space<hbm>>
        tpu.enqueue_indirect_dma source(%dma_start3A_526 : memref<30000x128xf32, #tpu.memory_space<hbm>>) target(%dma_start3A_522 : memref<128x128xf32, #tpu.memory_space<vmem>>) offsets(%dma_start3A_523 : memref<128xi32, #tpu.memory_space<vmem>>) semaphore(%arg12 : memref<!tpu.dma_semaphore, #tpu.memory_space<semaphore_mem>>)
      } else {
      }
    }
    %scan3A_445 = arith.constant 20 : i32
    %barrier3A_446 = arith.constant 0 : index
    tpu.barrier barrier_id(%barrier3A_446)
    %mul3A_447 = arith.constant 640 : i32
    %mul3A_448 = arith.muli %arg1, %mul3A_447 : i32
    %add3A_449 = arith.constant 4 : i32
    %add3A_450 = arith.addi %add3A_449, %arg0 : i32
    %mul3A_451 = arith.constant 10240 : i32
    %mul3A_452 = arith.muli %add3A_450, %mul3A_451 : i32
    %mul3A_453 = arith.constant 640 : i32
    %mul3A_454 = arith.muli %arg1, %mul3A_453 : i32
    %add3A_455 = arith.addi %mul3A_452, %mul3A_454 : i32
    "tpu.region"() ({
      %run_scoped3A = tpu.sem_alloc : memref<!tpu.dma_semaphore, #tpu.memory_space<semaphore_mem>>
      %dma_start3A_456 = arith.constant 0 : i32
      %dma_start3A_457 = tpu.memref_slice %arg5[%add3A_455, %dma_start3A_456] : memref<61440x128xf32, #tpu.memory_space<hbm>> -> memref<640x128xf32, #tpu.memory_space<hbm>>
      %dma_start3A_458 = arith.constant 0 : i32
      %dma_start3A_459 = tpu.memref_slice %arg10[%mul3A_448, %dma_start3A_458] : memref<10240x128xf32, #tpu.memory_space<vmem_shared>> -> memref<640x128xf32, #tpu.memory_space<vmem_shared>>
      tpu.enqueue_dma source(%dma_start3A_459 : memref<640x128xf32, #tpu.memory_space<vmem_shared>>) target(%dma_start3A_457 : memref<640x128xf32, #tpu.memory_space<hbm>>) target_semaphore(%run_scoped3A : memref<!tpu.dma_semaphore, #tpu.memory_space<semaphore_mem>>)
      %dma_wait3A = arith.constant 0 : i32
      %dma_wait3A_460 = tpu.memref_slice %arg5[%add3A_455, %dma_wait3A] : memref<61440x128xf32, #tpu.memory_space<hbm>> -> memref<640x128xf32, #tpu.memory_space<hbm>>
      %dma_wait3A_461 = arith.constant 0 : i32
      %dma_wait3A_462 = tpu.memref_slice %arg10[%mul3A_448, %dma_wait3A_461] : memref<10240x128xf32, #tpu.memory_space<vmem_shared>> -> memref<640x128xf32, #tpu.memory_space<vmem_shared>>
      tpu.wait_dma2 semaphore(%run_scoped3A : memref<!tpu.dma_semaphore, #tpu.memory_space<semaphore_mem>>) src(%dma_wait3A_462 : memref<640x128xf32, #tpu.memory_space<vmem_shared>>) dst(%dma_wait3A_460 : memref<640x128xf32, #tpu.memory_space<hbm>>)
      tpu.yield
    }) : () -> ()
    return
  }
}

module attributes {stable_mosaic.version = 14 : i64} {
  func.func @_support_body(%arg0: i32, %arg1: i32, %arg2: memref<1000x128xf32, #tpu.memory_space<vmem>>, %arg3: memref<1x128x128xf32, #tpu.memory_space<vmem>>, %arg4: memref<1000x128xf32, #tpu.memory_space<vmem>>) attributes {dimension_semantics = [#tpu.dimension_semantics<arbitrary>, #tpu.dimension_semantics<arbitrary>], iteration_bounds = array<i64: 3, 10>, scalar_prefetch = 0 : i64, scratch_operands = 0 : i64, tpu.core_type = #tpu.core_type<tc>, window_params = [{transform_indices = @transform_0, window_bounds = array<i64: 1000, 128>}, {transform_indices = @transform_1, window_bounds = array<i64: 1, 128, 128>}, {transform_indices = @transform_2, window_bounds = array<i64: 1000, 128>}]} {
    %get3A = arith.constant 0 : index
    %get3A_0 = arith.constant 0 : index
    %get3A_1 = vector.load %arg2[%get3A, %get3A_0] : memref<1000x128xf32, #tpu.memory_space<vmem>>, vector<1000x128xf32>
    %get3A_2 = arith.constant 0 : index
    %get3A_3 = arith.constant 0 : index
    %get3A_4 = arith.constant 0 : index
    %get3A_5 = vector.load %arg3[%get3A_2, %get3A_3, %get3A_4] : memref<1x128x128xf32, #tpu.memory_space<vmem>>, vector<1x128x128xf32>
    %get3A_6 = vector.shape_cast %get3A_5 : vector<1x128x128xf32> to vector<128x128xf32>
    %dot_general3A = arith.constant dense<0.000000e+00> : vector<1000x128xf32>
    %dot_general3A_7 = tpu.matmul %get3A_1, %get3A_6, %dot_general3A {dimension_numbers = #tpu.dot_dimension_numbers<[1], [0], [0], [1], [0, 0, 1, 1], [], []>, transpose_lhs_hint = false} : vector<1000x128xf32>, vector<128x128xf32>, vector<1000x128xf32> -> vector<1000x128xf32>
    %swap3A = arith.constant 0 : index
    %swap3A_8 = arith.constant 0 : index
    %swap3A_9 = vector.load %arg4[%swap3A, %swap3A_8] : memref<1000x128xf32, #tpu.memory_space<vmem>>, vector<1000x128xf32>
    tpu.vector_store %arg4[%swap3A, %swap3A_8], %dot_general3A_7 {strides = array<i32>} : memref<1000x128xf32, #tpu.memory_space<vmem>>, vector<1000x128xf32>,
    return
  }
  func.func @transform_0(%arg0: i32, %arg1: i32) -> (i32, i32) {
    %c0_i32 = arith.constant 0 : i32
    %c0_i32_0 = arith.constant 0 : i32
    return %arg1, %c0_i32 : i32, i32
  }
  func.func @transform_1(%arg0: i32, %arg1: i32) -> (i32, i32, i32) {
    %c0_i32 = arith.constant 0 : i32
    %c0_i32_0 = arith.constant 0 : i32
    %c0_i32_1 = arith.constant 0 : i32
    return %arg0, %c0_i32, %c0_i32_0 : i32, i32, i32
  }
  func.func @transform_2(%arg0: i32, %arg1: i32) -> (i32, i32) {
    %mul3A = arith.constant 10 : i32
    %mul3A_0 = arith.muli %arg0, %mul3A : i32
    %add3A = arith.addi %mul3A_0, %arg1 : i32
    %c0_i32 = arith.constant 0 : i32
    %c0_i32_1 = arith.constant 0 : i32
    return %add3A, %c0_i32 : i32, i32
  }
}

module attributes {stable_mosaic.version = 14 : i64} {
  func.func @_mid_body(%arg0: i32, %arg1: memref<3x2x1000x128xf32, #tpu.memory_space<vmem>>, %arg2: memref<3x128xf32, #tpu.memory_space<vmem>>, %arg3: memref<3x128x128xf32, #tpu.memory_space<vmem>>, %arg4: memref<1000x128xf32, #tpu.memory_space<vmem>>) attributes {dimension_semantics = [#tpu.dimension_semantics<arbitrary>], iteration_bounds = array<i64: 10>, scalar_prefetch = 0 : i64, scratch_operands = 0 : i64, tpu.core_type = #tpu.core_type<tc>, window_params = [{transform_indices = @transform_0, window_bounds = array<i64: 3, 2, 1000, 128>}, {pipeline_mode = #tpu.pipeline_mode<synchronous>, transform_indices = @transform_1, window_bounds = array<i64: 3, 128>}, {pipeline_mode = #tpu.pipeline_mode<synchronous>, transform_indices = @transform_2, window_bounds = array<i64: 3, 128, 128>}, {transform_indices = @transform_3, window_bounds = array<i64: 1000, 128>}]} {
    %broadcast_in_dim3A = arith.constant 0.000000e+00 : f32
    %broadcast_in_dim3A_0 = vector.broadcast %broadcast_in_dim3A : f32 to vector<1000x128xf32>
    %get3A = arith.constant 0 : index
    %get3A_1 = arith.constant 0 : index
    %get3A_2 = arith.constant 0 : index
    %get3A_3 = arith.constant 0 : index
    %get3A_4 = vector.load %arg1[%get3A, %get3A_1, %get3A_2, %get3A_3] : memref<3x2x1000x128xf32, #tpu.memory_space<vmem>>, vector<1x1x1000x128xf32>
    %get3A_5 = vector.shape_cast %get3A_4 : vector<1x1x1000x128xf32> to vector<1000x128xf32>
    %get3A_6 = arith.constant 0 : index
    %get3A_7 = arith.constant 1 : index
    %get3A_8 = arith.constant 0 : index
    %get3A_9 = arith.constant 0 : index
    %get3A_10 = vector.load %arg1[%get3A_6, %get3A_7, %get3A_8, %get3A_9] : memref<3x2x1000x128xf32, #tpu.memory_space<vmem>>, vector<1x1x1000x128xf32>
    %get3A_11 = vector.shape_cast %get3A_10 : vector<1x1x1000x128xf32> to vector<1000x128xf32>
    %add3A = arith.addf %get3A_5, %get3A_11 : vector<1000x128xf32>
    %get3A_12 = arith.constant 0 : index
    %get3A_13 = arith.constant 0 : index
    %get3A_14 = vector.load %arg2[%get3A_12, %get3A_13] : memref<3x128xf32, #tpu.memory_space<vmem>>, vector<1x128xf32>
    %get3A_15 = vector.shape_cast %get3A_14 : vector<1x128xf32> to vector<128xf32>
    %broadcast_in_dim3A_16 = vector.shape_cast %get3A_15 : vector<128xf32> to vector<1x128xf32>
    %add3A_17 = vector.broadcast %broadcast_in_dim3A_16 : vector<1x128xf32> to vector<1000x128xf32>
    %add3A_18 = arith.addf %add3A, %add3A_17 : vector<1000x128xf32>
    %max3A = arith.constant 0.000000e+00 : f32
    %max3A_19 = vector.broadcast %max3A : f32 to vector<1000x128xf32>
    %max3A_20 = arith.maximumf %add3A_18, %max3A_19 : vector<1000x128xf32>
    %get3A_21 = arith.constant 0 : index
    %get3A_22 = arith.constant 0 : index
    %get3A_23 = arith.constant 0 : index
    %get3A_24 = vector.load %arg3[%get3A_21, %get3A_22, %get3A_23] : memref<3x128x128xf32, #tpu.memory_space<vmem>>, vector<1x128x128xf32>
    %get3A_25 = vector.shape_cast %get3A_24 : vector<1x128x128xf32> to vector<128x128xf32>
    %dot_general3A = arith.constant dense<0.000000e+00> : vector<1000x128xf32>
    %dot_general3A_26 = tpu.matmul %max3A_20, %get3A_25, %dot_general3A {dimension_numbers = #tpu.dot_dimension_numbers<[1], [0], [0], [1], [0, 0, 1, 1], [], []>, transpose_lhs_hint = false} : vector<1000x128xf32>, vector<128x128xf32>, vector<1000x128xf32> -> vector<1000x128xf32>
    %add3A_27 = arith.addf %broadcast_in_dim3A_0, %dot_general3A_26 : vector<1000x128xf32>
    %get3A_28 = arith.constant 1 : index
    %get3A_29 = arith.constant 0 : index
    %get3A_30 = arith.constant 0 : index
    %get3A_31 = arith.constant 0 : index
    %get3A_32 = vector.load %arg1[%get3A_28, %get3A_29, %get3A_30, %get3A_31] : memref<3x2x1000x128xf32, #tpu.memory_space<vmem>>, vector<1x1x1000x128xf32>
    %get3A_33 = vector.shape_cast %get3A_32 : vector<1x1x1000x128xf32> to vector<1000x128xf32>
    %get3A_34 = arith.constant 1 : index
    %get3A_35 = arith.constant 1 : index
    %get3A_36 = arith.constant 0 : index
    %get3A_37 = arith.constant 0 : index
    %get3A_38 = vector.load %arg1[%get3A_34, %get3A_35, %get3A_36, %get3A_37] : memref<3x2x1000x128xf32, #tpu.memory_space<vmem>>, vector<1x1x1000x128xf32>
    %get3A_39 = vector.shape_cast %get3A_38 : vector<1x1x1000x128xf32> to vector<1000x128xf32>
    %add3A_40 = arith.addf %get3A_33, %get3A_39 : vector<1000x128xf32>
    %get3A_41 = arith.constant 1 : index
    %get3A_42 = arith.constant 0 : index
    %get3A_43 = vector.load %arg2[%get3A_41, %get3A_42] : memref<3x128xf32, #tpu.memory_space<vmem>>, vector<1x128xf32>
    %get3A_44 = vector.shape_cast %get3A_43 : vector<1x128xf32> to vector<128xf32>
    %broadcast_in_dim3A_45 = vector.shape_cast %get3A_44 : vector<128xf32> to vector<1x128xf32>
    %add3A_46 = vector.broadcast %broadcast_in_dim3A_45 : vector<1x128xf32> to vector<1000x128xf32>
    %add3A_47 = arith.addf %add3A_40, %add3A_46 : vector<1000x128xf32>
    %max3A_48 = arith.constant 0.000000e+00 : f32
    %max3A_49 = vector.broadcast %max3A_48 : f32 to vector<1000x128xf32>
    %max3A_50 = arith.maximumf %add3A_47, %max3A_49 : vector<1000x128xf32>
    %get3A_51 = arith.constant 1 : index
    %get3A_52 = arith.constant 0 : index
    %get3A_53 = arith.constant 0 : index
    %get3A_54 = vector.load %arg3[%get3A_51, %get3A_52, %get3A_53] : memref<3x128x128xf32, #tpu.memory_space<vmem>>, vector<1x128x128xf32>
    %get3A_55 = vector.shape_cast %get3A_54 : vector<1x128x128xf32> to vector<128x128xf32>
    %dot_general3A_56 = arith.constant dense<0.000000e+00> : vector<1000x128xf32>
    %dot_general3A_57 = tpu.matmul %max3A_50, %get3A_55, %dot_general3A_56 {dimension_numbers = #tpu.dot_dimension_numbers<[1], [0], [0], [1], [0, 0, 1, 1], [], []>, transpose_lhs_hint = false} : vector<1000x128xf32>, vector<128x128xf32>, vector<1000x128xf32> -> vector<1000x128xf32>
    %add3A_58 = arith.addf %add3A_27, %dot_general3A_57 : vector<1000x128xf32>
    %get3A_59 = arith.constant 2 : index
    %get3A_60 = arith.constant 0 : index
    %get3A_61 = arith.constant 0 : index
    %get3A_62 = arith.constant 0 : index
    %get3A_63 = vector.load %arg1[%get3A_59, %get3A_60, %get3A_61, %get3A_62] : memref<3x2x1000x128xf32, #tpu.memory_space<vmem>>, vector<1x1x1000x128xf32>
    %get3A_64 = vector.shape_cast %get3A_63 : vector<1x1x1000x128xf32> to vector<1000x128xf32>
    %get3A_65 = arith.constant 2 : index
    %get3A_66 = arith.constant 1 : index
    %get3A_67 = arith.constant 0 : index
    %get3A_68 = arith.constant 0 : index
    %get3A_69 = vector.load %arg1[%get3A_65, %get3A_66, %get3A_67, %get3A_68] : memref<3x2x1000x128xf32, #tpu.memory_space<vmem>>, vector<1x1x1000x128xf32>
    %get3A_70 = vector.shape_cast %get3A_69 : vector<1x1x1000x128xf32> to vector<1000x128xf32>
    %add3A_71 = arith.addf %get3A_64, %get3A_70 : vector<1000x128xf32>
    %get3A_72 = arith.constant 2 : index
    %get3A_73 = arith.constant 0 : index
    %get3A_74 = vector.load %arg2[%get3A_72, %get3A_73] : memref<3x128xf32, #tpu.memory_space<vmem>>, vector<1x128xf32>
    %get3A_75 = vector.shape_cast %get3A_74 : vector<1x128xf32> to vector<128xf32>
    %broadcast_in_dim3A_76 = vector.shape_cast %get3A_75 : vector<128xf32> to vector<1x128xf32>
    %add3A_77 = vector.broadcast %broadcast_in_dim3A_76 : vector<1x128xf32> to vector<1000x128xf32>
    %add3A_78 = arith.addf %add3A_71, %add3A_77 : vector<1000x128xf32>
    %max3A_79 = arith.constant 0.000000e+00 : f32
    %max3A_80 = vector.broadcast %max3A_79 : f32 to vector<1000x128xf32>
    %max3A_81 = arith.maximumf %add3A_78, %max3A_80 : vector<1000x128xf32>
    %get3A_82 = arith.constant 2 : index
    %get3A_83 = arith.constant 0 : index
    %get3A_84 = arith.constant 0 : index
    %get3A_85 = vector.load %arg3[%get3A_82, %get3A_83, %get3A_84] : memref<3x128x128xf32, #tpu.memory_space<vmem>>, vector<1x128x128xf32>
    %get3A_86 = vector.shape_cast %get3A_85 : vector<1x128x128xf32> to vector<128x128xf32>
    %dot_general3A_87 = arith.constant dense<0.000000e+00> : vector<1000x128xf32>
    %dot_general3A_88 = tpu.matmul %max3A_81, %get3A_86, %dot_general3A_87 {dimension_numbers = #tpu.dot_dimension_numbers<[1], [0], [0], [1], [0, 0, 1, 1], [], []>, transpose_lhs_hint = false} : vector<1000x128xf32>, vector<128x128xf32>, vector<1000x128xf32> -> vector<1000x128xf32>
    %add3A_89 = arith.addf %add3A_58, %dot_general3A_88 : vector<1000x128xf32>
    %swap3A = arith.constant 0 : index
    %swap3A_90 = arith.constant 0 : index
    %swap3A_91 = vector.load %arg4[%swap3A, %swap3A_90] : memref<1000x128xf32, #tpu.memory_space<vmem>>, vector<1000x128xf32>
    tpu.vector_store %arg4[%swap3A, %swap3A_90], %add3A_89 {strides = array<i32>} : memref<1000x128xf32, #tpu.memory_space<vmem>>, vector<1000x128xf32>,
    return
  }
  func.func @transform_0(%arg0: i32) -> (i32, i32, i32, i32) {
    %c0_i32 = arith.constant 0 : i32
    %c0_i32_0 = arith.constant 0 : i32
    %c0_i32_1 = arith.constant 0 : i32
    %c0_i32_2 = arith.constant 0 : i32
    return %c0_i32, %c0_i32_0, %arg0, %c0_i32_1 : i32, i32, i32, i32
  }
  func.func @transform_1(%arg0: i32) -> (i32, i32) {
    %c0_i32 = arith.constant 0 : i32
    %c0_i32_0 = arith.constant 0 : i32
    %c0_i32_1 = arith.constant 0 : i32
    return %c0_i32, %c0_i32_0 : i32, i32
  }
  func.func @transform_2(%arg0: i32) -> (i32, i32, i32) {
    %c0_i32 = arith.constant 0 : i32
    %c0_i32_0 = arith.constant 0 : i32
    %c0_i32_1 = arith.constant 0 : i32
    %c0_i32_2 = arith.constant 0 : i32
    return %c0_i32, %c0_i32_0, %c0_i32_1 : i32, i32, i32
  }
  func.func @transform_3(%arg0: i32) -> (i32, i32) {
    %c0_i32 = arith.constant 0 : i32
    %c0_i32_0 = arith.constant 0 : i32
    return %arg0, %c0_i32 : i32, i32
  }
}

module attributes {stable_mosaic.version = 14 : i64} {
  func.func @_final_body(%arg0: i32, %arg1: memref<2x1000x128xf32, #tpu.memory_space<vmem>>, %arg2: memref<1x64xf32, #tpu.memory_space<vmem>>, %arg3: memref<1000x64xf32, #tpu.memory_space<vmem>>) attributes {dimension_semantics = [#tpu.dimension_semantics<arbitrary>], iteration_bounds = array<i64: 10>, scalar_prefetch = 0 : i64, scratch_operands = 0 : i64, tpu.core_type = #tpu.core_type<tc>, window_params = [{transform_indices = @transform_0, window_bounds = array<i64: 2, 1000, 128>}, {pipeline_mode = #tpu.pipeline_mode<synchronous>, transform_indices = @transform_1, window_bounds = array<i64: 1, 64>}, {transform_indices = @transform_2, window_bounds = array<i64: 1000, 64>}]} {
    %get3A = arith.constant 0 : index
    %get3A_0 = arith.constant 0 : index
    %get3A_1 = arith.constant 0 : index
    %get3A_2 = vector.load %arg1[%get3A, %get3A_0, %get3A_1] : memref<2x1000x128xf32, #tpu.memory_space<vmem>>, vector<1x1000x64xf32>
    %get3A_3 = vector.shape_cast %get3A_2 : vector<1x1000x64xf32> to vector<1000x64xf32>
    %get3A_4 = arith.constant 1 : index
    %get3A_5 = arith.constant 0 : index
    %get3A_6 = arith.constant 0 : index
    %get3A_7 = vector.load %arg1[%get3A_4, %get3A_5, %get3A_6] : memref<2x1000x128xf32, #tpu.memory_space<vmem>>, vector<1x1000x64xf32>
    %get3A_8 = vector.shape_cast %get3A_7 : vector<1x1000x64xf32> to vector<1000x64xf32>
    %add3A = arith.addf %get3A_3, %get3A_8 : vector<1000x64xf32>
    %get3A_9 = arith.constant 0 : index
    %get3A_10 = arith.constant 0 : index
    %get3A_11 = vector.load %arg2[%get3A_9, %get3A_10] : memref<1x64xf32, #tpu.memory_space<vmem>>, vector<1x64xf32>
    %add3A_12 = vector.broadcast %get3A_11 : vector<1x64xf32> to vector<1000x64xf32>
    %add3A_13 = arith.addf %add3A, %add3A_12 : vector<1000x64xf32>
    %reduce_max3A = arith.constant dense<0xFF800000> : vector<1000xf32>
    %reduce_max3A_14 = vector.multi_reduction <maximumf>, %add3A_13, %reduce_max3A [1] : vector<1000x64xf32> to vector<1000xf32>
    %broadcast_in_dim3A = vector.shape_cast %reduce_max3A_14 : vector<1000xf32> to vector<1000x1xf32>
    %sub3A = vector.broadcast %broadcast_in_dim3A : vector<1000x1xf32> to vector<1000x64xf32>
    %sub3A_15 = arith.subf %add3A_13, %sub3A : vector<1000x64xf32>
    %exp3A = math.exp %sub3A_15 : vector<1000x64xf32>
    %reduce_sum3A = arith.constant dense<0.000000e+00> : vector<1000xf32>
    %reduce_sum3A_16 = vector.multi_reduction <add>, %exp3A, %reduce_sum3A [1] : vector<1000x64xf32> to vector<1000xf32>
    %broadcast_in_dim3A_17 = vector.shape_cast %reduce_sum3A_16 : vector<1000xf32> to vector<1000x1xf32>
    %log3A = math.log %broadcast_in_dim3A_17 : vector<1000x1xf32>
    %sub3A_18 = vector.broadcast %broadcast_in_dim3A : vector<1000x1xf32> to vector<1000x64xf32>
    %sub3A_19 = arith.subf %add3A_13, %sub3A_18 : vector<1000x64xf32>
    %sub3A_20 = vector.broadcast %log3A : vector<1000x1xf32> to vector<1000x64xf32>
    %sub3A_21 = arith.subf %sub3A_19, %sub3A_20 : vector<1000x64xf32>
    %swap3A = arith.constant 0 : index
    %swap3A_22 = arith.constant 0 : index
    %swap3A_23 = vector.load %arg3[%swap3A, %swap3A_22] : memref<1000x64xf32, #tpu.memory_space<vmem>>, vector<1000x64xf32>
    tpu.vector_store %arg3[%swap3A, %swap3A_22], %sub3A_21 {strides = array<i32>} : memref<1000x64xf32, #tpu.memory_space<vmem>>, vector<1000x64xf32>,
    return
  }
  func.func @transform_0(%arg0: i32) -> (i32, i32, i32) {
    %c0_i32 = arith.constant 0 : i32
    %c0_i32_0 = arith.constant 0 : i32
    %c0_i32_1 = arith.constant 0 : i32
    return %c0_i32, %arg0, %c0_i32_0 : i32, i32, i32
  }
  func.func @transform_1(%arg0: i32) -> (i32, i32) {
    %c0_i32 = arith.constant 0 : i32
    %c0_i32_0 = arith.constant 0 : i32
    %c0_i32_1 = arith.constant 0 : i32
    return %c0_i32, %c0_i32_0 : i32, i32
  }
  func.func @transform_2(%arg0: i32) -> (i32, i32) {
    %c0_i32 = arith.constant 0 : i32
    %c0_i32_0 = arith.constant 0 : i32
    return %arg0, %c0_i32 : i32, i32
  }
}

</mosaic_0001>

<sc_bundles>
// kernel: kernel.10.cloned.1.call-start
scs
__scs_entry_jumppad:
0x0: {  	(pc) =	sbr.rel $0x88, $3  }
0x1: {  	(tag) =	ssettag $0x0;
	lr =	simm.s32 $0x1  }
0x2: {  	[smem:$0x3F9B] =	sst lr;
	_ =	strace $0xD0000000  }
0x3: {  	_ = 	snop  }
0x4: {  	_ = 	snop  }
0x5: {  	_ = 	snop  }
0x6: {  	_ = 	snop  }
0x7: {  	_ = 	snop  }
__scs_overlays_trampoline_lowered:
0x8: {  	[smem:$0x3FAA] =	sst s0  }
0x9: {  	[smem:$0x3FAB] =	sst s1  }
0xa: {  	[smem:$0x3FAC] =	sst s2  }
0xb: {  	[smem:$0x3FAD] =	sst s3  }
0xc: {  	[smem:$0x3FAE] =	sst s4  }
0xd: {  	[smem:$0x3FAF] =	sst s5  }
0xe: {  	[smem:$0x3FB0] =	sst s6  }
0xf: {  	[smem:$0x3FB1] =	sst s7  }
0x10: {  	[smem:$0x3FB2] =	sst s8  }
0x11: {  	[smem:$0x3FB3] =	sst s9;
	s0 =	simm.s32 @!p0 $0x0  }
0x12: {  	s1 =	sld [smem:$0x3F99];
	s0 =	simm.s32 @p0 $0x1  }
0x13: {  	[smem:$0x3FB4] =	sst s0;
	s0 =	simm.s32 @!p1 $0x0  }
0x14: {  	s2 =	sld [smem:$0x3F98];
	s0 =	simm.s32 @p1 $0x1  }
0x15: {  	[smem:$0x3FB5] =	sst s0;
	s0 =	simm.s32 @!p2 $0x0  }
0x16: {  	s3 =	sld [smem:$0x3FDB];
	s0 =	simm.s32 @p2 $0x1  }
0x17: {  	s4 =	simm.s32 $0x1BF5;
	[smem:$0x3FB7] =	sst s0  }
0x18: {  	s0 =	sld [smem:$0x3F9A];
	_ =	swait.ge [sflag:s4], $0x0  }
0x19: {  	s7 =	sld [smem:$0x3F9B]  }
0x1a: {  	s8 =	sadd.s32 $0xFFFFE003, lr  }
0x1b: {  	s9 =	sadd.s32 $0xFFFFFEF7, lr;
	s5 =	simm.s32 $0xFFFFFFFF;
	p2 =	slt.u32 s8, $0xFFFFF086  }
0x1c: {  	p1 =	slt.u32 s9, $0xF7A;
	s5 =	simm.s32 @!p2 $0x0  }
0x1d: {  	s5 =	simm.s32 @p1 $0x1;
	p0 =	seq.s32 s7, s2  }
0x1e: {  	s7 =	smul.u32 @!p0 $0xF7A, s2;
	p2 =	seq.s32 @!p0 s5, $0x0  }
0x1f: {  	s9 =	smul.u32 $0xF7A, s1;
	s8 =	simm.s32 @!p0 $0x1BF5;
	p2 =	por !p2, p0  }
0x20: {  	[sflag:s8] =	ssyncset.s32 @!p0 $0xFFFFF086;
	s6 =	sadd.s32 @!p0 s3, s7;
	s7 =	simm.s32 @!p0 $0x108  }
0x21: {  	s3 =	sadd.s32 s3, s9;
	s6 =	sadd.s32 @!p0 $0x88, s6;
	s7 =	simm.s32 @p2 $0x1082  }
0x22: {  	[simem:s7], [sflag:s8] =	dma.local @!p0 [hbm:s6], $0xF7A  }
0x23: {  	s9 =	sor.u32 $0xD0000000, s2;
	s6 =	simm.s32 $0x108;
	_ =	swait.ge @!p0 [sflag:s8], $0x0  }
0x24: {  	s3 =	sadd.s32 $0x88, s3;
	s6 =	simm.s32 @!p1 $0x1082;
	[sflag:s4] =	ssyncset.s32 $0xFFFFF086  }
0x25: {  	[simem:s6], [sflag:s4] =	dma.local [hbm:s3], $0xF7A  }
0x26: {  	[smem:$0x3F9B] =	sst s1;
	(tag) =	ssettag s2;
	_ =	strace s9  }
0x27: {  	s1 =	sld [smem:$0x3FAB]  }
0x28: {  	s2 =	sld [smem:$0x3FAC]  }
0x29: {  	s4 =	sld [smem:$0x3FAE]  }
0x2a: {  	p0 =	seq.s32 s5, $0x0;
	s5 =	sld [smem:$0x3FAF]  }
0x2b: {  	s6 =	sld [smem:$0x3FB0]  }
0x2c: {  	s7 =	sld [smem:$0x3FB1]  }
0x2d: {  	s3 =	simm.s32 $0x108;
	s8 =	sld [smem:$0x3FB2]  }
0x2e: {  	s3 =	simm.s32 @!p0 $0x1082;
	s9 =	sld [smem:$0x3FB3]  }
0x2f: {  	lr =	sadd.s32 s0, s3;
	s0 =	sld [smem:$0x3FAA]  }
0x30: {  	s3 =	sld [smem:$0x3FAD]  }
0x31: {  	[smem:$0x3FB6] =	sst s10  }
0x32: {  	s10 =	sld [smem:$0x3FB4];
	_ =	sdelay $0x3  }
0x33: {  	p0 =	seq.s32 s10, $0x1;
	s10 =	sld [smem:$0x3FB6];
	_ =	sdelay $0x3  }
0x34: {  	[smem:$0x3FB6] =	sst s10  }
0x35: {  	s10 =	sld [smem:$0x3FB5];
	_ =	sdelay $0x3  }
0x36: {  	p1 =	seq.s32 s10, $0x1;
	s10 =	sld [smem:$0x3FB6];
	_ =	sdelay $0x3  }
0x37: {  	[smem:$0x3FB6] =	sst s10  }
0x38: {  	s10 =	sld [smem:$0x3FB7]  }
0x39: {  	_ = 	snop;
	(pc) =	sbr.ind lr, $3  }
0x3a: {  	_ = 	snop  }
0x3b: {  	_ = 	snop  }
0x3c: {  	p2 =	seq.s32 s10, $0x1;
	s10 =	sld [smem:$0x3FB6]  }
0x3d: {  	_ =	shalt  }
0x3e: {  	_ =	shalt  }
0x3f: {  	_ =	shalt  }
0x40: {  	_ =	shalt  }
0x41: {  	_ =	shalt  }
0x42: {  	_ =	shalt  }
0x43: {  	_ =	shalt  }
0x44: {  	_ =	shalt  }
0x45: {  	_ =	shalt  }
0x46: {  	_ =	shalt  }
0x47: {  	_ =	shalt  }
0x48: {  	_ =	shalt  }
0x49: {  	_ =	shalt  }
0x4a: {  	_ =	shalt  }
0x4b: {  	_ =	shalt  }
0x4c: {  	_ =	shalt  }
0x4d: {  	_ =	shalt  }
0x4e: {  	_ =	shalt  }
0x4f: {  	_ =	shalt  }
0x50: {  	_ =	shalt  }
0x51: {  	_ =	shalt  }
0x52: {  	_ =	shalt  }
0x53: {  	_ =	shalt  }
0x54: {  	_ =	shalt  }
0x55: {  	_ =	shalt  }
0x56: {  	_ =	shalt  }
0x57: {  	_ =	shalt  }
0x58: {  	_ =	shalt  }
0x59: {  	_ =	shalt  }
0x5a: {  	_ =	shalt  }
0x5b: {  	_ =	shalt  }
0x5c: {  	_ =	shalt  }
0x5d: {  	_ =	shalt  }
0x5e: {  	_ =	shalt  }
0x5f: {  	_ =	shalt  }
0x60: {  	_ =	shalt  }
0x61: {  	_ =	shalt  }
0x62: {  	_ =	shalt  }
0x63: {  	_ =	shalt  }
0x64: {  	_ =	shalt  }
0x65: {  	_ =	shalt  }
0x66: {  	_ =	shalt  }
0x67: {  	_ =	shalt  }
0x68: {  	_ =	shalt  }
0x69: {  	_ =	shalt  }
0x6a: {  	_ =	shalt  }
0x6b: {  	_ =	shalt  }
0x6c: {  	_ =	shalt  }
0x6d: {  	_ =	shalt  }
0x6e: {  	_ =	shalt  }
0x6f: {  	_ =	shalt  }
0x70: {  	_ =	shalt  }
0x71: {  	_ =	shalt  }
0x72: {  	_ =	shalt  }
0x73: {  	_ =	shalt  }
0x74: {  	_ =	shalt  }
0x75: {  	_ =	shalt  }
0x76: {  	_ =	shalt  }
0x77: {  	_ =	shalt  }
0x78: {  	_ =	shalt  }
0x79: {  	_ =	shalt  }
0x7a: {  	_ =	shalt  }
0x7b: {  	_ =	shalt  }
0x7c: {  	_ =	shalt  }
0x7d: {  	_ =	shalt  }
0x7e: {  	_ =	shalt  }
0x7f: {  	_ =	shalt  }
0x80: {  	_ =	shalt  }
0x81: {  	_ =	shalt  }
0x82: {  	_ =	shalt  }
0x83: {  	_ =	shalt  }
0x84: {  	_ =	shalt  }
0x85: {  	_ =	shalt  }
0x86: {  	_ =	shalt  }
0x87: {  	_ =	shalt  }
.Lfunc_end0:
.L_simem_size_0:
called_computation.1_lowered:
.L_overlay_start_0:
0x88: {  	s2 =	sld [smem:$0x3FD9]  }
0x89: {  	s3 =	sld [smem:$0x3FFE];
	_ =	sdelay $0x1  }
0x8a: {  	s1 =	srdreg.scid  }
0x8b: {  	s0 =	sand.u32 $0x1, s1  }
0x8c: {  	s17 =	sshll.u32 s0, $0xA;
	s2 =	sadd.s32 s3, s2  }
0x8d: {  	s2 =	sadd.s32 s2, s17  }
0x8e: {  	[smem:$0x3FC2] =	sst s2  }
0x8f: {  	_ = 	snop  }
0x90: {  	s2 =	sld [smem:$0x3FD0];
	(tm) =	ssettm $0x1  }
0x91: {  	s18 =	sld [smem:$0x3FFB];
	_ =	sdelay $0x3  }
0x92: {  	_ =	strace s18  }
0x93: {  	s3 =	sld [smem:$0x3FFC];
	_ =	sdelay $0x3  }
0x94: {  	_ =	strace s3  }
0x95: {  	s3 =	sld [smem:$0x3FFD];
	_ =	sdelay $0x3  }
0x96: {  	_ =	strace s3  }
0x97: {  	_ =	strace $0x8FFFFFFF  }
0x98: {  	s19 =	sld [smem:$0x3FDB];
	_ =	sdelay $0x1  }
0x99: {  	s4 =	simm.s32 $_scs_section_size  }
0x9a: {  	s5 =	simm.s32 $_size__tile_overlayer_lowered;
	s6 =	simm.s32 $_tile_overlayer_lowered  }
0x9b: {  	s22 =	simm.s32 $0x1BFF;
	s21 =	sshll.u32 s6, $0x1;
	s3 =	sadd.s32 s4, s19  }
0x9c: {  	s7 =	simm.s32 $0x0;
	s20 =	sshll.u32 s5, $0x1;
	s5 =	sadd.s32 s21, s3  }
0x9d: {  	[timem:s7], [sflag:s22] =	dma.local [hbm:s5], s20  }
0x9e: {  	_ =	swait.ge [sflag:s22], s20  }
0x9f: {  	s4 =	ssub.s32 $0x0, s20;
	[sflag:s22] =	ssyncset.done $0x0  }
0xa0: {  	[sflag:s22] =	ssyncadd.s32 s4;
	_ =	sdelay $0x1  }
0xa1: {  	s23 =	simm.s32 $0x1B8B  }
0xa2: {  	_ =	swait.ge [sflag:s23], $0x1  }
0xa3: {  	[sflag:s23] =	ssyncset.done $0x0  }
0xa4: {  	s25 =	simm.s32 $0x1B8E;
	s24 =	sld [smem:$0x3FFE];
	[sflag:s23] =	ssyncadd.s32 $0xFFFFFFFF  }
0xa5: {  	s26 =	simm.s32 $execute0_lowered;
	[smem:$0x3FD2] =	sst s25  }
0xa6: {  	s5 =	sshll.u32 s26, $0x1;
	_ =	strace $0x80000049;
	[dreg:$0x1] =	wrdreg $0xFFFFFFFF  }
0xa7: {  	s28 =	simm.s32 $_size_execute0_lowered;
	s3 =	sadd.s32 s3, s5;
	[dreg:$0x0] =	wrdreg $0x0  }
0xa8: {  	s5 =	sshll.u32 s28, $0x1;
	[dreg:$0x2] =	wrdreg s3  }
0xa9: {  	[dreg:$0x3] =	wrdreg s5  }
0xaa: {  	[dreg:$0x4] =	wrdreg $0xC0  }
0xab: {  	_ =	task [dreg:s7], $0x5FFFF  }
0xac: {  	[dreg:$0x1] =	wrdreg $0xFFFFFFFF  }
0xad: {  	[dreg:$0x0] =	wrdreg $0x60  }
0xae: {  	[dreg:$0x2] =	wrdreg s24  }
0xaf: {  	[dreg:$0x3] =	wrdreg s2  }
0xb0: {  	[dreg:$0x4] =	wrdreg $0xB8000  }
0xb1: {  	[dreg:$0x5] =	wrdreg $0x9  }
0xb2: {  	_ =	task.clear_ibuf [dreg:s7], $0x6FFFF;
	_ =	strace $0x90000049  }
0xb3: {  	s29 =	simm.s32 $0x9;
	_ =	strace $0x8000004B  }
0xb4: {  	_ =	swait.ge [sflag:s29], $0x1  }
0xb5: {  	[sflag:s29] =	ssyncadd.s32 $0xFFFFFFFF  }
0xb6: {  	_ =	strace $0x9000004B  }
0xb7: {  	_ =	sfence  }
0xb8: {  	s30 =	sld [smem:$0x0];
	_ =	sdelay $0x2  }
0xb9: {  	s31 =	sshll.u32 s1, $0xD;
	s1 =	sshrl.u32 s1, $0x2  }
0xba: {  	s3 =	sand.u32 $0x4000, s31;
	s1 =	sadd.s32 s1, s30  }
0xbb: {  	s0 =	sor.u32 s3, s0;
	s1 =	sshll.u32 s1, $0x11  }
0xbc: {  	s0 =	sor.u32 s1, s0  }
0xbd: {  	s0 =	sadd.s32 $0x8F2B, s0  }
0xbe: {  	[sflag:s0] =	ssyncadd.remote.s32 $0x1  }
0xbf: {  	_ =	sfence.sel $0xFFFF  }
0xc0: {  	[dreg:$0x0] =	wrdreg $0xFFFFFFFF;
	(pc) =	sbr.abs _section_cstart, $3  }
0xc1: {  	[dreg:$0x1] =	wrdreg $0xFFFFFFFF  }
0xc2: {  	_ =	task.clear_ibuf [dreg:s7], $0x2FFFF;
	_ =	strace $0x9FFFFFFF  }
0xc3: {  	(tm) =	ssettm $0x7FFFFFFF  }
tec
execute0_lowered:
.L_overlay_start_1:
0x0: {  	(tag) =	ssettag $0x1  }
0x1: {  	s0 =	rddreg [dreg:$0x0]  }
0x2: {  	s1 =	rddreg [dreg:$0x1]  }
0x3: {  	s2 =	rddreg [dreg:$0x2]  }
0x4: {  	s12 =	stileid.u32;
	s3 =	simm.s32 $0x0;
	s4 =	srdreg.scid  }
0x5: {  	s13 =	simm.s32 $0x2780;
	s5 =	smul.u32 $0x2800, s12;
	[smem:$0x7FF] =	sst s3  }
0x6: {  	s6 =	sand.u32 $0x1, s4;
	s7 =	smul.u32 $0x50000, s12;
	s4 =	sadd.s32 $0xC00, s0  }
0x7: {  	s9 =	sadd.s32 $0x1A2000, s0;
	_ =	strace $0x8000004A;
	s8 =	smul.u32 $0x28000, s6  }
0x8: {  	s10 =	ssub.s32 $0x2, s6;
	s6 =	sshll.u32 s6, $0x4;
	s7 =	sshrl.u32 s7, $0x2  }
0x9: {  	s11 =	sshrl.u32 s10, $0x1;
	s8 =	sadd.s32 s5, s8;
	s5 =	sadd.s32 s7, s2  }
0xa: {  	s6 =	sor.u32 s12, s6;
	s12 =	simm.s32 $0x2700;
	s15 =	sadd.s32 $0x1000, s5  }
0xb: {  	s14 =	ssub.s32 s10, s11;
	s16 =	sadd.s32 $0x2000, s5;
	[dreg:$0x4] =	wrdreg s15  }
0xc: {  	s6 =	smul.u32 $0x2800, s6;
	s17 =	sadd.s32 $0x3000, s5;
	[dreg:$0x5] =	wrdreg s16  }
0xd: {  	s7 =	simm.s32 $0x80;
	s18 =	sadd.s32 $0x4000, s5;
	[dreg:$0x6] =	wrdreg s17  }
0xe: {  	s10 =	simm.s32 $0x1;
	s19 =	sadd.s32 $0x5000, s5;
	[dreg:$0x7] =	wrdreg s18  }
0xf: {  	s11 =	simm.s32 $0x2;
	s20 =	sadd.s32 $0x6000, s5;
	[dreg:$0x8] =	wrdreg s19  }
0x10: {  	s0 =	sadd.s32 s8, s0;
	s21 =	sadd.s32 $0x7000, s5;
	[dreg:$0x9] =	wrdreg s20  }
0x11: {  	s22 =	sadd.s32 $0x8000, s5;
	s23 =	sadd.s32 $0x9000, s5;
	[dreg:$0xa] =	wrdreg s21  }
0x12: {  	s24 =	sadd.s32 $0xA000, s5;
	s25 =	sadd.s32 $0xB000, s5;
	[dreg:$0xb] =	wrdreg s22  }
0x13: {  	s28 =	sadd.s32 $0x10000, s5;
	s29 =	sadd.s32 $0x11000, s5;
	[dreg:$0xc] =	wrdreg s23  }
0x14: {  	s30 =	sadd.s32 $0x12000, s5;
	s31 =	sadd.s32 $0x13000, s5;
	[dreg:$0xd] =	wrdreg s24  }
0x15: {  	s8 =	simm.s32 $0x2800;
	[dreg:$0xe] =	wrdreg s25;
	s17 =	sadd.s32 $0xC000, s5  }
0x16: {  	s6 =	sshrl.u32 s6, $0x3;
	s18 =	sadd.s32 $0xD000, s5;
	s23 =	sadd.s32 $0xE000, s5  }
0x17: {  	s24 =	sadd.s32 $0x27E00, s0;
	s25 =	smax.u32 s14, $0x1;
	s0 =	simm.s32 $0xA800  }
0x18: {  	s19 =	sadd.s32 s1, s6;
	s26 =	sadd.s32 $0x280, s6;
	s20 =	sadd.s32 s9, s6  }
0x19: {  	s6 =	simm.s32 $0x1400;
	s21 =	sadd.s32 s1, s26;
	s22 =	sadd.s32 s9, s26  }
0x1a: {  	v0 =	vimm.f32 $0.0e+00;
	s26 =	sadd.s32 $0xF000, s5;
	s1 =	simm.s32 $0x3;
	s9 =	simm.s32 $0x6800  }
.LBB2_1:
0x1b: {  	s14 =	simm.s32 $0x0;
	s15 =	simm.s32 $0x200  }
.LBB2_2:
0x1c: {  	p0 =	sne.s32 s15, $0x3E00;
	[tilespmem:s14+$0xA870] =	vst v0  }
0x1d: {  	[tilespmem:s14+$0xA800] =	vst v0  }
0x1e: {  	[tilespmem:s14+$0xA810] =	vst v0  }
.Ltmp0:
0x1f: {  	[tilespmem:s14+$0xA820] =	vst v0;
	(pc) =	sbr.rel @p0 .LBB2_2-.Ltmp0, $4  }
0x20: {  	[tilespmem:s14+$0xA830] =	vst v0  }
0x21: {  	[tilespmem:s14+$0xA840] =	vst v0  }
0x22: {  	[tilespmem:s14+$0xA850] =	vst v0  }
0x23: {  	[tilespmem:s14+$0xA860] =	vst v0;
	s14 =	sshra.s32 s15, $0x2;
	s15 =	sadd.s32 $0x200, s15  }
0x24: {  	[tilespmem:s14+$0xA870] =	vst v0  }
0x25: {  	[tilespmem:s14+$0xA800] =	vst v0  }
0x26: {  	[tilespmem:s14+$0xA810] =	vst v0  }
0x27: {  	[tilespmem:s14+$0xA820] =	vst v0  }
0x28: {  	[tilespmem:s14+$0xA830] =	vst v0  }
0x29: {  	[tilespmem:s14+$0xA840] =	vst v0  }
0x2a: {  	[tilespmem:s14+$0xA850] =	vst v0  }
0x2b: {  	[tilespmem:s14+$0xA860] =	vst v0  }
0x2c: {  	[spmem:s5] =	stream.linear.scatter [tilespmem:s0], [sflag:$0x3], $0x1000, $0x38;
	[tilespmem:$0x1F800] =	vst v63  }
0x2d: {  	_ =	swait.ge [sflag:s1], $0x1000  }
0x2e: {  	[sflag:s1] =	ssyncset.done $0x0  }
0x2f: {  	s16 =	rddreg [dreg:$0x4];
	[sflag:s1] =	ssyncadd.s32 $0xFFFFF000  }
0x30: {  	[spmem:s16] =	stream.linear.scatter [tilespmem:s0], [sflag:$0x3], $0x1000, $0x38;
	[tilespmem:$0x1F800] =	vst v63  }
0x31: {  	_ =	swait.ge [sflag:s1], $0x1000  }
0x32: {  	[sflag:s1] =	ssyncset.done $0x0  }
0x33: {  	s15 =	rddreg [dreg:$0x5];
	[sflag:s1] =	ssyncadd.s32 $0xFFFFF000  }
0x34: {  	[spmem:s15] =	stream.linear.scatter [tilespmem:s0], [sflag:$0x3], $0x1000, $0x38;
	[tilespmem:$0x1F800] =	vst v63  }
0x35: {  	_ =	swait.ge [sflag:s1], $0x1000  }
0x36: {  	[sflag:s1] =	ssyncset.done $0x0  }
0x37: {  	s16 =	rddreg [dreg:$0x6];
	[sflag:s1] =	ssyncadd.s32 $0xFFFFF000  }
0x38: {  	[spmem:s16] =	stream.linear.scatter [tilespmem:s0], [sflag:$0x3], $0x1000, $0x38;
	[tilespmem:$0x1F800] =	vst v63  }
0x39: {  	_ =	swait.ge [sflag:s1], $0x1000  }
0x3a: {  	[sflag:s1] =	ssyncset.done $0x0  }
0x3b: {  	s15 =	rddreg [dreg:$0x7];
	[sflag:s1] =	ssyncadd.s32 $0xFFFFF000  }
0x3c: {  	[spmem:s15] =	stream.linear.scatter [tilespmem:s0], [sflag:$0x3], $0x1000, $0x38;
	[tilespmem:$0x1F800] =	vst v63  }
0x3d: {  	_ =	swait.ge [sflag:s1], $0x1000  }
0x3e: {  	[sflag:s1] =	ssyncset.done $0x0  }
0x3f: {  	s16 =	rddreg [dreg:$0x8];
	[sflag:s1] =	ssyncadd.s32 $0xFFFFF000  }
0x40: {  	[spmem:s16] =	stream.linear.scatter [tilespmem:s0], [sflag:$0x3], $0x1000, $0x38;
	[tilespmem:$0x1F800] =	vst v63  }
0x41: {  	_ =	swait.ge [sflag:s1], $0x1000  }
0x42: {  	[sflag:s1] =	ssyncset.done $0x0  }
0x43: {  	s15 =	rddreg [dreg:$0x9];
	[sflag:s1] =	ssyncadd.s32 $0xFFFFF000  }
0x44: {  	[spmem:s15] =	stream.linear.scatter [tilespmem:s0], [sflag:$0x3], $0x1000, $0x38;
	[tilespmem:$0x1F800] =	vst v63  }
0x45: {  	_ =	swait.ge [sflag:s1], $0x1000  }
0x46: {  	[sflag:s1] =	ssyncset.done $0x0  }
0x47: {  	s16 =	rddreg [dreg:$0xa];
	[sflag:s1] =	ssyncadd.s32 $0xFFFFF000  }
0x48: {  	[spmem:s16] =	stream.linear.scatter [tilespmem:s0], [sflag:$0x3], $0x1000, $0x38;
	[tilespmem:$0x1F800] =	vst v63  }
0x49: {  	_ =	swait.ge [sflag:s1], $0x1000  }
0x4a: {  	[sflag:s1] =	ssyncset.done $0x0  }
0x4b: {  	s15 =	rddreg [dreg:$0xb];
	[sflag:s1] =	ssyncadd.s32 $0xFFFFF000  }
0x4c: {  	[spmem:s15] =	stream.linear.scatter [tilespmem:s0], [sflag:$0x3], $0x1000, $0x38;
	[tilespmem:$0x1F800] =	vst v63  }
0x4d: {  	_ =	swait.ge [sflag:s1], $0x1000  }
0x4e: {  	[sflag:s1] =	ssyncset.done $0x0  }
0x4f: {  	s16 =	rddreg [dreg:$0xc];
	[sflag:s1] =	ssyncadd.s32 $0xFFFFF000  }
0x50: {  	[spmem:s16] =	stream.linear.scatter [tilespmem:s0], [sflag:$0x3], $0x1000, $0x38;
	[tilespmem:$0x1F800] =	vst v63  }
0x51: {  	_ =	swait.ge [sflag:s1], $0x1000  }
0x52: {  	[sflag:s1] =	ssyncset.done $0x0  }
0x53: {  	s15 =	rddreg [dreg:$0xd];
	[sflag:s1] =	ssyncadd.s32 $0xFFFFF000  }
0x54: {  	[spmem:s15] =	stream.linear.scatter [tilespmem:s0], [sflag:$0x3], $0x1000, $0x38;
	[tilespmem:$0x1F800] =	vst v63  }
0x55: {  	_ =	swait.ge [sflag:s1], $0x1000  }
0x56: {  	[sflag:s1] =	ssyncset.done $0x0  }
0x57: {  	s16 =	rddreg [dreg:$0xe];
	[sflag:s1] =	ssyncadd.s32 $0xFFFFF000  }
0x58: {  	[spmem:s16] =	stream.linear.scatter [tilespmem:s0], [sflag:$0x3], $0x1000, $0x38;
	[tilespmem:$0x1F800] =	vst v63  }
0x59: {  	_ =	swait.ge [sflag:s1], $0x1000  }
0x5a: {  	[sflag:s1] =	ssyncset.done $0x0  }
0x5b: {  	[sflag:s1] =	ssyncadd.s32 $0xFFFFF000  }
0x5c: {  	[spmem:s17] =	stream.linear.scatter [tilespmem:s0], [sflag:$0x3], $0x1000, $0x38;
	[tilespmem:$0x1F800] =	vst v63  }
0x5d: {  	_ =	swait.ge [sflag:s1], $0x1000  }
0x5e: {  	[sflag:s1] =	ssyncset.done $0x0  }
0x5f: {  	[sflag:s1] =	ssyncadd.s32 $0xFFFFF000  }
0x60: {  	[spmem:s18] =	stream.linear.scatter [tilespmem:s0], [sflag:$0x3], $0x1000, $0x38;
	[tilespmem:$0x1F800] =	vst v63  }
0x61: {  	_ =	swait.ge [sflag:s1], $0x1000  }
0x62: {  	[sflag:s1] =	ssyncset.done $0x0  }
0x63: {  	[sflag:s1] =	ssyncadd.s32 $0xFFFFF000  }
0x64: {  	[spmem:s23] =	stream.linear.scatter [tilespmem:s0], [sflag:$0x3], $0x1000, $0x38;
	[tilespmem:$0x1F800] =	vst v63  }
0x65: {  	_ =	swait.ge [sflag:s1], $0x1000  }
0x66: {  	[sflag:s1] =	ssyncset.done $0x0  }
0x67: {  	[sflag:s1] =	ssyncadd.s32 $0xFFFFF000  }
0x68: {  	[spmem:s26] =	stream.linear.scatter [tilespmem:s0], [sflag:$0x3], $0x1000, $0x38;
	[tilespmem:$0x1F800] =	vst v63  }
0x69: {  	_ =	swait.ge [sflag:s1], $0x1000  }
0x6a: {  	[sflag:s1] =	ssyncset.done $0x0  }
0x6b: {  	[sflag:s1] =	ssyncadd.s32 $0xFFFFF000  }
0x6c: {  	[spmem:s28] =	stream.linear.scatter [tilespmem:s0], [sflag:$0x3], $0x1000, $0x38;
	[tilespmem:$0x1F800] =	vst v63  }
0x6d: {  	_ =	swait.ge [sflag:s1], $0x1000  }
0x6e: {  	[sflag:s1] =	ssyncset.done $0x0  }
0x6f: {  	[sflag:s1] =	ssyncadd.s32 $0xFFFFF000  }
0x70: {  	[spmem:s29] =	stream.linear.scatter [tilespmem:s0], [sflag:$0x3], $0x1000, $0x38;
	[tilespmem:$0x1F800] =	vst v63  }
0x71: {  	_ =	swait.ge [sflag:s1], $0x1000  }
0x72: {  	[sflag:s1] =	ssyncset.done $0x0  }
0x73: {  	[sflag:s1] =	ssyncadd.s32 $0xFFFFF000  }
0x74: {  	[spmem:s30] =	stream.linear.scatter [tilespmem:s0], [sflag:$0x3], $0x1000, $0x38;
	[tilespmem:$0x1F800] =	vst v63  }
0x75: {  	_ =	swait.ge [sflag:s1], $0x1000  }
0x76: {  	[sflag:s1] =	ssyncset.done $0x0  }
0x77: {  	[sflag:s1] =	ssyncadd.s32 $0xFFFFF000  }
0x78: {  	[spmem:s31] =	stream.linear.scatter [tilespmem:s0], [sflag:$0x3], $0x1000, $0x38;
	[tilespmem:$0x1F800] =	vst v63  }
0x79: {  	_ =	swait.ge [sflag:s1], $0x1000  }
0x7a: {  	[sflag:s1] =	ssyncset.done $0x0  }
0x7b: {  	[sflag:s1] =	ssyncadd.s32 $0xFFFFF000  }
0x7c: {  	s15 =	simm.s32 $0x0;
	[bflag:$0x0] =	sbarrier.arrive $0xFFFF  }
0x7d: {  	[tilespmem:s15], [sflag:$0x3] =	stream.linear.gather [hbm4b:s19+s15], $0x1400, $0x38;
	[tilespmem:$0x1F800] =	vst v63  }
0x7e: {  	_ =	swait.ge [sflag:s1], $0x1400  }
0x7f: {  	[sflag:s1] =	ssyncset.done $0x0  }
0x80: {  	[sflag:s1] =	ssyncadd.s32 $0xFFFFEC00  }
0x81: {  	[tilespmem:s6], [sflag:$0x3] =	stream.linear.gather [hbm4b:s20+s15], $0x1400, $0x38;
	[tilespmem:$0x1F800] =	vst v63  }
0x82: {  	_ =	swait.ge [sflag:s1], $0x1400  }
0x83: {  	[sflag:s1] =	ssyncset.done $0x0  }
0x84: {  	[sflag:s1] =	ssyncadd.s32 $0xFFFFEC00  }
0x85: {  	[tilespmem:s8], [sflag:$0x1] =	stream.indirect.gather [hbm4b:s4+s7], $0x80, s15, s7, $0xb8;
	[tilespmem:$0x1F800] =	vst v63  }
0x86: {  	_ = 	snop  }
0x87: {  	[tilespmem:s9], [sflag:$0x2] =	stream.indirect.gather [hbm4b:s4+s7], $0x80, s7, s7, $0xb8;
	[tilespmem:$0x1F800] =	vst v63  }
0x88: {  	_ =	swait.ge [sflag:s10], $0x4000  }
0x89: {  	[sflag:s10] =	ssyncset.done $0x0  }
0x8a: {  	s16 =	simm.s32 $0x1400;
	[sflag:s10] =	ssyncadd.s32 $0xFFFFC000  }
0x8b: {  	[spmem:s2] =	stream.indirect.scatter.add.f32 [tilespmem:s8], [sflag:$0x3], $0x80, s16, s7, $0xb8;
	[tilespmem:$0x1F800] =	vst v63  }
0x8c: {  	_ =	swait.ge [sflag:s1], $0x4000  }
0x8d: {  	[sflag:s1] =	ssyncset.done $0x0  }
0x8e: {  	s15 =	simm.s32 $0x100;
	[sflag:s1] =	ssyncadd.s32 $0xFFFFC000  }
0x8f: {  	[tilespmem:s8], [sflag:$0x1] =	stream.indirect.gather [hbm4b:s4+s7], $0x80, s15, s7, $0xb8;
	[tilespmem:$0x1F800] =	vst v63  }
0x90: {  	_ =	swait.ge [sflag:s11], $0x4000  }
0x91: {  	[sflag:s11] =	ssyncset.done $0x0  }
0x92: {  	s16 =	simm.s32 $0x1480;
	[sflag:s11] =	ssyncadd.s32 $0xFFFFC000  }
0x93: {  	[spmem:s2] =	stream.indirect.scatter.add.f32 [tilespmem:s9], [sflag:$0x3], $0x80, s16, s7, $0xb8;
	[tilespmem:$0x1F800] =	vst v63  }
0x94: {  	_ =	swait.ge [sflag:s1], $0x4000  }
0x95: {  	[sflag:s1] =	ssyncset.done $0x0  }
0x96: {  	s14 =	simm.s32 $0x400;
	s15 =	simm.s32 $0x180;
	[sflag:s1] =	ssyncadd.s32 $0xFFFFC000  }
.LBB2_4:
0x97: {  	[tilespmem:s9], [sflag:$0x2] =	stream.indirect.gather [hbm4b:s4+s7], $0x80, s15, s7, $0xb8;
	[tilespmem:$0x1F800] =	vst v63  }
0x98: {  	s15 =	smov.u32 s14  }
0x99: {  	p0 =	sne.s32 s14, $0x4800;
	s14 =	sadd.s32 $0x400, s14;
	_ =	swait.ge [sflag:s10], $0x4000  }
0x9a: {  	s15 =	sshra.s32 s15, $0x2;
	[sflag:s10] =	ssyncset.done $0x0  }
0x9b: {  	s16 =	sadd.s32 $0x1400, s15;
	[sflag:s10] =	ssyncadd.s32 $0xFFFFC000  }
0x9c: {  	[spmem:s2] =	stream.indirect.scatter.add.f32 [tilespmem:s8], [sflag:$0x3], $0x80, s16, s7, $0xb8;
	[tilespmem:$0x1F800] =	vst v63  }
0x9d: {  	_ =	swait.ge [sflag:s1], $0x4000  }
0x9e: {  	[sflag:s1] =	ssyncset.done $0x0  }
0x9f: {  	s16 =	sadd.s32 $0x100, s15;
	[sflag:s1] =	ssyncadd.s32 $0xFFFFC000  }
0xa0: {  	[tilespmem:s8], [sflag:$0x1] =	stream.indirect.gather [hbm4b:s4+s7], $0x80, s16, s7, $0xb8;
	[tilespmem:$0x1F800] =	vst v63  }
0xa1: {  	_ =	swait.ge [sflag:s11], $0x4000  }
0xa2: {  	[sflag:s11] =	ssyncset.done $0x0  }
.Ltmp1:
0xa3: {  	s16 =	sadd.s32 $0x1480, s15;
	[sflag:s11] =	ssyncadd.s32 $0xFFFFC000;
	(pc) =	sbr.rel @p0 .LBB2_4-.Ltmp1, $4  }
0xa4: {  	[spmem:s2] =	stream.indirect.scatter.add.f32 [tilespmem:s9], [sflag:$0x3], $0x80, s16, s7, $0xb8;
	[tilespmem:$0x1F800] =	vst v63  }
0xa5: {  	_ =	swait.ge [sflag:s1], $0x4000  }
0xa6: {  	[sflag:s1] =	ssyncset.done $0x0  }
0xa7: {  	s15 =	sadd.s32 $0x180, s15;
	[sflag:s1] =	ssyncadd.s32 $0xFFFFC000  }
0xa8: {  	[tilespmem:s9], [sflag:$0x2] =	stream.indirect.gather [hbm4b:s4+s7], $0x80, s15, s7, $0xb8;
	[tilespmem:$0x1F800] =	vst v63  }
0xa9: {  	_ =	swait.ge [sflag:s10], $0x4000  }
0xaa: {  	[sflag:s10] =	ssyncset.done $0x0  }
0xab: {  	[sflag:s10] =	ssyncadd.s32 $0xFFFFC000  }
0xac: {  	[spmem:s2] =	stream.indirect.scatter.add.f32 [tilespmem:s8], [sflag:$0x3], $0x80, s12, s7, $0xb8;
	[tilespmem:$0x1F800] =	vst v63  }
0xad: {  	_ =	swait.ge [sflag:s1], $0x4000  }
0xae: {  	[sflag:s1] =	ssyncset.done $0x0  }
0xaf: {  	[sflag:s1] =	ssyncadd.s32 $0xFFFFC000  }
0xb0: {  	_ =	swait.ge [sflag:s11], $0x4000  }
0xb1: {  	[sflag:s11] =	ssyncset.done $0x0  }
0xb2: {  	[sflag:s11] =	ssyncadd.s32 $0xFFFFC000  }
0xb3: {  	[spmem:s2] =	stream.indirect.scatter.add.f32 [tilespmem:s9], [sflag:$0x3], $0x80, s13, s7, $0xb8;
	[tilespmem:$0x1F800] =	vst v63  }
0xb4: {  	_ =	swait.ge [sflag:s1], $0x4000  }
0xb5: {  	[sflag:s1] =	ssyncset.done $0x0  }
0xb6: {  	s14 =	simm.s32 $0x0;
	[sflag:s1] =	ssyncadd.s32 $0xFFFFC000  }
0xb7: {  	[tilespmem:s14], [sflag:$0x3] =	stream.linear.gather [hbm4b:s21+s14], $0x1400, $0x38;
	[tilespmem:$0x1F800] =	vst v63  }
0xb8: {  	_ =	swait.ge [sflag:s1], $0x1400  }
0xb9: {  	[sflag:s1] =	ssyncset.done $0x0  }
0xba: {  	[sflag:s1] =	ssyncadd.s32 $0xFFFFEC00  }
0xbb: {  	[tilespmem:s6], [sflag:$0x3] =	stream.linear.gather [hbm4b:s22+s14], $0x1400, $0x38;
	[tilespmem:$0x1F800] =	vst v63  }
0xbc: {  	_ =	swait.ge [sflag:s1], $0x1400  }
0xbd: {  	[sflag:s1] =	ssyncset.done $0x0  }
0xbe: {  	[sflag:s1] =	ssyncadd.s32 $0xFFFFEC00  }
0xbf: {  	[tilespmem:s8], [sflag:$0x1] =	stream.indirect.gather [hbm4b:s4+s7], $0x80, s14, s7, $0xb8;
	[tilespmem:$0x1F800] =	vst v63  }
0xc0: {  	_ = 	snop  }
0xc1: {  	[tilespmem:s9], [sflag:$0x2] =	stream.indirect.gather [hbm4b:s4+s7], $0x80, s7, s7, $0xb8;
	[tilespmem:$0x1F800] =	vst v63  }
0xc2: {  	_ =	swait.ge [sflag:s10], $0x4000  }
0xc3: {  	[sflag:s10] =	ssyncset.done $0x0  }
0xc4: {  	s16 =	simm.s32 $0x1400;
	[sflag:s10] =	ssyncadd.s32 $0xFFFFC000  }
0xc5: {  	[spmem:s2] =	stream.indirect.scatter.add.f32 [tilespmem:s8], [sflag:$0x3], $0x80, s16, s7, $0xb8;
	[tilespmem:$0x1F800] =	vst v63  }
0xc6: {  	_ =	swait.ge [sflag:s1], $0x4000  }
0xc7: {  	[sflag:s1] =	ssyncset.done $0x0  }
0xc8: {  	s15 =	simm.s32 $0x100;
	[sflag:s1] =	ssyncadd.s32 $0xFFFFC000  }
0xc9: {  	[tilespmem:s8], [sflag:$0x1] =	stream.indirect.gather [hbm4b:s4+s7], $0x80, s15, s7, $0xb8;
	[tilespmem:$0x1F800] =	vst v63  }
0xca: {  	_ =	swait.ge [sflag:s11], $0x4000  }
0xcb: {  	[sflag:s11] =	ssyncset.done $0x0  }
0xcc: {  	s16 =	simm.s32 $0x1480;
	[sflag:s11] =	ssyncadd.s32 $0xFFFFC000  }
0xcd: {  	[spmem:s2] =	stream.indirect.scatter.add.f32 [tilespmem:s9], [sflag:$0x3], $0x80, s16, s7, $0xb8;
	[tilespmem:$0x1F800] =	vst v63  }
0xce: {  	_ =	swait.ge [sflag:s1], $0x4000  }
0xcf: {  	[sflag:s1] =	ssyncset.done $0x0  }
0xd0: {  	s14 =	simm.s32 $0x400;
	s15 =	simm.s32 $0x180;
	[sflag:s1] =	ssyncadd.s32 $0xFFFFC000  }
.LBB2_6:
0xd1: {  	[tilespmem:s9], [sflag:$0x2] =	stream.indirect.gather [hbm4b:s4+s7], $0x80, s15, s7, $0xb8;
	[tilespmem:$0x1F800] =	vst v63  }
0xd2: {  	s15 =	smov.u32 s14  }
0xd3: {  	p0 =	sne.s32 s14, $0x4800;
	s14 =	sadd.s32 $0x400, s14;
	_ =	swait.ge [sflag:s10], $0x4000  }
0xd4: {  	s15 =	sshra.s32 s15, $0x2;
	[sflag:s10] =	ssyncset.done $0x0  }
0xd5: {  	s16 =	sadd.s32 $0x1400, s15;
	[sflag:s10] =	ssyncadd.s32 $0xFFFFC000  }
0xd6: {  	[spmem:s2] =	stream.indirect.scatter.add.f32 [tilespmem:s8], [sflag:$0x3], $0x80, s16, s7, $0xb8;
	[tilespmem:$0x1F800] =	vst v63  }
0xd7: {  	_ =	swait.ge [sflag:s1], $0x4000  }
0xd8: {  	[sflag:s1] =	ssyncset.done $0x0  }
0xd9: {  	s16 =	sadd.s32 $0x100, s15;
	[sflag:s1] =	ssyncadd.s32 $0xFFFFC000  }
0xda: {  	[tilespmem:s8], [sflag:$0x1] =	stream.indirect.gather [hbm4b:s4+s7], $0x80, s16, s7, $0xb8;
	[tilespmem:$0x1F800] =	vst v63  }
0xdb: {  	_ =	swait.ge [sflag:s11], $0x4000  }
0xdc: {  	[sflag:s11] =	ssyncset.done $0x0  }
.Ltmp2:
0xdd: {  	s16 =	sadd.s32 $0x1480, s15;
	[sflag:s11] =	ssyncadd.s32 $0xFFFFC000;
	(pc) =	sbr.rel @p0 .LBB2_6-.Ltmp2, $4  }
0xde: {  	[spmem:s2] =	stream.indirect.scatter.add.f32 [tilespmem:s9], [sflag:$0x3], $0x80, s16, s7, $0xb8;
	[tilespmem:$0x1F800] =	vst v63  }
0xdf: {  	_ =	swait.ge [sflag:s1], $0x4000  }
0xe0: {  	[sflag:s1] =	ssyncset.done $0x0  }
0xe1: {  	s15 =	sadd.s32 $0x180, s15;
	[sflag:s1] =	ssyncadd.s32 $0xFFFFC000  }
0xe2: {  	[tilespmem:s9], [sflag:$0x2] =	stream.indirect.gather [hbm4b:s4+s7], $0x80, s15, s7, $0xb8;
	[tilespmem:$0x1F800] =	vst v63  }
0xe3: {  	_ =	swait.ge [sflag:s10], $0x4000  }
0xe4: {  	[sflag:s10] =	ssyncset.done $0x0  }
0xe5: {  	[sflag:s10] =	ssyncadd.s32 $0xFFFFC000  }
0xe6: {  	[spmem:s2] =	stream.indirect.scatter.add.f32 [tilespmem:s8], [sflag:$0x3], $0x80, s12, s7, $0xb8;
	[tilespmem:$0x1F800] =	vst v63  }
0xe7: {  	_ =	swait.ge [sflag:s1], $0x4000  }
0xe8: {  	[sflag:s1] =	ssyncset.done $0x0  }
0xe9: {  	[sflag:s1] =	ssyncadd.s32 $0xFFFFC000  }
0xea: {  	_ =	swait.ge [sflag:s11], $0x4000  }
0xeb: {  	[sflag:s11] =	ssyncset.done $0x0  }
0xec: {  	[sflag:s11] =	ssyncadd.s32 $0xFFFFC000  }
0xed: {  	[spmem:s2] =	stream.indirect.scatter.add.f32 [tilespmem:s9], [sflag:$0x3], $0x80, s13, s7, $0xb8;
	[tilespmem:$0x1F800] =	vst v63  }
0xee: {  	s14 =	stileid.u32;
	_ =	swait.ge [sflag:s1], $0x4000  }
0xef: {  	s16 =	sshrl.u32 s5, $0x3;
	s3 =	sadd.s32 $0x1, s3;
	[sflag:s1] =	ssyncset.done $0x0  }
0xf0: {  	s14 =	sshll.u32 s14, $0x6;
	p0 =	sne.s32 s3, s25;
	[sflag:s1] =	ssyncadd.s32 $0xFFFFC000  }
.Ltmp3:
0xf1: {  	s14 =	sor.u32 $0x1C03, s14;
	[bflag:$0x0] =	sbarrier.arrive $0xFFFF;
	(pc) =	sbr.rel @p0 .LBB2_1-.Ltmp3, $4  }
0xf2: {  	[hbm:s24], [sflag:s14] =	dma.local [spmem:s16], $0x2800  }
0xf3: {  	_ =	swait.ge [sflag:s1], $0x2800  }
0xf4: {  	[sflag:s1] =	ssyncset.done $0x0  }
0xf5: {  	[sflag:s1] =	ssyncadd.s32 $0xFFFFD800  }
0xf6: {  	_ =	sfence.sel $0x180000  }
0xf7: {  	[bflag:$0x0] =	sbarrier.arrive $0xFFFF  }
0xf8: {  	_ =	strace $0x9000004A  }
0xf9: {  	s0 =	stileid.u32;
	[bflag:$0x2] =	sbarrier.arrive $0xFFFF  }
0xfa: {  	p0 =	sne.s32 s0, $0x0;
	s0 =	rddreg [dreg:$0x3]  }
0xfb: {  	s0 =	sadd.s32 @!p0 $0x100000, s0  }
0xfc: {  	[sflag:s0] =	ssyncadd.tile.s32 @!p0 $0x1;
	_ =	shalt  }
.Lfunc_end2:
_tile_overlayer_lowered:
.L_overlay_start_2:
0xfd: {  	(tag) =	ssettag $0x2  }
0xfe: {  	s0 =	rddreg [dreg:$0x0];
	s2 =	stileid.u32  }
0xff: {  	s1 =	rddreg [dreg:$0x1];
	p0 =	sne.s32 s2, $0x0  }
0x100: {  	s3 =	rddreg [dreg:$0x2];
	[bflag:$0x3] =	sbarrier.arrive $0xFFFF;
	s2 =	simm.s32 @!p0 $0x1C03  }
0x101: {  	[timem:s3], [sflag:s2] =	dma.local @!p0 [hbm:s0], s1  }
0x102: {  	s0 =	simm.s32 @!p0 $0x3  }
0x103: {  	_ =	swait.ge @!p0 [sflag:s0], s1  }
0x104: {  	s1 =	ssub.s32 @!p0 $0x0, s1;
	[sflag:s0] =	ssyncset.done @!p0 $0x0  }
0x105: {  	[sflag:s0] =	ssyncadd.s32 @!p0 s1  }
0x106: {  	[bflag:$0x3] =	sbarrier.arrive $0xFFFF  }
0x107: {  	_ =	shalt  }

// kernel: kernel.7.cloned.1.call-start
scs
__scs_entry_jumppad:
0x0: {  	(pc) =	sbr.rel $0x88, $3  }
0x1: {  	(tag) =	ssettag $0x0;
	lr =	simm.s32 $0x1  }
0x2: {  	[smem:$0x3F9B] =	sst lr;
	_ =	strace $0xD0000000  }
0x3: {  	_ = 	snop  }
0x4: {  	_ = 	snop  }
0x5: {  	_ = 	snop  }
0x6: {  	_ = 	snop  }
0x7: {  	_ = 	snop  }
__scs_overlays_trampoline_lowered:
0x8: {  	[smem:$0x3FAA] =	sst s0  }
0x9: {  	[smem:$0x3FAB] =	sst s1  }
0xa: {  	[smem:$0x3FAC] =	sst s2  }
0xb: {  	[smem:$0x3FAD] =	sst s3  }
0xc: {  	[smem:$0x3FAE] =	sst s4  }
0xd: {  	[smem:$0x3FAF] =	sst s5  }
0xe: {  	[smem:$0x3FB0] =	sst s6  }
0xf: {  	[smem:$0x3FB1] =	sst s7  }
0x10: {  	[smem:$0x3FB2] =	sst s8  }
0x11: {  	[smem:$0x3FB3] =	sst s9;
	s0 =	simm.s32 @!p0 $0x0  }
0x12: {  	s1 =	sld [smem:$0x3F99];
	s0 =	simm.s32 @p0 $0x1  }
0x13: {  	[smem:$0x3FB4] =	sst s0;
	s0 =	simm.s32 @!p1 $0x0  }
0x14: {  	s2 =	sld [smem:$0x3F98];
	s0 =	simm.s32 @p1 $0x1  }
0x15: {  	[smem:$0x3FB5] =	sst s0;
	s0 =	simm.s32 @!p2 $0x0  }
0x16: {  	s3 =	sld [smem:$0x3FDB];
	s0 =	simm.s32 @p2 $0x1  }
0x17: {  	s4 =	simm.s32 $0x1BF5;
	[smem:$0x3FB7] =	sst s0  }
0x18: {  	s0 =	sld [smem:$0x3F9A];
	_ =	swait.ge [sflag:s4], $0x0  }
0x19: {  	s7 =	sld [smem:$0x3F9B]  }
0x1a: {  	s8 =	sadd.s32 $0xFFFFE003, lr  }
0x1b: {  	s9 =	sadd.s32 $0xFFFFFEF7, lr;
	s5 =	simm.s32 $0xFFFFFFFF;
	p2 =	slt.u32 s8, $0xFFFFF086  }
0x1c: {  	p1 =	slt.u32 s9, $0xF7A;
	s5 =	simm.s32 @!p2 $0x0  }
0x1d: {  	s5 =	simm.s32 @p1 $0x1;
	p0 =	seq.s32 s7, s2  }
0x1e: {  	s7 =	smul.u32 @!p0 $0xF7A, s2;
	p2 =	seq.s32 @!p0 s5, $0x0  }
0x1f: {  	s9 =	smul.u32 $0xF7A, s1;
	s8 =	simm.s32 @!p0 $0x1BF5;
	p2 =	por !p2, p0  }
0x20: {  	[sflag:s8] =	ssyncset.s32 @!p0 $0xFFFFF086;
	s6 =	sadd.s32 @!p0 s3, s7;
	s7 =	simm.s32 @!p0 $0x108  }
0x21: {  	s3 =	sadd.s32 s3, s9;
	s6 =	sadd.s32 @!p0 $0x88, s6;
	s7 =	simm.s32 @p2 $0x1082  }
0x22: {  	[simem:s7], [sflag:s8] =	dma.local @!p0 [hbm:s6], $0xF7A  }
0x23: {  	s9 =	sor.u32 $0xD0000000, s2;
	s6 =	simm.s32 $0x108;
	_ =	swait.ge @!p0 [sflag:s8], $0x0  }
0x24: {  	s3 =	sadd.s32 $0x88, s3;
	s6 =	simm.s32 @!p1 $0x1082;
	[sflag:s4] =	ssyncset.s32 $0xFFFFF086  }
0x25: {  	[simem:s6], [sflag:s4] =	dma.local [hbm:s3], $0xF7A  }
0x26: {  	[smem:$0x3F9B] =	sst s1;
	(tag) =	ssettag s2;
	_ =	strace s9  }
0x27: {  	s1 =	sld [smem:$0x3FAB]  }
0x28: {  	s2 =	sld [smem:$0x3FAC]  }
0x29: {  	s4 =	sld [smem:$0x3FAE]  }
0x2a: {  	p0 =	seq.s32 s5, $0x0;
	s5 =	sld [smem:$0x3FAF]  }
0x2b: {  	s6 =	sld [smem:$0x3FB0]  }
0x2c: {  	s7 =	sld [smem:$0x3FB1]  }
0x2d: {  	s3 =	simm.s32 $0x108;
	s8 =	sld [smem:$0x3FB2]  }
0x2e: {  	s3 =	simm.s32 @!p0 $0x1082;
	s9 =	sld [smem:$0x3FB3]  }
0x2f: {  	lr =	sadd.s32 s0, s3;
	s0 =	sld [smem:$0x3FAA]  }
0x30: {  	s3 =	sld [smem:$0x3FAD]  }
0x31: {  	[smem:$0x3FB6] =	sst s10  }
0x32: {  	s10 =	sld [smem:$0x3FB4];
	_ =	sdelay $0x3  }
0x33: {  	p0 =	seq.s32 s10, $0x1;
	s10 =	sld [smem:$0x3FB6];
	_ =	sdelay $0x3  }
0x34: {  	[smem:$0x3FB6] =	sst s10  }
0x35: {  	s10 =	sld [smem:$0x3FB5];
	_ =	sdelay $0x3  }
0x36: {  	p1 =	seq.s32 s10, $0x1;
	s10 =	sld [smem:$0x3FB6];
	_ =	sdelay $0x3  }
0x37: {  	[smem:$0x3FB6] =	sst s10  }
0x38: {  	s10 =	sld [smem:$0x3FB7]  }
0x39: {  	_ = 	snop;
	(pc) =	sbr.ind lr, $3  }
0x3a: {  	_ = 	snop  }
0x3b: {  	_ = 	snop  }
0x3c: {  	p2 =	seq.s32 s10, $0x1;
	s10 =	sld [smem:$0x3FB6]  }
0x3d: {  	_ =	shalt  }
0x3e: {  	_ =	shalt  }
0x3f: {  	_ =	shalt  }
0x40: {  	_ =	shalt  }
0x41: {  	_ =	shalt  }
0x42: {  	_ =	shalt  }
0x43: {  	_ =	shalt  }
0x44: {  	_ =	shalt  }
0x45: {  	_ =	shalt  }
0x46: {  	_ =	shalt  }
0x47: {  	_ =	shalt  }
0x48: {  	_ =	shalt  }
0x49: {  	_ =	shalt  }
0x4a: {  	_ =	shalt  }
0x4b: {  	_ =	shalt  }
0x4c: {  	_ =	shalt  }
0x4d: {  	_ =	shalt  }
0x4e: {  	_ =	shalt  }
0x4f: {  	_ =	shalt  }
0x50: {  	_ =	shalt  }
0x51: {  	_ =	shalt  }
0x52: {  	_ =	shalt  }
0x53: {  	_ =	shalt  }
0x54: {  	_ =	shalt  }
0x55: {  	_ =	shalt  }
0x56: {  	_ =	shalt  }
0x57: {  	_ =	shalt  }
0x58: {  	_ =	shalt  }
0x59: {  	_ =	shalt  }
0x5a: {  	_ =	shalt  }
0x5b: {  	_ =	shalt  }
0x5c: {  	_ =	shalt  }
0x5d: {  	_ =	shalt  }
0x5e: {  	_ =	shalt  }
0x5f: {  	_ =	shalt  }
0x60: {  	_ =	shalt  }
0x61: {  	_ =	shalt  }
0x62: {  	_ =	shalt  }
0x63: {  	_ =	shalt  }
0x64: {  	_ =	shalt  }
0x65: {  	_ =	shalt  }
0x66: {  	_ =	shalt  }
0x67: {  	_ =	shalt  }
0x68: {  	_ =	shalt  }
0x69: {  	_ =	shalt  }
0x6a: {  	_ =	shalt  }
0x6b: {  	_ =	shalt  }
0x6c: {  	_ =	shalt  }
0x6d: {  	_ =	shalt  }
0x6e: {  	_ =	shalt  }
0x6f: {  	_ =	shalt  }
0x70: {  	_ =	shalt  }
0x71: {  	_ =	shalt  }
0x72: {  	_ =	shalt  }
0x73: {  	_ =	shalt  }
0x74: {  	_ =	shalt  }
0x75: {  	_ =	shalt  }
0x76: {  	_ =	shalt  }
0x77: {  	_ =	shalt  }
0x78: {  	_ =	shalt  }
0x79: {  	_ =	shalt  }
0x7a: {  	_ =	shalt  }
0x7b: {  	_ =	shalt  }
0x7c: {  	_ =	shalt  }
0x7d: {  	_ =	shalt  }
0x7e: {  	_ =	shalt  }
0x7f: {  	_ =	shalt  }
0x80: {  	_ =	shalt  }
0x81: {  	_ =	shalt  }
0x82: {  	_ =	shalt  }
0x83: {  	_ =	shalt  }
0x84: {  	_ =	shalt  }
0x85: {  	_ =	shalt  }
0x86: {  	_ =	shalt  }
0x87: {  	_ =	shalt  }
.Lfunc_end0:
.L_simem_size_0:
called_computation_lowered:
.L_overlay_start_0:
0x88: {  	s2 =	sld [smem:$0x3FD9]  }
0x89: {  	s3 =	sld [smem:$0x3FFE];
	_ =	sdelay $0x1  }
0x8a: {  	s1 =	srdreg.scid  }
0x8b: {  	s0 =	sand.u32 $0x1, s1  }
0x8c: {  	s16 =	sshll.u32 s0, $0xA;
	s2 =	sadd.s32 s3, s2  }
0x8d: {  	s2 =	sadd.s32 s2, s16  }
0x8e: {  	[smem:$0x3FC2] =	sst s2  }
0x8f: {  	_ = 	snop  }
0x90: {  	(tm) =	ssettm $0x1  }
0x91: {  	s17 =	sld [smem:$0x3FFB];
	_ =	sdelay $0x3  }
0x92: {  	_ =	strace s17  }
0x93: {  	s2 =	sld [smem:$0x3FFC];
	_ =	sdelay $0x3  }
0x94: {  	_ =	strace s2  }
0x95: {  	s2 =	sld [smem:$0x3FFD];
	_ =	sdelay $0x3  }
0x96: {  	_ =	strace s2  }
0x97: {  	_ =	strace $0x8FFFFFFF  }
0x98: {  	s18 =	sld [smem:$0x3FDB];
	_ =	sdelay $0x1  }
0x99: {  	s19 =	simm.s32 $_scs_section_size  }
0x9a: {  	s4 =	simm.s32 $_size__tile_overlayer_lowered;
	s5 =	simm.s32 $_tile_overlayer_lowered  }
0x9b: {  	s22 =	simm.s32 $0x1BFF;
	s21 =	sshll.u32 s5, $0x1;
	s2 =	sadd.s32 s19, s18  }
0x9c: {  	s6 =	simm.s32 $0x0;
	s20 =	sshll.u32 s4, $0x1;
	s4 =	sadd.s32 s21, s2  }
0x9d: {  	[timem:s6], [sflag:s22] =	dma.local [hbm:s4], s20  }
0x9e: {  	_ =	swait.ge [sflag:s22], s20  }
0x9f: {  	s3 =	ssub.s32 $0x0, s20;
	[sflag:s22] =	ssyncset.done $0x0  }
0xa0: {  	[sflag:s22] =	ssyncadd.s32 s3;
	_ =	sdelay $0x1  }
0xa1: {  	s23 =	simm.s32 $0x1B8B  }
0xa2: {  	_ =	swait.ge [sflag:s23], $0x1  }
0xa3: {  	[sflag:s23] =	ssyncset.done $0x0  }
0xa4: {  	s25 =	simm.s32 $0x1B8E;
	s24 =	sld [smem:$0x3FFE];
	[sflag:s23] =	ssyncadd.s32 $0xFFFFFFFF  }
0xa5: {  	s26 =	simm.s32 $execute0_lowered;
	[smem:$0x3FD2] =	sst s25  }
0xa6: {  	s4 =	sshll.u32 s26, $0x1;
	_ =	strace $0x80000046;
	[dreg:$0x1] =	wrdreg $0xFFFFFFFF  }
0xa7: {  	s28 =	simm.s32 $_size_execute0_lowered;
	s2 =	sadd.s32 s2, s4;
	[dreg:$0x0] =	wrdreg $0x0  }
0xa8: {  	s4 =	sshll.u32 s28, $0x1;
	[dreg:$0x2] =	wrdreg s2  }
0xa9: {  	[dreg:$0x3] =	wrdreg s4  }
0xaa: {  	[dreg:$0x4] =	wrdreg $0xC0  }
0xab: {  	_ =	task [dreg:s6], $0x5FFFF  }
0xac: {  	[dreg:$0x1] =	wrdreg $0xFFFFFFFF  }
0xad: {  	[dreg:$0x0] =	wrdreg $0x60  }
0xae: {  	[dreg:$0x2] =	wrdreg s24  }
0xaf: {  	[dreg:$0x3] =	wrdreg $0xB8000  }
0xb0: {  	[dreg:$0x4] =	wrdreg $0x9  }
0xb1: {  	_ =	task.clear_ibuf [dreg:s6], $0x5FFFF;
	_ =	strace $0x90000046  }
0xb2: {  	s29 =	simm.s32 $0x9;
	_ =	strace $0x80000048  }
0xb3: {  	_ =	swait.ge [sflag:s29], $0x1  }
0xb4: {  	[sflag:s29] =	ssyncadd.s32 $0xFFFFFFFF  }
0xb5: {  	_ =	strace $0x90000048  }
0xb6: {  	_ =	sfence  }
0xb7: {  	s30 =	sld [smem:$0x0];
	_ =	sdelay $0x2  }
0xb8: {  	s31 =	sshll.u32 s1, $0xD;
	s1 =	sshrl.u32 s1, $0x2  }
0xb9: {  	s3 =	sand.u32 $0x4000, s31;
	s1 =	sadd.s32 s1, s30  }
0xba: {  	s0 =	sor.u32 s3, s0;
	s1 =	sshll.u32 s1, $0x11  }
0xbb: {  	s0 =	sor.u32 s1, s0  }
0xbc: {  	s0 =	sadd.s32 $0x8F2B, s0  }
0xbd: {  	[sflag:s0] =	ssyncadd.remote.s32 $0x1  }
0xbe: {  	_ =	sfence.sel $0xFFFF  }
0xbf: {  	[dreg:$0x0] =	wrdreg $0xFFFFFFFF;
	(pc) =	sbr.abs _section_cstart, $3  }
0xc0: {  	[dreg:$0x1] =	wrdreg $0xFFFFFFFF  }
0xc1: {  	_ =	task.clear_ibuf [dreg:s6], $0x2FFFF;
	_ =	strace $0x9FFFFFFF  }
0xc2: {  	(tm) =	ssettm $0x7FFFFFFF  }
0xc3: {  	_ =	shalt  }
tec
execute0_lowered:
.L_overlay_start_1:
0x0: {  	(tag) =	ssettag $0x1  }
0x1: {  	s0 =	rddreg [dreg:$0x0]  }
0x2: {  	s1 =	rddreg [dreg:$0x1]  }
0x3: {  	s2 =	simm.s32 $0x0;
	s3 =	srdreg.scid;
	s15 =	stileid.u32  }
0x4: {  	[smem:$0x7FF] =	sst s2;
	s4 =	sadd.s32 $0x3CC00, s0;
	s6 =	sadd.s32 $0xC00, s0  }
0x5: {  	s3 =	sand.u32 $0x1, s3;
	s7 =	sadd.s32 $0x1EC00, s0;
	s9 =	smul.u32 $0x50000, s15  }
0x6: {  	s0 =	sadd.s32 $0xB2000, s0;
	_ =	strace $0x80000047;
	s5 =	sshll.u32 s3, $0x4  }
0x7: {  	s8 =	ssub.s32 $0x2, s3;
	s22 =	sor.u32 $0x2, s3;
	s25 =	sor.u32 $0x4, s3  }
0x8: {  	s3 =	smul.u32 $0x2800, s3;
	s5 =	sor.u32 s15, s5;
	s10 =	sshrl.u32 s8, $0x1  }
0x9: {  	s20 =	sshrl.u32 s9, $0x2;
	s24 =	sshll.u32 s22, $0x4;
	s19 =	smul.u32 $0x2800, s25  }
0xa: {  	s14 =	sshll.u32 s25, $0x4;
	s11 =	smul.u32 $0x2800, s5;
	s8 =	ssub.s32 s8, s10  }
0xb: {  	s10 =	smul.u32 $0x280, s15;
	s5 =	sadd.s32 s20, s1;
	s14 =	sor.u32 s15, s14  }
0xc: {  	s12 =	sadd.s32 $0x1000, s5;
	s28 =	smul.u32 $0x2800, s14;
	s20 =	sadd.s32 $0x2000, s5  }
0xd: {  	s25 =	smax.u32 s8, $0x1;
	s30 =	sadd.s32 $0x8000, s5;
	s31 =	sadd.s32 $0x9000, s5  }
0xe: {  	s8 =	sadd.s32 $0xD000, s5;
	s14 =	sadd.s32 $0x13000, s5;
	s21 =	sshrl.u32 s11, $0x3  }
0xf: {  	[dreg:$0x3] =	wrdreg s12;
	s12 =	sor.u32 s15, s24;
	s11 =	smul.u32 $0x2800, s22  }
0x10: {  	[dreg:$0x10] =	wrdreg s20;
	s3 =	sadd.s32 s10, s3;
	s22 =	sadd.s32 $0x3000, s5  }
0x11: {  	s24 =	sadd.s32 $0x4000, s5;
	[dreg:$0x16] =	wrdreg s25;
	s25 =	simm.s32 $0x2  }
0x12: {  	s23 =	sadd.s32 s6, s21;
	s13 =	sadd.s32 s7, s21;
	[dreg:$0x11] =	wrdreg s22  }
0x13: {  	s9 =	sadd.s32 $0x280, s21;
	s12 =	smul.u32 $0x2800, s12;
	[dreg:$0x15] =	wrdreg s24  }
0x14: {  	s17 =	sshrl.u32 s28, $0x3;
	s3 =	sshll.u32 s3, $0x4;
	[dreg:$0x4] =	wrdreg s23  }
0x15: {  	s28 =	sadd.s32 $0x6000, s5;
	s22 =	simm.s32 $0x6800;
	[dreg:$0x5] =	wrdreg s13  }
0x16: {  	s16 =	sadd.s32 s6, s9;
	s9 =	sadd.s32 s7, s9;
	[dreg:$0x18] =	wrdreg s28  }
0x17: {  	s18 =	sadd.s32 $0x280, s17;
	s21 =	sadd.s32 s10, s11;
	[dreg:$0x6] =	wrdreg s16  }
0x18: {  	s3 =	sadd.s32 s0, s3;
	s11 =	sadd.s32 $0x10000, s5;
	[dreg:$0x7] =	wrdreg s9  }
0x19: {  	s26 =	sshrl.u32 s12, $0x3;
	s12 =	sadd.s32 s6, s17;
	[dreg:$0x12] =	wrdreg s3  }
0x1a: {  	s13 =	sadd.s32 $0x12000, s5;
	s29 =	sadd.s32 s6, s26;
	[dreg:$0xc] =	wrdreg s12  }
0x1b: {  	s3 =	sadd.s32 $0xB000, s5;
	s15 =	sadd.s32 s7, s26;
	[dreg:$0x8] =	wrdreg s29  }
0x1c: {  	s9 =	sadd.s32 $0x280, s26;
	s26 =	sadd.s32 $0x5000, s5;
	[dreg:$0x9] =	wrdreg s15  }
0x1d: {  	s12 =	sadd.s32 $0x11000, s5;
	s16 =	sadd.s32 s6, s9;
	[dreg:$0x17] =	wrdreg s26  }
0x1e: {  	s9 =	sadd.s32 s7, s9;
	s6 =	sadd.s32 s6, s18;
	[dreg:$0xa] =	wrdreg s16  }
0x1f: {  	s29 =	sadd.s32 $0x7000, s5;
	s15 =	simm.s32 $0xA800;
	[dreg:$0xb] =	wrdreg s9  }
0x20: {  	s9 =	sadd.s32 s7, s17;
	[dreg:$0xe] =	wrdreg s6;
	s7 =	sadd.s32 s7, s18  }
0x21: {  	s6 =	sadd.s32 s10, s19;
	[dreg:$0x19] =	wrdreg s29;
	s10 =	sadd.s32 $0xF000, s5  }
0x22: {  	s16 =	simm.s32 $0x3;
	s17 =	simm.s32 $0x1400;
	[dreg:$0xd] =	wrdreg s9  }
0x23: {  	s18 =	simm.s32 $0x80;
	s19 =	simm.s32 $0x2780;
	[dreg:$0xf] =	wrdreg s7  }
0x24: {  	s7 =	sshll.u32 s21, $0x4;
	s6 =	sshll.u32 s6, $0x4;
	s9 =	sadd.s32 $0xE000, s5  }
0x25: {  	s21 =	simm.s32 $0x2800;
	s23 =	sadd.s32 s0, s7;
	s0 =	sadd.s32 s0, s6  }
0x26: {  	s7 =	sadd.s32 $0xC000, s5;
	s6 =	simm.s32 $0x2700;
	[dreg:$0x13] =	wrdreg s23  }
0x27: {  	v0 =	vimm.f32 $0.0e+00;
	[dreg:$0x14] =	wrdreg s0;
	s0 =	sadd.s32 $0xA000, s5;
	s23 =	simm.s32 $0x1  }
.LBB2_1:
0x28: {  	s20 =	simm.s32 $0x0;
	s24 =	simm.s32 $0x200  }
.LBB2_2:
0x29: {  	p0 =	sne.s32 s24, $0x3E00;
	[tilespmem:s20+$0xA870] =	vst v0  }
0x2a: {  	[tilespmem:s20+$0xA800] =	vst v0  }
0x2b: {  	[tilespmem:s20+$0xA810] =	vst v0  }
.Ltmp0:
0x2c: {  	[tilespmem:s20+$0xA820] =	vst v0;
	(pc) =	sbr.rel @p0 .LBB2_2-.Ltmp0, $4  }
0x2d: {  	[tilespmem:s20+$0xA830] =	vst v0  }
0x2e: {  	[tilespmem:s20+$0xA840] =	vst v0  }
0x2f: {  	[tilespmem:s20+$0xA850] =	vst v0  }
0x30: {  	[tilespmem:s20+$0xA860] =	vst v0;
	s20 =	sshra.s32 s24, $0x2;
	s24 =	sadd.s32 $0x200, s24  }
0x31: {  	[tilespmem:s20+$0xA870] =	vst v0  }
0x32: {  	[tilespmem:s20+$0xA800] =	vst v0  }
0x33: {  	[tilespmem:s20+$0xA810] =	vst v0  }
0x34: {  	[tilespmem:s20+$0xA820] =	vst v0  }
0x35: {  	[tilespmem:s20+$0xA830] =	vst v0  }
0x36: {  	[tilespmem:s20+$0xA840] =	vst v0  }
0x37: {  	[tilespmem:s20+$0xA850] =	vst v0  }
0x38: {  	[tilespmem:s20+$0xA860] =	vst v0  }
0x39: {  	[spmem:s5] =	stream.linear.scatter [tilespmem:s15], [sflag:$0x3], $0x1000, $0x38;
	[tilespmem:$0x1F800] =	vst v63  }
0x3a: {  	_ =	swait.ge [sflag:s16], $0x1000  }
0x3b: {  	[sflag:s16] =	ssyncset.done $0x0  }
0x3c: {  	s29 =	rddreg [dreg:$0x3];
	[sflag:s16] =	ssyncadd.s32 $0xFFFFF000  }
0x3d: {  	[spmem:s29] =	stream.linear.scatter [tilespmem:s15], [sflag:$0x3], $0x1000, $0x38;
	[tilespmem:$0x1F800] =	vst v63  }
0x3e: {  	_ =	swait.ge [sflag:s16], $0x1000  }
0x3f: {  	[sflag:s16] =	ssyncset.done $0x0  }
0x40: {  	s24 =	rddreg [dreg:$0x10];
	[sflag:s16] =	ssyncadd.s32 $0xFFFFF000  }
0x41: {  	[spmem:s24] =	stream.linear.scatter [tilespmem:s15], [sflag:$0x3], $0x1000, $0x38;
	[tilespmem:$0x1F800] =	vst v63  }
0x42: {  	_ =	swait.ge [sflag:s16], $0x1000  }
0x43: {  	[sflag:s16] =	ssyncset.done $0x0  }
0x44: {  	s26 =	rddreg [dreg:$0x11];
	[sflag:s16] =	ssyncadd.s32 $0xFFFFF000  }
0x45: {  	[spmem:s26] =	stream.linear.scatter [tilespmem:s15], [sflag:$0x3], $0x1000, $0x38;
	[tilespmem:$0x1F800] =	vst v63  }
0x46: {  	_ =	swait.ge [sflag:s16], $0x1000  }
0x47: {  	[sflag:s16] =	ssyncset.done $0x0  }
0x48: {  	s28 =	rddreg [dreg:$0x15];
	[sflag:s16] =	ssyncadd.s32 $0xFFFFF000  }
0x49: {  	[spmem:s28] =	stream.linear.scatter [tilespmem:s15], [sflag:$0x3], $0x1000, $0x38;
	[tilespmem:$0x1F800] =	vst v63  }
0x4a: {  	_ =	swait.ge [sflag:s16], $0x1000  }
0x4b: {  	[sflag:s16] =	ssyncset.done $0x0  }
0x4c: {  	s29 =	rddreg [dreg:$0x17];
	[sflag:s16] =	ssyncadd.s32 $0xFFFFF000  }
0x4d: {  	[spmem:s29] =	stream.linear.scatter [tilespmem:s15], [sflag:$0x3], $0x1000, $0x38;
	[tilespmem:$0x1F800] =	vst v63  }
0x4e: {  	_ =	swait.ge [sflag:s16], $0x1000  }
0x4f: {  	[sflag:s16] =	ssyncset.done $0x0  }
0x50: {  	s24 =	rddreg [dreg:$0x18];
	[sflag:s16] =	ssyncadd.s32 $0xFFFFF000  }
0x51: {  	[spmem:s24] =	stream.linear.scatter [tilespmem:s15], [sflag:$0x3], $0x1000, $0x38;
	[tilespmem:$0x1F800] =	vst v63  }
0x52: {  	_ =	swait.ge [sflag:s16], $0x1000  }
0x53: {  	[sflag:s16] =	ssyncset.done $0x0  }
0x54: {  	s26 =	rddreg [dreg:$0x19];
	[sflag:s16] =	ssyncadd.s32 $0xFFFFF000  }
0x55: {  	[spmem:s26] =	stream.linear.scatter [tilespmem:s15], [sflag:$0x3], $0x1000, $0x38;
	[tilespmem:$0x1F800] =	vst v63  }
0x56: {  	_ =	swait.ge [sflag:s16], $0x1000  }
0x57: {  	[sflag:s16] =	ssyncset.done $0x0  }
0x58: {  	[sflag:s16] =	ssyncadd.s32 $0xFFFFF000  }
0x59: {  	[spmem:s30] =	stream.linear.scatter [tilespmem:s15], [sflag:$0x3], $0x1000, $0x38;
	[tilespmem:$0x1F800] =	vst v63  }
0x5a: {  	_ =	swait.ge [sflag:s16], $0x1000  }
0x5b: {  	[sflag:s16] =	ssyncset.done $0x0  }
0x5c: {  	[sflag:s16] =	ssyncadd.s32 $0xFFFFF000  }
0x5d: {  	[spmem:s31] =	stream.linear.scatter [tilespmem:s15], [sflag:$0x3], $0x1000, $0x38;
	[tilespmem:$0x1F800] =	vst v63  }
0x5e: {  	_ =	swait.ge [sflag:s16], $0x1000  }
0x5f: {  	[sflag:s16] =	ssyncset.done $0x0  }
0x60: {  	[sflag:s16] =	ssyncadd.s32 $0xFFFFF000  }
0x61: {  	[spmem:s0] =	stream.linear.scatter [tilespmem:s15], [sflag:$0x3], $0x1000, $0x38;
	[tilespmem:$0x1F800] =	vst v63  }
0x62: {  	_ =	swait.ge [sflag:s16], $0x1000  }
0x63: {  	[sflag:s16] =	ssyncset.done $0x0  }
0x64: {  	[sflag:s16] =	ssyncadd.s32 $0xFFFFF000  }
0x65: {  	[spmem:s3] =	stream.linear.scatter [tilespmem:s15], [sflag:$0x3], $0x1000, $0x38;
	[tilespmem:$0x1F800] =	vst v63  }
0x66: {  	_ =	swait.ge [sflag:s16], $0x1000  }
0x67: {  	[sflag:s16] =	ssyncset.done $0x0  }
0x68: {  	[sflag:s16] =	ssyncadd.s32 $0xFFFFF000  }
0x69: {  	[spmem:s7] =	stream.linear.scatter [tilespmem:s15], [sflag:$0x3], $0x1000, $0x38;
	[tilespmem:$0x1F800] =	vst v63  }
0x6a: {  	_ =	swait.ge [sflag:s16], $0x1000  }
0x6b: {  	[sflag:s16] =	ssyncset.done $0x0  }
0x6c: {  	[sflag:s16] =	ssyncadd.s32 $0xFFFFF000  }
0x6d: {  	[spmem:s8] =	stream.linear.scatter [tilespmem:s15], [sflag:$0x3], $0x1000, $0x38;
	[tilespmem:$0x1F800] =	vst v63  }
0x6e: {  	_ =	swait.ge [sflag:s16], $0x1000  }
0x6f: {  	[sflag:s16] =	ssyncset.done $0x0  }
0x70: {  	[sflag:s16] =	ssyncadd.s32 $0xFFFFF000  }
0x71: {  	[spmem:s9] =	stream.linear.scatter [tilespmem:s15], [sflag:$0x3], $0x1000, $0x38;
	[tilespmem:$0x1F800] =	vst v63  }
0x72: {  	_ =	swait.ge [sflag:s16], $0x1000  }
0x73: {  	[sflag:s16] =	ssyncset.done $0x0  }
0x74: {  	[sflag:s16] =	ssyncadd.s32 $0xFFFFF000  }
0x75: {  	[spmem:s10] =	stream.linear.scatter [tilespmem:s15], [sflag:$0x3], $0x1000, $0x38;
	[tilespmem:$0x1F800] =	vst v63  }
0x76: {  	_ =	swait.ge [sflag:s16], $0x1000  }
0x77: {  	[sflag:s16] =	ssyncset.done $0x0  }
0x78: {  	[sflag:s16] =	ssyncadd.s32 $0xFFFFF000  }
0x79: {  	[spmem:s11] =	stream.linear.scatter [tilespmem:s15], [sflag:$0x3], $0x1000, $0x38;
	[tilespmem:$0x1F800] =	vst v63  }
0x7a: {  	_ =	swait.ge [sflag:s16], $0x1000  }
0x7b: {  	[sflag:s16] =	ssyncset.done $0x0  }
0x7c: {  	[sflag:s16] =	ssyncadd.s32 $0xFFFFF000  }
0x7d: {  	[spmem:s12] =	stream.linear.scatter [tilespmem:s15], [sflag:$0x3], $0x1000, $0x38;
	[tilespmem:$0x1F800] =	vst v63  }
0x7e: {  	_ =	swait.ge [sflag:s16], $0x1000  }
0x7f: {  	[sflag:s16] =	ssyncset.done $0x0  }
0x80: {  	[sflag:s16] =	ssyncadd.s32 $0xFFFFF000  }
0x81: {  	[spmem:s13] =	stream.linear.scatter [tilespmem:s15], [sflag:$0x3], $0x1000, $0x38;
	[tilespmem:$0x1F800] =	vst v63  }
0x82: {  	_ =	swait.ge [sflag:s16], $0x1000  }
0x83: {  	[sflag:s16] =	ssyncset.done $0x0  }
0x84: {  	[sflag:s16] =	ssyncadd.s32 $0xFFFFF000  }
0x85: {  	[spmem:s14] =	stream.linear.scatter [tilespmem:s15], [sflag:$0x3], $0x1000, $0x38;
	[tilespmem:$0x1F800] =	vst v63  }
0x86: {  	_ =	swait.ge [sflag:s16], $0x1000  }
0x87: {  	[sflag:s16] =	ssyncset.done $0x0  }
0x88: {  	[sflag:s16] =	ssyncadd.s32 $0xFFFFF000  }
0x89: {  	[bflag:$0x0] =	sbarrier.arrive $0xFFFF  }
0x8a: {  	s28 =	simm.s32 $0x0;
	s24 =	rddreg [dreg:$0x4]  }
0x8b: {  	[tilespmem:s28], [sflag:$0x3] =	stream.linear.gather [hbm4b:s24+s28], $0x1400, $0x38;
	[tilespmem:$0x1F800] =	vst v63  }
0x8c: {  	_ =	swait.ge [sflag:s16], $0x1400  }
0x8d: {  	[sflag:s16] =	ssyncset.done $0x0  }
0x8e: {  	s29 =	rddreg [dreg:$0x5];
	[sflag:s16] =	ssyncadd.s32 $0xFFFFEC00  }
0x8f: {  	[tilespmem:s17], [sflag:$0x3] =	stream.linear.gather [hbm4b:s29+s28], $0x1400, $0x38;
	[tilespmem:$0x1F800] =	vst v63  }
0x90: {  	_ =	swait.ge [sflag:s16], $0x1400  }
0x91: {  	[sflag:s16] =	ssyncset.done $0x0  }
0x92: {  	[sflag:s16] =	ssyncadd.s32 $0xFFFFEC00  }
0x93: {  	[tilespmem:s21], [sflag:$0x1] =	stream.indirect.gather [hbm4b:s4+s18], $0x80, s28, s18, $0xb8;
	[tilespmem:$0x1F800] =	vst v63  }
0x94: {  	_ = 	snop  }
0x95: {  	[tilespmem:s22], [sflag:$0x2] =	stream.indirect.gather [hbm4b:s4+s18], $0x80, s18, s18, $0xb8;
	[tilespmem:$0x1F800] =	vst v63  }
0x96: {  	_ =	swait.ge [sflag:s23], $0x4000  }
0x97: {  	[sflag:s23] =	ssyncset.done $0x0  }
0x98: {  	s26 =	simm.s32 $0x1400;
	[sflag:s23] =	ssyncadd.s32 $0xFFFFC000  }
0x99: {  	[spmem:s1] =	stream.indirect.scatter.add.f32 [tilespmem:s21], [sflag:$0x3], $0x80, s26, s18, $0xb8;
	[tilespmem:$0x1F800] =	vst v63  }
0x9a: {  	_ =	swait.ge [sflag:s16], $0x4000  }
0x9b: {  	[sflag:s16] =	ssyncset.done $0x0  }
0x9c: {  	s28 =	simm.s32 $0x100;
	[sflag:s16] =	ssyncadd.s32 $0xFFFFC000  }
0x9d: {  	[tilespmem:s21], [sflag:$0x1] =	stream.indirect.gather [hbm4b:s4+s18], $0x80, s28, s18, $0xb8;
	[tilespmem:$0x1F800] =	vst v63  }
0x9e: {  	_ =	swait.ge [sflag:s25], $0x4000  }
0x9f: {  	[sflag:s25] =	ssyncset.done $0x0  }
0xa0: {  	s29 =	simm.s32 $0x1480;
	[sflag:s25] =	ssyncadd.s32 $0xFFFFC000  }
0xa1: {  	[spmem:s1] =	stream.indirect.scatter.add.f32 [tilespmem:s22], [sflag:$0x3], $0x80, s29, s18, $0xb8;
	[tilespmem:$0x1F800] =	vst v63  }
0xa2: {  	_ =	swait.ge [sflag:s16], $0x4000  }
0xa3: {  	[sflag:s16] =	ssyncset.done $0x0  }
0xa4: {  	s20 =	simm.s32 $0x400;
	s24 =	simm.s32 $0x180;
	[sflag:s16] =	ssyncadd.s32 $0xFFFFC000  }
.LBB2_4:
0xa5: {  	[tilespmem:s22], [sflag:$0x2] =	stream.indirect.gather [hbm4b:s4+s18], $0x80, s24, s18, $0xb8;
	[tilespmem:$0x1F800] =	vst v63  }
0xa6: {  	s24 =	smov.u32 s20  }
0xa7: {  	p0 =	sne.s32 s20, $0x4800;
	s20 =	sadd.s32 $0x400, s20;
	_ =	swait.ge [sflag:s23], $0x4000  }
0xa8: {  	s24 =	sshra.s32 s24, $0x2;
	[sflag:s23] =	ssyncset.done $0x0  }
0xa9: {  	s26 =	sadd.s32 $0x1400, s24;
	[sflag:s23] =	ssyncadd.s32 $0xFFFFC000  }
0xaa: {  	[spmem:s1] =	stream.indirect.scatter.add.f32 [tilespmem:s21], [sflag:$0x3], $0x80, s26, s18, $0xb8;
	[tilespmem:$0x1F800] =	vst v63  }
0xab: {  	_ =	swait.ge [sflag:s16], $0x4000  }
0xac: {  	[sflag:s16] =	ssyncset.done $0x0  }
0xad: {  	s26 =	sadd.s32 $0x100, s24;
	[sflag:s16] =	ssyncadd.s32 $0xFFFFC000  }
0xae: {  	[tilespmem:s21], [sflag:$0x1] =	stream.indirect.gather [hbm4b:s4+s18], $0x80, s26, s18, $0xb8;
	[tilespmem:$0x1F800] =	vst v63  }
0xaf: {  	_ =	swait.ge [sflag:s25], $0x4000  }
0xb0: {  	[sflag:s25] =	ssyncset.done $0x0  }
.Ltmp1:
0xb1: {  	s26 =	sadd.s32 $0x1480, s24;
	[sflag:s25] =	ssyncadd.s32 $0xFFFFC000;
	(pc) =	sbr.rel @p0 .LBB2_4-.Ltmp1, $4  }
0xb2: {  	[spmem:s1] =	stream.indirect.scatter.add.f32 [tilespmem:s22], [sflag:$0x3], $0x80, s26, s18, $0xb8;
	[tilespmem:$0x1F800] =	vst v63  }
0xb3: {  	_ =	swait.ge [sflag:s16], $0x4000  }
0xb4: {  	[sflag:s16] =	ssyncset.done $0x0  }
0xb5: {  	s24 =	sadd.s32 $0x180, s24;
	[sflag:s16] =	ssyncadd.s32 $0xFFFFC000  }
0xb6: {  	[tilespmem:s22], [sflag:$0x2] =	stream.indirect.gather [hbm4b:s4+s18], $0x80, s24, s18, $0xb8;
	[tilespmem:$0x1F800] =	vst v63  }
0xb7: {  	_ =	swait.ge [sflag:s23], $0x4000  }
0xb8: {  	[sflag:s23] =	ssyncset.done $0x0  }
0xb9: {  	[sflag:s23] =	ssyncadd.s32 $0xFFFFC000  }
0xba: {  	[spmem:s1] =	stream.indirect.scatter.add.f32 [tilespmem:s21], [sflag:$0x3], $0x80, s6, s18, $0xb8;
	[tilespmem:$0x1F800] =	vst v63  }
0xbb: {  	_ =	swait.ge [sflag:s16], $0x4000  }
0xbc: {  	[sflag:s16] =	ssyncset.done $0x0  }
0xbd: {  	[sflag:s16] =	ssyncadd.s32 $0xFFFFC000  }
0xbe: {  	_ =	swait.ge [sflag:s25], $0x4000  }
0xbf: {  	[sflag:s25] =	ssyncset.done $0x0  }
0xc0: {  	[sflag:s25] =	ssyncadd.s32 $0xFFFFC000  }
0xc1: {  	[spmem:s1] =	stream.indirect.scatter.add.f32 [tilespmem:s22], [sflag:$0x3], $0x80, s19, s18, $0xb8;
	[tilespmem:$0x1F800] =	vst v63  }
0xc2: {  	_ =	swait.ge [sflag:s16], $0x4000  }
0xc3: {  	[sflag:s16] =	ssyncset.done $0x0  }
0xc4: {  	s20 =	simm.s32 $0x0;
	s28 =	rddreg [dreg:$0x6];
	[sflag:s16] =	ssyncadd.s32 $0xFFFFC000  }
0xc5: {  	[tilespmem:s20], [sflag:$0x3] =	stream.linear.gather [hbm4b:s28+s20], $0x1400, $0x38;
	[tilespmem:$0x1F800] =	vst v63  }
0xc6: {  	_ =	swait.ge [sflag:s16], $0x1400  }
0xc7: {  	[sflag:s16] =	ssyncset.done $0x0  }
0xc8: {  	s29 =	rddreg [dreg:$0x7];
	[sflag:s16] =	ssyncadd.s32 $0xFFFFEC00  }
0xc9: {  	[tilespmem:s17], [sflag:$0x3] =	stream.linear.gather [hbm4b:s29+s20], $0x1400, $0x38;
	[tilespmem:$0x1F800] =	vst v63  }
0xca: {  	_ =	swait.ge [sflag:s16], $0x1400  }
0xcb: {  	[sflag:s16] =	ssyncset.done $0x0  }
0xcc: {  	[sflag:s16] =	ssyncadd.s32 $0xFFFFEC00  }
0xcd: {  	[tilespmem:s21], [sflag:$0x1] =	stream.indirect.gather [hbm4b:s4+s18], $0x80, s20, s18, $0xb8;
	[tilespmem:$0x1F800] =	vst v63  }
0xce: {  	_ = 	snop  }
0xcf: {  	[tilespmem:s22], [sflag:$0x2] =	stream.indirect.gather [hbm4b:s4+s18], $0x80, s18, s18, $0xb8;
	[tilespmem:$0x1F800] =	vst v63  }
0xd0: {  	_ =	swait.ge [sflag:s23], $0x4000  }
0xd1: {  	[sflag:s23] =	ssyncset.done $0x0  }
0xd2: {  	s26 =	simm.s32 $0x1400;
	[sflag:s23] =	ssyncadd.s32 $0xFFFFC000  }
0xd3: {  	[spmem:s1] =	stream.indirect.scatter.add.f32 [tilespmem:s21], [sflag:$0x3], $0x80, s26, s18, $0xb8;
	[tilespmem:$0x1F800] =	vst v63  }
0xd4: {  	_ =	swait.ge [sflag:s16], $0x4000  }
0xd5: {  	[sflag:s16] =	ssyncset.done $0x0  }
0xd6: {  	s28 =	simm.s32 $0x100;
	[sflag:s16] =	ssyncadd.s32 $0xFFFFC000  }
0xd7: {  	[tilespmem:s21], [sflag:$0x1] =	stream.indirect.gather [hbm4b:s4+s18], $0x80, s28, s18, $0xb8;
	[tilespmem:$0x1F800] =	vst v63  }
0xd8: {  	_ =	swait.ge [sflag:s25], $0x4000  }
0xd9: {  	[sflag:s25] =	ssyncset.done $0x0  }
0xda: {  	s29 =	simm.s32 $0x1480;
	[sflag:s25] =	ssyncadd.s32 $0xFFFFC000  }
0xdb: {  	[spmem:s1] =	stream.indirect.scatter.add.f32 [tilespmem:s22], [sflag:$0x3], $0x80, s29, s18, $0xb8;
	[tilespmem:$0x1F800] =	vst v63  }
0xdc: {  	_ =	swait.ge [sflag:s16], $0x4000  }
0xdd: {  	[sflag:s16] =	ssyncset.done $0x0  }
0xde: {  	s24 =	simm.s32 $0x180;
	s20 =	simm.s32 $0x400;
	[sflag:s16] =	ssyncadd.s32 $0xFFFFC000  }
.LBB2_6:
0xdf: {  	[tilespmem:s22], [sflag:$0x2] =	stream.indirect.gather [hbm4b:s4+s18], $0x80, s24, s18, $0xb8;
	[tilespmem:$0x1F800] =	vst v63  }
0xe0: {  	s24 =	smov.u32 s20  }
0xe1: {  	p0 =	sne.s32 s20, $0x4800;
	s20 =	sadd.s32 $0x400, s20;
	_ =	swait.ge [sflag:s23], $0x4000  }
0xe2: {  	s24 =	sshra.s32 s24, $0x2;
	[sflag:s23] =	ssyncset.done $0x0  }
0xe3: {  	s26 =	sadd.s32 $0x1400, s24;
	[sflag:s23] =	ssyncadd.s32 $0xFFFFC000  }
0xe4: {  	[spmem:s1] =	stream.indirect.scatter.add.f32 [tilespmem:s21], [sflag:$0x3], $0x80, s26, s18, $0xb8;
	[tilespmem:$0x1F800] =	vst v63  }
0xe5: {  	_ =	swait.ge [sflag:s16], $0x4000  }
0xe6: {  	[sflag:s16] =	ssyncset.done $0x0  }
0xe7: {  	s26 =	sadd.s32 $0x100, s24;
	[sflag:s16] =	ssyncadd.s32 $0xFFFFC000  }
0xe8: {  	[tilespmem:s21], [sflag:$0x1] =	stream.indirect.gather [hbm4b:s4+s18], $0x80, s26, s18, $0xb8;
	[tilespmem:$0x1F800] =	vst v63  }
0xe9: {  	_ =	swait.ge [sflag:s25], $0x4000  }
0xea: {  	[sflag:s25] =	ssyncset.done $0x0  }
.Ltmp2:
0xeb: {  	s26 =	sadd.s32 $0x1480, s24;
	[sflag:s25] =	ssyncadd.s32 $0xFFFFC000;
	(pc) =	sbr.rel @p0 .LBB2_6-.Ltmp2, $4  }
0xec: {  	[spmem:s1] =	stream.indirect.scatter.add.f32 [tilespmem:s22], [sflag:$0x3], $0x80, s26, s18, $0xb8;
	[tilespmem:$0x1F800] =	vst v63  }
0xed: {  	_ =	swait.ge [sflag:s16], $0x4000  }
0xee: {  	[sflag:s16] =	ssyncset.done $0x0  }
0xef: {  	s24 =	sadd.s32 $0x180, s24;
	[sflag:s16] =	ssyncadd.s32 $0xFFFFC000  }
0xf0: {  	[tilespmem:s22], [sflag:$0x2] =	stream.indirect.gather [hbm4b:s4+s18], $0x80, s24, s18, $0xb8;
	[tilespmem:$0x1F800] =	vst v63  }
0xf1: {  	_ =	swait.ge [sflag:s23], $0x4000  }
0xf2: {  	[sflag:s23] =	ssyncset.done $0x0  }
0xf3: {  	[sflag:s23] =	ssyncadd.s32 $0xFFFFC000  }
0xf4: {  	[spmem:s1] =	stream.indirect.scatter.add.f32 [tilespmem:s21], [sflag:$0x3], $0x80, s6, s18, $0xb8;
	[tilespmem:$0x1F800] =	vst v63  }
0xf5: {  	_ =	swait.ge [sflag:s16], $0x4000  }
0xf6: {  	[sflag:s16] =	ssyncset.done $0x0  }
0xf7: {  	[sflag:s16] =	ssyncadd.s32 $0xFFFFC000  }
0xf8: {  	_ =	swait.ge [sflag:s25], $0x4000  }
0xf9: {  	[sflag:s25] =	ssyncset.done $0x0  }
0xfa: {  	[sflag:s25] =	ssyncadd.s32 $0xFFFFC000  }
0xfb: {  	[spmem:s1] =	stream.indirect.scatter.add.f32 [tilespmem:s22], [sflag:$0x3], $0x80, s19, s18, $0xb8;
	[tilespmem:$0x1F800] =	vst v63  }
0xfc: {  	_ =	swait.ge [sflag:s16], $0x4000  }
0xfd: {  	[sflag:s16] =	ssyncset.done $0x0  }
0xfe: {  	s20 =	stileid.u32;
	[sflag:s16] =	ssyncadd.s32 $0xFFFFC000  }
0xff: {  	s20 =	sshll.u32 s20, $0x6;
	[bflag:$0x0] =	sbarrier.arrive $0xFFFF  }
0x100: {  	s24 =	sshrl.u32 s5, $0x3;
	s20 =	sor.u32 $0x1C03, s20;
	s26 =	rddreg [dreg:$0x12]  }
0x101: {  	[hbm:s26], [sflag:s20] =	dma.local [spmem:s24], $0x2800  }
0x102: {  	_ =	swait.ge [sflag:s16], $0x2800  }
0x103: {  	[sflag:s16] =	ssyncset.done $0x0  }
0x104: {  	[sflag:s16] =	ssyncadd.s32 $0xFFFFD800  }
0x105: {  	[spmem:s5] =	stream.linear.scatter [tilespmem:s15], [sflag:$0x3], $0x1000, $0x38;
	[tilespmem:$0x1F800] =	vst v63  }
0x106: {  	_ =	swait.ge [sflag:s16], $0x1000  }
0x107: {  	[sflag:s16] =	ssyncset.done $0x0  }
0x108: {  	s29 =	rddreg [dreg:$0x3];
	[sflag:s16] =	ssyncadd.s32 $0xFFFFF000  }
0x109: {  	[spmem:s29] =	stream.linear.scatter [tilespmem:s15], [sflag:$0x3], $0x1000, $0x38;
	[tilespmem:$0x1F800] =	vst v63  }
0x10a: {  	_ =	swait.ge [sflag:s16], $0x1000  }
0x10b: {  	[sflag:s16] =	ssyncset.done $0x0  }
0x10c: {  	s29 =	rddreg [dreg:$0x10];
	[sflag:s16] =	ssyncadd.s32 $0xFFFFF000  }
0x10d: {  	[spmem:s29] =	stream.linear.scatter [tilespmem:s15], [sflag:$0x3], $0x1000, $0x38;
	[tilespmem:$0x1F800] =	vst v63  }
0x10e: {  	_ =	swait.ge [sflag:s16], $0x1000  }
0x10f: {  	[sflag:s16] =	ssyncset.done $0x0  }
0x110: {  	s29 =	rddreg [dreg:$0x11];
	[sflag:s16] =	ssyncadd.s32 $0xFFFFF000  }
0x111: {  	[spmem:s29] =	stream.linear.scatter [tilespmem:s15], [sflag:$0x3], $0x1000, $0x38;
	[tilespmem:$0x1F800] =	vst v63  }
0x112: {  	_ =	swait.ge [sflag:s16], $0x1000  }
0x113: {  	[sflag:s16] =	ssyncset.done $0x0  }
0x114: {  	s29 =	rddreg [dreg:$0x15];
	[sflag:s16] =	ssyncadd.s32 $0xFFFFF000  }
0x115: {  	[spmem:s29] =	stream.linear.scatter [tilespmem:s15], [sflag:$0x3], $0x1000, $0x38;
	[tilespmem:$0x1F800] =	vst v63  }
0x116: {  	_ =	swait.ge [sflag:s16], $0x1000  }
0x117: {  	[sflag:s16] =	ssyncset.done $0x0  }
0x118: {  	s29 =	rddreg [dreg:$0x17];
	[sflag:s16] =	ssyncadd.s32 $0xFFFFF000  }
0x119: {  	[spmem:s29] =	stream.linear.scatter [tilespmem:s15], [sflag:$0x3], $0x1000, $0x38;
	[tilespmem:$0x1F800] =	vst v63  }
0x11a: {  	_ =	swait.ge [sflag:s16], $0x1000  }
0x11b: {  	[sflag:s16] =	ssyncset.done $0x0  }
0x11c: {  	s29 =	rddreg [dreg:$0x18];
	[sflag:s16] =	ssyncadd.s32 $0xFFFFF000  }
0x11d: {  	[spmem:s29] =	stream.linear.scatter [tilespmem:s15], [sflag:$0x3], $0x1000, $0x38;
	[tilespmem:$0x1F800] =	vst v63  }
0x11e: {  	_ =	swait.ge [sflag:s16], $0x1000  }
0x11f: {  	[sflag:s16] =	ssyncset.done $0x0  }
0x120: {  	s29 =	rddreg [dreg:$0x19];
	[sflag:s16] =	ssyncadd.s32 $0xFFFFF000  }
0x121: {  	[spmem:s29] =	stream.linear.scatter [tilespmem:s15], [sflag:$0x3], $0x1000, $0x38;
	[tilespmem:$0x1F800] =	vst v63  }
0x122: {  	_ =	swait.ge [sflag:s16], $0x1000  }
0x123: {  	[sflag:s16] =	ssyncset.done $0x0  }
0x124: {  	[sflag:s16] =	ssyncadd.s32 $0xFFFFF000  }
0x125: {  	[spmem:s30] =	stream.linear.scatter [tilespmem:s15], [sflag:$0x3], $0x1000, $0x38;
	[tilespmem:$0x1F800] =	vst v63  }
0x126: {  	_ =	swait.ge [sflag:s16], $0x1000  }
0x127: {  	[sflag:s16] =	ssyncset.done $0x0  }
0x128: {  	[sflag:s16] =	ssyncadd.s32 $0xFFFFF000  }
0x129: {  	[spmem:s31] =	stream.linear.scatter [tilespmem:s15], [sflag:$0x3], $0x1000, $0x38;
	[tilespmem:$0x1F800] =	vst v63  }
0x12a: {  	_ =	swait.ge [sflag:s16], $0x1000  }
0x12b: {  	[sflag:s16] =	ssyncset.done $0x0  }
0x12c: {  	[sflag:s16] =	ssyncadd.s32 $0xFFFFF000  }
0x12d: {  	[spmem:s0] =	stream.linear.scatter [tilespmem:s15], [sflag:$0x3], $0x1000, $0x38;
	[tilespmem:$0x1F800] =	vst v63  }
0x12e: {  	_ =	swait.ge [sflag:s16], $0x1000  }
0x12f: {  	[sflag:s16] =	ssyncset.done $0x0  }
0x130: {  	[sflag:s16] =	ssyncadd.s32 $0xFFFFF000  }
0x131: {  	[spmem:s3] =	stream.linear.scatter [tilespmem:s15], [sflag:$0x3], $0x1000, $0x38;
	[tilespmem:$0x1F800] =	vst v63  }
0x132: {  	_ =	swait.ge [sflag:s16], $0x1000  }
0x133: {  	[sflag:s16] =	ssyncset.done $0x0  }
0x134: {  	[sflag:s16] =	ssyncadd.s32 $0xFFFFF000  }
0x135: {  	[spmem:s7] =	stream.linear.scatter [tilespmem:s15], [sflag:$0x3], $0x1000, $0x38;
	[tilespmem:$0x1F800] =	vst v63  }
0x136: {  	_ =	swait.ge [sflag:s16], $0x1000  }
0x137: {  	[sflag:s16] =	ssyncset.done $0x0  }
0x138: {  	[sflag:s16] =	ssyncadd.s32 $0xFFFFF000  }
0x139: {  	[spmem:s8] =	stream.linear.scatter [tilespmem:s15], [sflag:$0x3], $0x1000, $0x38;
	[tilespmem:$0x1F800] =	vst v63  }
0x13a: {  	_ =	swait.ge [sflag:s16], $0x1000  }
0x13b: {  	[sflag:s16] =	ssyncset.done $0x0  }
0x13c: {  	[sflag:s16] =	ssyncadd.s32 $0xFFFFF000  }
0x13d: {  	[spmem:s9] =	stream.linear.scatter [tilespmem:s15], [sflag:$0x3], $0x1000, $0x38;
	[tilespmem:$0x1F800] =	vst v63  }
0x13e: {  	_ =	swait.ge [sflag:s16], $0x1000  }
0x13f: {  	[sflag:s16] =	ssyncset.done $0x0  }
0x140: {  	[sflag:s16] =	ssyncadd.s32 $0xFFFFF000  }
0x141: {  	[spmem:s10] =	stream.linear.scatter [tilespmem:s15], [sflag:$0x3], $0x1000, $0x38;
	[tilespmem:$0x1F800] =	vst v63  }
0x142: {  	_ =	swait.ge [sflag:s16], $0x1000  }
0x143: {  	[sflag:s16] =	ssyncset.done $0x0  }
0x144: {  	[sflag:s16] =	ssyncadd.s32 $0xFFFFF000  }
0x145: {  	[spmem:s11] =	stream.linear.scatter [tilespmem:s15], [sflag:$0x3], $0x1000, $0x38;
	[tilespmem:$0x1F800] =	vst v63  }
0x146: {  	_ =	swait.ge [sflag:s16], $0x1000  }
0x147: {  	[sflag:s16] =	ssyncset.done $0x0  }
0x148: {  	[sflag:s16] =	ssyncadd.s32 $0xFFFFF000  }
0x149: {  	[spmem:s12] =	stream.linear.scatter [tilespmem:s15], [sflag:$0x3], $0x1000, $0x38;
	[tilespmem:$0x1F800] =	vst v63  }
0x14a: {  	_ =	swait.ge [sflag:s16], $0x1000  }
0x14b: {  	[sflag:s16] =	ssyncset.done $0x0  }
0x14c: {  	[sflag:s16] =	ssyncadd.s32 $0xFFFFF000  }
0x14d: {  	[spmem:s13] =	stream.linear.scatter [tilespmem:s15], [sflag:$0x3], $0x1000, $0x38;
	[tilespmem:$0x1F800] =	vst v63  }
0x14e: {  	_ =	swait.ge [sflag:s16], $0x1000  }
0x14f: {  	[sflag:s16] =	ssyncset.done $0x0  }
0x150: {  	[sflag:s16] =	ssyncadd.s32 $0xFFFFF000  }
0x151: {  	[spmem:s14] =	stream.linear.scatter [tilespmem:s15], [sflag:$0x3], $0x1000, $0x38;
	[tilespmem:$0x1F800] =	vst v63  }
0x152: {  	_ =	swait.ge [sflag:s16], $0x1000  }
0x153: {  	[sflag:s16] =	ssyncset.done $0x0  }
0x154: {  	[sflag:s16] =	ssyncadd.s32 $0xFFFFF000  }
0x155: {  	[bflag:$0x0] =	sbarrier.arrive $0xFFFF  }
0x156: {  	s29 =	simm.s32 $0x0;
	s28 =	rddreg [dreg:$0x8]  }
0x157: {  	[tilespmem:s29], [sflag:$0x3] =	stream.linear.gather [hbm4b:s28+s29], $0x1400, $0x38;
	[tilespmem:$0x1F800] =	vst v63  }
0x158: {  	_ =	swait.ge [sflag:s16], $0x1400  }
0x159: {  	[sflag:s16] =	ssyncset.done $0x0  }
0x15a: {  	s28 =	rddreg [dreg:$0x9];
	[sflag:s16] =	ssyncadd.s32 $0xFFFFEC00  }
0x15b: {  	[tilespmem:s17], [sflag:$0x3] =	stream.linear.gather [hbm4b:s28+s29], $0x1400, $0x38;
	[tilespmem:$0x1F800] =	vst v63  }
0x15c: {  	_ =	swait.ge [sflag:s16], $0x1400  }
0x15d: {  	[sflag:s16] =	ssyncset.done $0x0  }
0x15e: {  	[sflag:s16] =	ssyncadd.s32 $0xFFFFEC00  }
0x15f: {  	[tilespmem:s21], [sflag:$0x1] =	stream.indirect.gather [hbm4b:s4+s18], $0x80, s29, s18, $0xb8;
	[tilespmem:$0x1F800] =	vst v63  }
0x160: {  	_ = 	snop  }
0x161: {  	[tilespmem:s22], [sflag:$0x2] =	stream.indirect.gather [hbm4b:s4+s18], $0x80, s18, s18, $0xb8;
	[tilespmem:$0x1F800] =	vst v63  }
0x162: {  	_ =	swait.ge [sflag:s23], $0x4000  }
0x163: {  	[sflag:s23] =	ssyncset.done $0x0  }
0x164: {  	s29 =	simm.s32 $0x1400;
	[sflag:s23] =	ssyncadd.s32 $0xFFFFC000  }
0x165: {  	[spmem:s1] =	stream.indirect.scatter.add.f32 [tilespmem:s21], [sflag:$0x3], $0x80, s29, s18, $0xb8;
	[tilespmem:$0x1F800] =	vst v63  }
0x166: {  	_ =	swait.ge [sflag:s16], $0x4000  }
0x167: {  	[sflag:s16] =	ssyncset.done $0x0  }
0x168: {  	s29 =	simm.s32 $0x100;
	[sflag:s16] =	ssyncadd.s32 $0xFFFFC000  }
0x169: {  	[tilespmem:s21], [sflag:$0x1] =	stream.indirect.gather [hbm4b:s4+s18], $0x80, s29, s18, $0xb8;
	[tilespmem:$0x1F800] =	vst v63  }
0x16a: {  	_ =	swait.ge [sflag:s25], $0x4000  }
0x16b: {  	[sflag:s25] =	ssyncset.done $0x0  }
0x16c: {  	s29 =	simm.s32 $0x1480;
	[sflag:s25] =	ssyncadd.s32 $0xFFFFC000  }
0x16d: {  	[spmem:s1] =	stream.indirect.scatter.add.f32 [tilespmem:s22], [sflag:$0x3], $0x80, s29, s18, $0xb8;
	[tilespmem:$0x1F800] =	vst v63  }
0x16e: {  	_ =	swait.ge [sflag:s16], $0x4000  }
0x16f: {  	[sflag:s16] =	ssyncset.done $0x0  }
0x170: {  	s26 =	simm.s32 $0x400;
	s28 =	simm.s32 $0x180;
	[sflag:s16] =	ssyncadd.s32 $0xFFFFC000  }
.LBB2_8:
0x171: {  	[tilespmem:s22], [sflag:$0x2] =	stream.indirect.gather [hbm4b:s4+s18], $0x80, s28, s18, $0xb8;
	[tilespmem:$0x1F800] =	vst v63  }
0x172: {  	s28 =	smov.u32 s26  }
0x173: {  	p0 =	sne.s32 s26, $0x4800;
	s26 =	sadd.s32 $0x400, s26;
	_ =	swait.ge [sflag:s23], $0x4000  }
0x174: {  	s28 =	sshra.s32 s28, $0x2;
	[sflag:s23] =	ssyncset.done $0x0  }
0x175: {  	s29 =	sadd.s32 $0x1400, s28;
	[sflag:s23] =	ssyncadd.s32 $0xFFFFC000  }
0x176: {  	[spmem:s1] =	stream.indirect.scatter.add.f32 [tilespmem:s21], [sflag:$0x3], $0x80, s29, s18, $0xb8;
	[tilespmem:$0x1F800] =	vst v63  }
0x177: {  	_ =	swait.ge [sflag:s16], $0x4000  }
0x178: {  	[sflag:s16] =	ssyncset.done $0x0  }
0x179: {  	s29 =	sadd.s32 $0x100, s28;
	[sflag:s16] =	ssyncadd.s32 $0xFFFFC000  }
0x17a: {  	[tilespmem:s21], [sflag:$0x1] =	stream.indirect.gather [hbm4b:s4+s18], $0x80, s29, s18, $0xb8;
	[tilespmem:$0x1F800] =	vst v63  }
0x17b: {  	_ =	swait.ge [sflag:s25], $0x4000  }
0x17c: {  	[sflag:s25] =	ssyncset.done $0x0  }
.Ltmp3:
0x17d: {  	s29 =	sadd.s32 $0x1480, s28;
	[sflag:s25] =	ssyncadd.s32 $0xFFFFC000;
	(pc) =	sbr.rel @p0 .LBB2_8-.Ltmp3, $4  }
0x17e: {  	[spmem:s1] =	stream.indirect.scatter.add.f32 [tilespmem:s22], [sflag:$0x3], $0x80, s29, s18, $0xb8;
	[tilespmem:$0x1F800] =	vst v63  }
0x17f: {  	_ =	swait.ge [sflag:s16], $0x4000  }
0x180: {  	[sflag:s16] =	ssyncset.done $0x0  }
0x181: {  	s28 =	sadd.s32 $0x180, s28;
	[sflag:s16] =	ssyncadd.s32 $0xFFFFC000  }
0x182: {  	[tilespmem:s22], [sflag:$0x2] =	stream.indirect.gather [hbm4b:s4+s18], $0x80, s28, s18, $0xb8;
	[tilespmem:$0x1F800] =	vst v63  }
0x183: {  	_ =	swait.ge [sflag:s23], $0x4000  }
0x184: {  	[sflag:s23] =	ssyncset.done $0x0  }
0x185: {  	[sflag:s23] =	ssyncadd.s32 $0xFFFFC000  }
0x186: {  	[spmem:s1] =	stream.indirect.scatter.add.f32 [tilespmem:s21], [sflag:$0x3], $0x80, s6, s18, $0xb8;
	[tilespmem:$0x1F800] =	vst v63  }
0x187: {  	_ =	swait.ge [sflag:s16], $0x4000  }
0x188: {  	[sflag:s16] =	ssyncset.done $0x0  }
0x189: {  	[sflag:s16] =	ssyncadd.s32 $0xFFFFC000  }
0x18a: {  	_ =	swait.ge [sflag:s25], $0x4000  }
0x18b: {  	[sflag:s25] =	ssyncset.done $0x0  }
0x18c: {  	[sflag:s25] =	ssyncadd.s32 $0xFFFFC000  }
0x18d: {  	[spmem:s1] =	stream.indirect.scatter.add.f32 [tilespmem:s22], [sflag:$0x3], $0x80, s19, s18, $0xb8;
	[tilespmem:$0x1F800] =	vst v63  }
0x18e: {  	_ =	swait.ge [sflag:s16], $0x4000  }
0x18f: {  	[sflag:s16] =	ssyncset.done $0x0  }
0x190: {  	s26 =	simm.s32 $0x0;
	s28 =	rddreg [dreg:$0xa];
	[sflag:s16] =	ssyncadd.s32 $0xFFFFC000  }
0x191: {  	[tilespmem:s26], [sflag:$0x3] =	stream.linear.gather [hbm4b:s28+s26], $0x1400, $0x38;
	[tilespmem:$0x1F800] =	vst v63  }
0x192: {  	_ =	swait.ge [sflag:s16], $0x1400  }
0x193: {  	[sflag:s16] =	ssyncset.done $0x0  }
0x194: {  	s28 =	rddreg [dreg:$0xb];
	[sflag:s16] =	ssyncadd.s32 $0xFFFFEC00  }
0x195: {  	[tilespmem:s17], [sflag:$0x3] =	stream.linear.gather [hbm4b:s28+s26], $0x1400, $0x38;
	[tilespmem:$0x1F800] =	vst v63  }
0x196: {  	_ =	swait.ge [sflag:s16], $0x1400  }
0x197: {  	[sflag:s16] =	ssyncset.done $0x0  }
0x198: {  	[sflag:s16] =	ssyncadd.s32 $0xFFFFEC00  }
0x199: {  	[tilespmem:s21], [sflag:$0x1] =	stream.indirect.gather [hbm4b:s4+s18], $0x80, s26, s18, $0xb8;
	[tilespmem:$0x1F800] =	vst v63  }
0x19a: {  	_ = 	snop  }
0x19b: {  	[tilespmem:s22], [sflag:$0x2] =	stream.indirect.gather [hbm4b:s4+s18], $0x80, s18, s18, $0xb8;
	[tilespmem:$0x1F800] =	vst v63  }
0x19c: {  	_ =	swait.ge [sflag:s23], $0x4000  }
0x19d: {  	[sflag:s23] =	ssyncset.done $0x0  }
0x19e: {  	s29 =	simm.s32 $0x1400;
	[sflag:s23] =	ssyncadd.s32 $0xFFFFC000  }
0x19f: {  	[spmem:s1] =	stream.indirect.scatter.add.f32 [tilespmem:s21], [sflag:$0x3], $0x80, s29, s18, $0xb8;
	[tilespmem:$0x1F800] =	vst v63  }
0x1a0: {  	_ =	swait.ge [sflag:s16], $0x4000  }
0x1a1: {  	[sflag:s16] =	ssyncset.done $0x0  }
0x1a2: {  	s29 =	simm.s32 $0x100;
	[sflag:s16] =	ssyncadd.s32 $0xFFFFC000  }
0x1a3: {  	[tilespmem:s21], [sflag:$0x1] =	stream.indirect.gather [hbm4b:s4+s18], $0x80, s29, s18, $0xb8;
	[tilespmem:$0x1F800] =	vst v63  }
0x1a4: {  	_ =	swait.ge [sflag:s25], $0x4000  }
0x1a5: {  	[sflag:s25] =	ssyncset.done $0x0  }
0x1a6: {  	s29 =	simm.s32 $0x1480;
	[sflag:s25] =	ssyncadd.s32 $0xFFFFC000  }
0x1a7: {  	[spmem:s1] =	stream.indirect.scatter.add.f32 [tilespmem:s22], [sflag:$0x3], $0x80, s29, s18, $0xb8;
	[tilespmem:$0x1F800] =	vst v63  }
0x1a8: {  	_ =	swait.ge [sflag:s16], $0x4000  }
0x1a9: {  	[sflag:s16] =	ssyncset.done $0x0  }
0x1aa: {  	s28 =	simm.s32 $0x180;
	s26 =	simm.s32 $0x400;
	[sflag:s16] =	ssyncadd.s32 $0xFFFFC000  }
.LBB2_10:
0x1ab: {  	[tilespmem:s22], [sflag:$0x2] =	stream.indirect.gather [hbm4b:s4+s18], $0x80, s28, s18, $0xb8;
	[tilespmem:$0x1F800] =	vst v63  }
0x1ac: {  	s28 =	smov.u32 s26  }
0x1ad: {  	p0 =	sne.s32 s26, $0x4800;
	s26 =	sadd.s32 $0x400, s26;
	_ =	swait.ge [sflag:s23], $0x4000  }
0x1ae: {  	s28 =	sshra.s32 s28, $0x2;
	[sflag:s23] =	ssyncset.done $0x0  }
0x1af: {  	s29 =	sadd.s32 $0x1400, s28;
	[sflag:s23] =	ssyncadd.s32 $0xFFFFC000  }
0x1b0: {  	[spmem:s1] =	stream.indirect.scatter.add.f32 [tilespmem:s21], [sflag:$0x3], $0x80, s29, s18, $0xb8;
	[tilespmem:$0x1F800] =	vst v63  }
0x1b1: {  	_ =	swait.ge [sflag:s16], $0x4000  }
0x1b2: {  	[sflag:s16] =	ssyncset.done $0x0  }
0x1b3: {  	s29 =	sadd.s32 $0x100, s28;
	[sflag:s16] =	ssyncadd.s32 $0xFFFFC000  }
0x1b4: {  	[tilespmem:s21], [sflag:$0x1] =	stream.indirect.gather [hbm4b:s4+s18], $0x80, s29, s18, $0xb8;
	[tilespmem:$0x1F800] =	vst v63  }
0x1b5: {  	_ =	swait.ge [sflag:s25], $0x4000  }
0x1b6: {  	[sflag:s25] =	ssyncset.done $0x0  }
.Ltmp4:
0x1b7: {  	s29 =	sadd.s32 $0x1480, s28;
	[sflag:s25] =	ssyncadd.s32 $0xFFFFC000;
	(pc) =	sbr.rel @p0 .LBB2_10-.Ltmp4, $4  }
0x1b8: {  	[spmem:s1] =	stream.indirect.scatter.add.f32 [tilespmem:s22], [sflag:$0x3], $0x80, s29, s18, $0xb8;
	[tilespmem:$0x1F800] =	vst v63  }
0x1b9: {  	_ =	swait.ge [sflag:s16], $0x4000  }
0x1ba: {  	[sflag:s16] =	ssyncset.done $0x0  }
0x1bb: {  	s28 =	sadd.s32 $0x180, s28;
	[sflag:s16] =	ssyncadd.s32 $0xFFFFC000  }
0x1bc: {  	[tilespmem:s22], [sflag:$0x2] =	stream.indirect.gather [hbm4b:s4+s18], $0x80, s28, s18, $0xb8;
	[tilespmem:$0x1F800] =	vst v63  }
0x1bd: {  	_ =	swait.ge [sflag:s23], $0x4000  }
0x1be: {  	[sflag:s23] =	ssyncset.done $0x0  }
0x1bf: {  	[sflag:s23] =	ssyncadd.s32 $0xFFFFC000  }
0x1c0: {  	[spmem:s1] =	stream.indirect.scatter.add.f32 [tilespmem:s21], [sflag:$0x3], $0x80, s6, s18, $0xb8;
	[tilespmem:$0x1F800] =	vst v63  }
0x1c1: {  	_ =	swait.ge [sflag:s16], $0x4000  }
0x1c2: {  	[sflag:s16] =	ssyncset.done $0x0  }
0x1c3: {  	[sflag:s16] =	ssyncadd.s32 $0xFFFFC000  }
0x1c4: {  	_ =	swait.ge [sflag:s25], $0x4000  }
0x1c5: {  	[sflag:s25] =	ssyncset.done $0x0  }
0x1c6: {  	[sflag:s25] =	ssyncadd.s32 $0xFFFFC000  }
0x1c7: {  	[spmem:s1] =	stream.indirect.scatter.add.f32 [tilespmem:s22], [sflag:$0x3], $0x80, s19, s18, $0xb8;
	[tilespmem:$0x1F800] =	vst v63  }
0x1c8: {  	_ =	swait.ge [sflag:s16], $0x4000  }
0x1c9: {  	[sflag:s16] =	ssyncset.done $0x0  }
0x1ca: {  	[sflag:s16] =	ssyncadd.s32 $0xFFFFC000  }
0x1cb: {  	[bflag:$0x0] =	sbarrier.arrive $0xFFFF  }
0x1cc: {  	s26 =	rddreg [dreg:$0x13]  }
0x1cd: {  	[hbm:s26], [sflag:s20] =	dma.local [spmem:s24], $0x2800  }
0x1ce: {  	_ =	swait.ge [sflag:s16], $0x2800  }
0x1cf: {  	[sflag:s16] =	ssyncset.done $0x0  }
0x1d0: {  	[sflag:s16] =	ssyncadd.s32 $0xFFFFD800  }
0x1d1: {  	[spmem:s5] =	stream.linear.scatter [tilespmem:s15], [sflag:$0x3], $0x1000, $0x38;
	[tilespmem:$0x1F800] =	vst v63  }
0x1d2: {  	_ =	swait.ge [sflag:s16], $0x1000  }
0x1d3: {  	[sflag:s16] =	ssyncset.done $0x0  }
0x1d4: {  	s29 =	rddreg [dreg:$0x3];
	[sflag:s16] =	ssyncadd.s32 $0xFFFFF000  }
0x1d5: {  	[spmem:s29] =	stream.linear.scatter [tilespmem:s15], [sflag:$0x3], $0x1000, $0x38;
	[tilespmem:$0x1F800] =	vst v63  }
0x1d6: {  	_ =	swait.ge [sflag:s16], $0x1000  }
0x1d7: {  	[sflag:s16] =	ssyncset.done $0x0  }
0x1d8: {  	s29 =	rddreg [dreg:$0x10];
	[sflag:s16] =	ssyncadd.s32 $0xFFFFF000  }
0x1d9: {  	[spmem:s29] =	stream.linear.scatter [tilespmem:s15], [sflag:$0x3], $0x1000, $0x38;
	[tilespmem:$0x1F800] =	vst v63  }
0x1da: {  	_ =	swait.ge [sflag:s16], $0x1000  }
0x1db: {  	[sflag:s16] =	ssyncset.done $0x0  }
0x1dc: {  	s29 =	rddreg [dreg:$0x11];
	[sflag:s16] =	ssyncadd.s32 $0xFFFFF000  }
0x1dd: {  	[spmem:s29] =	stream.linear.scatter [tilespmem:s15], [sflag:$0x3], $0x1000, $0x38;
	[tilespmem:$0x1F800] =	vst v63  }
0x1de: {  	_ =	swait.ge [sflag:s16], $0x1000  }
0x1df: {  	[sflag:s16] =	ssyncset.done $0x0  }
0x1e0: {  	s29 =	rddreg [dreg:$0x15];
	[sflag:s16] =	ssyncadd.s32 $0xFFFFF000  }
0x1e1: {  	[spmem:s29] =	stream.linear.scatter [tilespmem:s15], [sflag:$0x3], $0x1000, $0x38;
	[tilespmem:$0x1F800] =	vst v63  }
0x1e2: {  	_ =	swait.ge [sflag:s16], $0x1000  }
0x1e3: {  	[sflag:s16] =	ssyncset.done $0x0  }
0x1e4: {  	s29 =	rddreg [dreg:$0x17];
	[sflag:s16] =	ssyncadd.s32 $0xFFFFF000  }
0x1e5: {  	[spmem:s29] =	stream.linear.scatter [tilespmem:s15], [sflag:$0x3], $0x1000, $0x38;
	[tilespmem:$0x1F800] =	vst v63  }
0x1e6: {  	_ =	swait.ge [sflag:s16], $0x1000  }
0x1e7: {  	[sflag:s16] =	ssyncset.done $0x0  }
0x1e8: {  	s29 =	rddreg [dreg:$0x18];
	[sflag:s16] =	ssyncadd.s32 $0xFFFFF000  }
0x1e9: {  	[spmem:s29] =	stream.linear.scatter [tilespmem:s15], [sflag:$0x3], $0x1000, $0x38;
	[tilespmem:$0x1F800] =	vst v63  }
0x1ea: {  	_ =	swait.ge [sflag:s16], $0x1000  }
0x1eb: {  	[sflag:s16] =	ssyncset.done $0x0  }
0x1ec: {  	s29 =	rddreg [dreg:$0x19];
	[sflag:s16] =	ssyncadd.s32 $0xFFFFF000  }
0x1ed: {  	[spmem:s29] =	stream.linear.scatter [tilespmem:s15], [sflag:$0x3], $0x1000, $0x38;
	[tilespmem:$0x1F800] =	vst v63  }
0x1ee: {  	_ =	swait.ge [sflag:s16], $0x1000  }
0x1ef: {  	[sflag:s16] =	ssyncset.done $0x0  }
0x1f0: {  	[sflag:s16] =	ssyncadd.s32 $0xFFFFF000  }
0x1f1: {  	[spmem:s30] =	stream.linear.scatter [tilespmem:s15], [sflag:$0x3], $0x1000, $0x38;
	[tilespmem:$0x1F800] =	vst v63  }
0x1f2: {  	_ =	swait.ge [sflag:s16], $0x1000  }
0x1f3: {  	[sflag:s16] =	ssyncset.done $0x0  }
0x1f4: {  	[sflag:s16] =	ssyncadd.s32 $0xFFFFF000  }
0x1f5: {  	[spmem:s31] =	stream.linear.scatter [tilespmem:s15], [sflag:$0x3], $0x1000, $0x38;
	[tilespmem:$0x1F800] =	vst v63  }
0x1f6: {  	_ =	swait.ge [sflag:s16], $0x1000  }
0x1f7: {  	[sflag:s16] =	ssyncset.done $0x0  }
0x1f8: {  	[sflag:s16] =	ssyncadd.s32 $0xFFFFF000  }
0x1f9: {  	[spmem:s0] =	stream.linear.scatter [tilespmem:s15], [sflag:$0x3], $0x1000, $0x38;
	[tilespmem:$0x1F800] =	vst v63  }
0x1fa: {  	_ =	swait.ge [sflag:s16], $0x1000  }
0x1fb: {  	[sflag:s16] =	ssyncset.done $0x0  }
0x1fc: {  	[sflag:s16] =	ssyncadd.s32 $0xFFFFF000  }
0x1fd: {  	[spmem:s3] =	stream.linear.scatter [tilespmem:s15], [sflag:$0x3], $0x1000, $0x38;
	[tilespmem:$0x1F800] =	vst v63  }
0x1fe: {  	_ =	swait.ge [sflag:s16], $0x1000  }
0x1ff: {  	[sflag:s16] =	ssyncset.done $0x0  }
0x200: {  	[sflag:s16] =	ssyncadd.s32 $0xFFFFF000  }
0x201: {  	[spmem:s7] =	stream.linear.scatter [tilespmem:s15], [sflag:$0x3], $0x1000, $0x38;
	[tilespmem:$0x1F800] =	vst v63  }
0x202: {  	_ =	swait.ge [sflag:s16], $0x1000  }
0x203: {  	[sflag:s16] =	ssyncset.done $0x0  }
0x204: {  	[sflag:s16] =	ssyncadd.s32 $0xFFFFF000  }
0x205: {  	[spmem:s8] =	stream.linear.scatter [tilespmem:s15], [sflag:$0x3], $0x1000, $0x38;
	[tilespmem:$0x1F800] =	vst v63  }
0x206: {  	_ =	swait.ge [sflag:s16], $0x1000  }
0x207: {  	[sflag:s16] =	ssyncset.done $0x0  }
0x208: {  	[sflag:s16] =	ssyncadd.s32 $0xFFFFF000  }
0x209: {  	[spmem:s9] =	stream.linear.scatter [tilespmem:s15], [sflag:$0x3], $0x1000, $0x38;
	[tilespmem:$0x1F800] =	vst v63  }
0x20a: {  	_ =	swait.ge [sflag:s16], $0x1000  }
0x20b: {  	[sflag:s16] =	ssyncset.done $0x0  }
0x20c: {  	[sflag:s16] =	ssyncadd.s32 $0xFFFFF000  }
0x20d: {  	[spmem:s10] =	stream.linear.scatter [tilespmem:s15], [sflag:$0x3], $0x1000, $0x38;
	[tilespmem:$0x1F800] =	vst v63  }
0x20e: {  	_ =	swait.ge [sflag:s16], $0x1000  }
0x20f: {  	[sflag:s16] =	ssyncset.done $0x0  }
0x210: {  	[sflag:s16] =	ssyncadd.s32 $0xFFFFF000  }
0x211: {  	[spmem:s11] =	stream.linear.scatter [tilespmem:s15], [sflag:$0x3], $0x1000, $0x38;
	[tilespmem:$0x1F800] =	vst v63  }
0x212: {  	_ =	swait.ge [sflag:s16], $0x1000  }
0x213: {  	[sflag:s16] =	ssyncset.done $0x0  }
0x214: {  	[sflag:s16] =	ssyncadd.s32 $0xFFFFF000  }
0x215: {  	[spmem:s12] =	stream.linear.scatter [tilespmem:s15], [sflag:$0x3], $0x1000, $0x38;
	[tilespmem:$0x1F800] =	vst v63  }
0x216: {  	_ =	swait.ge [sflag:s16], $0x1000  }
0x217: {  	[sflag:s16] =	ssyncset.done $0x0  }
0x218: {  	[sflag:s16] =	ssyncadd.s32 $0xFFFFF000  }
0x219: {  	[spmem:s13] =	stream.linear.scatter [tilespmem:s15], [sflag:$0x3], $0x1000, $0x38;
	[tilespmem:$0x1F800] =	vst v63  }
0x21a: {  	_ =	swait.ge [sflag:s16], $0x1000  }
0x21b: {  	[sflag:s16] =	ssyncset.done $0x0  }
0x21c: {  	[sflag:s16] =	ssyncadd.s32 $0xFFFFF000  }
0x21d: {  	[spmem:s14] =	stream.linear.scatter [tilespmem:s15], [sflag:$0x3], $0x1000, $0x38;
	[tilespmem:$0x1F800] =	vst v63  }
0x21e: {  	_ =	swait.ge [sflag:s16], $0x1000  }
0x21f: {  	[sflag:s16] =	ssyncset.done $0x0  }
0x220: {  	[sflag:s16] =	ssyncadd.s32 $0xFFFFF000  }
0x221: {  	[bflag:$0x0] =	sbarrier.arrive $0xFFFF  }
0x222: {  	s29 =	simm.s32 $0x0;
	s28 =	rddreg [dreg:$0xc]  }
0x223: {  	[tilespmem:s29], [sflag:$0x3] =	stream.linear.gather [hbm4b:s28+s29], $0x1400, $0x38;
	[tilespmem:$0x1F800] =	vst v63  }
0x224: {  	_ =	swait.ge [sflag:s16], $0x1400  }
0x225: {  	[sflag:s16] =	ssyncset.done $0x0  }
0x226: {  	s28 =	rddreg [dreg:$0xd];
	[sflag:s16] =	ssyncadd.s32 $0xFFFFEC00  }
0x227: {  	[tilespmem:s17], [sflag:$0x3] =	stream.linear.gather [hbm4b:s28+s29], $0x1400, $0x38;
	[tilespmem:$0x1F800] =	vst v63  }
0x228: {  	_ =	swait.ge [sflag:s16], $0x1400  }
0x229: {  	[sflag:s16] =	ssyncset.done $0x0  }
0x22a: {  	[sflag:s16] =	ssyncadd.s32 $0xFFFFEC00  }
0x22b: {  	[tilespmem:s21], [sflag:$0x1] =	stream.indirect.gather [hbm4b:s4+s18], $0x80, s29, s18, $0xb8;
	[tilespmem:$0x1F800] =	vst v63  }
0x22c: {  	_ = 	snop  }
0x22d: {  	[tilespmem:s22], [sflag:$0x2] =	stream.indirect.gather [hbm4b:s4+s18], $0x80, s18, s18, $0xb8;
	[tilespmem:$0x1F800] =	vst v63  }
0x22e: {  	_ =	swait.ge [sflag:s23], $0x4000  }
0x22f: {  	[sflag:s23] =	ssyncset.done $0x0  }
0x230: {  	s29 =	simm.s32 $0x1400;
	[sflag:s23] =	ssyncadd.s32 $0xFFFFC000  }
0x231: {  	[spmem:s1] =	stream.indirect.scatter.add.f32 [tilespmem:s21], [sflag:$0x3], $0x80, s29, s18, $0xb8;
	[tilespmem:$0x1F800] =	vst v63  }
0x232: {  	_ =	swait.ge [sflag:s16], $0x4000  }
0x233: {  	[sflag:s16] =	ssyncset.done $0x0  }
0x234: {  	s29 =	simm.s32 $0x100;
	[sflag:s16] =	ssyncadd.s32 $0xFFFFC000  }
0x235: {  	[tilespmem:s21], [sflag:$0x1] =	stream.indirect.gather [hbm4b:s4+s18], $0x80, s29, s18, $0xb8;
	[tilespmem:$0x1F800] =	vst v63  }
0x236: {  	_ =	swait.ge [sflag:s25], $0x4000  }
0x237: {  	[sflag:s25] =	ssyncset.done $0x0  }
0x238: {  	s29 =	simm.s32 $0x1480;
	[sflag:s25] =	ssyncadd.s32 $0xFFFFC000  }
0x239: {  	[spmem:s1] =	stream.indirect.scatter.add.f32 [tilespmem:s22], [sflag:$0x3], $0x80, s29, s18, $0xb8;
	[tilespmem:$0x1F800] =	vst v63  }
0x23a: {  	_ =	swait.ge [sflag:s16], $0x4000  }
0x23b: {  	[sflag:s16] =	ssyncset.done $0x0  }
0x23c: {  	s26 =	simm.s32 $0x400;
	s28 =	simm.s32 $0x180;
	[sflag:s16] =	ssyncadd.s32 $0xFFFFC000  }
.LBB2_12:
0x23d: {  	[tilespmem:s22], [sflag:$0x2] =	stream.indirect.gather [hbm4b:s4+s18], $0x80, s28, s18, $0xb8;
	[tilespmem:$0x1F800] =	vst v63  }
0x23e: {  	s28 =	smov.u32 s26  }
0x23f: {  	p0 =	sne.s32 s26, $0x4800;
	s26 =	sadd.s32 $0x400, s26;
	_ =	swait.ge [sflag:s23], $0x4000  }
0x240: {  	s28 =	sshra.s32 s28, $0x2;
	[sflag:s23] =	ssyncset.done $0x0  }
0x241: {  	s29 =	sadd.s32 $0x1400, s28;
	[sflag:s23] =	ssyncadd.s32 $0xFFFFC000  }
0x242: {  	[spmem:s1] =	stream.indirect.scatter.add.f32 [tilespmem:s21], [sflag:$0x3], $0x80, s29, s18, $0xb8;
	[tilespmem:$0x1F800] =	vst v63  }
0x243: {  	_ =	swait.ge [sflag:s16], $0x4000  }
0x244: {  	[sflag:s16] =	ssyncset.done $0x0  }
0x245: {  	s29 =	sadd.s32 $0x100, s28;
	[sflag:s16] =	ssyncadd.s32 $0xFFFFC000  }
0x246: {  	[tilespmem:s21], [sflag:$0x1] =	stream.indirect.gather [hbm4b:s4+s18], $0x80, s29, s18, $0xb8;
	[tilespmem:$0x1F800] =	vst v63  }
0x247: {  	_ =	swait.ge [sflag:s25], $0x4000  }
0x248: {  	[sflag:s25] =	ssyncset.done $0x0  }
.Ltmp5:
0x249: {  	s29 =	sadd.s32 $0x1480, s28;
	[sflag:s25] =	ssyncadd.s32 $0xFFFFC000;
	(pc) =	sbr.rel @p0 .LBB2_12-.Ltmp5, $4  }
0x24a: {  	[spmem:s1] =	stream.indirect.scatter.add.f32 [tilespmem:s22], [sflag:$0x3], $0x80, s29, s18, $0xb8;
	[tilespmem:$0x1F800] =	vst v63  }
0x24b: {  	_ =	swait.ge [sflag:s16], $0x4000  }
0x24c: {  	[sflag:s16] =	ssyncset.done $0x0  }
0x24d: {  	s28 =	sadd.s32 $0x180, s28;
	[sflag:s16] =	ssyncadd.s32 $0xFFFFC000  }
0x24e: {  	[tilespmem:s22], [sflag:$0x2] =	stream.indirect.gather [hbm4b:s4+s18], $0x80, s28, s18, $0xb8;
	[tilespmem:$0x1F800] =	vst v63  }
0x24f: {  	_ =	swait.ge [sflag:s23], $0x4000  }
0x250: {  	[sflag:s23] =	ssyncset.done $0x0  }
0x251: {  	[sflag:s23] =	ssyncadd.s32 $0xFFFFC000  }
0x252: {  	[spmem:s1] =	stream.indirect.scatter.add.f32 [tilespmem:s21], [sflag:$0x3], $0x80, s6, s18, $0xb8;
	[tilespmem:$0x1F800] =	vst v63  }
0x253: {  	_ =	swait.ge [sflag:s16], $0x4000  }
0x254: {  	[sflag:s16] =	ssyncset.done $0x0  }
0x255: {  	[sflag:s16] =	ssyncadd.s32 $0xFFFFC000  }
0x256: {  	_ =	swait.ge [sflag:s25], $0x4000  }
0x257: {  	[sflag:s25] =	ssyncset.done $0x0  }
0x258: {  	[sflag:s25] =	ssyncadd.s32 $0xFFFFC000  }
0x259: {  	[spmem:s1] =	stream.indirect.scatter.add.f32 [tilespmem:s22], [sflag:$0x3], $0x80, s19, s18, $0xb8;
	[tilespmem:$0x1F800] =	vst v63  }
0x25a: {  	_ =	swait.ge [sflag:s16], $0x4000  }
0x25b: {  	[sflag:s16] =	ssyncset.done $0x0  }
0x25c: {  	s26 =	simm.s32 $0x0;
	s28 =	rddreg [dreg:$0xe];
	[sflag:s16] =	ssyncadd.s32 $0xFFFFC000  }
0x25d: {  	[tilespmem:s26], [sflag:$0x3] =	stream.linear.gather [hbm4b:s28+s26], $0x1400, $0x38;
	[tilespmem:$0x1F800] =	vst v63  }
0x25e: {  	_ =	swait.ge [sflag:s16], $0x1400  }
0x25f: {  	[sflag:s16] =	ssyncset.done $0x0  }
0x260: {  	s28 =	rddreg [dreg:$0xf];
	[sflag:s16] =	ssyncadd.s32 $0xFFFFEC00  }
0x261: {  	[tilespmem:s17], [sflag:$0x3] =	stream.linear.gather [hbm4b:s28+s26], $0x1400, $0x38;
	[tilespmem:$0x1F800] =	vst v63  }
0x262: {  	_ =	swait.ge [sflag:s16], $0x1400  }
0x263: {  	[sflag:s16] =	ssyncset.done $0x0  }
0x264: {  	[sflag:s16] =	ssyncadd.s32 $0xFFFFEC00  }
0x265: {  	[tilespmem:s21], [sflag:$0x1] =	stream.indirect.gather [hbm4b:s4+s18], $0x80, s26, s18, $0xb8;
	[tilespmem:$0x1F800] =	vst v63  }
0x266: {  	_ = 	snop  }
0x267: {  	[tilespmem:s22], [sflag:$0x2] =	stream.indirect.gather [hbm4b:s4+s18], $0x80, s18, s18, $0xb8;
	[tilespmem:$0x1F800] =	vst v63  }
0x268: {  	_ =	swait.ge [sflag:s23], $0x4000  }
0x269: {  	[sflag:s23] =	ssyncset.done $0x0  }
0x26a: {  	s29 =	simm.s32 $0x1400;
	[sflag:s23] =	ssyncadd.s32 $0xFFFFC000  }
0x26b: {  	[spmem:s1] =	stream.indirect.scatter.add.f32 [tilespmem:s21], [sflag:$0x3], $0x80, s29, s18, $0xb8;
	[tilespmem:$0x1F800] =	vst v63  }
0x26c: {  	_ =	swait.ge [sflag:s16], $0x4000  }
0x26d: {  	[sflag:s16] =	ssyncset.done $0x0  }
0x26e: {  	s29 =	simm.s32 $0x100;
	[sflag:s16] =	ssyncadd.s32 $0xFFFFC000  }
0x26f: {  	[tilespmem:s21], [sflag:$0x1] =	stream.indirect.gather [hbm4b:s4+s18], $0x80, s29, s18, $0xb8;
	[tilespmem:$0x1F800] =	vst v63  }
0x270: {  	_ =	swait.ge [sflag:s25], $0x4000  }
0x271: {  	[sflag:s25] =	ssyncset.done $0x0  }
0x272: {  	s29 =	simm.s32 $0x1480;
	[sflag:s25] =	ssyncadd.s32 $0xFFFFC000  }
0x273: {  	[spmem:s1] =	stream.indirect.scatter.add.f32 [tilespmem:s22], [sflag:$0x3], $0x80, s29, s18, $0xb8;
	[tilespmem:$0x1F800] =	vst v63  }
0x274: {  	_ =	swait.ge [sflag:s16], $0x4000  }
0x275: {  	[sflag:s16] =	ssyncset.done $0x0  }
0x276: {  	s28 =	simm.s32 $0x180;
	s26 =	simm.s32 $0x400;
	[sflag:s16] =	ssyncadd.s32 $0xFFFFC000  }
.LBB2_14:
0x277: {  	[tilespmem:s22], [sflag:$0x2] =	stream.indirect.gather [hbm4b:s4+s18], $0x80, s28, s18, $0xb8;
	[tilespmem:$0x1F800] =	vst v63  }
0x278: {  	s28 =	smov.u32 s26  }
0x279: {  	p0 =	sne.s32 s26, $0x4800;
	s26 =	sadd.s32 $0x400, s26;
	_ =	swait.ge [sflag:s23], $0x4000  }
0x27a: {  	s28 =	sshra.s32 s28, $0x2;
	[sflag:s23] =	ssyncset.done $0x0  }
0x27b: {  	s29 =	sadd.s32 $0x1400, s28;
	[sflag:s23] =	ssyncadd.s32 $0xFFFFC000  }
0x27c: {  	[spmem:s1] =	stream.indirect.scatter.add.f32 [tilespmem:s21], [sflag:$0x3], $0x80, s29, s18, $0xb8;
	[tilespmem:$0x1F800] =	vst v63  }
0x27d: {  	_ =	swait.ge [sflag:s16], $0x4000  }
0x27e: {  	[sflag:s16] =	ssyncset.done $0x0  }
0x27f: {  	s29 =	sadd.s32 $0x100, s28;
	[sflag:s16] =	ssyncadd.s32 $0xFFFFC000  }
0x280: {  	[tilespmem:s21], [sflag:$0x1] =	stream.indirect.gather [hbm4b:s4+s18], $0x80, s29, s18, $0xb8;
	[tilespmem:$0x1F800] =	vst v63  }
0x281: {  	_ =	swait.ge [sflag:s25], $0x4000  }
0x282: {  	[sflag:s25] =	ssyncset.done $0x0  }
.Ltmp6:
0x283: {  	s29 =	sadd.s32 $0x1480, s28;
	[sflag:s25] =	ssyncadd.s32 $0xFFFFC000;
	(pc) =	sbr.rel @p0 .LBB2_14-.Ltmp6, $4  }
0x284: {  	[spmem:s1] =	stream.indirect.scatter.add.f32 [tilespmem:s22], [sflag:$0x3], $0x80, s29, s18, $0xb8;
	[tilespmem:$0x1F800] =	vst v63  }
0x285: {  	_ =	swait.ge [sflag:s16], $0x4000  }
0x286: {  	[sflag:s16] =	ssyncset.done $0x0  }
0x287: {  	s28 =	sadd.s32 $0x180, s28;
	[sflag:s16] =	ssyncadd.s32 $0xFFFFC000  }
0x288: {  	[tilespmem:s22], [sflag:$0x2] =	stream.indirect.gather [hbm4b:s4+s18], $0x80, s28, s18, $0xb8;
	[tilespmem:$0x1F800] =	vst v63  }
0x289: {  	_ =	swait.ge [sflag:s23], $0x4000  }
0x28a: {  	[sflag:s23] =	ssyncset.done $0x0  }
0x28b: {  	[sflag:s23] =	ssyncadd.s32 $0xFFFFC000  }
0x28c: {  	[spmem:s1] =	stream.indirect.scatter.add.f32 [tilespmem:s21], [sflag:$0x3], $0x80, s6, s18, $0xb8;
	[tilespmem:$0x1F800] =	vst v63  }
0x28d: {  	_ =	swait.ge [sflag:s16], $0x4000  }
0x28e: {  	[sflag:s16] =	ssyncset.done $0x0  }
0x28f: {  	[sflag:s16] =	ssyncadd.s32 $0xFFFFC000  }
0x290: {  	_ =	swait.ge [sflag:s25], $0x4000  }
0x291: {  	[sflag:s25] =	ssyncset.done $0x0  }
0x292: {  	[sflag:s25] =	ssyncadd.s32 $0xFFFFC000  }
0x293: {  	[spmem:s1] =	stream.indirect.scatter.add.f32 [tilespmem:s22], [sflag:$0x3], $0x80, s19, s18, $0xb8;
	[tilespmem:$0x1F800] =	vst v63  }
0x294: {  	_ =	swait.ge [sflag:s16], $0x4000  }
0x295: {  	[sflag:s16] =	ssyncset.done $0x0  }
0x296: {  	[sflag:s16] =	ssyncadd.s32 $0xFFFFC000  }
0x297: {  	[bflag:$0x0] =	sbarrier.arrive $0xFFFF  }
0x298: {  	s26 =	rddreg [dreg:$0x14]  }
0x299: {  	[hbm:s26], [sflag:s20] =	dma.local [spmem:s24], $0x2800  }
0x29a: {  	_ =	swait.ge [sflag:s16], $0x2800  }
0x29b: {  	s2 =	sadd.s32 $0x1, s2;
	s29 =	rddreg [dreg:$0x16]  }
0x29c: {  	p0 =	sne.s32 s2, s29  }
.Ltmp7:
0x29d: {  	_ = 	snop;
	(pc) =	sbr.rel @p0 .LBB2_1-.Ltmp7, $3  }
0x29e: {  	_ =	sdelay $0x1  }
0x29f: {  	[sflag:s16] =	ssyncset.done $0x0  }
0x2a0: {  	[sflag:s16] =	ssyncadd.s32 $0xFFFFD800  }
0x2a1: {  	_ =	sfence.sel $0x180000  }
0x2a2: {  	[bflag:$0x0] =	sbarrier.arrive $0xFFFF  }
0x2a3: {  	_ =	strace $0x90000047  }
0x2a4: {  	s0 =	stileid.u32;
	[bflag:$0x2] =	sbarrier.arrive $0xFFFF  }
0x2a5: {  	p0 =	sne.s32 s0, $0x0;
	s0 =	rddreg [dreg:$0x2]  }
0x2a6: {  	s0 =	sadd.s32 @!p0 $0x100000, s0  }
0x2a7: {  	[sflag:s0] =	ssyncadd.tile.s32 @!p0 $0x1;
	_ =	shalt  }
.Lfunc_end2:
_tile_overlayer_lowered:
.L_overlay_start_2:
0x2a8: {  	(tag) =	ssettag $0x2  }
0x2a9: {  	s0 =	rddreg [dreg:$0x0];
	s2 =	stileid.u32  }
0x2aa: {  	s1 =	rddreg [dreg:$0x1];
	p0 =	sne.s32 s2, $0x0  }
0x2ab: {  	s3 =	rddreg [dreg:$0x2];
	[bflag:$0x3] =	sbarrier.arrive $0xFFFF;
	s2 =	simm.s32 @!p0 $0x1C03  }
0x2ac: {  	[timem:s3], [sflag:s2] =	dma.local @!p0 [hbm:s0], s1  }
0x2ad: {  	s0 =	simm.s32 @!p0 $0x3  }
0x2ae: {  	_ =	swait.ge @!p0 [sflag:s0], s1  }
0x2af: {  	s1 =	ssub.s32 @!p0 $0x0, s1;
	[sflag:s0] =	ssyncset.done @!p0 $0x0  }
0x2b0: {  	[sflag:s0] =	ssyncadd.s32 @!p0 s1  }
0x2b1: {  	[bflag:$0x3] =	sbarrier.arrive $0xFFFF  }
0x2b2: {  	_ =	shalt  }

</sc_bundles>
